<compile_context>
chip_gen: v7x
topology: tpu7x:2x2x1
jax: 0.10.2.dev20260603
libtpu: 0.0.44.dev20260713+nightly
codegen_flags: <defaults>
</compile_context>

<pallas_src>
import functools
import jax
import jax.numpy as jnp
from jax import lax
from jax.experimental import pallas as pl
from jax.experimental.pallas import tpu as pltpu
from jax.experimental.pallas import tpu_sc as plsc

D_MODEL = 64
SCALE = 8.0

VOCAB_ROWS = 1_000_000
BATCH = 4096
NPOS = 200
NUM_WORKERS = 32
BL = 128
NP8 = NPOS // 8
NF8 = D_MODEL // 8
LANES = 16
PITCH = 136
NBUF = 8
NGROUP = NPOS // NBUF

_mesh = plsc.VectorSubcoreMesh(core_axis_name="c", subcore_axis_name="s")


@functools.partial(
    pl.kernel,
    mesh=_mesh,
    out_type=jax.ShapeDtypeStruct((NPOS, NF8, NUM_WORKERS, 8, BL), jnp.float32),
    scratch_types=[
        pltpu.VMEM((NPOS, BL), jnp.int32),
        pltpu.VMEM((NBUF, BL, D_MODEL), jnp.float32),
        pltpu.VMEM((1, D_MODEL, PITCH), jnp.float32),
        pltpu.SemaphoreType.DMA,
        pltpu.SemaphoreType.DMA((NBUF,)),
        pltpu.SemaphoreType.DMA((NBUF,)),
    ],
    compiler_params=pltpu.CompilerParams(use_tc_tiling_on_sc=False),
)
def _embed_sc(x_hbm, table_hbm, out_hbm, idx_v, rows_v, obuf_v, isem, gsem, osem):
    wid = lax.axis_index("s") * 2 + lax.axis_index("c")

    for p8 in range(NP8):
        pltpu.async_copy(x_hbm.at[p8, wid], idx_v.at[pl.ds(p8 * 8, 8)], isem)
    for p8 in range(NP8):
        pltpu.make_async_copy(
            x_hbm.at[p8, wid], idx_v.at[pl.ds(p8 * 8, 8)], isem
        ).wait()

    for b in range(NBUF):
        pltpu.async_copy(table_hbm.at[idx_v.at[b]], rows_v.at[b], gsem.at[b])

    lane = lax.iota(jnp.int32, 16)

    def group_body(g, _):
        j0 = g * NBUF
        for b in range(NBUF):
            j = j0 + b

            pltpu.make_async_copy(
                table_hbm.at[idx_v.at[j]], rows_v.at[b], gsem.at[b]
            ).wait()

            def trans_body(r4, _):
                r = r4 * 4
                for rr in range(4):
                    for c in range(D_MODEL // LANES):
                        sl = pl.ds(c * LANES, LANES)
                        v = rows_v[b, r + rr, sl] * SCALE
                        obuf_v[0, (r + rr) & 63, sl] = v
                return 0

            lax.fori_loop(0, BL // 4, trans_body, 0)

            @pl.when(j + NBUF < NPOS)
            def _():
                pltpu.async_copy(
                    table_hbm.at[idx_v.at[j + NBUF]], rows_v.at[b], gsem.at[b]
                )

        return 0

    lax.fori_loop(0, NGROUP, group_body, 0)

    pltpu.sync_copy(obuf_v.at[0, pl.ds(0, 8), pl.ds(0, BL)], out_hbm.at[0, 0, wid])


def kernel(x, table):
    xv = x.reshape(NUM_WORKERS, BL, NP8, 8).transpose(2, 0, 3, 1)
    out_phys = _embed_sc(xv, table)
    out = out_phys.transpose(2, 4, 0, 1, 3)
    return out.reshape(BATCH, NPOS, D_MODEL)

# --- scband reference (transcript-rebuilt; emitter-appended) ---
"""Pipeline reference for scband-embedding-13357348291400 (READ-ONLY COPY).

The authoritative reference and input builder live on the scoring server;
editing this copy changes nothing except your own understanding.
"""

import math
import jax, jax.numpy as jnp
import numpy as np

VOCAB = 1000000
D_MODEL = 64

def setup_inputs(seed: int = 0) -> dict:
    key = jax.random.key(seed)
    k1, k2 = jax.random.split(key)
    x = jax.random.randint(k1, (4096, 200), 0, VOCAB, dtype=jnp.int64 if jax.config.jax_enable_x64 else jnp.int32).astype(jnp.int32)
    table = jax.random.normal(k2, (VOCAB, D_MODEL), dtype=jnp.float32)
    return {"x": x, "table": table}

def reference(x, table):
    emb = jnp.take(table, x, axis=0)
    return emb * math.sqrt(D_MODEL)

if __name__ == "__main__":
    import jax
    _d = setup_inputs()
    print(jax.jit(kernel)(*tuple(_d.values())))

</pallas_src>

<mosaic_0001>
#map = affine_map<(d0, d1) -> (0, 0, 0, 0)>
#map1 = affine_map<(d0, d1) -> (0, 0)>
#map2 = affine_map<(d0, d1) -> (0, 0, 0, 0, 0)>
module attributes {stable_mosaic.version = 14 : i64} {
  func.func @_embed_sc(%arg0: i32, %arg1: i32, %arg2: memref<25x32x8x128xi32, #tpu.memory_space<hbm>>, %arg3: memref<1000000x64xf32, #tpu.memory_space<hbm>>, %arg4: memref<200x8x32x8x128xf32, #tpu.memory_space<hbm>>, %arg5: memref<200x128xi32, #tpu.memory_space<vmem>>, %arg6: memref<8x128x64xf32, #tpu.memory_space<vmem>>, %arg7: memref<1x64x136xf32, #tpu.memory_space<vmem>>, %arg8: memref<!tpu.dma_semaphore, #tpu.memory_space<semaphore_mem>>, %arg9: memref<8x!tpu.dma_semaphore, #tpu.memory_space<semaphore_mem>>, %arg10: memref<8x!tpu.dma_semaphore, #tpu.memory_space<semaphore_mem>>) attributes {dimension_semantics = [#tpu.dimension_semantics<core_parallel>, #tpu.dimension_semantics<subcore_parallel>], iteration_bounds = array<i64: 2, 16>, scalar_prefetch = 0 : i64, scratch_operands = 6 : i64, tpu.core_type = #tpu.core_type<sc_vector_subcore>, window_params = [{transform_indices = #map}, {transform_indices = #map1}, {transform_indices = #map2}]} {
    %mul3A = arith.constant 2 : i32
    %mul3A_0 = arith.muli %arg1, %mul3A : i32
    %add3A = arith.addi %mul3A_0, %arg0 : i32
    %dma_start3A = arith.constant 0 : i32
    %dma_start3A_1 = arith.constant 0 : i32
    %dma_start3A_2 = arith.constant 0 : i32
    %dma_start3A_3 = tpu.memref_slice %arg5[%dma_start3A_1, %dma_start3A_2] : memref<200x128xi32, #tpu.memory_space<vmem>> -> memref<8x128xi32, #tpu.memory_space<vmem>>
    %dma_start3A_4 = arith.constant 0 : i32
    %dma_start3A_5 = arith.constant 0 : i32
    %dma_start3A_6 = tpu.memref_slice %arg2[%dma_start3A, %add3A, %dma_start3A_4, %dma_start3A_5] : memref<25x32x8x128xi32, #tpu.memory_space<hbm>> -> memref<1x1x8x128xi32, #tpu.memory_space<hbm>>
    %dma_start3A_7 = tpu.memref_squeeze %dma_start3A_6 : memref<1x1x8x128xi32, #tpu.memory_space<hbm>> -> memref<8x128xi32, #tpu.memory_space<hbm>>
    %dma_start3A_8 = arith.constant 0 : i32
    %dma_start3A_9 = arith.constant 0 : i32
    %dma_start3A_10 = tpu.memref_slice %arg5[%dma_start3A_8, %dma_start3A_9] : memref<200x128xi32, #tpu.memory_space<vmem>> -> memref<8x128xi32, #tpu.memory_space<vmem>>
    %dma_start3A_11 = arith.constant 0 : i32
    %dma_start3A_12 = arith.constant 0 : i32
    %dma_start3A_13 = tpu.memref_slice %arg2[%dma_start3A, %add3A, %dma_start3A_11, %dma_start3A_12] : memref<25x32x8x128xi32, #tpu.memory_space<hbm>> -> memref<1x1x8x128xi32, #tpu.memory_space<hbm>>
    %dma_start3A_14 = tpu.memref_squeeze %dma_start3A_13 : memref<1x1x8x128xi32, #tpu.memory_space<hbm>> -> memref<8x128xi32, #tpu.memory_space<hbm>>
    tpu.enqueue_dma source(%dma_start3A_14 : memref<8x128xi32, #tpu.memory_space<hbm>>) target(%dma_start3A_10 : memref<8x128xi32, #tpu.memory_space<vmem>>) target_semaphore(%arg8 : memref<!tpu.dma_semaphore, #tpu.memory_space<semaphore_mem>>)
    %dma_start3A_15 = arith.constant 1 : i32
    %dma_start3A_16 = arith.constant 8 : i32
    %dma_start3A_17 = arith.constant 0 : i32
    %dma_start3A_18 = tpu.memref_slice %arg5[%dma_start3A_16, %dma_start3A_17] : memref<200x128xi32, #tpu.memory_space<vmem>> -> memref<8x128xi32, #tpu.memory_space<vmem>>
    %dma_start3A_19 = arith.constant 0 : i32
    %dma_start3A_20 = arith.constant 0 : i32
    %dma_start3A_21 = tpu.memref_slice %arg2[%dma_start3A_15, %add3A, %dma_start3A_19, %dma_start3A_20] : memref<25x32x8x128xi32, #tpu.memory_space<hbm>> -> memref<1x1x8x128xi32, #tpu.memory_space<hbm>>
    %dma_start3A_22 = tpu.memref_squeeze %dma_start3A_21 : memref<1x1x8x128xi32, #tpu.memory_space<hbm>> -> memref<8x128xi32, #tpu.memory_space<hbm>>
    %dma_start3A_23 = arith.constant 8 : i32
    %dma_start3A_24 = arith.constant 0 : i32
    %dma_start3A_25 = tpu.memref_slice %arg5[%dma_start3A_23, %dma_start3A_24] : memref<200x128xi32, #tpu.memory_space<vmem>> -> memref<8x128xi32, #tpu.memory_space<vmem>>
    %dma_start3A_26 = arith.constant 0 : i32
    %dma_start3A_27 = arith.constant 0 : i32
    %dma_start3A_28 = tpu.memref_slice %arg2[%dma_start3A_15, %add3A, %dma_start3A_26, %dma_start3A_27] : memref<25x32x8x128xi32, #tpu.memory_space<hbm>> -> memref<1x1x8x128xi32, #tpu.memory_space<hbm>>
    %dma_start3A_29 = tpu.memref_squeeze %dma_start3A_28 : memref<1x1x8x128xi32, #tpu.memory_space<hbm>> -> memref<8x128xi32, #tpu.memory_space<hbm>>
    tpu.enqueue_dma source(%dma_start3A_29 : memref<8x128xi32, #tpu.memory_space<hbm>>) target(%dma_start3A_25 : memref<8x128xi32, #tpu.memory_space<vmem>>) target_semaphore(%arg8 : memref<!tpu.dma_semaphore, #tpu.memory_space<semaphore_mem>>)
    %dma_start3A_30 = arith.constant 2 : i32
    %dma_start3A_31 = arith.constant 16 : i32
    %dma_start3A_32 = arith.constant 0 : i32
    %dma_start3A_33 = tpu.memref_slice %arg5[%dma_start3A_31, %dma_start3A_32] : memref<200x128xi32, #tpu.memory_space<vmem>> -> memref<8x128xi32, #tpu.memory_space<vmem>>
    %dma_start3A_34 = arith.constant 0 : i32
    %dma_start3A_35 = arith.constant 0 : i32
    %dma_start3A_36 = tpu.memref_slice %arg2[%dma_start3A_30, %add3A, %dma_start3A_34, %dma_start3A_35] : memref<25x32x8x128xi32, #tpu.memory_space<hbm>> -> memref<1x1x8x128xi32, #tpu.memory_space<hbm>>
    %dma_start3A_37 = tpu.memref_squeeze %dma_start3A_36 : memref<1x1x8x128xi32, #tpu.memory_space<hbm>> -> memref<8x128xi32, #tpu.memory_space<hbm>>
    %dma_start3A_38 = arith.constant 16 : i32
    %dma_start3A_39 = arith.constant 0 : i32
    %dma_start3A_40 = tpu.memref_slice %arg5[%dma_start3A_38, %dma_start3A_39] : memref<200x128xi32, #tpu.memory_space<vmem>> -> memref<8x128xi32, #tpu.memory_space<vmem>>
    %dma_start3A_41 = arith.constant 0 : i32
    %dma_start3A_42 = arith.constant 0 : i32
    %dma_start3A_43 = tpu.memref_slice %arg2[%dma_start3A_30, %add3A, %dma_start3A_41, %dma_start3A_42] : memref<25x32x8x128xi32, #tpu.memory_space<hbm>> -> memref<1x1x8x128xi32, #tpu.memory_space<hbm>>
    %dma_start3A_44 = tpu.memref_squeeze %dma_start3A_43 : memref<1x1x8x128xi32, #tpu.memory_space<hbm>> -> memref<8x128xi32, #tpu.memory_space<hbm>>
    tpu.enqueue_dma source(%dma_start3A_44 : memref<8x128xi32, #tpu.memory_space<hbm>>) target(%dma_start3A_40 : memref<8x128xi32, #tpu.memory_space<vmem>>) target_semaphore(%arg8 : memref<!tpu.dma_semaphore, #tpu.memory_space<semaphore_mem>>)
    %dma_start3A_45 = arith.constant 3 : i32
    %dma_start3A_46 = arith.constant 24 : i32
    %dma_start3A_47 = arith.constant 0 : i32
    %dma_start3A_48 = tpu.memref_slice %arg5[%dma_start3A_46, %dma_start3A_47] : memref<200x128xi32, #tpu.memory_space<vmem>> -> memref<8x128xi32, #tpu.memory_space<vmem>>
    %dma_start3A_49 = arith.constant 0 : i32
    %dma_start3A_50 = arith.constant 0 : i32
    %dma_start3A_51 = tpu.memref_slice %arg2[%dma_start3A_45, %add3A, %dma_start3A_49, %dma_start3A_50] : memref<25x32x8x128xi32, #tpu.memory_space<hbm>> -> memref<1x1x8x128xi32, #tpu.memory_space<hbm>>
    %dma_start3A_52 = tpu.memref_squeeze %dma_start3A_51 : memref<1x1x8x128xi32, #tpu.memory_space<hbm>> -> memref<8x128xi32, #tpu.memory_space<hbm>>
    %dma_start3A_53 = arith.constant 24 : i32
    %dma_start3A_54 = arith.constant 0 : i32
    %dma_start3A_55 = tpu.memref_slice %arg5[%dma_start3A_53, %dma_start3A_54] : memref<200x128xi32, #tpu.memory_space<vmem>> -> memref<8x128xi32, #tpu.memory_space<vmem>>
    %dma_start3A_56 = arith.constant 0 : i32
    %dma_start3A_57 = arith.constant 0 : i32
    %dma_start3A_58 = tpu.memref_slice %arg2[%dma_start3A_45, %add3A, %dma_start3A_56, %dma_start3A_57] : memref<25x32x8x128xi32, #tpu.memory_space<hbm>> -> memref<1x1x8x128xi32, #tpu.memory_space<hbm>>
    %dma_start3A_59 = tpu.memref_squeeze %dma_start3A_58 : memref<1x1x8x128xi32, #tpu.memory_space<hbm>> -> memref<8x128xi32, #tpu.memory_space<hbm>>
    tpu.enqueue_dma source(%dma_start3A_59 : memref<8x128xi32, #tpu.memory_space<hbm>>) target(%dma_start3A_55 : memref<8x128xi32, #tpu.memory_space<vmem>>) target_semaphore(%arg8 : memref<!tpu.dma_semaphore, #tpu.memory_space<semaphore_mem>>)
    %dma_start3A_60 = arith.constant 4 : i32
    %dma_start3A_61 = arith.constant 32 : i32
    %dma_start3A_62 = arith.constant 0 : i32
    %dma_start3A_63 = tpu.memref_slice %arg5[%dma_start3A_61, %dma_start3A_62] : memref<200x128xi32, #tpu.memory_space<vmem>> -> memref<8x128xi32, #tpu.memory_space<vmem>>
    %dma_start3A_64 = arith.constant 0 : i32
    %dma_start3A_65 = arith.constant 0 : i32
    %dma_start3A_66 = tpu.memref_slice %arg2[%dma_start3A_60, %add3A, %dma_start3A_64, %dma_start3A_65] : memref<25x32x8x128xi32, #tpu.memory_space<hbm>> -> memref<1x1x8x128xi32, #tpu.memory_space<hbm>>
    %dma_start3A_67 = tpu.memref_squeeze %dma_start3A_66 : memref<1x1x8x128xi32, #tpu.memory_space<hbm>> -> memref<8x128xi32, #tpu.memory_space<hbm>>
    %dma_start3A_68 = arith.constant 32 : i32
    %dma_start3A_69 = arith.constant 0 : i32
    %dma_start3A_70 = tpu.memref_slice %arg5[%dma_start3A_68, %dma_start3A_69] : memref<200x128xi32, #tpu.memory_space<vmem>> -> memref<8x128xi32, #tpu.memory_space<vmem>>
    %dma_start3A_71 = arith.constant 0 : i32
    %dma_start3A_72 = arith.constant 0 : i32
    %dma_start3A_73 = tpu.memref_slice %arg2[%dma_start3A_60, %add3A, %dma_start3A_71, %dma_start3A_72] : memref<25x32x8x128xi32, #tpu.memory_space<hbm>> -> memref<1x1x8x128xi32, #tpu.memory_space<hbm>>
    %dma_start3A_74 = tpu.memref_squeeze %dma_start3A_73 : memref<1x1x8x128xi32, #tpu.memory_space<hbm>> -> memref<8x128xi32, #tpu.memory_space<hbm>>
    tpu.enqueue_dma source(%dma_start3A_74 : memref<8x128xi32, #tpu.memory_space<hbm>>) target(%dma_start3A_70 : memref<8x128xi32, #tpu.memory_space<vmem>>) target_semaphore(%arg8 : memref<!tpu.dma_semaphore, #tpu.memory_space<semaphore_mem>>)
    %dma_start3A_75 = arith.constant 5 : i32
    %dma_start3A_76 = arith.constant 40 : i32
    %dma_start3A_77 = arith.constant 0 : i32
    %dma_start3A_78 = tpu.memref_slice %arg5[%dma_start3A_76, %dma_start3A_77] : memref<200x128xi32, #tpu.memory_space<vmem>> -> memref<8x128xi32, #tpu.memory_space<vmem>>
    %dma_start3A_79 = arith.constant 0 : i32
    %dma_start3A_80 = arith.constant 0 : i32
    %dma_start3A_81 = tpu.memref_slice %arg2[%dma_start3A_75, %add3A, %dma_start3A_79, %dma_start3A_80] : memref<25x32x8x128xi32, #tpu.memory_space<hbm>> -> memref<1x1x8x128xi32, #tpu.memory_space<hbm>>
    %dma_start3A_82 = tpu.memref_squeeze %dma_start3A_81 : memref<1x1x8x128xi32, #tpu.memory_space<hbm>> -> memref<8x128xi32, #tpu.memory_space<hbm>>
    %dma_start3A_83 = arith.constant 40 : i32
    %dma_start3A_84 = arith.constant 0 : i32
    %dma_start3A_85 = tpu.memref_slice %arg5[%dma_start3A_83, %dma_start3A_84] : memref<200x128xi32, #tpu.memory_space<vmem>> -> memref<8x128xi32, #tpu.memory_space<vmem>>
    %dma_start3A_86 = arith.constant 0 : i32
    %dma_start3A_87 = arith.constant 0 : i32
    %dma_start3A_88 = tpu.memref_slice %arg2[%dma_start3A_75, %add3A, %dma_start3A_86, %dma_start3A_87] : memref<25x32x8x128xi32, #tpu.memory_space<hbm>> -> memref<1x1x8x128xi32, #tpu.memory_space<hbm>>
    %dma_start3A_89 = tpu.memref_squeeze %dma_start3A_88 : memref<1x1x8x128xi32, #tpu.memory_space<hbm>> -> memref<8x128xi32, #tpu.memory_space<hbm>>
    tpu.enqueue_dma source(%dma_start3A_89 : memref<8x128xi32, #tpu.memory_space<hbm>>) target(%dma_start3A_85 : memref<8x128xi32, #tpu.memory_space<vmem>>) target_semaphore(%arg8 : memref<!tpu.dma_semaphore, #tpu.memory_space<semaphore_mem>>)
    %dma_start3A_90 = arith.constant 6 : i32
    %dma_start3A_91 = arith.constant 48 : i32
    %dma_start3A_92 = arith.constant 0 : i32
    %dma_start3A_93 = tpu.memref_slice %arg5[%dma_start3A_91, %dma_start3A_92] : memref<200x128xi32, #tpu.memory_space<vmem>> -> memref<8x128xi32, #tpu.memory_space<vmem>>
    %dma_start3A_94 = arith.constant 0 : i32
    %dma_start3A_95 = arith.constant 0 : i32
    %dma_start3A_96 = tpu.memref_slice %arg2[%dma_start3A_90, %add3A, %dma_start3A_94, %dma_start3A_95] : memref<25x32x8x128xi32, #tpu.memory_space<hbm>> -> memref<1x1x8x128xi32, #tpu.memory_space<hbm>>
    %dma_start3A_97 = tpu.memref_squeeze %dma_start3A_96 : memref<1x1x8x128xi32, #tpu.memory_space<hbm>> -> memref<8x128xi32, #tpu.memory_space<hbm>>
    %dma_start3A_98 = arith.constant 48 : i32
    %dma_start3A_99 = arith.constant 0 : i32
    %dma_start3A_100 = tpu.memref_slice %arg5[%dma_start3A_98, %dma_start3A_99] : memref<200x128xi32, #tpu.memory_space<vmem>> -> memref<8x128xi32, #tpu.memory_space<vmem>>
    %dma_start3A_101 = arith.constant 0 : i32
    %dma_start3A_102 = arith.constant 0 : i32
    %dma_start3A_103 = tpu.memref_slice %arg2[%dma_start3A_90, %add3A, %dma_start3A_101, %dma_start3A_102] : memref<25x32x8x128xi32, #tpu.memory_space<hbm>> -> memref<1x1x8x128xi32, #tpu.memory_space<hbm>>
    %dma_start3A_104 = tpu.memref_squeeze %dma_start3A_103 : memref<1x1x8x128xi32, #tpu.memory_space<hbm>> -> memref<8x128xi32, #tpu.memory_space<hbm>>
    tpu.enqueue_dma source(%dma_start3A_104 : memref<8x128xi32, #tpu.memory_space<hbm>>) target(%dma_start3A_100 : memref<8x128xi32, #tpu.memory_space<vmem>>) target_semaphore(%arg8 : memref<!tpu.dma_semaphore, #tpu.memory_space<semaphore_mem>>)
    %dma_start3A_105 = arith.constant 7 : i32
    %dma_start3A_106 = arith.constant 56 : i32
    %dma_start3A_107 = arith.constant 0 : i32
    %dma_start3A_108 = tpu.memref_slice %arg5[%dma_start3A_106, %dma_start3A_107] : memref<200x128xi32, #tpu.memory_space<vmem>> -> memref<8x128xi32, #tpu.memory_space<vmem>>
    %dma_start3A_109 = arith.constant 0 : i32
    %dma_start3A_110 = arith.constant 0 : i32
    %dma_start3A_111 = tpu.memref_slice %arg2[%dma_start3A_105, %add3A, %dma_start3A_109, %dma_start3A_110] : memref<25x32x8x128xi32, #tpu.memory_space<hbm>> -> memref<1x1x8x128xi32, #tpu.memory_space<hbm>>
    %dma_start3A_112 = tpu.memref_squeeze %dma_start3A_111 : memref<1x1x8x128xi32, #tpu.memory_space<hbm>> -> memref<8x128xi32, #tpu.memory_space<hbm>>
    %dma_start3A_113 = arith.constant 56 : i32
    %dma_start3A_114 = arith.constant 0 : i32
    %dma_start3A_115 = tpu.memref_slice %arg5[%dma_start3A_113, %dma_start3A_114] : memref<200x128xi32, #tpu.memory_space<vmem>> -> memref<8x128xi32, #tpu.memory_space<vmem>>
    %dma_start3A_116 = arith.constant 0 : i32
    %dma_start3A_117 = arith.constant 0 : i32
    %dma_start3A_118 = tpu.memref_slice %arg2[%dma_start3A_105, %add3A, %dma_start3A_116, %dma_start3A_117] : memref<25x32x8x128xi32, #tpu.memory_space<hbm>> -> memref<1x1x8x128xi32, #tpu.memory_space<hbm>>
    %dma_start3A_119 = tpu.memref_squeeze %dma_start3A_118 : memref<1x1x8x128xi32, #tpu.memory_space<hbm>> -> memref<8x128xi32, #tpu.memory_space<hbm>>
    tpu.enqueue_dma source(%dma_start3A_119 : memref<8x128xi32, #tpu.memory_space<hbm>>) target(%dma_start3A_115 : memref<8x128xi32, #tpu.memory_space<vmem>>) target_semaphore(%arg8 : memref<!tpu.dma_semaphore, #tpu.memory_space<semaphore_mem>>)
    %dma_start3A_120 = arith.constant 8 : i32
    %dma_start3A_121 = arith.constant 64 : i32
    %dma_start3A_122 = arith.constant 0 : i32
    %dma_start3A_123 = tpu.memref_slice %arg5[%dma_start3A_121, %dma_start3A_122] : memref<200x128xi32, #tpu.memory_space<vmem>> -> memref<8x128xi32, #tpu.memory_space<vmem>>
    %dma_start3A_124 = arith.constant 0 : i32
    %dma_start3A_125 = arith.constant 0 : i32
    %dma_start3A_126 = tpu.memref_slice %arg2[%dma_start3A_120, %add3A, %dma_start3A_124, %dma_start3A_125] : memref<25x32x8x128xi32, #tpu.memory_space<hbm>> -> memref<1x1x8x128xi32, #tpu.memory_space<hbm>>
    %dma_start3A_127 = tpu.memref_squeeze %dma_start3A_126 : memref<1x1x8x128xi32, #tpu.memory_space<hbm>> -> memref<8x128xi32, #tpu.memory_space<hbm>>
    %dma_start3A_128 = arith.constant 64 : i32
    %dma_start3A_129 = arith.constant 0 : i32
    %dma_start3A_130 = tpu.memref_slice %arg5[%dma_start3A_128, %dma_start3A_129] : memref<200x128xi32, #tpu.memory_space<vmem>> -> memref<8x128xi32, #tpu.memory_space<vmem>>
    %dma_start3A_131 = arith.constant 0 : i32
    %dma_start3A_132 = arith.constant 0 : i32
    %dma_start3A_133 = tpu.memref_slice %arg2[%dma_start3A_120, %add3A, %dma_start3A_131, %dma_start3A_132] : memref<25x32x8x128xi32, #tpu.memory_space<hbm>> -> memref<1x1x8x128xi32, #tpu.memory_space<hbm>>
    %dma_start3A_134 = tpu.memref_squeeze %dma_start3A_133 : memref<1x1x8x128xi32, #tpu.memory_space<hbm>> -> memref<8x128xi32, #tpu.memory_space<hbm>>
    tpu.enqueue_dma source(%dma_start3A_134 : memref<8x128xi32, #tpu.memory_space<hbm>>) target(%dma_start3A_130 : memref<8x128xi32, #tpu.memory_space<vmem>>) target_semaphore(%arg8 : memref<!tpu.dma_semaphore, #tpu.memory_space<semaphore_mem>>)
    %dma_start3A_135 = arith.constant 9 : i32
    %dma_start3A_136 = arith.constant 72 : i32
    %dma_start3A_137 = arith.constant 0 : i32
    %dma_start3A_138 = tpu.memref_slice %arg5[%dma_start3A_136, %dma_start3A_137] : memref<200x128xi32, #tpu.memory_space<vmem>> -> memref<8x128xi32, #tpu.memory_space<vmem>>
    %dma_start3A_139 = arith.constant 0 : i32
    %dma_start3A_140 = arith.constant 0 : i32
    %dma_start3A_141 = tpu.memref_slice %arg2[%dma_start3A_135, %add3A, %dma_start3A_139, %dma_start3A_140] : memref<25x32x8x128xi32, #tpu.memory_space<hbm>> -> memref<1x1x8x128xi32, #tpu.memory_space<hbm>>
    %dma_start3A_142 = tpu.memref_squeeze %dma_start3A_141 : memref<1x1x8x128xi32, #tpu.memory_space<hbm>> -> memref<8x128xi32, #tpu.memory_space<hbm>>
    %dma_start3A_143 = arith.constant 72 : i32
    %dma_start3A_144 = arith.constant 0 : i32
    %dma_start3A_145 = tpu.memref_slice %arg5[%dma_start3A_143, %dma_start3A_144] : memref<200x128xi32, #tpu.memory_space<vmem>> -> memref<8x128xi32, #tpu.memory_space<vmem>>
    %dma_start3A_146 = arith.constant 0 : i32
    %dma_start3A_147 = arith.constant 0 : i32
    %dma_start3A_148 = tpu.memref_slice %arg2[%dma_start3A_135, %add3A, %dma_start3A_146, %dma_start3A_147] : memref<25x32x8x128xi32, #tpu.memory_space<hbm>> -> memref<1x1x8x128xi32, #tpu.memory_space<hbm>>
    %dma_start3A_149 = tpu.memref_squeeze %dma_start3A_148 : memref<1x1x8x128xi32, #tpu.memory_space<hbm>> -> memref<8x128xi32, #tpu.memory_space<hbm>>
    tpu.enqueue_dma source(%dma_start3A_149 : memref<8x128xi32, #tpu.memory_space<hbm>>) target(%dma_start3A_145 : memref<8x128xi32, #tpu.memory_space<vmem>>) target_semaphore(%arg8 : memref<!tpu.dma_semaphore, #tpu.memory_space<semaphore_mem>>)
    %dma_start3A_150 = arith.constant 10 : i32
    %dma_start3A_151 = arith.constant 80 : i32
    %dma_start3A_152 = arith.constant 0 : i32
    %dma_start3A_153 = tpu.memref_slice %arg5[%dma_start3A_151, %dma_start3A_152] : memref<200x128xi32, #tpu.memory_space<vmem>> -> memref<8x128xi32, #tpu.memory_space<vmem>>
    %dma_start3A_154 = arith.constant 0 : i32
    %dma_start3A_155 = arith.constant 0 : i32
    %dma_start3A_156 = tpu.memref_slice %arg2[%dma_start3A_150, %add3A, %dma_start3A_154, %dma_start3A_155] : memref<25x32x8x128xi32, #tpu.memory_space<hbm>> -> memref<1x1x8x128xi32, #tpu.memory_space<hbm>>
    %dma_start3A_157 = tpu.memref_squeeze %dma_start3A_156 : memref<1x1x8x128xi32, #tpu.memory_space<hbm>> -> memref<8x128xi32, #tpu.memory_space<hbm>>
    %dma_start3A_158 = arith.constant 80 : i32
    %dma_start3A_159 = arith.constant 0 : i32
    %dma_start3A_160 = tpu.memref_slice %arg5[%dma_start3A_158, %dma_start3A_159] : memref<200x128xi32, #tpu.memory_space<vmem>> -> memref<8x128xi32, #tpu.memory_space<vmem>>
    %dma_start3A_161 = arith.constant 0 : i32
    %dma_start3A_162 = arith.constant 0 : i32
    %dma_start3A_163 = tpu.memref_slice %arg2[%dma_start3A_150, %add3A, %dma_start3A_161, %dma_start3A_162] : memref<25x32x8x128xi32, #tpu.memory_space<hbm>> -> memref<1x1x8x128xi32, #tpu.memory_space<hbm>>
    %dma_start3A_164 = tpu.memref_squeeze %dma_start3A_163 : memref<1x1x8x128xi32, #tpu.memory_space<hbm>> -> memref<8x128xi32, #tpu.memory_space<hbm>>
    tpu.enqueue_dma source(%dma_start3A_164 : memref<8x128xi32, #tpu.memory_space<hbm>>) target(%dma_start3A_160 : memref<8x128xi32, #tpu.memory_space<vmem>>) target_semaphore(%arg8 : memref<!tpu.dma_semaphore, #tpu.memory_space<semaphore_mem>>)
    %dma_start3A_165 = arith.constant 11 : i32
    %dma_start3A_166 = arith.constant 88 : i32
    %dma_start3A_167 = arith.constant 0 : i32
    %dma_start3A_168 = tpu.memref_slice %arg5[%dma_start3A_166, %dma_start3A_167] : memref<200x128xi32, #tpu.memory_space<vmem>> -> memref<8x128xi32, #tpu.memory_space<vmem>>
    %dma_start3A_169 = arith.constant 0 : i32
    %dma_start3A_170 = arith.constant 0 : i32
    %dma_start3A_171 = tpu.memref_slice %arg2[%dma_start3A_165, %add3A, %dma_start3A_169, %dma_start3A_170] : memref<25x32x8x128xi32, #tpu.memory_space<hbm>> -> memref<1x1x8x128xi32, #tpu.memory_space<hbm>>
    %dma_start3A_172 = tpu.memref_squeeze %dma_start3A_171 : memref<1x1x8x128xi32, #tpu.memory_space<hbm>> -> memref<8x128xi32, #tpu.memory_space<hbm>>
    %dma_start3A_173 = arith.constant 88 : i32
    %dma_start3A_174 = arith.constant 0 : i32
    %dma_start3A_175 = tpu.memref_slice %arg5[%dma_start3A_173, %dma_start3A_174] : memref<200x128xi32, #tpu.memory_space<vmem>> -> memref<8x128xi32, #tpu.memory_space<vmem>>
    %dma_start3A_176 = arith.constant 0 : i32
    %dma_start3A_177 = arith.constant 0 : i32
    %dma_start3A_178 = tpu.memref_slice %arg2[%dma_start3A_165, %add3A, %dma_start3A_176, %dma_start3A_177] : memref<25x32x8x128xi32, #tpu.memory_space<hbm>> -> memref<1x1x8x128xi32, #tpu.memory_space<hbm>>
    %dma_start3A_179 = tpu.memref_squeeze %dma_start3A_178 : memref<1x1x8x128xi32, #tpu.memory_space<hbm>> -> memref<8x128xi32, #tpu.memory_space<hbm>>
    tpu.enqueue_dma source(%dma_start3A_179 : memref<8x128xi32, #tpu.memory_space<hbm>>) target(%dma_start3A_175 : memref<8x128xi32, #tpu.memory_space<vmem>>) target_semaphore(%arg8 : memref<!tpu.dma_semaphore, #tpu.memory_space<semaphore_mem>>)
    %dma_start3A_180 = arith.constant 12 : i32
    %dma_start3A_181 = arith.constant 96 : i32
    %dma_start3A_182 = arith.constant 0 : i32
    %dma_start3A_183 = tpu.memref_slice %arg5[%dma_start3A_181, %dma_start3A_182] : memref<200x128xi32, #tpu.memory_space<vmem>> -> memref<8x128xi32, #tpu.memory_space<vmem>>
    %dma_start3A_184 = arith.constant 0 : i32
    %dma_start3A_185 = arith.constant 0 : i32
    %dma_start3A_186 = tpu.memref_slice %arg2[%dma_start3A_180, %add3A, %dma_start3A_184, %dma_start3A_185] : memref<25x32x8x128xi32, #tpu.memory_space<hbm>> -> memref<1x1x8x128xi32, #tpu.memory_space<hbm>>
    %dma_start3A_187 = tpu.memref_squeeze %dma_start3A_186 : memref<1x1x8x128xi32, #tpu.memory_space<hbm>> -> memref<8x128xi32, #tpu.memory_space<hbm>>
    %dma_start3A_188 = arith.constant 96 : i32
    %dma_start3A_189 = arith.constant 0 : i32
    %dma_start3A_190 = tpu.memref_slice %arg5[%dma_start3A_188, %dma_start3A_189] : memref<200x128xi32, #tpu.memory_space<vmem>> -> memref<8x128xi32, #tpu.memory_space<vmem>>
    %dma_start3A_191 = arith.constant 0 : i32
    %dma_start3A_192 = arith.constant 0 : i32
    %dma_start3A_193 = tpu.memref_slice %arg2[%dma_start3A_180, %add3A, %dma_start3A_191, %dma_start3A_192] : memref<25x32x8x128xi32, #tpu.memory_space<hbm>> -> memref<1x1x8x128xi32, #tpu.memory_space<hbm>>
    %dma_start3A_194 = tpu.memref_squeeze %dma_start3A_193 : memref<1x1x8x128xi32, #tpu.memory_space<hbm>> -> memref<8x128xi32, #tpu.memory_space<hbm>>
    tpu.enqueue_dma source(%dma_start3A_194 : memref<8x128xi32, #tpu.memory_space<hbm>>) target(%dma_start3A_190 : memref<8x128xi32, #tpu.memory_space<vmem>>) target_semaphore(%arg8 : memref<!tpu.dma_semaphore, #tpu.memory_space<semaphore_mem>>)
    %dma_start3A_195 = arith.constant 13 : i32
    %dma_start3A_196 = arith.constant 104 : i32
    %dma_start3A_197 = arith.constant 0 : i32
    %dma_start3A_198 = tpu.memref_slice %arg5[%dma_start3A_196, %dma_start3A_197] : memref<200x128xi32, #tpu.memory_space<vmem>> -> memref<8x128xi32, #tpu.memory_space<vmem>>
    %dma_start3A_199 = arith.constant 0 : i32
    %dma_start3A_200 = arith.constant 0 : i32
    %dma_start3A_201 = tpu.memref_slice %arg2[%dma_start3A_195, %add3A, %dma_start3A_199, %dma_start3A_200] : memref<25x32x8x128xi32, #tpu.memory_space<hbm>> -> memref<1x1x8x128xi32, #tpu.memory_space<hbm>>
    %dma_start3A_202 = tpu.memref_squeeze %dma_start3A_201 : memref<1x1x8x128xi32, #tpu.memory_space<hbm>> -> memref<8x128xi32, #tpu.memory_space<hbm>>
    %dma_start3A_203 = arith.constant 104 : i32
    %dma_start3A_204 = arith.constant 0 : i32
    %dma_start3A_205 = tpu.memref_slice %arg5[%dma_start3A_203, %dma_start3A_204] : memref<200x128xi32, #tpu.memory_space<vmem>> -> memref<8x128xi32, #tpu.memory_space<vmem>>
    %dma_start3A_206 = arith.constant 0 : i32
    %dma_start3A_207 = arith.constant 0 : i32
    %dma_start3A_208 = tpu.memref_slice %arg2[%dma_start3A_195, %add3A, %dma_start3A_206, %dma_start3A_207] : memref<25x32x8x128xi32, #tpu.memory_space<hbm>> -> memref<1x1x8x128xi32, #tpu.memory_space<hbm>>
    %dma_start3A_209 = tpu.memref_squeeze %dma_start3A_208 : memref<1x1x8x128xi32, #tpu.memory_space<hbm>> -> memref<8x128xi32, #tpu.memory_space<hbm>>
    tpu.enqueue_dma source(%dma_start3A_209 : memref<8x128xi32, #tpu.memory_space<hbm>>) target(%dma_start3A_205 : memref<8x128xi32, #tpu.memory_space<vmem>>) target_semaphore(%arg8 : memref<!tpu.dma_semaphore, #tpu.memory_space<semaphore_mem>>)
    %dma_start3A_210 = arith.constant 14 : i32
    %dma_start3A_211 = arith.constant 112 : i32
    %dma_start3A_212 = arith.constant 0 : i32
    %dma_start3A_213 = tpu.memref_slice %arg5[%dma_start3A_211, %dma_start3A_212] : memref<200x128xi32, #tpu.memory_space<vmem>> -> memref<8x128xi32, #tpu.memory_space<vmem>>
    %dma_start3A_214 = arith.constant 0 : i32
    %dma_start3A_215 = arith.constant 0 : i32
    %dma_start3A_216 = tpu.memref_slice %arg2[%dma_start3A_210, %add3A, %dma_start3A_214, %dma_start3A_215] : memref<25x32x8x128xi32, #tpu.memory_space<hbm>> -> memref<1x1x8x128xi32, #tpu.memory_space<hbm>>
    %dma_start3A_217 = tpu.memref_squeeze %dma_start3A_216 : memref<1x1x8x128xi32, #tpu.memory_space<hbm>> -> memref<8x128xi32, #tpu.memory_space<hbm>>
    %dma_start3A_218 = arith.constant 112 : i32
    %dma_start3A_219 = arith.constant 0 : i32
    %dma_start3A_220 = tpu.memref_slice %arg5[%dma_start3A_218, %dma_start3A_219] : memref<200x128xi32, #tpu.memory_space<vmem>> -> memref<8x128xi32, #tpu.memory_space<vmem>>
    %dma_start3A_221 = arith.constant 0 : i32
    %dma_start3A_222 = arith.constant 0 : i32
    %dma_start3A_223 = tpu.memref_slice %arg2[%dma_start3A_210, %add3A, %dma_start3A_221, %dma_start3A_222] : memref<25x32x8x128xi32, #tpu.memory_space<hbm>> -> memref<1x1x8x128xi32, #tpu.memory_space<hbm>>
    %dma_start3A_224 = tpu.memref_squeeze %dma_start3A_223 : memref<1x1x8x128xi32, #tpu.memory_space<hbm>> -> memref<8x128xi32, #tpu.memory_space<hbm>>
    tpu.enqueue_dma source(%dma_start3A_224 : memref<8x128xi32, #tpu.memory_space<hbm>>) target(%dma_start3A_220 : memref<8x128xi32, #tpu.memory_space<vmem>>) target_semaphore(%arg8 : memref<!tpu.dma_semaphore, #tpu.memory_space<semaphore_mem>>)
    %dma_start3A_225 = arith.constant 15 : i32
    %dma_start3A_226 = arith.constant 120 : i32
    %dma_start3A_227 = arith.constant 0 : i32
    %dma_start3A_228 = tpu.memref_slice %arg5[%dma_start3A_226, %dma_start3A_227] : memref<200x128xi32, #tpu.memory_space<vmem>> -> memref<8x128xi32, #tpu.memory_space<vmem>>
    %dma_start3A_229 = arith.constant 0 : i32
    %dma_start3A_230 = arith.constant 0 : i32
    %dma_start3A_231 = tpu.memref_slice %arg2[%dma_start3A_225, %add3A, %dma_start3A_229, %dma_start3A_230] : memref<25x32x8x128xi32, #tpu.memory_space<hbm>> -> memref<1x1x8x128xi32, #tpu.memory_space<hbm>>
    %dma_start3A_232 = tpu.memref_squeeze %dma_start3A_231 : memref<1x1x8x128xi32, #tpu.memory_space<hbm>> -> memref<8x128xi32, #tpu.memory_space<hbm>>
    %dma_start3A_233 = arith.constant 120 : i32
    %dma_start3A_234 = arith.constant 0 : i32
    %dma_start3A_235 = tpu.memref_slice %arg5[%dma_start3A_233, %dma_start3A_234] : memref<200x128xi32, #tpu.memory_space<vmem>> -> memref<8x128xi32, #tpu.memory_space<vmem>>
    %dma_start3A_236 = arith.constant 0 : i32
    %dma_start3A_237 = arith.constant 0 : i32
    %dma_start3A_238 = tpu.memref_slice %arg2[%dma_start3A_225, %add3A, %dma_start3A_236, %dma_start3A_237] : memref<25x32x8x128xi32, #tpu.memory_space<hbm>> -> memref<1x1x8x128xi32, #tpu.memory_space<hbm>>
    %dma_start3A_239 = tpu.memref_squeeze %dma_start3A_238 : memref<1x1x8x128xi32, #tpu.memory_space<hbm>> -> memref<8x128xi32, #tpu.memory_space<hbm>>
    tpu.enqueue_dma source(%dma_start3A_239 : memref<8x128xi32, #tpu.memory_space<hbm>>) target(%dma_start3A_235 : memref<8x128xi32, #tpu.memory_space<vmem>>) target_semaphore(%arg8 : memref<!tpu.dma_semaphore, #tpu.memory_space<semaphore_mem>>)
    %dma_start3A_240 = arith.constant 16 : i32
    %dma_start3A_241 = arith.constant 128 : i32
    %dma_start3A_242 = arith.constant 0 : i32
    %dma_start3A_243 = tpu.memref_slice %arg5[%dma_start3A_241, %dma_start3A_242] : memref<200x128xi32, #tpu.memory_space<vmem>> -> memref<8x128xi32, #tpu.memory_space<vmem>>
    %dma_start3A_244 = arith.constant 0 : i32
    %dma_start3A_245 = arith.constant 0 : i32
    %dma_start3A_246 = tpu.memref_slice %arg2[%dma_start3A_240, %add3A, %dma_start3A_244, %dma_start3A_245] : memref<25x32x8x128xi32, #tpu.memory_space<hbm>> -> memref<1x1x8x128xi32, #tpu.memory_space<hbm>>
    %dma_start3A_247 = tpu.memref_squeeze %dma_start3A_246 : memref<1x1x8x128xi32, #tpu.memory_space<hbm>> -> memref<8x128xi32, #tpu.memory_space<hbm>>
    %dma_start3A_248 = arith.constant 128 : i32
    %dma_start3A_249 = arith.constant 0 : i32
    %dma_start3A_250 = tpu.memref_slice %arg5[%dma_start3A_248, %dma_start3A_249] : memref<200x128xi32, #tpu.memory_space<vmem>> -> memref<8x128xi32, #tpu.memory_space<vmem>>
    %dma_start3A_251 = arith.constant 0 : i32
    %dma_start3A_252 = arith.constant 0 : i32
    %dma_start3A_253 = tpu.memref_slice %arg2[%dma_start3A_240, %add3A, %dma_start3A_251, %dma_start3A_252] : memref<25x32x8x128xi32, #tpu.memory_space<hbm>> -> memref<1x1x8x128xi32, #tpu.memory_space<hbm>>
    %dma_start3A_254 = tpu.memref_squeeze %dma_start3A_253 : memref<1x1x8x128xi32, #tpu.memory_space<hbm>> -> memref<8x128xi32, #tpu.memory_space<hbm>>
    tpu.enqueue_dma source(%dma_start3A_254 : memref<8x128xi32, #tpu.memory_space<hbm>>) target(%dma_start3A_250 : memref<8x128xi32, #tpu.memory_space<vmem>>) target_semaphore(%arg8 : memref<!tpu.dma_semaphore, #tpu.memory_space<semaphore_mem>>)
    %dma_start3A_255 = arith.constant 17 : i32
    %dma_start3A_256 = arith.constant 136 : i32
    %dma_start3A_257 = arith.constant 0 : i32
    %dma_start3A_258 = tpu.memref_slice %arg5[%dma_start3A_256, %dma_start3A_257] : memref<200x128xi32, #tpu.memory_space<vmem>> -> memref<8x128xi32, #tpu.memory_space<vmem>>
    %dma_start3A_259 = arith.constant 0 : i32
    %dma_start3A_260 = arith.constant 0 : i32
    %dma_start3A_261 = tpu.memref_slice %arg2[%dma_start3A_255, %add3A, %dma_start3A_259, %dma_start3A_260] : memref<25x32x8x128xi32, #tpu.memory_space<hbm>> -> memref<1x1x8x128xi32, #tpu.memory_space<hbm>>
    %dma_start3A_262 = tpu.memref_squeeze %dma_start3A_261 : memref<1x1x8x128xi32, #tpu.memory_space<hbm>> -> memref<8x128xi32, #tpu.memory_space<hbm>>
    %dma_start3A_263 = arith.constant 136 : i32
    %dma_start3A_264 = arith.constant 0 : i32
    %dma_start3A_265 = tpu.memref_slice %arg5[%dma_start3A_263, %dma_start3A_264] : memref<200x128xi32, #tpu.memory_space<vmem>> -> memref<8x128xi32, #tpu.memory_space<vmem>>
    %dma_start3A_266 = arith.constant 0 : i32
    %dma_start3A_267 = arith.constant 0 : i32
    %dma_start3A_268 = tpu.memref_slice %arg2[%dma_start3A_255, %add3A, %dma_start3A_266, %dma_start3A_267] : memref<25x32x8x128xi32, #tpu.memory_space<hbm>> -> memref<1x1x8x128xi32, #tpu.memory_space<hbm>>
    %dma_start3A_269 = tpu.memref_squeeze %dma_start3A_268 : memref<1x1x8x128xi32, #tpu.memory_space<hbm>> -> memref<8x128xi32, #tpu.memory_space<hbm>>
    tpu.enqueue_dma source(%dma_start3A_269 : memref<8x128xi32, #tpu.memory_space<hbm>>) target(%dma_start3A_265 : memref<8x128xi32, #tpu.memory_space<vmem>>) target_semaphore(%arg8 : memref<!tpu.dma_semaphore, #tpu.memory_space<semaphore_mem>>)
    %dma_start3A_270 = arith.constant 18 : i32
    %dma_start3A_271 = arith.constant 144 : i32
    %dma_start3A_272 = arith.constant 0 : i32
    %dma_start3A_273 = tpu.memref_slice %arg5[%dma_start3A_271, %dma_start3A_272] : memref<200x128xi32, #tpu.memory_space<vmem>> -> memref<8x128xi32, #tpu.memory_space<vmem>>
    %dma_start3A_274 = arith.constant 0 : i32
    %dma_start3A_275 = arith.constant 0 : i32
    %dma_start3A_276 = tpu.memref_slice %arg2[%dma_start3A_270, %add3A, %dma_start3A_274, %dma_start3A_275] : memref<25x32x8x128xi32, #tpu.memory_space<hbm>> -> memref<1x1x8x128xi32, #tpu.memory_space<hbm>>
    %dma_start3A_277 = tpu.memref_squeeze %dma_start3A_276 : memref<1x1x8x128xi32, #tpu.memory_space<hbm>> -> memref<8x128xi32, #tpu.memory_space<hbm>>
    %dma_start3A_278 = arith.constant 144 : i32
    %dma_start3A_279 = arith.constant 0 : i32
    %dma_start3A_280 = tpu.memref_slice %arg5[%dma_start3A_278, %dma_start3A_279] : memref<200x128xi32, #tpu.memory_space<vmem>> -> memref<8x128xi32, #tpu.memory_space<vmem>>
    %dma_start3A_281 = arith.constant 0 : i32
    %dma_start3A_282 = arith.constant 0 : i32
    %dma_start3A_283 = tpu.memref_slice %arg2[%dma_start3A_270, %add3A, %dma_start3A_281, %dma_start3A_282] : memref<25x32x8x128xi32, #tpu.memory_space<hbm>> -> memref<1x1x8x128xi32, #tpu.memory_space<hbm>>
    %dma_start3A_284 = tpu.memref_squeeze %dma_start3A_283 : memref<1x1x8x128xi32, #tpu.memory_space<hbm>> -> memref<8x128xi32, #tpu.memory_space<hbm>>
    tpu.enqueue_dma source(%dma_start3A_284 : memref<8x128xi32, #tpu.memory_space<hbm>>) target(%dma_start3A_280 : memref<8x128xi32, #tpu.memory_space<vmem>>) target_semaphore(%arg8 : memref<!tpu.dma_semaphore, #tpu.memory_space<semaphore_mem>>)
    %dma_start3A_285 = arith.constant 19 : i32
    %dma_start3A_286 = arith.constant 152 : i32
    %dma_start3A_287 = arith.constant 0 : i32
    %dma_start3A_288 = tpu.memref_slice %arg5[%dma_start3A_286, %dma_start3A_287] : memref<200x128xi32, #tpu.memory_space<vmem>> -> memref<8x128xi32, #tpu.memory_space<vmem>>
    %dma_start3A_289 = arith.constant 0 : i32
    %dma_start3A_290 = arith.constant 0 : i32
    %dma_start3A_291 = tpu.memref_slice %arg2[%dma_start3A_285, %add3A, %dma_start3A_289, %dma_start3A_290] : memref<25x32x8x128xi32, #tpu.memory_space<hbm>> -> memref<1x1x8x128xi32, #tpu.memory_space<hbm>>
    %dma_start3A_292 = tpu.memref_squeeze %dma_start3A_291 : memref<1x1x8x128xi32, #tpu.memory_space<hbm>> -> memref<8x128xi32, #tpu.memory_space<hbm>>
    %dma_start3A_293 = arith.constant 152 : i32
    %dma_start3A_294 = arith.constant 0 : i32
    %dma_start3A_295 = tpu.memref_slice %arg5[%dma_start3A_293, %dma_start3A_294] : memref<200x128xi32, #tpu.memory_space<vmem>> -> memref<8x128xi32, #tpu.memory_space<vmem>>
    %dma_start3A_296 = arith.constant 0 : i32
    %dma_start3A_297 = arith.constant 0 : i32
    %dma_start3A_298 = tpu.memref_slice %arg2[%dma_start3A_285, %add3A, %dma_start3A_296, %dma_start3A_297] : memref<25x32x8x128xi32, #tpu.memory_space<hbm>> -> memref<1x1x8x128xi32, #tpu.memory_space<hbm>>
    %dma_start3A_299 = tpu.memref_squeeze %dma_start3A_298 : memref<1x1x8x128xi32, #tpu.memory_space<hbm>> -> memref<8x128xi32, #tpu.memory_space<hbm>>
    tpu.enqueue_dma source(%dma_start3A_299 : memref<8x128xi32, #tpu.memory_space<hbm>>) target(%dma_start3A_295 : memref<8x128xi32, #tpu.memory_space<vmem>>) target_semaphore(%arg8 : memref<!tpu.dma_semaphore, #tpu.memory_space<semaphore_mem>>)
    %dma_start3A_300 = arith.constant 20 : i32
    %dma_start3A_301 = arith.constant 160 : i32
    %dma_start3A_302 = arith.constant 0 : i32
    %dma_start3A_303 = tpu.memref_slice %arg5[%dma_start3A_301, %dma_start3A_302] : memref<200x128xi32, #tpu.memory_space<vmem>> -> memref<8x128xi32, #tpu.memory_space<vmem>>
    %dma_start3A_304 = arith.constant 0 : i32
    %dma_start3A_305 = arith.constant 0 : i32
    %dma_start3A_306 = tpu.memref_slice %arg2[%dma_start3A_300, %add3A, %dma_start3A_304, %dma_start3A_305] : memref<25x32x8x128xi32, #tpu.memory_space<hbm>> -> memref<1x1x8x128xi32, #tpu.memory_space<hbm>>
    %dma_start3A_307 = tpu.memref_squeeze %dma_start3A_306 : memref<1x1x8x128xi32, #tpu.memory_space<hbm>> -> memref<8x128xi32, #tpu.memory_space<hbm>>
    %dma_start3A_308 = arith.constant 160 : i32
    %dma_start3A_309 = arith.constant 0 : i32
    %dma_start3A_310 = tpu.memref_slice %arg5[%dma_start3A_308, %dma_start3A_309] : memref<200x128xi32, #tpu.memory_space<vmem>> -> memref<8x128xi32, #tpu.memory_space<vmem>>
    %dma_start3A_311 = arith.constant 0 : i32
    %dma_start3A_312 = arith.constant 0 : i32
    %dma_start3A_313 = tpu.memref_slice %arg2[%dma_start3A_300, %add3A, %dma_start3A_311, %dma_start3A_312] : memref<25x32x8x128xi32, #tpu.memory_space<hbm>> -> memref<1x1x8x128xi32, #tpu.memory_space<hbm>>
    %dma_start3A_314 = tpu.memref_squeeze %dma_start3A_313 : memref<1x1x8x128xi32, #tpu.memory_space<hbm>> -> memref<8x128xi32, #tpu.memory_space<hbm>>
    tpu.enqueue_dma source(%dma_start3A_314 : memref<8x128xi32, #tpu.memory_space<hbm>>) target(%dma_start3A_310 : memref<8x128xi32, #tpu.memory_space<vmem>>) target_semaphore(%arg8 : memref<!tpu.dma_semaphore, #tpu.memory_space<semaphore_mem>>)
    %dma_start3A_315 = arith.constant 21 : i32
    %dma_start3A_316 = arith.constant 168 : i32
    %dma_start3A_317 = arith.constant 0 : i32
    %dma_start3A_318 = tpu.memref_slice %arg5[%dma_start3A_316, %dma_start3A_317] : memref<200x128xi32, #tpu.memory_space<vmem>> -> memref<8x128xi32, #tpu.memory_space<vmem>>
    %dma_start3A_319 = arith.constant 0 : i32
    %dma_start3A_320 = arith.constant 0 : i32
    %dma_start3A_321 = tpu.memref_slice %arg2[%dma_start3A_315, %add3A, %dma_start3A_319, %dma_start3A_320] : memref<25x32x8x128xi32, #tpu.memory_space<hbm>> -> memref<1x1x8x128xi32, #tpu.memory_space<hbm>>
    %dma_start3A_322 = tpu.memref_squeeze %dma_start3A_321 : memref<1x1x8x128xi32, #tpu.memory_space<hbm>> -> memref<8x128xi32, #tpu.memory_space<hbm>>
    %dma_start3A_323 = arith.constant 168 : i32
    %dma_start3A_324 = arith.constant 0 : i32
    %dma_start3A_325 = tpu.memref_slice %arg5[%dma_start3A_323, %dma_start3A_324] : memref<200x128xi32, #tpu.memory_space<vmem>> -> memref<8x128xi32, #tpu.memory_space<vmem>>
    %dma_start3A_326 = arith.constant 0 : i32
    %dma_start3A_327 = arith.constant 0 : i32
    %dma_start3A_328 = tpu.memref_slice %arg2[%dma_start3A_315, %add3A, %dma_start3A_326, %dma_start3A_327] : memref<25x32x8x128xi32, #tpu.memory_space<hbm>> -> memref<1x1x8x128xi32, #tpu.memory_space<hbm>>
    %dma_start3A_329 = tpu.memref_squeeze %dma_start3A_328 : memref<1x1x8x128xi32, #tpu.memory_space<hbm>> -> memref<8x128xi32, #tpu.memory_space<hbm>>
    tpu.enqueue_dma source(%dma_start3A_329 : memref<8x128xi32, #tpu.memory_space<hbm>>) target(%dma_start3A_325 : memref<8x128xi32, #tpu.memory_space<vmem>>) target_semaphore(%arg8 : memref<!tpu.dma_semaphore, #tpu.memory_space<semaphore_mem>>)
    %dma_start3A_330 = arith.constant 22 : i32
    %dma_start3A_331 = arith.constant 176 : i32
    %dma_start3A_332 = arith.constant 0 : i32
    %dma_start3A_333 = tpu.memref_slice %arg5[%dma_start3A_331, %dma_start3A_332] : memref<200x128xi32, #tpu.memory_space<vmem>> -> memref<8x128xi32, #tpu.memory_space<vmem>>
    %dma_start3A_334 = arith.constant 0 : i32
    %dma_start3A_335 = arith.constant 0 : i32
    %dma_start3A_336 = tpu.memref_slice %arg2[%dma_start3A_330, %add3A, %dma_start3A_334, %dma_start3A_335] : memref<25x32x8x128xi32, #tpu.memory_space<hbm>> -> memref<1x1x8x128xi32, #tpu.memory_space<hbm>>
    %dma_start3A_337 = tpu.memref_squeeze %dma_start3A_336 : memref<1x1x8x128xi32, #tpu.memory_space<hbm>> -> memref<8x128xi32, #tpu.memory_space<hbm>>
    %dma_start3A_338 = arith.constant 176 : i32
    %dma_start3A_339 = arith.constant 0 : i32
    %dma_start3A_340 = tpu.memref_slice %arg5[%dma_start3A_338, %dma_start3A_339] : memref<200x128xi32, #tpu.memory_space<vmem>> -> memref<8x128xi32, #tpu.memory_space<vmem>>
    %dma_start3A_341 = arith.constant 0 : i32
    %dma_start3A_342 = arith.constant 0 : i32
    %dma_start3A_343 = tpu.memref_slice %arg2[%dma_start3A_330, %add3A, %dma_start3A_341, %dma_start3A_342] : memref<25x32x8x128xi32, #tpu.memory_space<hbm>> -> memref<1x1x8x128xi32, #tpu.memory_space<hbm>>
    %dma_start3A_344 = tpu.memref_squeeze %dma_start3A_343 : memref<1x1x8x128xi32, #tpu.memory_space<hbm>> -> memref<8x128xi32, #tpu.memory_space<hbm>>
    tpu.enqueue_dma source(%dma_start3A_344 : memref<8x128xi32, #tpu.memory_space<hbm>>) target(%dma_start3A_340 : memref<8x128xi32, #tpu.memory_space<vmem>>) target_semaphore(%arg8 : memref<!tpu.dma_semaphore, #tpu.memory_space<semaphore_mem>>)
    %dma_start3A_345 = arith.constant 23 : i32
    %dma_start3A_346 = arith.constant 184 : i32
    %dma_start3A_347 = arith.constant 0 : i32
    %dma_start3A_348 = tpu.memref_slice %arg5[%dma_start3A_346, %dma_start3A_347] : memref<200x128xi32, #tpu.memory_space<vmem>> -> memref<8x128xi32, #tpu.memory_space<vmem>>
    %dma_start3A_349 = arith.constant 0 : i32
    %dma_start3A_350 = arith.constant 0 : i32
    %dma_start3A_351 = tpu.memref_slice %arg2[%dma_start3A_345, %add3A, %dma_start3A_349, %dma_start3A_350] : memref<25x32x8x128xi32, #tpu.memory_space<hbm>> -> memref<1x1x8x128xi32, #tpu.memory_space<hbm>>
    %dma_start3A_352 = tpu.memref_squeeze %dma_start3A_351 : memref<1x1x8x128xi32, #tpu.memory_space<hbm>> -> memref<8x128xi32, #tpu.memory_space<hbm>>
    %dma_start3A_353 = arith.constant 184 : i32
    %dma_start3A_354 = arith.constant 0 : i32
    %dma_start3A_355 = tpu.memref_slice %arg5[%dma_start3A_353, %dma_start3A_354] : memref<200x128xi32, #tpu.memory_space<vmem>> -> memref<8x128xi32, #tpu.memory_space<vmem>>
    %dma_start3A_356 = arith.constant 0 : i32
    %dma_start3A_357 = arith.constant 0 : i32
    %dma_start3A_358 = tpu.memref_slice %arg2[%dma_start3A_345, %add3A, %dma_start3A_356, %dma_start3A_357] : memref<25x32x8x128xi32, #tpu.memory_space<hbm>> -> memref<1x1x8x128xi32, #tpu.memory_space<hbm>>
    %dma_start3A_359 = tpu.memref_squeeze %dma_start3A_358 : memref<1x1x8x128xi32, #tpu.memory_space<hbm>> -> memref<8x128xi32, #tpu.memory_space<hbm>>
    tpu.enqueue_dma source(%dma_start3A_359 : memref<8x128xi32, #tpu.memory_space<hbm>>) target(%dma_start3A_355 : memref<8x128xi32, #tpu.memory_space<vmem>>) target_semaphore(%arg8 : memref<!tpu.dma_semaphore, #tpu.memory_space<semaphore_mem>>)
    %dma_start3A_360 = arith.constant 24 : i32
    %dma_start3A_361 = arith.constant 192 : i32
    %dma_start3A_362 = arith.constant 0 : i32
    %dma_start3A_363 = tpu.memref_slice %arg5[%dma_start3A_361, %dma_start3A_362] : memref<200x128xi32, #tpu.memory_space<vmem>> -> memref<8x128xi32, #tpu.memory_space<vmem>>
    %dma_start3A_364 = arith.constant 0 : i32
    %dma_start3A_365 = arith.constant 0 : i32
    %dma_start3A_366 = tpu.memref_slice %arg2[%dma_start3A_360, %add3A, %dma_start3A_364, %dma_start3A_365] : memref<25x32x8x128xi32, #tpu.memory_space<hbm>> -> memref<1x1x8x128xi32, #tpu.memory_space<hbm>>
    %dma_start3A_367 = tpu.memref_squeeze %dma_start3A_366 : memref<1x1x8x128xi32, #tpu.memory_space<hbm>> -> memref<8x128xi32, #tpu.memory_space<hbm>>
    %dma_start3A_368 = arith.constant 192 : i32
    %dma_start3A_369 = arith.constant 0 : i32
    %dma_start3A_370 = tpu.memref_slice %arg5[%dma_start3A_368, %dma_start3A_369] : memref<200x128xi32, #tpu.memory_space<vmem>> -> memref<8x128xi32, #tpu.memory_space<vmem>>
    %dma_start3A_371 = arith.constant 0 : i32
    %dma_start3A_372 = arith.constant 0 : i32
    %dma_start3A_373 = tpu.memref_slice %arg2[%dma_start3A_360, %add3A, %dma_start3A_371, %dma_start3A_372] : memref<25x32x8x128xi32, #tpu.memory_space<hbm>> -> memref<1x1x8x128xi32, #tpu.memory_space<hbm>>
    %dma_start3A_374 = tpu.memref_squeeze %dma_start3A_373 : memref<1x1x8x128xi32, #tpu.memory_space<hbm>> -> memref<8x128xi32, #tpu.memory_space<hbm>>
    tpu.enqueue_dma source(%dma_start3A_374 : memref<8x128xi32, #tpu.memory_space<hbm>>) target(%dma_start3A_370 : memref<8x128xi32, #tpu.memory_space<vmem>>) target_semaphore(%arg8 : memref<!tpu.dma_semaphore, #tpu.memory_space<semaphore_mem>>)
    %dma_wait3A = arith.constant 0 : i32
    %dma_wait3A_375 = arith.constant 0 : i32
    %dma_wait3A_376 = arith.constant 0 : i32
    %dma_wait3A_377 = tpu.memref_slice %arg5[%dma_wait3A_375, %dma_wait3A_376] : memref<200x128xi32, #tpu.memory_space<vmem>> -> memref<8x128xi32, #tpu.memory_space<vmem>>
    %dma_wait3A_378 = arith.constant 0 : i32
    %dma_wait3A_379 = arith.constant 0 : i32
    %dma_wait3A_380 = tpu.memref_slice %arg2[%dma_wait3A, %add3A, %dma_wait3A_378, %dma_wait3A_379] : memref<25x32x8x128xi32, #tpu.memory_space<hbm>> -> memref<1x1x8x128xi32, #tpu.memory_space<hbm>>
    %dma_wait3A_381 = tpu.memref_squeeze %dma_wait3A_380 : memref<1x1x8x128xi32, #tpu.memory_space<hbm>> -> memref<8x128xi32, #tpu.memory_space<hbm>>
    %dma_wait3A_382 = arith.constant 0 : i32
    %dma_wait3A_383 = arith.constant 0 : i32
    %dma_wait3A_384 = tpu.memref_slice %arg5[%dma_wait3A_382, %dma_wait3A_383] : memref<200x128xi32, #tpu.memory_space<vmem>> -> memref<8x128xi32, #tpu.memory_space<vmem>>
    %dma_wait3A_385 = arith.constant 0 : i32
    %dma_wait3A_386 = arith.constant 0 : i32
    %dma_wait3A_387 = tpu.memref_slice %arg2[%dma_wait3A, %add3A, %dma_wait3A_385, %dma_wait3A_386] : memref<25x32x8x128xi32, #tpu.memory_space<hbm>> -> memref<1x1x8x128xi32, #tpu.memory_space<hbm>>
    %dma_wait3A_388 = tpu.memref_squeeze %dma_wait3A_387 : memref<1x1x8x128xi32, #tpu.memory_space<hbm>> -> memref<8x128xi32, #tpu.memory_space<hbm>>
    tpu.wait_dma2 semaphore(%arg8 : memref<!tpu.dma_semaphore, #tpu.memory_space<semaphore_mem>>) src(%dma_wait3A_388 : memref<8x128xi32, #tpu.memory_space<hbm>>) dst(%dma_wait3A_384 : memref<8x128xi32, #tpu.memory_space<vmem>>)
    %dma_wait3A_389 = arith.constant 1 : i32
    %dma_wait3A_390 = arith.constant 8 : i32
    %dma_wait3A_391 = arith.constant 0 : i32
    %dma_wait3A_392 = tpu.memref_slice %arg5[%dma_wait3A_390, %dma_wait3A_391] : memref<200x128xi32, #tpu.memory_space<vmem>> -> memref<8x128xi32, #tpu.memory_space<vmem>>
    %dma_wait3A_393 = arith.constant 0 : i32
    %dma_wait3A_394 = arith.constant 0 : i32
    %dma_wait3A_395 = tpu.memref_slice %arg2[%dma_wait3A_389, %add3A, %dma_wait3A_393, %dma_wait3A_394] : memref<25x32x8x128xi32, #tpu.memory_space<hbm>> -> memref<1x1x8x128xi32, #tpu.memory_space<hbm>>
    %dma_wait3A_396 = tpu.memref_squeeze %dma_wait3A_395 : memref<1x1x8x128xi32, #tpu.memory_space<hbm>> -> memref<8x128xi32, #tpu.memory_space<hbm>>
    %dma_wait3A_397 = arith.constant 8 : i32
    %dma_wait3A_398 = arith.constant 0 : i32
    %dma_wait3A_399 = tpu.memref_slice %arg5[%dma_wait3A_397, %dma_wait3A_398] : memref<200x128xi32, #tpu.memory_space<vmem>> -> memref<8x128xi32, #tpu.memory_space<vmem>>
    %dma_wait3A_400 = arith.constant 0 : i32
    %dma_wait3A_401 = arith.constant 0 : i32
    %dma_wait3A_402 = tpu.memref_slice %arg2[%dma_wait3A_389, %add3A, %dma_wait3A_400, %dma_wait3A_401] : memref<25x32x8x128xi32, #tpu.memory_space<hbm>> -> memref<1x1x8x128xi32, #tpu.memory_space<hbm>>
    %dma_wait3A_403 = tpu.memref_squeeze %dma_wait3A_402 : memref<1x1x8x128xi32, #tpu.memory_space<hbm>> -> memref<8x128xi32, #tpu.memory_space<hbm>>
    tpu.wait_dma2 semaphore(%arg8 : memref<!tpu.dma_semaphore, #tpu.memory_space<semaphore_mem>>) src(%dma_wait3A_403 : memref<8x128xi32, #tpu.memory_space<hbm>>) dst(%dma_wait3A_399 : memref<8x128xi32, #tpu.memory_space<vmem>>)
    %dma_wait3A_404 = arith.constant 2 : i32
    %dma_wait3A_405 = arith.constant 16 : i32
    %dma_wait3A_406 = arith.constant 0 : i32
    %dma_wait3A_407 = tpu.memref_slice %arg5[%dma_wait3A_405, %dma_wait3A_406] : memref<200x128xi32, #tpu.memory_space<vmem>> -> memref<8x128xi32, #tpu.memory_space<vmem>>
    %dma_wait3A_408 = arith.constant 0 : i32
    %dma_wait3A_409 = arith.constant 0 : i32
    %dma_wait3A_410 = tpu.memref_slice %arg2[%dma_wait3A_404, %add3A, %dma_wait3A_408, %dma_wait3A_409] : memref<25x32x8x128xi32, #tpu.memory_space<hbm>> -> memref<1x1x8x128xi32, #tpu.memory_space<hbm>>
    %dma_wait3A_411 = tpu.memref_squeeze %dma_wait3A_410 : memref<1x1x8x128xi32, #tpu.memory_space<hbm>> -> memref<8x128xi32, #tpu.memory_space<hbm>>
    %dma_wait3A_412 = arith.constant 16 : i32
    %dma_wait3A_413 = arith.constant 0 : i32
    %dma_wait3A_414 = tpu.memref_slice %arg5[%dma_wait3A_412, %dma_wait3A_413] : memref<200x128xi32, #tpu.memory_space<vmem>> -> memref<8x128xi32, #tpu.memory_space<vmem>>
    %dma_wait3A_415 = arith.constant 0 : i32
    %dma_wait3A_416 = arith.constant 0 : i32
    %dma_wait3A_417 = tpu.memref_slice %arg2[%dma_wait3A_404, %add3A, %dma_wait3A_415, %dma_wait3A_416] : memref<25x32x8x128xi32, #tpu.memory_space<hbm>> -> memref<1x1x8x128xi32, #tpu.memory_space<hbm>>
    %dma_wait3A_418 = tpu.memref_squeeze %dma_wait3A_417 : memref<1x1x8x128xi32, #tpu.memory_space<hbm>> -> memref<8x128xi32, #tpu.memory_space<hbm>>
    tpu.wait_dma2 semaphore(%arg8 : memref<!tpu.dma_semaphore, #tpu.memory_space<semaphore_mem>>) src(%dma_wait3A_418 : memref<8x128xi32, #tpu.memory_space<hbm>>) dst(%dma_wait3A_414 : memref<8x128xi32, #tpu.memory_space<vmem>>)
    %dma_wait3A_419 = arith.constant 3 : i32
    %dma_wait3A_420 = arith.constant 24 : i32
    %dma_wait3A_421 = arith.constant 0 : i32
    %dma_wait3A_422 = tpu.memref_slice %arg5[%dma_wait3A_420, %dma_wait3A_421] : memref<200x128xi32, #tpu.memory_space<vmem>> -> memref<8x128xi32, #tpu.memory_space<vmem>>
    %dma_wait3A_423 = arith.constant 0 : i32
    %dma_wait3A_424 = arith.constant 0 : i32
    %dma_wait3A_425 = tpu.memref_slice %arg2[%dma_wait3A_419, %add3A, %dma_wait3A_423, %dma_wait3A_424] : memref<25x32x8x128xi32, #tpu.memory_space<hbm>> -> memref<1x1x8x128xi32, #tpu.memory_space<hbm>>
    %dma_wait3A_426 = tpu.memref_squeeze %dma_wait3A_425 : memref<1x1x8x128xi32, #tpu.memory_space<hbm>> -> memref<8x128xi32, #tpu.memory_space<hbm>>
    %dma_wait3A_427 = arith.constant 24 : i32
    %dma_wait3A_428 = arith.constant 0 : i32
    %dma_wait3A_429 = tpu.memref_slice %arg5[%dma_wait3A_427, %dma_wait3A_428] : memref<200x128xi32, #tpu.memory_space<vmem>> -> memref<8x128xi32, #tpu.memory_space<vmem>>
    %dma_wait3A_430 = arith.constant 0 : i32
    %dma_wait3A_431 = arith.constant 0 : i32
    %dma_wait3A_432 = tpu.memref_slice %arg2[%dma_wait3A_419, %add3A, %dma_wait3A_430, %dma_wait3A_431] : memref<25x32x8x128xi32, #tpu.memory_space<hbm>> -> memref<1x1x8x128xi32, #tpu.memory_space<hbm>>
    %dma_wait3A_433 = tpu.memref_squeeze %dma_wait3A_432 : memref<1x1x8x128xi32, #tpu.memory_space<hbm>> -> memref<8x128xi32, #tpu.memory_space<hbm>>
    tpu.wait_dma2 semaphore(%arg8 : memref<!tpu.dma_semaphore, #tpu.memory_space<semaphore_mem>>) src(%dma_wait3A_433 : memref<8x128xi32, #tpu.memory_space<hbm>>) dst(%dma_wait3A_429 : memref<8x128xi32, #tpu.memory_space<vmem>>)
    %dma_wait3A_434 = arith.constant 4 : i32
    %dma_wait3A_435 = arith.constant 32 : i32
    %dma_wait3A_436 = arith.constant 0 : i32
    %dma_wait3A_437 = tpu.memref_slice %arg5[%dma_wait3A_435, %dma_wait3A_436] : memref<200x128xi32, #tpu.memory_space<vmem>> -> memref<8x128xi32, #tpu.memory_space<vmem>>
    %dma_wait3A_438 = arith.constant 0 : i32
    %dma_wait3A_439 = arith.constant 0 : i32
    %dma_wait3A_440 = tpu.memref_slice %arg2[%dma_wait3A_434, %add3A, %dma_wait3A_438, %dma_wait3A_439] : memref<25x32x8x128xi32, #tpu.memory_space<hbm>> -> memref<1x1x8x128xi32, #tpu.memory_space<hbm>>
    %dma_wait3A_441 = tpu.memref_squeeze %dma_wait3A_440 : memref<1x1x8x128xi32, #tpu.memory_space<hbm>> -> memref<8x128xi32, #tpu.memory_space<hbm>>
    %dma_wait3A_442 = arith.constant 32 : i32
    %dma_wait3A_443 = arith.constant 0 : i32
    %dma_wait3A_444 = tpu.memref_slice %arg5[%dma_wait3A_442, %dma_wait3A_443] : memref<200x128xi32, #tpu.memory_space<vmem>> -> memref<8x128xi32, #tpu.memory_space<vmem>>
    %dma_wait3A_445 = arith.constant 0 : i32
    %dma_wait3A_446 = arith.constant 0 : i32
    %dma_wait3A_447 = tpu.memref_slice %arg2[%dma_wait3A_434, %add3A, %dma_wait3A_445, %dma_wait3A_446] : memref<25x32x8x128xi32, #tpu.memory_space<hbm>> -> memref<1x1x8x128xi32, #tpu.memory_space<hbm>>
    %dma_wait3A_448 = tpu.memref_squeeze %dma_wait3A_447 : memref<1x1x8x128xi32, #tpu.memory_space<hbm>> -> memref<8x128xi32, #tpu.memory_space<hbm>>
    tpu.wait_dma2 semaphore(%arg8 : memref<!tpu.dma_semaphore, #tpu.memory_space<semaphore_mem>>) src(%dma_wait3A_448 : memref<8x128xi32, #tpu.memory_space<hbm>>) dst(%dma_wait3A_444 : memref<8x128xi32, #tpu.memory_space<vmem>>)
    %dma_wait3A_449 = arith.constant 5 : i32
    %dma_wait3A_450 = arith.constant 40 : i32
    %dma_wait3A_451 = arith.constant 0 : i32
    %dma_wait3A_452 = tpu.memref_slice %arg5[%dma_wait3A_450, %dma_wait3A_451] : memref<200x128xi32, #tpu.memory_space<vmem>> -> memref<8x128xi32, #tpu.memory_space<vmem>>
    %dma_wait3A_453 = arith.constant 0 : i32
    %dma_wait3A_454 = arith.constant 0 : i32
    %dma_wait3A_455 = tpu.memref_slice %arg2[%dma_wait3A_449, %add3A, %dma_wait3A_453, %dma_wait3A_454] : memref<25x32x8x128xi32, #tpu.memory_space<hbm>> -> memref<1x1x8x128xi32, #tpu.memory_space<hbm>>
    %dma_wait3A_456 = tpu.memref_squeeze %dma_wait3A_455 : memref<1x1x8x128xi32, #tpu.memory_space<hbm>> -> memref<8x128xi32, #tpu.memory_space<hbm>>
    %dma_wait3A_457 = arith.constant 40 : i32
    %dma_wait3A_458 = arith.constant 0 : i32
    %dma_wait3A_459 = tpu.memref_slice %arg5[%dma_wait3A_457, %dma_wait3A_458] : memref<200x128xi32, #tpu.memory_space<vmem>> -> memref<8x128xi32, #tpu.memory_space<vmem>>
    %dma_wait3A_460 = arith.constant 0 : i32
    %dma_wait3A_461 = arith.constant 0 : i32
    %dma_wait3A_462 = tpu.memref_slice %arg2[%dma_wait3A_449, %add3A, %dma_wait3A_460, %dma_wait3A_461] : memref<25x32x8x128xi32, #tpu.memory_space<hbm>> -> memref<1x1x8x128xi32, #tpu.memory_space<hbm>>
    %dma_wait3A_463 = tpu.memref_squeeze %dma_wait3A_462 : memref<1x1x8x128xi32, #tpu.memory_space<hbm>> -> memref<8x128xi32, #tpu.memory_space<hbm>>
    tpu.wait_dma2 semaphore(%arg8 : memref<!tpu.dma_semaphore, #tpu.memory_space<semaphore_mem>>) src(%dma_wait3A_463 : memref<8x128xi32, #tpu.memory_space<hbm>>) dst(%dma_wait3A_459 : memref<8x128xi32, #tpu.memory_space<vmem>>)
    %dma_wait3A_464 = arith.constant 6 : i32
    %dma_wait3A_465 = arith.constant 48 : i32
    %dma_wait3A_466 = arith.constant 0 : i32
    %dma_wait3A_467 = tpu.memref_slice %arg5[%dma_wait3A_465, %dma_wait3A_466] : memref<200x128xi32, #tpu.memory_space<vmem>> -> memref<8x128xi32, #tpu.memory_space<vmem>>
    %dma_wait3A_468 = arith.constant 0 : i32
    %dma_wait3A_469 = arith.constant 0 : i32
    %dma_wait3A_470 = tpu.memref_slice %arg2[%dma_wait3A_464, %add3A, %dma_wait3A_468, %dma_wait3A_469] : memref<25x32x8x128xi32, #tpu.memory_space<hbm>> -> memref<1x1x8x128xi32, #tpu.memory_space<hbm>>
    %dma_wait3A_471 = tpu.memref_squeeze %dma_wait3A_470 : memref<1x1x8x128xi32, #tpu.memory_space<hbm>> -> memref<8x128xi32, #tpu.memory_space<hbm>>
    %dma_wait3A_472 = arith.constant 48 : i32
    %dma_wait3A_473 = arith.constant 0 : i32
    %dma_wait3A_474 = tpu.memref_slice %arg5[%dma_wait3A_472, %dma_wait3A_473] : memref<200x128xi32, #tpu.memory_space<vmem>> -> memref<8x128xi32, #tpu.memory_space<vmem>>
    %dma_wait3A_475 = arith.constant 0 : i32
    %dma_wait3A_476 = arith.constant 0 : i32
    %dma_wait3A_477 = tpu.memref_slice %arg2[%dma_wait3A_464, %add3A, %dma_wait3A_475, %dma_wait3A_476] : memref<25x32x8x128xi32, #tpu.memory_space<hbm>> -> memref<1x1x8x128xi32, #tpu.memory_space<hbm>>
    %dma_wait3A_478 = tpu.memref_squeeze %dma_wait3A_477 : memref<1x1x8x128xi32, #tpu.memory_space<hbm>> -> memref<8x128xi32, #tpu.memory_space<hbm>>
    tpu.wait_dma2 semaphore(%arg8 : memref<!tpu.dma_semaphore, #tpu.memory_space<semaphore_mem>>) src(%dma_wait3A_478 : memref<8x128xi32, #tpu.memory_space<hbm>>) dst(%dma_wait3A_474 : memref<8x128xi32, #tpu.memory_space<vmem>>)
    %dma_wait3A_479 = arith.constant 7 : i32
    %dma_wait3A_480 = arith.constant 56 : i32
    %dma_wait3A_481 = arith.constant 0 : i32
    %dma_wait3A_482 = tpu.memref_slice %arg5[%dma_wait3A_480, %dma_wait3A_481] : memref<200x128xi32, #tpu.memory_space<vmem>> -> memref<8x128xi32, #tpu.memory_space<vmem>>
    %dma_wait3A_483 = arith.constant 0 : i32
    %dma_wait3A_484 = arith.constant 0 : i32
    %dma_wait3A_485 = tpu.memref_slice %arg2[%dma_wait3A_479, %add3A, %dma_wait3A_483, %dma_wait3A_484] : memref<25x32x8x128xi32, #tpu.memory_space<hbm>> -> memref<1x1x8x128xi32, #tpu.memory_space<hbm>>
    %dma_wait3A_486 = tpu.memref_squeeze %dma_wait3A_485 : memref<1x1x8x128xi32, #tpu.memory_space<hbm>> -> memref<8x128xi32, #tpu.memory_space<hbm>>
    %dma_wait3A_487 = arith.constant 56 : i32
    %dma_wait3A_488 = arith.constant 0 : i32
    %dma_wait3A_489 = tpu.memref_slice %arg5[%dma_wait3A_487, %dma_wait3A_488] : memref<200x128xi32, #tpu.memory_space<vmem>> -> memref<8x128xi32, #tpu.memory_space<vmem>>
    %dma_wait3A_490 = arith.constant 0 : i32
    %dma_wait3A_491 = arith.constant 0 : i32
    %dma_wait3A_492 = tpu.memref_slice %arg2[%dma_wait3A_479, %add3A, %dma_wait3A_490, %dma_wait3A_491] : memref<25x32x8x128xi32, #tpu.memory_space<hbm>> -> memref<1x1x8x128xi32, #tpu.memory_space<hbm>>
    %dma_wait3A_493 = tpu.memref_squeeze %dma_wait3A_492 : memref<1x1x8x128xi32, #tpu.memory_space<hbm>> -> memref<8x128xi32, #tpu.memory_space<hbm>>
    tpu.wait_dma2 semaphore(%arg8 : memref<!tpu.dma_semaphore, #tpu.memory_space<semaphore_mem>>) src(%dma_wait3A_493 : memref<8x128xi32, #tpu.memory_space<hbm>>) dst(%dma_wait3A_489 : memref<8x128xi32, #tpu.memory_space<vmem>>)
    %dma_wait3A_494 = arith.constant 8 : i32
    %dma_wait3A_495 = arith.constant 64 : i32
    %dma_wait3A_496 = arith.constant 0 : i32
    %dma_wait3A_497 = tpu.memref_slice %arg5[%dma_wait3A_495, %dma_wait3A_496] : memref<200x128xi32, #tpu.memory_space<vmem>> -> memref<8x128xi32, #tpu.memory_space<vmem>>
    %dma_wait3A_498 = arith.constant 0 : i32
    %dma_wait3A_499 = arith.constant 0 : i32
    %dma_wait3A_500 = tpu.memref_slice %arg2[%dma_wait3A_494, %add3A, %dma_wait3A_498, %dma_wait3A_499] : memref<25x32x8x128xi32, #tpu.memory_space<hbm>> -> memref<1x1x8x128xi32, #tpu.memory_space<hbm>>
    %dma_wait3A_501 = tpu.memref_squeeze %dma_wait3A_500 : memref<1x1x8x128xi32, #tpu.memory_space<hbm>> -> memref<8x128xi32, #tpu.memory_space<hbm>>
    %dma_wait3A_502 = arith.constant 64 : i32
    %dma_wait3A_503 = arith.constant 0 : i32
    %dma_wait3A_504 = tpu.memref_slice %arg5[%dma_wait3A_502, %dma_wait3A_503] : memref<200x128xi32, #tpu.memory_space<vmem>> -> memref<8x128xi32, #tpu.memory_space<vmem>>
    %dma_wait3A_505 = arith.constant 0 : i32
    %dma_wait3A_506 = arith.constant 0 : i32
    %dma_wait3A_507 = tpu.memref_slice %arg2[%dma_wait3A_494, %add3A, %dma_wait3A_505, %dma_wait3A_506] : memref<25x32x8x128xi32, #tpu.memory_space<hbm>> -> memref<1x1x8x128xi32, #tpu.memory_space<hbm>>
    %dma_wait3A_508 = tpu.memref_squeeze %dma_wait3A_507 : memref<1x1x8x128xi32, #tpu.memory_space<hbm>> -> memref<8x128xi32, #tpu.memory_space<hbm>>
    tpu.wait_dma2 semaphore(%arg8 : memref<!tpu.dma_semaphore, #tpu.memory_space<semaphore_mem>>) src(%dma_wait3A_508 : memref<8x128xi32, #tpu.memory_space<hbm>>) dst(%dma_wait3A_504 : memref<8x128xi32, #tpu.memory_space<vmem>>)
    %dma_wait3A_509 = arith.constant 9 : i32
    %dma_wait3A_510 = arith.constant 72 : i32
    %dma_wait3A_511 = arith.constant 0 : i32
    %dma_wait3A_512 = tpu.memref_slice %arg5[%dma_wait3A_510, %dma_wait3A_511] : memref<200x128xi32, #tpu.memory_space<vmem>> -> memref<8x128xi32, #tpu.memory_space<vmem>>
    %dma_wait3A_513 = arith.constant 0 : i32
    %dma_wait3A_514 = arith.constant 0 : i32
    %dma_wait3A_515 = tpu.memref_slice %arg2[%dma_wait3A_509, %add3A, %dma_wait3A_513, %dma_wait3A_514] : memref<25x32x8x128xi32, #tpu.memory_space<hbm>> -> memref<1x1x8x128xi32, #tpu.memory_space<hbm>>
    %dma_wait3A_516 = tpu.memref_squeeze %dma_wait3A_515 : memref<1x1x8x128xi32, #tpu.memory_space<hbm>> -> memref<8x128xi32, #tpu.memory_space<hbm>>
    %dma_wait3A_517 = arith.constant 72 : i32
    %dma_wait3A_518 = arith.constant 0 : i32
    %dma_wait3A_519 = tpu.memref_slice %arg5[%dma_wait3A_517, %dma_wait3A_518] : memref<200x128xi32, #tpu.memory_space<vmem>> -> memref<8x128xi32, #tpu.memory_space<vmem>>
    %dma_wait3A_520 = arith.constant 0 : i32
    %dma_wait3A_521 = arith.constant 0 : i32
    %dma_wait3A_522 = tpu.memref_slice %arg2[%dma_wait3A_509, %add3A, %dma_wait3A_520, %dma_wait3A_521] : memref<25x32x8x128xi32, #tpu.memory_space<hbm>> -> memref<1x1x8x128xi32, #tpu.memory_space<hbm>>
    %dma_wait3A_523 = tpu.memref_squeeze %dma_wait3A_522 : memref<1x1x8x128xi32, #tpu.memory_space<hbm>> -> memref<8x128xi32, #tpu.memory_space<hbm>>
    tpu.wait_dma2 semaphore(%arg8 : memref<!tpu.dma_semaphore, #tpu.memory_space<semaphore_mem>>) src(%dma_wait3A_523 : memref<8x128xi32, #tpu.memory_space<hbm>>) dst(%dma_wait3A_519 : memref<8x128xi32, #tpu.memory_space<vmem>>)
    %dma_wait3A_524 = arith.constant 10 : i32
    %dma_wait3A_525 = arith.constant 80 : i32
    %dma_wait3A_526 = arith.constant 0 : i32
    %dma_wait3A_527 = tpu.memref_slice %arg5[%dma_wait3A_525, %dma_wait3A_526] : memref<200x128xi32, #tpu.memory_space<vmem>> -> memref<8x128xi32, #tpu.memory_space<vmem>>
    %dma_wait3A_528 = arith.constant 0 : i32
    %dma_wait3A_529 = arith.constant 0 : i32
    %dma_wait3A_530 = tpu.memref_slice %arg2[%dma_wait3A_524, %add3A, %dma_wait3A_528, %dma_wait3A_529] : memref<25x32x8x128xi32, #tpu.memory_space<hbm>> -> memref<1x1x8x128xi32, #tpu.memory_space<hbm>>
    %dma_wait3A_531 = tpu.memref_squeeze %dma_wait3A_530 : memref<1x1x8x128xi32, #tpu.memory_space<hbm>> -> memref<8x128xi32, #tpu.memory_space<hbm>>
    %dma_wait3A_532 = arith.constant 80 : i32
    %dma_wait3A_533 = arith.constant 0 : i32
    %dma_wait3A_534 = tpu.memref_slice %arg5[%dma_wait3A_532, %dma_wait3A_533] : memref<200x128xi32, #tpu.memory_space<vmem>> -> memref<8x128xi32, #tpu.memory_space<vmem>>
    %dma_wait3A_535 = arith.constant 0 : i32
    %dma_wait3A_536 = arith.constant 0 : i32
    %dma_wait3A_537 = tpu.memref_slice %arg2[%dma_wait3A_524, %add3A, %dma_wait3A_535, %dma_wait3A_536] : memref<25x32x8x128xi32, #tpu.memory_space<hbm>> -> memref<1x1x8x128xi32, #tpu.memory_space<hbm>>
    %dma_wait3A_538 = tpu.memref_squeeze %dma_wait3A_537 : memref<1x1x8x128xi32, #tpu.memory_space<hbm>> -> memref<8x128xi32, #tpu.memory_space<hbm>>
    tpu.wait_dma2 semaphore(%arg8 : memref<!tpu.dma_semaphore, #tpu.memory_space<semaphore_mem>>) src(%dma_wait3A_538 : memref<8x128xi32, #tpu.memory_space<hbm>>) dst(%dma_wait3A_534 : memref<8x128xi32, #tpu.memory_space<vmem>>)
    %dma_wait3A_539 = arith.constant 11 : i32
    %dma_wait3A_540 = arith.constant 88 : i32
    %dma_wait3A_541 = arith.constant 0 : i32
    %dma_wait3A_542 = tpu.memref_slice %arg5[%dma_wait3A_540, %dma_wait3A_541] : memref<200x128xi32, #tpu.memory_space<vmem>> -> memref<8x128xi32, #tpu.memory_space<vmem>>
    %dma_wait3A_543 = arith.constant 0 : i32
    %dma_wait3A_544 = arith.constant 0 : i32
    %dma_wait3A_545 = tpu.memref_slice %arg2[%dma_wait3A_539, %add3A, %dma_wait3A_543, %dma_wait3A_544] : memref<25x32x8x128xi32, #tpu.memory_space<hbm>> -> memref<1x1x8x128xi32, #tpu.memory_space<hbm>>
    %dma_wait3A_546 = tpu.memref_squeeze %dma_wait3A_545 : memref<1x1x8x128xi32, #tpu.memory_space<hbm>> -> memref<8x128xi32, #tpu.memory_space<hbm>>
    %dma_wait3A_547 = arith.constant 88 : i32
    %dma_wait3A_548 = arith.constant 0 : i32
    %dma_wait3A_549 = tpu.memref_slice %arg5[%dma_wait3A_547, %dma_wait3A_548] : memref<200x128xi32, #tpu.memory_space<vmem>> -> memref<8x128xi32, #tpu.memory_space<vmem>>
    %dma_wait3A_550 = arith.constant 0 : i32
    %dma_wait3A_551 = arith.constant 0 : i32
    %dma_wait3A_552 = tpu.memref_slice %arg2[%dma_wait3A_539, %add3A, %dma_wait3A_550, %dma_wait3A_551] : memref<25x32x8x128xi32, #tpu.memory_space<hbm>> -> memref<1x1x8x128xi32, #tpu.memory_space<hbm>>
    %dma_wait3A_553 = tpu.memref_squeeze %dma_wait3A_552 : memref<1x1x8x128xi32, #tpu.memory_space<hbm>> -> memref<8x128xi32, #tpu.memory_space<hbm>>
    tpu.wait_dma2 semaphore(%arg8 : memref<!tpu.dma_semaphore, #tpu.memory_space<semaphore_mem>>) src(%dma_wait3A_553 : memref<8x128xi32, #tpu.memory_space<hbm>>) dst(%dma_wait3A_549 : memref<8x128xi32, #tpu.memory_space<vmem>>)
    %dma_wait3A_554 = arith.constant 12 : i32
    %dma_wait3A_555 = arith.constant 96 : i32
    %dma_wait3A_556 = arith.constant 0 : i32
    %dma_wait3A_557 = tpu.memref_slice %arg5[%dma_wait3A_555, %dma_wait3A_556] : memref<200x128xi32, #tpu.memory_space<vmem>> -> memref<8x128xi32, #tpu.memory_space<vmem>>
    %dma_wait3A_558 = arith.constant 0 : i32
    %dma_wait3A_559 = arith.constant 0 : i32
    %dma_wait3A_560 = tpu.memref_slice %arg2[%dma_wait3A_554, %add3A, %dma_wait3A_558, %dma_wait3A_559] : memref<25x32x8x128xi32, #tpu.memory_space<hbm>> -> memref<1x1x8x128xi32, #tpu.memory_space<hbm>>
    %dma_wait3A_561 = tpu.memref_squeeze %dma_wait3A_560 : memref<1x1x8x128xi32, #tpu.memory_space<hbm>> -> memref<8x128xi32, #tpu.memory_space<hbm>>
    %dma_wait3A_562 = arith.constant 96 : i32
    %dma_wait3A_563 = arith.constant 0 : i32
    %dma_wait3A_564 = tpu.memref_slice %arg5[%dma_wait3A_562, %dma_wait3A_563] : memref<200x128xi32, #tpu.memory_space<vmem>> -> memref<8x128xi32, #tpu.memory_space<vmem>>
    %dma_wait3A_565 = arith.constant 0 : i32
    %dma_wait3A_566 = arith.constant 0 : i32
    %dma_wait3A_567 = tpu.memref_slice %arg2[%dma_wait3A_554, %add3A, %dma_wait3A_565, %dma_wait3A_566] : memref<25x32x8x128xi32, #tpu.memory_space<hbm>> -> memref<1x1x8x128xi32, #tpu.memory_space<hbm>>
    %dma_wait3A_568 = tpu.memref_squeeze %dma_wait3A_567 : memref<1x1x8x128xi32, #tpu.memory_space<hbm>> -> memref<8x128xi32, #tpu.memory_space<hbm>>
    tpu.wait_dma2 semaphore(%arg8 : memref<!tpu.dma_semaphore, #tpu.memory_space<semaphore_mem>>) src(%dma_wait3A_568 : memref<8x128xi32, #tpu.memory_space<hbm>>) dst(%dma_wait3A_564 : memref<8x128xi32, #tpu.memory_space<vmem>>)
    %dma_wait3A_569 = arith.constant 13 : i32
    %dma_wait3A_570 = arith.constant 104 : i32
    %dma_wait3A_571 = arith.constant 0 : i32
    %dma_wait3A_572 = tpu.memref_slice %arg5[%dma_wait3A_570, %dma_wait3A_571] : memref<200x128xi32, #tpu.memory_space<vmem>> -> memref<8x128xi32, #tpu.memory_space<vmem>>
    %dma_wait3A_573 = arith.constant 0 : i32
    %dma_wait3A_574 = arith.constant 0 : i32
    %dma_wait3A_575 = tpu.memref_slice %arg2[%dma_wait3A_569, %add3A, %dma_wait3A_573, %dma_wait3A_574] : memref<25x32x8x128xi32, #tpu.memory_space<hbm>> -> memref<1x1x8x128xi32, #tpu.memory_space<hbm>>
    %dma_wait3A_576 = tpu.memref_squeeze %dma_wait3A_575 : memref<1x1x8x128xi32, #tpu.memory_space<hbm>> -> memref<8x128xi32, #tpu.memory_space<hbm>>
    %dma_wait3A_577 = arith.constant 104 : i32
    %dma_wait3A_578 = arith.constant 0 : i32
    %dma_wait3A_579 = tpu.memref_slice %arg5[%dma_wait3A_577, %dma_wait3A_578] : memref<200x128xi32, #tpu.memory_space<vmem>> -> memref<8x128xi32, #tpu.memory_space<vmem>>
    %dma_wait3A_580 = arith.constant 0 : i32
    %dma_wait3A_581 = arith.constant 0 : i32
    %dma_wait3A_582 = tpu.memref_slice %arg2[%dma_wait3A_569, %add3A, %dma_wait3A_580, %dma_wait3A_581] : memref<25x32x8x128xi32, #tpu.memory_space<hbm>> -> memref<1x1x8x128xi32, #tpu.memory_space<hbm>>
    %dma_wait3A_583 = tpu.memref_squeeze %dma_wait3A_582 : memref<1x1x8x128xi32, #tpu.memory_space<hbm>> -> memref<8x128xi32, #tpu.memory_space<hbm>>
    tpu.wait_dma2 semaphore(%arg8 : memref<!tpu.dma_semaphore, #tpu.memory_space<semaphore_mem>>) src(%dma_wait3A_583 : memref<8x128xi32, #tpu.memory_space<hbm>>) dst(%dma_wait3A_579 : memref<8x128xi32, #tpu.memory_space<vmem>>)
    %dma_wait3A_584 = arith.constant 14 : i32
    %dma_wait3A_585 = arith.constant 112 : i32
    %dma_wait3A_586 = arith.constant 0 : i32
    %dma_wait3A_587 = tpu.memref_slice %arg5[%dma_wait3A_585, %dma_wait3A_586] : memref<200x128xi32, #tpu.memory_space<vmem>> -> memref<8x128xi32, #tpu.memory_space<vmem>>
    %dma_wait3A_588 = arith.constant 0 : i32
    %dma_wait3A_589 = arith.constant 0 : i32
    %dma_wait3A_590 = tpu.memref_slice %arg2[%dma_wait3A_584, %add3A, %dma_wait3A_588, %dma_wait3A_589] : memref<25x32x8x128xi32, #tpu.memory_space<hbm>> -> memref<1x1x8x128xi32, #tpu.memory_space<hbm>>
    %dma_wait3A_591 = tpu.memref_squeeze %dma_wait3A_590 : memref<1x1x8x128xi32, #tpu.memory_space<hbm>> -> memref<8x128xi32, #tpu.memory_space<hbm>>
    %dma_wait3A_592 = arith.constant 112 : i32
    %dma_wait3A_593 = arith.constant 0 : i32
    %dma_wait3A_594 = tpu.memref_slice %arg5[%dma_wait3A_592, %dma_wait3A_593] : memref<200x128xi32, #tpu.memory_space<vmem>> -> memref<8x128xi32, #tpu.memory_space<vmem>>
    %dma_wait3A_595 = arith.constant 0 : i32
    %dma_wait3A_596 = arith.constant 0 : i32
    %dma_wait3A_597 = tpu.memref_slice %arg2[%dma_wait3A_584, %add3A, %dma_wait3A_595, %dma_wait3A_596] : memref<25x32x8x128xi32, #tpu.memory_space<hbm>> -> memref<1x1x8x128xi32, #tpu.memory_space<hbm>>
    %dma_wait3A_598 = tpu.memref_squeeze %dma_wait3A_597 : memref<1x1x8x128xi32, #tpu.memory_space<hbm>> -> memref<8x128xi32, #tpu.memory_space<hbm>>
    tpu.wait_dma2 semaphore(%arg8 : memref<!tpu.dma_semaphore, #tpu.memory_space<semaphore_mem>>) src(%dma_wait3A_598 : memref<8x128xi32, #tpu.memory_space<hbm>>) dst(%dma_wait3A_594 : memref<8x128xi32, #tpu.memory_space<vmem>>)
    %dma_wait3A_599 = arith.constant 15 : i32
    %dma_wait3A_600 = arith.constant 120 : i32
    %dma_wait3A_601 = arith.constant 0 : i32
    %dma_wait3A_602 = tpu.memref_slice %arg5[%dma_wait3A_600, %dma_wait3A_601] : memref<200x128xi32, #tpu.memory_space<vmem>> -> memref<8x128xi32, #tpu.memory_space<vmem>>
    %dma_wait3A_603 = arith.constant 0 : i32
    %dma_wait3A_604 = arith.constant 0 : i32
    %dma_wait3A_605 = tpu.memref_slice %arg2[%dma_wait3A_599, %add3A, %dma_wait3A_603, %dma_wait3A_604] : memref<25x32x8x128xi32, #tpu.memory_space<hbm>> -> memref<1x1x8x128xi32, #tpu.memory_space<hbm>>
    %dma_wait3A_606 = tpu.memref_squeeze %dma_wait3A_605 : memref<1x1x8x128xi32, #tpu.memory_space<hbm>> -> memref<8x128xi32, #tpu.memory_space<hbm>>
    %dma_wait3A_607 = arith.constant 120 : i32
    %dma_wait3A_608 = arith.constant 0 : i32
    %dma_wait3A_609 = tpu.memref_slice %arg5[%dma_wait3A_607, %dma_wait3A_608] : memref<200x128xi32, #tpu.memory_space<vmem>> -> memref<8x128xi32, #tpu.memory_space<vmem>>
    %dma_wait3A_610 = arith.constant 0 : i32
    %dma_wait3A_611 = arith.constant 0 : i32
    %dma_wait3A_612 = tpu.memref_slice %arg2[%dma_wait3A_599, %add3A, %dma_wait3A_610, %dma_wait3A_611] : memref<25x32x8x128xi32, #tpu.memory_space<hbm>> -> memref<1x1x8x128xi32, #tpu.memory_space<hbm>>
    %dma_wait3A_613 = tpu.memref_squeeze %dma_wait3A_612 : memref<1x1x8x128xi32, #tpu.memory_space<hbm>> -> memref<8x128xi32, #tpu.memory_space<hbm>>
    tpu.wait_dma2 semaphore(%arg8 : memref<!tpu.dma_semaphore, #tpu.memory_space<semaphore_mem>>) src(%dma_wait3A_613 : memref<8x128xi32, #tpu.memory_space<hbm>>) dst(%dma_wait3A_609 : memref<8x128xi32, #tpu.memory_space<vmem>>)
    %dma_wait3A_614 = arith.constant 16 : i32
    %dma_wait3A_615 = arith.constant 128 : i32
    %dma_wait3A_616 = arith.constant 0 : i32
    %dma_wait3A_617 = tpu.memref_slice %arg5[%dma_wait3A_615, %dma_wait3A_616] : memref<200x128xi32, #tpu.memory_space<vmem>> -> memref<8x128xi32, #tpu.memory_space<vmem>>
    %dma_wait3A_618 = arith.constant 0 : i32
    %dma_wait3A_619 = arith.constant 0 : i32
    %dma_wait3A_620 = tpu.memref_slice %arg2[%dma_wait3A_614, %add3A, %dma_wait3A_618, %dma_wait3A_619] : memref<25x32x8x128xi32, #tpu.memory_space<hbm>> -> memref<1x1x8x128xi32, #tpu.memory_space<hbm>>
    %dma_wait3A_621 = tpu.memref_squeeze %dma_wait3A_620 : memref<1x1x8x128xi32, #tpu.memory_space<hbm>> -> memref<8x128xi32, #tpu.memory_space<hbm>>
    %dma_wait3A_622 = arith.constant 128 : i32
    %dma_wait3A_623 = arith.constant 0 : i32
    %dma_wait3A_624 = tpu.memref_slice %arg5[%dma_wait3A_622, %dma_wait3A_623] : memref<200x128xi32, #tpu.memory_space<vmem>> -> memref<8x128xi32, #tpu.memory_space<vmem>>
    %dma_wait3A_625 = arith.constant 0 : i32
    %dma_wait3A_626 = arith.constant 0 : i32
    %dma_wait3A_627 = tpu.memref_slice %arg2[%dma_wait3A_614, %add3A, %dma_wait3A_625, %dma_wait3A_626] : memref<25x32x8x128xi32, #tpu.memory_space<hbm>> -> memref<1x1x8x128xi32, #tpu.memory_space<hbm>>
    %dma_wait3A_628 = tpu.memref_squeeze %dma_wait3A_627 : memref<1x1x8x128xi32, #tpu.memory_space<hbm>> -> memref<8x128xi32, #tpu.memory_space<hbm>>
    tpu.wait_dma2 semaphore(%arg8 : memref<!tpu.dma_semaphore, #tpu.memory_space<semaphore_mem>>) src(%dma_wait3A_628 : memref<8x128xi32, #tpu.memory_space<hbm>>) dst(%dma_wait3A_624 : memref<8x128xi32, #tpu.memory_space<vmem>>)
    %dma_wait3A_629 = arith.constant 17 : i32
    %dma_wait3A_630 = arith.constant 136 : i32
    %dma_wait3A_631 = arith.constant 0 : i32
    %dma_wait3A_632 = tpu.memref_slice %arg5[%dma_wait3A_630, %dma_wait3A_631] : memref<200x128xi32, #tpu.memory_space<vmem>> -> memref<8x128xi32, #tpu.memory_space<vmem>>
    %dma_wait3A_633 = arith.constant 0 : i32
    %dma_wait3A_634 = arith.constant 0 : i32
    %dma_wait3A_635 = tpu.memref_slice %arg2[%dma_wait3A_629, %add3A, %dma_wait3A_633, %dma_wait3A_634] : memref<25x32x8x128xi32, #tpu.memory_space<hbm>> -> memref<1x1x8x128xi32, #tpu.memory_space<hbm>>
    %dma_wait3A_636 = tpu.memref_squeeze %dma_wait3A_635 : memref<1x1x8x128xi32, #tpu.memory_space<hbm>> -> memref<8x128xi32, #tpu.memory_space<hbm>>
    %dma_wait3A_637 = arith.constant 136 : i32
    %dma_wait3A_638 = arith.constant 0 : i32
    %dma_wait3A_639 = tpu.memref_slice %arg5[%dma_wait3A_637, %dma_wait3A_638] : memref<200x128xi32, #tpu.memory_space<vmem>> -> memref<8x128xi32, #tpu.memory_space<vmem>>
    %dma_wait3A_640 = arith.constant 0 : i32
    %dma_wait3A_641 = arith.constant 0 : i32
    %dma_wait3A_642 = tpu.memref_slice %arg2[%dma_wait3A_629, %add3A, %dma_wait3A_640, %dma_wait3A_641] : memref<25x32x8x128xi32, #tpu.memory_space<hbm>> -> memref<1x1x8x128xi32, #tpu.memory_space<hbm>>
    %dma_wait3A_643 = tpu.memref_squeeze %dma_wait3A_642 : memref<1x1x8x128xi32, #tpu.memory_space<hbm>> -> memref<8x128xi32, #tpu.memory_space<hbm>>
    tpu.wait_dma2 semaphore(%arg8 : memref<!tpu.dma_semaphore, #tpu.memory_space<semaphore_mem>>) src(%dma_wait3A_643 : memref<8x128xi32, #tpu.memory_space<hbm>>) dst(%dma_wait3A_639 : memref<8x128xi32, #tpu.memory_space<vmem>>)
    %dma_wait3A_644 = arith.constant 18 : i32
    %dma_wait3A_645 = arith.constant 144 : i32
    %dma_wait3A_646 = arith.constant 0 : i32
    %dma_wait3A_647 = tpu.memref_slice %arg5[%dma_wait3A_645, %dma_wait3A_646] : memref<200x128xi32, #tpu.memory_space<vmem>> -> memref<8x128xi32, #tpu.memory_space<vmem>>
    %dma_wait3A_648 = arith.constant 0 : i32
    %dma_wait3A_649 = arith.constant 0 : i32
    %dma_wait3A_650 = tpu.memref_slice %arg2[%dma_wait3A_644, %add3A, %dma_wait3A_648, %dma_wait3A_649] : memref<25x32x8x128xi32, #tpu.memory_space<hbm>> -> memref<1x1x8x128xi32, #tpu.memory_space<hbm>>
    %dma_wait3A_651 = tpu.memref_squeeze %dma_wait3A_650 : memref<1x1x8x128xi32, #tpu.memory_space<hbm>> -> memref<8x128xi32, #tpu.memory_space<hbm>>
    %dma_wait3A_652 = arith.constant 144 : i32
    %dma_wait3A_653 = arith.constant 0 : i32
    %dma_wait3A_654 = tpu.memref_slice %arg5[%dma_wait3A_652, %dma_wait3A_653] : memref<200x128xi32, #tpu.memory_space<vmem>> -> memref<8x128xi32, #tpu.memory_space<vmem>>
    %dma_wait3A_655 = arith.constant 0 : i32
    %dma_wait3A_656 = arith.constant 0 : i32
    %dma_wait3A_657 = tpu.memref_slice %arg2[%dma_wait3A_644, %add3A, %dma_wait3A_655, %dma_wait3A_656] : memref<25x32x8x128xi32, #tpu.memory_space<hbm>> -> memref<1x1x8x128xi32, #tpu.memory_space<hbm>>
    %dma_wait3A_658 = tpu.memref_squeeze %dma_wait3A_657 : memref<1x1x8x128xi32, #tpu.memory_space<hbm>> -> memref<8x128xi32, #tpu.memory_space<hbm>>
    tpu.wait_dma2 semaphore(%arg8 : memref<!tpu.dma_semaphore, #tpu.memory_space<semaphore_mem>>) src(%dma_wait3A_658 : memref<8x128xi32, #tpu.memory_space<hbm>>) dst(%dma_wait3A_654 : memref<8x128xi32, #tpu.memory_space<vmem>>)
    %dma_wait3A_659 = arith.constant 19 : i32
    %dma_wait3A_660 = arith.constant 152 : i32
    %dma_wait3A_661 = arith.constant 0 : i32
    %dma_wait3A_662 = tpu.memref_slice %arg5[%dma_wait3A_660, %dma_wait3A_661] : memref<200x128xi32, #tpu.memory_space<vmem>> -> memref<8x128xi32, #tpu.memory_space<vmem>>
    %dma_wait3A_663 = arith.constant 0 : i32
    %dma_wait3A_664 = arith.constant 0 : i32
    %dma_wait3A_665 = tpu.memref_slice %arg2[%dma_wait3A_659, %add3A, %dma_wait3A_663, %dma_wait3A_664] : memref<25x32x8x128xi32, #tpu.memory_space<hbm>> -> memref<1x1x8x128xi32, #tpu.memory_space<hbm>>
    %dma_wait3A_666 = tpu.memref_squeeze %dma_wait3A_665 : memref<1x1x8x128xi32, #tpu.memory_space<hbm>> -> memref<8x128xi32, #tpu.memory_space<hbm>>
    %dma_wait3A_667 = arith.constant 152 : i32
    %dma_wait3A_668 = arith.constant 0 : i32
    %dma_wait3A_669 = tpu.memref_slice %arg5[%dma_wait3A_667, %dma_wait3A_668] : memref<200x128xi32, #tpu.memory_space<vmem>> -> memref<8x128xi32, #tpu.memory_space<vmem>>
    %dma_wait3A_670 = arith.constant 0 : i32
    %dma_wait3A_671 = arith.constant 0 : i32
    %dma_wait3A_672 = tpu.memref_slice %arg2[%dma_wait3A_659, %add3A, %dma_wait3A_670, %dma_wait3A_671] : memref<25x32x8x128xi32, #tpu.memory_space<hbm>> -> memref<1x1x8x128xi32, #tpu.memory_space<hbm>>
    %dma_wait3A_673 = tpu.memref_squeeze %dma_wait3A_672 : memref<1x1x8x128xi32, #tpu.memory_space<hbm>> -> memref<8x128xi32, #tpu.memory_space<hbm>>
    tpu.wait_dma2 semaphore(%arg8 : memref<!tpu.dma_semaphore, #tpu.memory_space<semaphore_mem>>) src(%dma_wait3A_673 : memref<8x128xi32, #tpu.memory_space<hbm>>) dst(%dma_wait3A_669 : memref<8x128xi32, #tpu.memory_space<vmem>>)
    %dma_wait3A_674 = arith.constant 20 : i32
    %dma_wait3A_675 = arith.constant 160 : i32
    %dma_wait3A_676 = arith.constant 0 : i32
    %dma_wait3A_677 = tpu.memref_slice %arg5[%dma_wait3A_675, %dma_wait3A_676] : memref<200x128xi32, #tpu.memory_space<vmem>> -> memref<8x128xi32, #tpu.memory_space<vmem>>
    %dma_wait3A_678 = arith.constant 0 : i32
    %dma_wait3A_679 = arith.constant 0 : i32
    %dma_wait3A_680 = tpu.memref_slice %arg2[%dma_wait3A_674, %add3A, %dma_wait3A_678, %dma_wait3A_679] : memref<25x32x8x128xi32, #tpu.memory_space<hbm>> -> memref<1x1x8x128xi32, #tpu.memory_space<hbm>>
    %dma_wait3A_681 = tpu.memref_squeeze %dma_wait3A_680 : memref<1x1x8x128xi32, #tpu.memory_space<hbm>> -> memref<8x128xi32, #tpu.memory_space<hbm>>
    %dma_wait3A_682 = arith.constant 160 : i32
    %dma_wait3A_683 = arith.constant 0 : i32
    %dma_wait3A_684 = tpu.memref_slice %arg5[%dma_wait3A_682, %dma_wait3A_683] : memref<200x128xi32, #tpu.memory_space<vmem>> -> memref<8x128xi32, #tpu.memory_space<vmem>>
    %dma_wait3A_685 = arith.constant 0 : i32
    %dma_wait3A_686 = arith.constant 0 : i32
    %dma_wait3A_687 = tpu.memref_slice %arg2[%dma_wait3A_674, %add3A, %dma_wait3A_685, %dma_wait3A_686] : memref<25x32x8x128xi32, #tpu.memory_space<hbm>> -> memref<1x1x8x128xi32, #tpu.memory_space<hbm>>
    %dma_wait3A_688 = tpu.memref_squeeze %dma_wait3A_687 : memref<1x1x8x128xi32, #tpu.memory_space<hbm>> -> memref<8x128xi32, #tpu.memory_space<hbm>>
    tpu.wait_dma2 semaphore(%arg8 : memref<!tpu.dma_semaphore, #tpu.memory_space<semaphore_mem>>) src(%dma_wait3A_688 : memref<8x128xi32, #tpu.memory_space<hbm>>) dst(%dma_wait3A_684 : memref<8x128xi32, #tpu.memory_space<vmem>>)
    %dma_wait3A_689 = arith.constant 21 : i32
    %dma_wait3A_690 = arith.constant 168 : i32
    %dma_wait3A_691 = arith.constant 0 : i32
    %dma_wait3A_692 = tpu.memref_slice %arg5[%dma_wait3A_690, %dma_wait3A_691] : memref<200x128xi32, #tpu.memory_space<vmem>> -> memref<8x128xi32, #tpu.memory_space<vmem>>
    %dma_wait3A_693 = arith.constant 0 : i32
    %dma_wait3A_694 = arith.constant 0 : i32
    %dma_wait3A_695 = tpu.memref_slice %arg2[%dma_wait3A_689, %add3A, %dma_wait3A_693, %dma_wait3A_694] : memref<25x32x8x128xi32, #tpu.memory_space<hbm>> -> memref<1x1x8x128xi32, #tpu.memory_space<hbm>>
    %dma_wait3A_696 = tpu.memref_squeeze %dma_wait3A_695 : memref<1x1x8x128xi32, #tpu.memory_space<hbm>> -> memref<8x128xi32, #tpu.memory_space<hbm>>
    %dma_wait3A_697 = arith.constant 168 : i32
    %dma_wait3A_698 = arith.constant 0 : i32
    %dma_wait3A_699 = tpu.memref_slice %arg5[%dma_wait3A_697, %dma_wait3A_698] : memref<200x128xi32, #tpu.memory_space<vmem>> -> memref<8x128xi32, #tpu.memory_space<vmem>>
    %dma_wait3A_700 = arith.constant 0 : i32
    %dma_wait3A_701 = arith.constant 0 : i32
    %dma_wait3A_702 = tpu.memref_slice %arg2[%dma_wait3A_689, %add3A, %dma_wait3A_700, %dma_wait3A_701] : memref<25x32x8x128xi32, #tpu.memory_space<hbm>> -> memref<1x1x8x128xi32, #tpu.memory_space<hbm>>
    %dma_wait3A_703 = tpu.memref_squeeze %dma_wait3A_702 : memref<1x1x8x128xi32, #tpu.memory_space<hbm>> -> memref<8x128xi32, #tpu.memory_space<hbm>>
    tpu.wait_dma2 semaphore(%arg8 : memref<!tpu.dma_semaphore, #tpu.memory_space<semaphore_mem>>) src(%dma_wait3A_703 : memref<8x128xi32, #tpu.memory_space<hbm>>) dst(%dma_wait3A_699 : memref<8x128xi32, #tpu.memory_space<vmem>>)
    %dma_wait3A_704 = arith.constant 22 : i32
    %dma_wait3A_705 = arith.constant 176 : i32
    %dma_wait3A_706 = arith.constant 0 : i32
    %dma_wait3A_707 = tpu.memref_slice %arg5[%dma_wait3A_705, %dma_wait3A_706] : memref<200x128xi32, #tpu.memory_space<vmem>> -> memref<8x128xi32, #tpu.memory_space<vmem>>
    %dma_wait3A_708 = arith.constant 0 : i32
    %dma_wait3A_709 = arith.constant 0 : i32
    %dma_wait3A_710 = tpu.memref_slice %arg2[%dma_wait3A_704, %add3A, %dma_wait3A_708, %dma_wait3A_709] : memref<25x32x8x128xi32, #tpu.memory_space<hbm>> -> memref<1x1x8x128xi32, #tpu.memory_space<hbm>>
    %dma_wait3A_711 = tpu.memref_squeeze %dma_wait3A_710 : memref<1x1x8x128xi32, #tpu.memory_space<hbm>> -> memref<8x128xi32, #tpu.memory_space<hbm>>
    %dma_wait3A_712 = arith.constant 176 : i32
    %dma_wait3A_713 = arith.constant 0 : i32
    %dma_wait3A_714 = tpu.memref_slice %arg5[%dma_wait3A_712, %dma_wait3A_713] : memref<200x128xi32, #tpu.memory_space<vmem>> -> memref<8x128xi32, #tpu.memory_space<vmem>>
    %dma_wait3A_715 = arith.constant 0 : i32
    %dma_wait3A_716 = arith.constant 0 : i32
    %dma_wait3A_717 = tpu.memref_slice %arg2[%dma_wait3A_704, %add3A, %dma_wait3A_715, %dma_wait3A_716] : memref<25x32x8x128xi32, #tpu.memory_space<hbm>> -> memref<1x1x8x128xi32, #tpu.memory_space<hbm>>
    %dma_wait3A_718 = tpu.memref_squeeze %dma_wait3A_717 : memref<1x1x8x128xi32, #tpu.memory_space<hbm>> -> memref<8x128xi32, #tpu.memory_space<hbm>>
    tpu.wait_dma2 semaphore(%arg8 : memref<!tpu.dma_semaphore, #tpu.memory_space<semaphore_mem>>) src(%dma_wait3A_718 : memref<8x128xi32, #tpu.memory_space<hbm>>) dst(%dma_wait3A_714 : memref<8x128xi32, #tpu.memory_space<vmem>>)
    %dma_wait3A_719 = arith.constant 23 : i32
    %dma_wait3A_720 = arith.constant 184 : i32
    %dma_wait3A_721 = arith.constant 0 : i32
    %dma_wait3A_722 = tpu.memref_slice %arg5[%dma_wait3A_720, %dma_wait3A_721] : memref<200x128xi32, #tpu.memory_space<vmem>> -> memref<8x128xi32, #tpu.memory_space<vmem>>
    %dma_wait3A_723 = arith.constant 0 : i32
    %dma_wait3A_724 = arith.constant 0 : i32
    %dma_wait3A_725 = tpu.memref_slice %arg2[%dma_wait3A_719, %add3A, %dma_wait3A_723, %dma_wait3A_724] : memref<25x32x8x128xi32, #tpu.memory_space<hbm>> -> memref<1x1x8x128xi32, #tpu.memory_space<hbm>>
    %dma_wait3A_726 = tpu.memref_squeeze %dma_wait3A_725 : memref<1x1x8x128xi32, #tpu.memory_space<hbm>> -> memref<8x128xi32, #tpu.memory_space<hbm>>
    %dma_wait3A_727 = arith.constant 184 : i32
    %dma_wait3A_728 = arith.constant 0 : i32
    %dma_wait3A_729 = tpu.memref_slice %arg5[%dma_wait3A_727, %dma_wait3A_728] : memref<200x128xi32, #tpu.memory_space<vmem>> -> memref<8x128xi32, #tpu.memory_space<vmem>>
    %dma_wait3A_730 = arith.constant 0 : i32
    %dma_wait3A_731 = arith.constant 0 : i32
    %dma_wait3A_732 = tpu.memref_slice %arg2[%dma_wait3A_719, %add3A, %dma_wait3A_730, %dma_wait3A_731] : memref<25x32x8x128xi32, #tpu.memory_space<hbm>> -> memref<1x1x8x128xi32, #tpu.memory_space<hbm>>
    %dma_wait3A_733 = tpu.memref_squeeze %dma_wait3A_732 : memref<1x1x8x128xi32, #tpu.memory_space<hbm>> -> memref<8x128xi32, #tpu.memory_space<hbm>>
    tpu.wait_dma2 semaphore(%arg8 : memref<!tpu.dma_semaphore, #tpu.memory_space<semaphore_mem>>) src(%dma_wait3A_733 : memref<8x128xi32, #tpu.memory_space<hbm>>) dst(%dma_wait3A_729 : memref<8x128xi32, #tpu.memory_space<vmem>>)
    %dma_wait3A_734 = arith.constant 24 : i32
    %dma_wait3A_735 = arith.constant 192 : i32
    %dma_wait3A_736 = arith.constant 0 : i32
    %dma_wait3A_737 = tpu.memref_slice %arg5[%dma_wait3A_735, %dma_wait3A_736] : memref<200x128xi32, #tpu.memory_space<vmem>> -> memref<8x128xi32, #tpu.memory_space<vmem>>
    %dma_wait3A_738 = arith.constant 0 : i32
    %dma_wait3A_739 = arith.constant 0 : i32
    %dma_wait3A_740 = tpu.memref_slice %arg2[%dma_wait3A_734, %add3A, %dma_wait3A_738, %dma_wait3A_739] : memref<25x32x8x128xi32, #tpu.memory_space<hbm>> -> memref<1x1x8x128xi32, #tpu.memory_space<hbm>>
    %dma_wait3A_741 = tpu.memref_squeeze %dma_wait3A_740 : memref<1x1x8x128xi32, #tpu.memory_space<hbm>> -> memref<8x128xi32, #tpu.memory_space<hbm>>
    %dma_wait3A_742 = arith.constant 192 : i32
    %dma_wait3A_743 = arith.constant 0 : i32
    %dma_wait3A_744 = tpu.memref_slice %arg5[%dma_wait3A_742, %dma_wait3A_743] : memref<200x128xi32, #tpu.memory_space<vmem>> -> memref<8x128xi32, #tpu.memory_space<vmem>>
    %dma_wait3A_745 = arith.constant 0 : i32
    %dma_wait3A_746 = arith.constant 0 : i32
    %dma_wait3A_747 = tpu.memref_slice %arg2[%dma_wait3A_734, %add3A, %dma_wait3A_745, %dma_wait3A_746] : memref<25x32x8x128xi32, #tpu.memory_space<hbm>> -> memref<1x1x8x128xi32, #tpu.memory_space<hbm>>
    %dma_wait3A_748 = tpu.memref_squeeze %dma_wait3A_747 : memref<1x1x8x128xi32, #tpu.memory_space<hbm>> -> memref<8x128xi32, #tpu.memory_space<hbm>>
    tpu.wait_dma2 semaphore(%arg8 : memref<!tpu.dma_semaphore, #tpu.memory_space<semaphore_mem>>) src(%dma_wait3A_748 : memref<8x128xi32, #tpu.memory_space<hbm>>) dst(%dma_wait3A_744 : memref<8x128xi32, #tpu.memory_space<vmem>>)
    %dma_start3A_749 = arith.constant 0 : i32
    %dma_start3A_750 = arith.constant 0 : i32
    %dma_start3A_751 = arith.constant 0 : i32
    %dma_start3A_752 = arith.constant 0 : i32
    %dma_start3A_753 = arith.constant 0 : i32
    %dma_start3A_754 = tpu.memref_slice %arg6[%dma_start3A_750, %dma_start3A_752, %dma_start3A_753] : memref<8x128x64xf32, #tpu.memory_space<vmem>> -> memref<1x128x64xf32, #tpu.memory_space<vmem>>
    %dma_start3A_755 = tpu.memref_squeeze %dma_start3A_754 : memref<1x128x64xf32, #tpu.memory_space<vmem>> -> memref<128x64xf32, #tpu.memory_space<vmem>>
    %dma_start3A_756 = arith.constant 0 : i32
    %dma_start3A_757 = tpu.memref_slice %arg5[%dma_start3A_749, %dma_start3A_756] : memref<200x128xi32, #tpu.memory_space<vmem>> -> memref<1x128xi32, #tpu.memory_space<vmem>>
    %dma_start3A_758 = tpu.memref_squeeze %dma_start3A_757 : memref<1x128xi32, #tpu.memory_space<vmem>> -> memref<128xi32, #tpu.memory_space<vmem>>
    %dma_start3A_759 = arith.constant 0 : i32
    %dma_start3A_760 = arith.constant 0 : i32
    %dma_start3A_761 = tpu.memref_slice %arg3[%dma_start3A_759, %dma_start3A_760] : memref<1000000x64xf32, #tpu.memory_space<hbm>> -> memref<1000000x64xf32, #tpu.memory_space<hbm>>
    %dma_start3A_762 = tpu.memref_slice %arg9[%dma_start3A_751] : memref<8x!tpu.dma_semaphore, #tpu.memory_space<semaphore_mem>> -> memref<1x!tpu.dma_semaphore, #tpu.memory_space<semaphore_mem>>
    %dma_start3A_763 = tpu.memref_squeeze %dma_start3A_762 : memref<1x!tpu.dma_semaphore, #tpu.memory_space<semaphore_mem>> -> memref<!tpu.dma_semaphore, #tpu.memory_space<semaphore_mem>>
    tpu.enqueue_indirect_dma source(%dma_start3A_761 : memref<1000000x64xf32, #tpu.memory_space<hbm>>) target(%dma_start3A_755 : memref<128x64xf32, #tpu.memory_space<vmem>>) offsets(%dma_start3A_758 : memref<128xi32, #tpu.memory_space<vmem>>) semaphore(%dma_start3A_763 : memref<!tpu.dma_semaphore, #tpu.memory_space<semaphore_mem>>)
    %dma_start3A_764 = arith.constant 1 : i32
    %dma_start3A_765 = arith.constant 1 : i32
    %dma_start3A_766 = arith.constant 1 : i32
    %dma_start3A_767 = arith.constant 0 : i32
    %dma_start3A_768 = arith.constant 0 : i32
    %dma_start3A_769 = tpu.memref_slice %arg6[%dma_start3A_765, %dma_start3A_767, %dma_start3A_768] : memref<8x128x64xf32, #tpu.memory_space<vmem>> -> memref<1x128x64xf32, #tpu.memory_space<vmem>>
    %dma_start3A_770 = tpu.memref_squeeze %dma_start3A_769 : memref<1x128x64xf32, #tpu.memory_space<vmem>> -> memref<128x64xf32, #tpu.memory_space<vmem>>
    %dma_start3A_771 = arith.constant 0 : i32
    %dma_start3A_772 = tpu.memref_slice %arg5[%dma_start3A_764, %dma_start3A_771] : memref<200x128xi32, #tpu.memory_space<vmem>> -> memref<1x128xi32, #tpu.memory_space<vmem>>
    %dma_start3A_773 = tpu.memref_squeeze %dma_start3A_772 : memref<1x128xi32, #tpu.memory_space<vmem>> -> memref<128xi32, #tpu.memory_space<vmem>>
    %dma_start3A_774 = arith.constant 0 : i32
    %dma_start3A_775 = arith.constant 0 : i32
    %dma_start3A_776 = tpu.memref_slice %arg3[%dma_start3A_774, %dma_start3A_775] : memref<1000000x64xf32, #tpu.memory_space<hbm>> -> memref<1000000x64xf32, #tpu.memory_space<hbm>>
    %dma_start3A_777 = tpu.memref_slice %arg9[%dma_start3A_766] : memref<8x!tpu.dma_semaphore, #tpu.memory_space<semaphore_mem>> -> memref<1x!tpu.dma_semaphore, #tpu.memory_space<semaphore_mem>>
    %dma_start3A_778 = tpu.memref_squeeze %dma_start3A_777 : memref<1x!tpu.dma_semaphore, #tpu.memory_space<semaphore_mem>> -> memref<!tpu.dma_semaphore, #tpu.memory_space<semaphore_mem>>
    tpu.enqueue_indirect_dma source(%dma_start3A_776 : memref<1000000x64xf32, #tpu.memory_space<hbm>>) target(%dma_start3A_770 : memref<128x64xf32, #tpu.memory_space<vmem>>) offsets(%dma_start3A_773 : memref<128xi32, #tpu.memory_space<vmem>>) semaphore(%dma_start3A_778 : memref<!tpu.dma_semaphore, #tpu.memory_space<semaphore_mem>>)
    %dma_start3A_779 = arith.constant 2 : i32
    %dma_start3A_780 = arith.constant 2 : i32
    %dma_start3A_781 = arith.constant 2 : i32
    %dma_start3A_782 = arith.constant 0 : i32
    %dma_start3A_783 = arith.constant 0 : i32
    %dma_start3A_784 = tpu.memref_slice %arg6[%dma_start3A_780, %dma_start3A_782, %dma_start3A_783] : memref<8x128x64xf32, #tpu.memory_space<vmem>> -> memref<1x128x64xf32, #tpu.memory_space<vmem>>
    %dma_start3A_785 = tpu.memref_squeeze %dma_start3A_784 : memref<1x128x64xf32, #tpu.memory_space<vmem>> -> memref<128x64xf32, #tpu.memory_space<vmem>>
    %dma_start3A_786 = arith.constant 0 : i32
    %dma_start3A_787 = tpu.memref_slice %arg5[%dma_start3A_779, %dma_start3A_786] : memref<200x128xi32, #tpu.memory_space<vmem>> -> memref<1x128xi32, #tpu.memory_space<vmem>>
    %dma_start3A_788 = tpu.memref_squeeze %dma_start3A_787 : memref<1x128xi32, #tpu.memory_space<vmem>> -> memref<128xi32, #tpu.memory_space<vmem>>
    %dma_start3A_789 = arith.constant 0 : i32
    %dma_start3A_790 = arith.constant 0 : i32
    %dma_start3A_791 = tpu.memref_slice %arg3[%dma_start3A_789, %dma_start3A_790] : memref<1000000x64xf32, #tpu.memory_space<hbm>> -> memref<1000000x64xf32, #tpu.memory_space<hbm>>
    %dma_start3A_792 = tpu.memref_slice %arg9[%dma_start3A_781] : memref<8x!tpu.dma_semaphore, #tpu.memory_space<semaphore_mem>> -> memref<1x!tpu.dma_semaphore, #tpu.memory_space<semaphore_mem>>
    %dma_start3A_793 = tpu.memref_squeeze %dma_start3A_792 : memref<1x!tpu.dma_semaphore, #tpu.memory_space<semaphore_mem>> -> memref<!tpu.dma_semaphore, #tpu.memory_space<semaphore_mem>>
    tpu.enqueue_indirect_dma source(%dma_start3A_791 : memref<1000000x64xf32, #tpu.memory_space<hbm>>) target(%dma_start3A_785 : memref<128x64xf32, #tpu.memory_space<vmem>>) offsets(%dma_start3A_788 : memref<128xi32, #tpu.memory_space<vmem>>) semaphore(%dma_start3A_793 : memref<!tpu.dma_semaphore, #tpu.memory_space<semaphore_mem>>)
    %dma_start3A_794 = arith.constant 3 : i32
    %dma_start3A_795 = arith.constant 3 : i32
    %dma_start3A_796 = arith.constant 3 : i32
    %dma_start3A_797 = arith.constant 0 : i32
    %dma_start3A_798 = arith.constant 0 : i32
    %dma_start3A_799 = tpu.memref_slice %arg6[%dma_start3A_795, %dma_start3A_797, %dma_start3A_798] : memref<8x128x64xf32, #tpu.memory_space<vmem>> -> memref<1x128x64xf32, #tpu.memory_space<vmem>>
    %dma_start3A_800 = tpu.memref_squeeze %dma_start3A_799 : memref<1x128x64xf32, #tpu.memory_space<vmem>> -> memref<128x64xf32, #tpu.memory_space<vmem>>
    %dma_start3A_801 = arith.constant 0 : i32
    %dma_start3A_802 = tpu.memref_slice %arg5[%dma_start3A_794, %dma_start3A_801] : memref<200x128xi32, #tpu.memory_space<vmem>> -> memref<1x128xi32, #tpu.memory_space<vmem>>
    %dma_start3A_803 = tpu.memref_squeeze %dma_start3A_802 : memref<1x128xi32, #tpu.memory_space<vmem>> -> memref<128xi32, #tpu.memory_space<vmem>>
    %dma_start3A_804 = arith.constant 0 : i32
    %dma_start3A_805 = arith.constant 0 : i32
    %dma_start3A_806 = tpu.memref_slice %arg3[%dma_start3A_804, %dma_start3A_805] : memref<1000000x64xf32, #tpu.memory_space<hbm>> -> memref<1000000x64xf32, #tpu.memory_space<hbm>>
    %dma_start3A_807 = tpu.memref_slice %arg9[%dma_start3A_796] : memref<8x!tpu.dma_semaphore, #tpu.memory_space<semaphore_mem>> -> memref<1x!tpu.dma_semaphore, #tpu.memory_space<semaphore_mem>>
    %dma_start3A_808 = tpu.memref_squeeze %dma_start3A_807 : memref<1x!tpu.dma_semaphore, #tpu.memory_space<semaphore_mem>> -> memref<!tpu.dma_semaphore, #tpu.memory_space<semaphore_mem>>
    tpu.enqueue_indirect_dma source(%dma_start3A_806 : memref<1000000x64xf32, #tpu.memory_space<hbm>>) target(%dma_start3A_800 : memref<128x64xf32, #tpu.memory_space<vmem>>) offsets(%dma_start3A_803 : memref<128xi32, #tpu.memory_space<vmem>>) semaphore(%dma_start3A_808 : memref<!tpu.dma_semaphore, #tpu.memory_space<semaphore_mem>>)
    %dma_start3A_809 = arith.constant 4 : i32
    %dma_start3A_810 = arith.constant 4 : i32
    %dma_start3A_811 = arith.constant 4 : i32
    %dma_start3A_812 = arith.constant 0 : i32
    %dma_start3A_813 = arith.constant 0 : i32
    %dma_start3A_814 = tpu.memref_slice %arg6[%dma_start3A_810, %dma_start3A_812, %dma_start3A_813] : memref<8x128x64xf32, #tpu.memory_space<vmem>> -> memref<1x128x64xf32, #tpu.memory_space<vmem>>
    %dma_start3A_815 = tpu.memref_squeeze %dma_start3A_814 : memref<1x128x64xf32, #tpu.memory_space<vmem>> -> memref<128x64xf32, #tpu.memory_space<vmem>>
    %dma_start3A_816 = arith.constant 0 : i32
    %dma_start3A_817 = tpu.memref_slice %arg5[%dma_start3A_809, %dma_start3A_816] : memref<200x128xi32, #tpu.memory_space<vmem>> -> memref<1x128xi32, #tpu.memory_space<vmem>>
    %dma_start3A_818 = tpu.memref_squeeze %dma_start3A_817 : memref<1x128xi32, #tpu.memory_space<vmem>> -> memref<128xi32, #tpu.memory_space<vmem>>
    %dma_start3A_819 = arith.constant 0 : i32
    %dma_start3A_820 = arith.constant 0 : i32
    %dma_start3A_821 = tpu.memref_slice %arg3[%dma_start3A_819, %dma_start3A_820] : memref<1000000x64xf32, #tpu.memory_space<hbm>> -> memref<1000000x64xf32, #tpu.memory_space<hbm>>
    %dma_start3A_822 = tpu.memref_slice %arg9[%dma_start3A_811] : memref<8x!tpu.dma_semaphore, #tpu.memory_space<semaphore_mem>> -> memref<1x!tpu.dma_semaphore, #tpu.memory_space<semaphore_mem>>
    %dma_start3A_823 = tpu.memref_squeeze %dma_start3A_822 : memref<1x!tpu.dma_semaphore, #tpu.memory_space<semaphore_mem>> -> memref<!tpu.dma_semaphore, #tpu.memory_space<semaphore_mem>>
    tpu.enqueue_indirect_dma source(%dma_start3A_821 : memref<1000000x64xf32, #tpu.memory_space<hbm>>) target(%dma_start3A_815 : memref<128x64xf32, #tpu.memory_space<vmem>>) offsets(%dma_start3A_818 : memref<128xi32, #tpu.memory_space<vmem>>) semaphore(%dma_start3A_823 : memref<!tpu.dma_semaphore, #tpu.memory_space<semaphore_mem>>)
    %dma_start3A_824 = arith.constant 5 : i32
    %dma_start3A_825 = arith.constant 5 : i32
    %dma_start3A_826 = arith.constant 5 : i32
    %dma_start3A_827 = arith.constant 0 : i32
    %dma_start3A_828 = arith.constant 0 : i32
    %dma_start3A_829 = tpu.memref_slice %arg6[%dma_start3A_825, %dma_start3A_827, %dma_start3A_828] : memref<8x128x64xf32, #tpu.memory_space<vmem>> -> memref<1x128x64xf32, #tpu.memory_space<vmem>>
    %dma_start3A_830 = tpu.memref_squeeze %dma_start3A_829 : memref<1x128x64xf32, #tpu.memory_space<vmem>> -> memref<128x64xf32, #tpu.memory_space<vmem>>
    %dma_start3A_831 = arith.constant 0 : i32
    %dma_start3A_832 = tpu.memref_slice %arg5[%dma_start3A_824, %dma_start3A_831] : memref<200x128xi32, #tpu.memory_space<vmem>> -> memref<1x128xi32, #tpu.memory_space<vmem>>
    %dma_start3A_833 = tpu.memref_squeeze %dma_start3A_832 : memref<1x128xi32, #tpu.memory_space<vmem>> -> memref<128xi32, #tpu.memory_space<vmem>>
    %dma_start3A_834 = arith.constant 0 : i32
    %dma_start3A_835 = arith.constant 0 : i32
    %dma_start3A_836 = tpu.memref_slice %arg3[%dma_start3A_834, %dma_start3A_835] : memref<1000000x64xf32, #tpu.memory_space<hbm>> -> memref<1000000x64xf32, #tpu.memory_space<hbm>>
    %dma_start3A_837 = tpu.memref_slice %arg9[%dma_start3A_826] : memref<8x!tpu.dma_semaphore, #tpu.memory_space<semaphore_mem>> -> memref<1x!tpu.dma_semaphore, #tpu.memory_space<semaphore_mem>>
    %dma_start3A_838 = tpu.memref_squeeze %dma_start3A_837 : memref<1x!tpu.dma_semaphore, #tpu.memory_space<semaphore_mem>> -> memref<!tpu.dma_semaphore, #tpu.memory_space<semaphore_mem>>
    tpu.enqueue_indirect_dma source(%dma_start3A_836 : memref<1000000x64xf32, #tpu.memory_space<hbm>>) target(%dma_start3A_830 : memref<128x64xf32, #tpu.memory_space<vmem>>) offsets(%dma_start3A_833 : memref<128xi32, #tpu.memory_space<vmem>>) semaphore(%dma_start3A_838 : memref<!tpu.dma_semaphore, #tpu.memory_space<semaphore_mem>>)
    %dma_start3A_839 = arith.constant 6 : i32
    %dma_start3A_840 = arith.constant 6 : i32
    %dma_start3A_841 = arith.constant 6 : i32
    %dma_start3A_842 = arith.constant 0 : i32
    %dma_start3A_843 = arith.constant 0 : i32
    %dma_start3A_844 = tpu.memref_slice %arg6[%dma_start3A_840, %dma_start3A_842, %dma_start3A_843] : memref<8x128x64xf32, #tpu.memory_space<vmem>> -> memref<1x128x64xf32, #tpu.memory_space<vmem>>
    %dma_start3A_845 = tpu.memref_squeeze %dma_start3A_844 : memref<1x128x64xf32, #tpu.memory_space<vmem>> -> memref<128x64xf32, #tpu.memory_space<vmem>>
    %dma_start3A_846 = arith.constant 0 : i32
    %dma_start3A_847 = tpu.memref_slice %arg5[%dma_start3A_839, %dma_start3A_846] : memref<200x128xi32, #tpu.memory_space<vmem>> -> memref<1x128xi32, #tpu.memory_space<vmem>>
    %dma_start3A_848 = tpu.memref_squeeze %dma_start3A_847 : memref<1x128xi32, #tpu.memory_space<vmem>> -> memref<128xi32, #tpu.memory_space<vmem>>
    %dma_start3A_849 = arith.constant 0 : i32
    %dma_start3A_850 = arith.constant 0 : i32
    %dma_start3A_851 = tpu.memref_slice %arg3[%dma_start3A_849, %dma_start3A_850] : memref<1000000x64xf32, #tpu.memory_space<hbm>> -> memref<1000000x64xf32, #tpu.memory_space<hbm>>
    %dma_start3A_852 = tpu.memref_slice %arg9[%dma_start3A_841] : memref<8x!tpu.dma_semaphore, #tpu.memory_space<semaphore_mem>> -> memref<1x!tpu.dma_semaphore, #tpu.memory_space<semaphore_mem>>
    %dma_start3A_853 = tpu.memref_squeeze %dma_start3A_852 : memref<1x!tpu.dma_semaphore, #tpu.memory_space<semaphore_mem>> -> memref<!tpu.dma_semaphore, #tpu.memory_space<semaphore_mem>>
    tpu.enqueue_indirect_dma source(%dma_start3A_851 : memref<1000000x64xf32, #tpu.memory_space<hbm>>) target(%dma_start3A_845 : memref<128x64xf32, #tpu.memory_space<vmem>>) offsets(%dma_start3A_848 : memref<128xi32, #tpu.memory_space<vmem>>) semaphore(%dma_start3A_853 : memref<!tpu.dma_semaphore, #tpu.memory_space<semaphore_mem>>)
    %dma_start3A_854 = arith.constant 7 : i32
    %dma_start3A_855 = arith.constant 7 : i32
    %dma_start3A_856 = arith.constant 7 : i32
    %dma_start3A_857 = arith.constant 0 : i32
    %dma_start3A_858 = arith.constant 0 : i32
    %dma_start3A_859 = tpu.memref_slice %arg6[%dma_start3A_855, %dma_start3A_857, %dma_start3A_858] : memref<8x128x64xf32, #tpu.memory_space<vmem>> -> memref<1x128x64xf32, #tpu.memory_space<vmem>>
    %dma_start3A_860 = tpu.memref_squeeze %dma_start3A_859 : memref<1x128x64xf32, #tpu.memory_space<vmem>> -> memref<128x64xf32, #tpu.memory_space<vmem>>
    %dma_start3A_861 = arith.constant 0 : i32
    %dma_start3A_862 = tpu.memref_slice %arg5[%dma_start3A_854, %dma_start3A_861] : memref<200x128xi32, #tpu.memory_space<vmem>> -> memref<1x128xi32, #tpu.memory_space<vmem>>
    %dma_start3A_863 = tpu.memref_squeeze %dma_start3A_862 : memref<1x128xi32, #tpu.memory_space<vmem>> -> memref<128xi32, #tpu.memory_space<vmem>>
    %dma_start3A_864 = arith.constant 0 : i32
    %dma_start3A_865 = arith.constant 0 : i32
    %dma_start3A_866 = tpu.memref_slice %arg3[%dma_start3A_864, %dma_start3A_865] : memref<1000000x64xf32, #tpu.memory_space<hbm>> -> memref<1000000x64xf32, #tpu.memory_space<hbm>>
    %dma_start3A_867 = tpu.memref_slice %arg9[%dma_start3A_856] : memref<8x!tpu.dma_semaphore, #tpu.memory_space<semaphore_mem>> -> memref<1x!tpu.dma_semaphore, #tpu.memory_space<semaphore_mem>>
    %dma_start3A_868 = tpu.memref_squeeze %dma_start3A_867 : memref<1x!tpu.dma_semaphore, #tpu.memory_space<semaphore_mem>> -> memref<!tpu.dma_semaphore, #tpu.memory_space<semaphore_mem>>
    tpu.enqueue_indirect_dma source(%dma_start3A_866 : memref<1000000x64xf32, #tpu.memory_space<hbm>>) target(%dma_start3A_860 : memref<128x64xf32, #tpu.memory_space<vmem>>) offsets(%dma_start3A_863 : memref<128xi32, #tpu.memory_space<vmem>>) semaphore(%dma_start3A_868 : memref<!tpu.dma_semaphore, #tpu.memory_space<semaphore_mem>>)
    %iota3A = tpu.iota {dimensions = array<i32: 0>} : vector<16xi32>
    %scan3A = arith.constant 0 : i32
    %scan3A_869 = arith.constant 0 : i32
    %scan3A_870 = arith.constant 25 : i32
    %scan3A_871 = arith.addi %scan3A_869, %scan3A_870 : i32
    %scan3A_872 = arith.constant 1 : i32
    %scan3A_873 = scf.for %scan3A_877 = %scan3A_869 to %scan3A_871 step %scan3A_872 iter_args(%scan3A_878 = %scan3A) -> (i32)  : i32 {
      %mul3A_879 = arith.constant 8 : i32
      %mul3A_880 = arith.muli %scan3A_877, %mul3A_879 : i32
      %add3A_881 = arith.constant 0 : i32
      %add3A_882 = arith.addi %mul3A_880, %add3A_881 : i32
      %dma_wait3A_883 = arith.constant 0 : i32
      %dma_wait3A_884 = arith.constant 0 : i32
      %dma_wait3A_885 = arith.constant 0 : i32
      %dma_wait3A_886 = arith.constant 0 : i32
      %dma_wait3A_887 = tpu.memref_slice %arg6[%dma_wait3A_883, %dma_wait3A_885, %dma_wait3A_886] : memref<8x128x64xf32, #tpu.memory_space<vmem>> -> memref<1x128x64xf32, #tpu.memory_space<vmem>>
      %dma_wait3A_888 = tpu.memref_squeeze %dma_wait3A_887 : memref<1x128x64xf32, #tpu.memory_space<vmem>> -> memref<128x64xf32, #tpu.memory_space<vmem>>
      %dma_wait3A_889 = arith.constant 0 : i32
      %dma_wait3A_890 = tpu.memref_slice %arg5[%add3A_882, %dma_wait3A_889] : memref<200x128xi32, #tpu.memory_space<vmem>> -> memref<1x128xi32, #tpu.memory_space<vmem>>
      %dma_wait3A_891 = tpu.memref_squeeze %dma_wait3A_890 : memref<1x128xi32, #tpu.memory_space<vmem>> -> memref<128xi32, #tpu.memory_space<vmem>>
      %dma_wait3A_892 = arith.constant 0 : i32
      %dma_wait3A_893 = arith.constant 0 : i32
      %dma_wait3A_894 = tpu.memref_slice %arg3[%dma_wait3A_892, %dma_wait3A_893] : memref<1000000x64xf32, #tpu.memory_space<hbm>> -> memref<1000000x64xf32, #tpu.memory_space<hbm>>
      %dma_wait3A_895 = tpu.memref_slice %arg9[%dma_wait3A_884] : memref<8x!tpu.dma_semaphore, #tpu.memory_space<semaphore_mem>> -> memref<1x!tpu.dma_semaphore, #tpu.memory_space<semaphore_mem>>
      %dma_wait3A_896 = tpu.memref_squeeze %dma_wait3A_895 : memref<1x!tpu.dma_semaphore, #tpu.memory_space<semaphore_mem>> -> memref<!tpu.dma_semaphore, #tpu.memory_space<semaphore_mem>>
      tpu.wait_indirect_dma semaphore(%dma_wait3A_896 : memref<!tpu.dma_semaphore, #tpu.memory_space<semaphore_mem>>) src(%dma_wait3A_894 : memref<1000000x64xf32, #tpu.memory_space<hbm>>) dst(%dma_wait3A_888 : memref<128x64xf32, #tpu.memory_space<vmem>>)
      %scan3A_897 = arith.constant 0 : i32
      %scan3A_898 = arith.constant 0 : i32
      %scan3A_899 = arith.constant 32 : i32
      %scan3A_900 = arith.addi %scan3A_898, %scan3A_899 : i32
      %scan3A_901 = arith.constant 1 : i32
      %scan3A_902 = scf.for %scan3A_1119 = %scan3A_898 to %scan3A_900 step %scan3A_901 iter_args(%scan3A_1120 = %scan3A_897) -> (i32)  : i32 {
        %mul3A_1121 = arith.constant 4 : i32
        %mul3A_1122 = arith.muli %scan3A_1119, %mul3A_1121 : i32
        %add3A_1123 = arith.constant 0 : i32
        %add3A_1124 = arith.addi %mul3A_1122, %add3A_1123 : i32
        %get3A = arith.constant 0 : i32
        %get3A_1125 = arith.index_cast %get3A : i32 to index
        %get3A_1126 = arith.index_cast %add3A_1124 : i32 to index
        %get3A_1127 = arith.constant 0 : index
        %get3A_1128 = tpu.vector_load %arg6[%get3A_1125, %get3A_1126, %get3A_1127] {strides = array<i32>} : memref<8x128x64xf32, #tpu.memory_space<vmem>>, vector<1x1x16xf32>,
        %get3A_1129 = vector.shape_cast %get3A_1128 : vector<1x1x16xf32> to vector<16xf32>
        %mul3A_1130 = arith.constant 8.000000e+00 : f32
        %mul3A_1131 = vector.broadcast %mul3A_1130 : f32 to vector<16xf32>
        %mul3A_1132 = arith.mulf %get3A_1129, %mul3A_1131 : vector<16xf32>
        %add3A_1133 = arith.constant 0 : i32
        %add3A_1134 = arith.addi %mul3A_1122, %add3A_1133 : i32
        %and3A = arith.constant 63 : i32
        %and3A_1135 = arith.andi %add3A_1134, %and3A : i32
        %swap3A = arith.constant 0 : i32
        %swap3A_1136 = arith.index_cast %swap3A : i32 to index
        %swap3A_1137 = arith.index_cast %and3A_1135 : i32 to index
        %swap3A_1138 = arith.constant 0 : index
        %swap3A_1139 = tpu.vector_load %arg7[%swap3A_1136, %swap3A_1137, %swap3A_1138] {strides = array<i32>} : memref<1x64x136xf32, #tpu.memory_space<vmem>>, vector<1x1x16xf32>,
        %swap3A_1140 = vector.shape_cast %swap3A_1139 : vector<1x1x16xf32> to vector<16xf32>
        %swap3A_1141 = vector.shape_cast %mul3A_1132 : vector<16xf32> to vector<1x1x16xf32>
        tpu.vector_store %arg7[%swap3A_1136, %swap3A_1137, %swap3A_1138], %swap3A_1141 {strides = array<i32>} : memref<1x64x136xf32, #tpu.memory_space<vmem>>, vector<1x1x16xf32>,
        %add3A_1142 = arith.constant 0 : i32
        %add3A_1143 = arith.addi %mul3A_1122, %add3A_1142 : i32
        %get3A_1144 = arith.constant 0 : i32
        %get3A_1145 = arith.index_cast %get3A_1144 : i32 to index
        %get3A_1146 = arith.index_cast %add3A_1143 : i32 to index
        %get3A_1147 = arith.constant 16 : index
        %get3A_1148 = tpu.vector_load %arg6[%get3A_1145, %get3A_1146, %get3A_1147] {strides = array<i32>} : memref<8x128x64xf32, #tpu.memory_space<vmem>>, vector<1x1x16xf32>,
        %get3A_1149 = vector.shape_cast %get3A_1148 : vector<1x1x16xf32> to vector<16xf32>
        %mul3A_1150 = arith.constant 8.000000e+00 : f32
        %mul3A_1151 = vector.broadcast %mul3A_1150 : f32 to vector<16xf32>
        %mul3A_1152 = arith.mulf %get3A_1149, %mul3A_1151 : vector<16xf32>
        %add3A_1153 = arith.constant 0 : i32
        %add3A_1154 = arith.addi %mul3A_1122, %add3A_1153 : i32
        %and3A_1155 = arith.constant 63 : i32
        %and3A_1156 = arith.andi %add3A_1154, %and3A_1155 : i32
        %swap3A_1157 = arith.constant 0 : i32
        %swap3A_1158 = arith.index_cast %swap3A_1157 : i32 to index
        %swap3A_1159 = arith.index_cast %and3A_1156 : i32 to index
        %swap3A_1160 = arith.constant 16 : index
        %swap3A_1161 = tpu.vector_load %arg7[%swap3A_1158, %swap3A_1159, %swap3A_1160] {strides = array<i32>} : memref<1x64x136xf32, #tpu.memory_space<vmem>>, vector<1x1x16xf32>,
        %swap3A_1162 = vector.shape_cast %swap3A_1161 : vector<1x1x16xf32> to vector<16xf32>
        %swap3A_1163 = vector.shape_cast %mul3A_1152 : vector<16xf32> to vector<1x1x16xf32>
        tpu.vector_store %arg7[%swap3A_1158, %swap3A_1159, %swap3A_1160], %swap3A_1163 {strides = array<i32>} : memref<1x64x136xf32, #tpu.memory_space<vmem>>, vector<1x1x16xf32>,
        %add3A_1164 = arith.constant 0 : i32
        %add3A_1165 = arith.addi %mul3A_1122, %add3A_1164 : i32
        %get3A_1166 = arith.constant 0 : i32
        %get3A_1167 = arith.index_cast %get3A_1166 : i32 to index
        %get3A_1168 = arith.index_cast %add3A_1165 : i32 to index
        %get3A_1169 = arith.constant 32 : index
        %get3A_1170 = tpu.vector_load %arg6[%get3A_1167, %get3A_1168, %get3A_1169] {strides = array<i32>} : memref<8x128x64xf32, #tpu.memory_space<vmem>>, vector<1x1x16xf32>,
        %get3A_1171 = vector.shape_cast %get3A_1170 : vector<1x1x16xf32> to vector<16xf32>
        %mul3A_1172 = arith.constant 8.000000e+00 : f32
        %mul3A_1173 = vector.broadcast %mul3A_1172 : f32 to vector<16xf32>
        %mul3A_1174 = arith.mulf %get3A_1171, %mul3A_1173 : vector<16xf32>
        %add3A_1175 = arith.constant 0 : i32
        %add3A_1176 = arith.addi %mul3A_1122, %add3A_1175 : i32
        %and3A_1177 = arith.constant 63 : i32
        %and3A_1178 = arith.andi %add3A_1176, %and3A_1177 : i32
        %swap3A_1179 = arith.constant 0 : i32
        %swap3A_1180 = arith.index_cast %swap3A_1179 : i32 to index
        %swap3A_1181 = arith.index_cast %and3A_1178 : i32 to index
        %swap3A_1182 = arith.constant 32 : index
        %swap3A_1183 = tpu.vector_load %arg7[%swap3A_1180, %swap3A_1181, %swap3A_1182] {strides = array<i32>} : memref<1x64x136xf32, #tpu.memory_space<vmem>>, vector<1x1x16xf32>,
        %swap3A_1184 = vector.shape_cast %swap3A_1183 : vector<1x1x16xf32> to vector<16xf32>
        %swap3A_1185 = vector.shape_cast %mul3A_1174 : vector<16xf32> to vector<1x1x16xf32>
        tpu.vector_store %arg7[%swap3A_1180, %swap3A_1181, %swap3A_1182], %swap3A_1185 {strides = array<i32>} : memref<1x64x136xf32, #tpu.memory_space<vmem>>, vector<1x1x16xf32>,
        %add3A_1186 = arith.constant 0 : i32
        %add3A_1187 = arith.addi %mul3A_1122, %add3A_1186 : i32
        %get3A_1188 = arith.constant 0 : i32
        %get3A_1189 = arith.index_cast %get3A_1188 : i32 to index
        %get3A_1190 = arith.index_cast %add3A_1187 : i32 to index
        %get3A_1191 = arith.constant 48 : index
        %get3A_1192 = tpu.vector_load %arg6[%get3A_1189, %get3A_1190, %get3A_1191] {strides = array<i32>} : memref<8x128x64xf32, #tpu.memory_space<vmem>>, vector<1x1x16xf32>,
        %get3A_1193 = vector.shape_cast %get3A_1192 : vector<1x1x16xf32> to vector<16xf32>
        %mul3A_1194 = arith.constant 8.000000e+00 : f32
        %mul3A_1195 = vector.broadcast %mul3A_1194 : f32 to vector<16xf32>
        %mul3A_1196 = arith.mulf %get3A_1193, %mul3A_1195 : vector<16xf32>
        %add3A_1197 = arith.constant 0 : i32
        %add3A_1198 = arith.addi %mul3A_1122, %add3A_1197 : i32
        %and3A_1199 = arith.constant 63 : i32
        %and3A_1200 = arith.andi %add3A_1198, %and3A_1199 : i32
        %swap3A_1201 = arith.constant 0 : i32
        %swap3A_1202 = arith.index_cast %swap3A_1201 : i32 to index
        %swap3A_1203 = arith.index_cast %and3A_1200 : i32 to index
        %swap3A_1204 = arith.constant 48 : index
        %swap3A_1205 = tpu.vector_load %arg7[%swap3A_1202, %swap3A_1203, %swap3A_1204] {strides = array<i32>} : memref<1x64x136xf32, #tpu.memory_space<vmem>>, vector<1x1x16xf32>,
        %swap3A_1206 = vector.shape_cast %swap3A_1205 : vector<1x1x16xf32> to vector<16xf32>
        %swap3A_1207 = vector.shape_cast %mul3A_1196 : vector<16xf32> to vector<1x1x16xf32>
        tpu.vector_store %arg7[%swap3A_1202, %swap3A_1203, %swap3A_1204], %swap3A_1207 {strides = array<i32>} : memref<1x64x136xf32, #tpu.memory_space<vmem>>, vector<1x1x16xf32>,
        %add3A_1208 = arith.constant 1 : i32
        %add3A_1209 = arith.addi %mul3A_1122, %add3A_1208 : i32
        %get3A_1210 = arith.constant 0 : i32
        %get3A_1211 = arith.index_cast %get3A_1210 : i32 to index
        %get3A_1212 = arith.index_cast %add3A_1209 : i32 to index
        %get3A_1213 = arith.constant 0 : index
        %get3A_1214 = tpu.vector_load %arg6[%get3A_1211, %get3A_1212, %get3A_1213] {strides = array<i32>} : memref<8x128x64xf32, #tpu.memory_space<vmem>>, vector<1x1x16xf32>,
        %get3A_1215 = vector.shape_cast %get3A_1214 : vector<1x1x16xf32> to vector<16xf32>
        %mul3A_1216 = arith.constant 8.000000e+00 : f32
        %mul3A_1217 = vector.broadcast %mul3A_1216 : f32 to vector<16xf32>
        %mul3A_1218 = arith.mulf %get3A_1215, %mul3A_1217 : vector<16xf32>
        %add3A_1219 = arith.constant 1 : i32
        %add3A_1220 = arith.addi %mul3A_1122, %add3A_1219 : i32
        %and3A_1221 = arith.constant 63 : i32
        %and3A_1222 = arith.andi %add3A_1220, %and3A_1221 : i32
        %swap3A_1223 = arith.constant 0 : i32
        %swap3A_1224 = arith.index_cast %swap3A_1223 : i32 to index
        %swap3A_1225 = arith.index_cast %and3A_1222 : i32 to index
        %swap3A_1226 = arith.constant 0 : index
        %swap3A_1227 = tpu.vector_load %arg7[%swap3A_1224, %swap3A_1225, %swap3A_1226] {strides = array<i32>} : memref<1x64x136xf32, #tpu.memory_space<vmem>>, vector<1x1x16xf32>,
        %swap3A_1228 = vector.shape_cast %swap3A_1227 : vector<1x1x16xf32> to vector<16xf32>
        %swap3A_1229 = vector.shape_cast %mul3A_1218 : vector<16xf32> to vector<1x1x16xf32>
        tpu.vector_store %arg7[%swap3A_1224, %swap3A_1225, %swap3A_1226], %swap3A_1229 {strides = array<i32>} : memref<1x64x136xf32, #tpu.memory_space<vmem>>, vector<1x1x16xf32>,
        %add3A_1230 = arith.constant 1 : i32
        %add3A_1231 = arith.addi %mul3A_1122, %add3A_1230 : i32
        %get3A_1232 = arith.constant 0 : i32
        %get3A_1233 = arith.index_cast %get3A_1232 : i32 to index
        %get3A_1234 = arith.index_cast %add3A_1231 : i32 to index
        %get3A_1235 = arith.constant 16 : index
        %get3A_1236 = tpu.vector_load %arg6[%get3A_1233, %get3A_1234, %get3A_1235] {strides = array<i32>} : memref<8x128x64xf32, #tpu.memory_space<vmem>>, vector<1x1x16xf32>,
        %get3A_1237 = vector.shape_cast %get3A_1236 : vector<1x1x16xf32> to vector<16xf32>
        %mul3A_1238 = arith.constant 8.000000e+00 : f32
        %mul3A_1239 = vector.broadcast %mul3A_1238 : f32 to vector<16xf32>
        %mul3A_1240 = arith.mulf %get3A_1237, %mul3A_1239 : vector<16xf32>
        %add3A_1241 = arith.constant 1 : i32
        %add3A_1242 = arith.addi %mul3A_1122, %add3A_1241 : i32
        %and3A_1243 = arith.constant 63 : i32
        %and3A_1244 = arith.andi %add3A_1242, %and3A_1243 : i32
        %swap3A_1245 = arith.constant 0 : i32
        %swap3A_1246 = arith.index_cast %swap3A_1245 : i32 to index
        %swap3A_1247 = arith.index_cast %and3A_1244 : i32 to index
        %swap3A_1248 = arith.constant 16 : index
        %swap3A_1249 = tpu.vector_load %arg7[%swap3A_1246, %swap3A_1247, %swap3A_1248] {strides = array<i32>} : memref<1x64x136xf32, #tpu.memory_space<vmem>>, vector<1x1x16xf32>,
        %swap3A_1250 = vector.shape_cast %swap3A_1249 : vector<1x1x16xf32> to vector<16xf32>
        %swap3A_1251 = vector.shape_cast %mul3A_1240 : vector<16xf32> to vector<1x1x16xf32>
        tpu.vector_store %arg7[%swap3A_1246, %swap3A_1247, %swap3A_1248], %swap3A_1251 {strides = array<i32>} : memref<1x64x136xf32, #tpu.memory_space<vmem>>, vector<1x1x16xf32>,
        %add3A_1252 = arith.constant 1 : i32
        %add3A_1253 = arith.addi %mul3A_1122, %add3A_1252 : i32
        %get3A_1254 = arith.constant 0 : i32
        %get3A_1255 = arith.index_cast %get3A_1254 : i32 to index
        %get3A_1256 = arith.index_cast %add3A_1253 : i32 to index
        %get3A_1257 = arith.constant 32 : index
        %get3A_1258 = tpu.vector_load %arg6[%get3A_1255, %get3A_1256, %get3A_1257] {strides = array<i32>} : memref<8x128x64xf32, #tpu.memory_space<vmem>>, vector<1x1x16xf32>,
        %get3A_1259 = vector.shape_cast %get3A_1258 : vector<1x1x16xf32> to vector<16xf32>
        %mul3A_1260 = arith.constant 8.000000e+00 : f32
        %mul3A_1261 = vector.broadcast %mul3A_1260 : f32 to vector<16xf32>
        %mul3A_1262 = arith.mulf %get3A_1259, %mul3A_1261 : vector<16xf32>
        %add3A_1263 = arith.constant 1 : i32
        %add3A_1264 = arith.addi %mul3A_1122, %add3A_1263 : i32
        %and3A_1265 = arith.constant 63 : i32
        %and3A_1266 = arith.andi %add3A_1264, %and3A_1265 : i32
        %swap3A_1267 = arith.constant 0 : i32
        %swap3A_1268 = arith.index_cast %swap3A_1267 : i32 to index
        %swap3A_1269 = arith.index_cast %and3A_1266 : i32 to index
        %swap3A_1270 = arith.constant 32 : index
        %swap3A_1271 = tpu.vector_load %arg7[%swap3A_1268, %swap3A_1269, %swap3A_1270] {strides = array<i32>} : memref<1x64x136xf32, #tpu.memory_space<vmem>>, vector<1x1x16xf32>,
        %swap3A_1272 = vector.shape_cast %swap3A_1271 : vector<1x1x16xf32> to vector<16xf32>
        %swap3A_1273 = vector.shape_cast %mul3A_1262 : vector<16xf32> to vector<1x1x16xf32>
        tpu.vector_store %arg7[%swap3A_1268, %swap3A_1269, %swap3A_1270], %swap3A_1273 {strides = array<i32>} : memref<1x64x136xf32, #tpu.memory_space<vmem>>, vector<1x1x16xf32>,
        %add3A_1274 = arith.constant 1 : i32
        %add3A_1275 = arith.addi %mul3A_1122, %add3A_1274 : i32
        %get3A_1276 = arith.constant 0 : i32
        %get3A_1277 = arith.index_cast %get3A_1276 : i32 to index
        %get3A_1278 = arith.index_cast %add3A_1275 : i32 to index
        %get3A_1279 = arith.constant 48 : index
        %get3A_1280 = tpu.vector_load %arg6[%get3A_1277, %get3A_1278, %get3A_1279] {strides = array<i32>} : memref<8x128x64xf32, #tpu.memory_space<vmem>>, vector<1x1x16xf32>,
        %get3A_1281 = vector.shape_cast %get3A_1280 : vector<1x1x16xf32> to vector<16xf32>
        %mul3A_1282 = arith.constant 8.000000e+00 : f32
        %mul3A_1283 = vector.broadcast %mul3A_1282 : f32 to vector<16xf32>
        %mul3A_1284 = arith.mulf %get3A_1281, %mul3A_1283 : vector<16xf32>
        %add3A_1285 = arith.constant 1 : i32
        %add3A_1286 = arith.addi %mul3A_1122, %add3A_1285 : i32
        %and3A_1287 = arith.constant 63 : i32
        %and3A_1288 = arith.andi %add3A_1286, %and3A_1287 : i32
        %swap3A_1289 = arith.constant 0 : i32
        %swap3A_1290 = arith.index_cast %swap3A_1289 : i32 to index
        %swap3A_1291 = arith.index_cast %and3A_1288 : i32 to index
        %swap3A_1292 = arith.constant 48 : index
        %swap3A_1293 = tpu.vector_load %arg7[%swap3A_1290, %swap3A_1291, %swap3A_1292] {strides = array<i32>} : memref<1x64x136xf32, #tpu.memory_space<vmem>>, vector<1x1x16xf32>,
        %swap3A_1294 = vector.shape_cast %swap3A_1293 : vector<1x1x16xf32> to vector<16xf32>
        %swap3A_1295 = vector.shape_cast %mul3A_1284 : vector<16xf32> to vector<1x1x16xf32>
        tpu.vector_store %arg7[%swap3A_1290, %swap3A_1291, %swap3A_1292], %swap3A_1295 {strides = array<i32>} : memref<1x64x136xf32, #tpu.memory_space<vmem>>, vector<1x1x16xf32>,
        %add3A_1296 = arith.constant 2 : i32
        %add3A_1297 = arith.addi %mul3A_1122, %add3A_1296 : i32
        %get3A_1298 = arith.constant 0 : i32
        %get3A_1299 = arith.index_cast %get3A_1298 : i32 to index
        %get3A_1300 = arith.index_cast %add3A_1297 : i32 to index
        %get3A_1301 = arith.constant 0 : index
        %get3A_1302 = tpu.vector_load %arg6[%get3A_1299, %get3A_1300, %get3A_1301] {strides = array<i32>} : memref<8x128x64xf32, #tpu.memory_space<vmem>>, vector<1x1x16xf32>,
        %get3A_1303 = vector.shape_cast %get3A_1302 : vector<1x1x16xf32> to vector<16xf32>
        %mul3A_1304 = arith.constant 8.000000e+00 : f32
        %mul3A_1305 = vector.broadcast %mul3A_1304 : f32 to vector<16xf32>
        %mul3A_1306 = arith.mulf %get3A_1303, %mul3A_1305 : vector<16xf32>
        %add3A_1307 = arith.constant 2 : i32
        %add3A_1308 = arith.addi %mul3A_1122, %add3A_1307 : i32
        %and3A_1309 = arith.constant 63 : i32
        %and3A_1310 = arith.andi %add3A_1308, %and3A_1309 : i32
        %swap3A_1311 = arith.constant 0 : i32
        %swap3A_1312 = arith.index_cast %swap3A_1311 : i32 to index
        %swap3A_1313 = arith.index_cast %and3A_1310 : i32 to index
        %swap3A_1314 = arith.constant 0 : index
        %swap3A_1315 = tpu.vector_load %arg7[%swap3A_1312, %swap3A_1313, %swap3A_1314] {strides = array<i32>} : memref<1x64x136xf32, #tpu.memory_space<vmem>>, vector<1x1x16xf32>,
        %swap3A_1316 = vector.shape_cast %swap3A_1315 : vector<1x1x16xf32> to vector<16xf32>
        %swap3A_1317 = vector.shape_cast %mul3A_1306 : vector<16xf32> to vector<1x1x16xf32>
        tpu.vector_store %arg7[%swap3A_1312, %swap3A_1313, %swap3A_1314], %swap3A_1317 {strides = array<i32>} : memref<1x64x136xf32, #tpu.memory_space<vmem>>, vector<1x1x16xf32>,
        %add3A_1318 = arith.constant 2 : i32
        %add3A_1319 = arith.addi %mul3A_1122, %add3A_1318 : i32
        %get3A_1320 = arith.constant 0 : i32
        %get3A_1321 = arith.index_cast %get3A_1320 : i32 to index
        %get3A_1322 = arith.index_cast %add3A_1319 : i32 to index
        %get3A_1323 = arith.constant 16 : index
        %get3A_1324 = tpu.vector_load %arg6[%get3A_1321, %get3A_1322, %get3A_1323] {strides = array<i32>} : memref<8x128x64xf32, #tpu.memory_space<vmem>>, vector<1x1x16xf32>,
        %get3A_1325 = vector.shape_cast %get3A_1324 : vector<1x1x16xf32> to vector<16xf32>
        %mul3A_1326 = arith.constant 8.000000e+00 : f32
        %mul3A_1327 = vector.broadcast %mul3A_1326 : f32 to vector<16xf32>
        %mul3A_1328 = arith.mulf %get3A_1325, %mul3A_1327 : vector<16xf32>
        %add3A_1329 = arith.constant 2 : i32
        %add3A_1330 = arith.addi %mul3A_1122, %add3A_1329 : i32
        %and3A_1331 = arith.constant 63 : i32
        %and3A_1332 = arith.andi %add3A_1330, %and3A_1331 : i32
        %swap3A_1333 = arith.constant 0 : i32
        %swap3A_1334 = arith.index_cast %swap3A_1333 : i32 to index
        %swap3A_1335 = arith.index_cast %and3A_1332 : i32 to index
        %swap3A_1336 = arith.constant 16 : index
        %swap3A_1337 = tpu.vector_load %arg7[%swap3A_1334, %swap3A_1335, %swap3A_1336] {strides = array<i32>} : memref<1x64x136xf32, #tpu.memory_space<vmem>>, vector<1x1x16xf32>,
        %swap3A_1338 = vector.shape_cast %swap3A_1337 : vector<1x1x16xf32> to vector<16xf32>
        %swap3A_1339 = vector.shape_cast %mul3A_1328 : vector<16xf32> to vector<1x1x16xf32>
        tpu.vector_store %arg7[%swap3A_1334, %swap3A_1335, %swap3A_1336], %swap3A_1339 {strides = array<i32>} : memref<1x64x136xf32, #tpu.memory_space<vmem>>, vector<1x1x16xf32>,
        %add3A_1340 = arith.constant 2 : i32
        %add3A_1341 = arith.addi %mul3A_1122, %add3A_1340 : i32
        %get3A_1342 = arith.constant 0 : i32
        %get3A_1343 = arith.index_cast %get3A_1342 : i32 to index
        %get3A_1344 = arith.index_cast %add3A_1341 : i32 to index
        %get3A_1345 = arith.constant 32 : index
        %get3A_1346 = tpu.vector_load %arg6[%get3A_1343, %get3A_1344, %get3A_1345] {strides = array<i32>} : memref<8x128x64xf32, #tpu.memory_space<vmem>>, vector<1x1x16xf32>,
        %get3A_1347 = vector.shape_cast %get3A_1346 : vector<1x1x16xf32> to vector<16xf32>
        %mul3A_1348 = arith.constant 8.000000e+00 : f32
        %mul3A_1349 = vector.broadcast %mul3A_1348 : f32 to vector<16xf32>
        %mul3A_1350 = arith.mulf %get3A_1347, %mul3A_1349 : vector<16xf32>
        %add3A_1351 = arith.constant 2 : i32
        %add3A_1352 = arith.addi %mul3A_1122, %add3A_1351 : i32
        %and3A_1353 = arith.constant 63 : i32
        %and3A_1354 = arith.andi %add3A_1352, %and3A_1353 : i32
        %swap3A_1355 = arith.constant 0 : i32
        %swap3A_1356 = arith.index_cast %swap3A_1355 : i32 to index
        %swap3A_1357 = arith.index_cast %and3A_1354 : i32 to index
        %swap3A_1358 = arith.constant 32 : index
        %swap3A_1359 = tpu.vector_load %arg7[%swap3A_1356, %swap3A_1357, %swap3A_1358] {strides = array<i32>} : memref<1x64x136xf32, #tpu.memory_space<vmem>>, vector<1x1x16xf32>,
        %swap3A_1360 = vector.shape_cast %swap3A_1359 : vector<1x1x16xf32> to vector<16xf32>
        %swap3A_1361 = vector.shape_cast %mul3A_1350 : vector<16xf32> to vector<1x1x16xf32>
        tpu.vector_store %arg7[%swap3A_1356, %swap3A_1357, %swap3A_1358], %swap3A_1361 {strides = array<i32>} : memref<1x64x136xf32, #tpu.memory_space<vmem>>, vector<1x1x16xf32>,
        %add3A_1362 = arith.constant 2 : i32
        %add3A_1363 = arith.addi %mul3A_1122, %add3A_1362 : i32
        %get3A_1364 = arith.constant 0 : i32
        %get3A_1365 = arith.index_cast %get3A_1364 : i32 to index
        %get3A_1366 = arith.index_cast %add3A_1363 : i32 to index
        %get3A_1367 = arith.constant 48 : index
        %get3A_1368 = tpu.vector_load %arg6[%get3A_1365, %get3A_1366, %get3A_1367] {strides = array<i32>} : memref<8x128x64xf32, #tpu.memory_space<vmem>>, vector<1x1x16xf32>,
        %get3A_1369 = vector.shape_cast %get3A_1368 : vector<1x1x16xf32> to vector<16xf32>
        %mul3A_1370 = arith.constant 8.000000e+00 : f32
        %mul3A_1371 = vector.broadcast %mul3A_1370 : f32 to vector<16xf32>
        %mul3A_1372 = arith.mulf %get3A_1369, %mul3A_1371 : vector<16xf32>
        %add3A_1373 = arith.constant 2 : i32
        %add3A_1374 = arith.addi %mul3A_1122, %add3A_1373 : i32
        %and3A_1375 = arith.constant 63 : i32
        %and3A_1376 = arith.andi %add3A_1374, %and3A_1375 : i32
        %swap3A_1377 = arith.constant 0 : i32
        %swap3A_1378 = arith.index_cast %swap3A_1377 : i32 to index
        %swap3A_1379 = arith.index_cast %and3A_1376 : i32 to index
        %swap3A_1380 = arith.constant 48 : index
        %swap3A_1381 = tpu.vector_load %arg7[%swap3A_1378, %swap3A_1379, %swap3A_1380] {strides = array<i32>} : memref<1x64x136xf32, #tpu.memory_space<vmem>>, vector<1x1x16xf32>,
        %swap3A_1382 = vector.shape_cast %swap3A_1381 : vector<1x1x16xf32> to vector<16xf32>
        %swap3A_1383 = vector.shape_cast %mul3A_1372 : vector<16xf32> to vector<1x1x16xf32>
        tpu.vector_store %arg7[%swap3A_1378, %swap3A_1379, %swap3A_1380], %swap3A_1383 {strides = array<i32>} : memref<1x64x136xf32, #tpu.memory_space<vmem>>, vector<1x1x16xf32>,
        %add3A_1384 = arith.constant 3 : i32
        %add3A_1385 = arith.addi %mul3A_1122, %add3A_1384 : i32
        %get3A_1386 = arith.constant 0 : i32
        %get3A_1387 = arith.index_cast %get3A_1386 : i32 to index
        %get3A_1388 = arith.index_cast %add3A_1385 : i32 to index
        %get3A_1389 = arith.constant 0 : index
        %get3A_1390 = tpu.vector_load %arg6[%get3A_1387, %get3A_1388, %get3A_1389] {strides = array<i32>} : memref<8x128x64xf32, #tpu.memory_space<vmem>>, vector<1x1x16xf32>,
        %get3A_1391 = vector.shape_cast %get3A_1390 : vector<1x1x16xf32> to vector<16xf32>
        %mul3A_1392 = arith.constant 8.000000e+00 : f32
        %mul3A_1393 = vector.broadcast %mul3A_1392 : f32 to vector<16xf32>
        %mul3A_1394 = arith.mulf %get3A_1391, %mul3A_1393 : vector<16xf32>
        %add3A_1395 = arith.constant 3 : i32
        %add3A_1396 = arith.addi %mul3A_1122, %add3A_1395 : i32
        %and3A_1397 = arith.constant 63 : i32
        %and3A_1398 = arith.andi %add3A_1396, %and3A_1397 : i32
        %swap3A_1399 = arith.constant 0 : i32
        %swap3A_1400 = arith.index_cast %swap3A_1399 : i32 to index
        %swap3A_1401 = arith.index_cast %and3A_1398 : i32 to index
        %swap3A_1402 = arith.constant 0 : index
        %swap3A_1403 = tpu.vector_load %arg7[%swap3A_1400, %swap3A_1401, %swap3A_1402] {strides = array<i32>} : memref<1x64x136xf32, #tpu.memory_space<vmem>>, vector<1x1x16xf32>,
        %swap3A_1404 = vector.shape_cast %swap3A_1403 : vector<1x1x16xf32> to vector<16xf32>
        %swap3A_1405 = vector.shape_cast %mul3A_1394 : vector<16xf32> to vector<1x1x16xf32>
        tpu.vector_store %arg7[%swap3A_1400, %swap3A_1401, %swap3A_1402], %swap3A_1405 {strides = array<i32>} : memref<1x64x136xf32, #tpu.memory_space<vmem>>, vector<1x1x16xf32>,
        %add3A_1406 = arith.constant 3 : i32
        %add3A_1407 = arith.addi %mul3A_1122, %add3A_1406 : i32
        %get3A_1408 = arith.constant 0 : i32
        %get3A_1409 = arith.index_cast %get3A_1408 : i32 to index
        %get3A_1410 = arith.index_cast %add3A_1407 : i32 to index
        %get3A_1411 = arith.constant 16 : index
        %get3A_1412 = tpu.vector_load %arg6[%get3A_1409, %get3A_1410, %get3A_1411] {strides = array<i32>} : memref<8x128x64xf32, #tpu.memory_space<vmem>>, vector<1x1x16xf32>,
        %get3A_1413 = vector.shape_cast %get3A_1412 : vector<1x1x16xf32> to vector<16xf32>
        %mul3A_1414 = arith.constant 8.000000e+00 : f32
        %mul3A_1415 = vector.broadcast %mul3A_1414 : f32 to vector<16xf32>
        %mul3A_1416 = arith.mulf %get3A_1413, %mul3A_1415 : vector<16xf32>
        %add3A_1417 = arith.constant 3 : i32
        %add3A_1418 = arith.addi %mul3A_1122, %add3A_1417 : i32
        %and3A_1419 = arith.constant 63 : i32
        %and3A_1420 = arith.andi %add3A_1418, %and3A_1419 : i32
        %swap3A_1421 = arith.constant 0 : i32
        %swap3A_1422 = arith.index_cast %swap3A_1421 : i32 to index
        %swap3A_1423 = arith.index_cast %and3A_1420 : i32 to index
        %swap3A_1424 = arith.constant 16 : index
        %swap3A_1425 = tpu.vector_load %arg7[%swap3A_1422, %swap3A_1423, %swap3A_1424] {strides = array<i32>} : memref<1x64x136xf32, #tpu.memory_space<vmem>>, vector<1x1x16xf32>,
        %swap3A_1426 = vector.shape_cast %swap3A_1425 : vector<1x1x16xf32> to vector<16xf32>
        %swap3A_1427 = vector.shape_cast %mul3A_1416 : vector<16xf32> to vector<1x1x16xf32>
        tpu.vector_store %arg7[%swap3A_1422, %swap3A_1423, %swap3A_1424], %swap3A_1427 {strides = array<i32>} : memref<1x64x136xf32, #tpu.memory_space<vmem>>, vector<1x1x16xf32>,
        %add3A_1428 = arith.constant 3 : i32
        %add3A_1429 = arith.addi %mul3A_1122, %add3A_1428 : i32
        %get3A_1430 = arith.constant 0 : i32
        %get3A_1431 = arith.index_cast %get3A_1430 : i32 to index
        %get3A_1432 = arith.index_cast %add3A_1429 : i32 to index
        %get3A_1433 = arith.constant 32 : index
        %get3A_1434 = tpu.vector_load %arg6[%get3A_1431, %get3A_1432, %get3A_1433] {strides = array<i32>} : memref<8x128x64xf32, #tpu.memory_space<vmem>>, vector<1x1x16xf32>,
        %get3A_1435 = vector.shape_cast %get3A_1434 : vector<1x1x16xf32> to vector<16xf32>
        %mul3A_1436 = arith.constant 8.000000e+00 : f32
        %mul3A_1437 = vector.broadcast %mul3A_1436 : f32 to vector<16xf32>
        %mul3A_1438 = arith.mulf %get3A_1435, %mul3A_1437 : vector<16xf32>
        %add3A_1439 = arith.constant 3 : i32
        %add3A_1440 = arith.addi %mul3A_1122, %add3A_1439 : i32
        %and3A_1441 = arith.constant 63 : i32
        %and3A_1442 = arith.andi %add3A_1440, %and3A_1441 : i32
        %swap3A_1443 = arith.constant 0 : i32
        %swap3A_1444 = arith.index_cast %swap3A_1443 : i32 to index
        %swap3A_1445 = arith.index_cast %and3A_1442 : i32 to index
        %swap3A_1446 = arith.constant 32 : index
        %swap3A_1447 = tpu.vector_load %arg7[%swap3A_1444, %swap3A_1445, %swap3A_1446] {strides = array<i32>} : memref<1x64x136xf32, #tpu.memory_space<vmem>>, vector<1x1x16xf32>,
        %swap3A_1448 = vector.shape_cast %swap3A_1447 : vector<1x1x16xf32> to vector<16xf32>
        %swap3A_1449 = vector.shape_cast %mul3A_1438 : vector<16xf32> to vector<1x1x16xf32>
        tpu.vector_store %arg7[%swap3A_1444, %swap3A_1445, %swap3A_1446], %swap3A_1449 {strides = array<i32>} : memref<1x64x136xf32, #tpu.memory_space<vmem>>, vector<1x1x16xf32>,
        %add3A_1450 = arith.constant 3 : i32
        %add3A_1451 = arith.addi %mul3A_1122, %add3A_1450 : i32
        %get3A_1452 = arith.constant 0 : i32
        %get3A_1453 = arith.index_cast %get3A_1452 : i32 to index
        %get3A_1454 = arith.index_cast %add3A_1451 : i32 to index
        %get3A_1455 = arith.constant 48 : index
        %get3A_1456 = tpu.vector_load %arg6[%get3A_1453, %get3A_1454, %get3A_1455] {strides = array<i32>} : memref<8x128x64xf32, #tpu.memory_space<vmem>>, vector<1x1x16xf32>,
        %get3A_1457 = vector.shape_cast %get3A_1456 : vector<1x1x16xf32> to vector<16xf32>
        %mul3A_1458 = arith.constant 8.000000e+00 : f32
        %mul3A_1459 = vector.broadcast %mul3A_1458 : f32 to vector<16xf32>
        %mul3A_1460 = arith.mulf %get3A_1457, %mul3A_1459 : vector<16xf32>
        %add3A_1461 = arith.constant 3 : i32
        %add3A_1462 = arith.addi %mul3A_1122, %add3A_1461 : i32
        %and3A_1463 = arith.constant 63 : i32
        %and3A_1464 = arith.andi %add3A_1462, %and3A_1463 : i32
        %swap3A_1465 = arith.constant 0 : i32
        %swap3A_1466 = arith.index_cast %swap3A_1465 : i32 to index
        %swap3A_1467 = arith.index_cast %and3A_1464 : i32 to index
        %swap3A_1468 = arith.constant 48 : index
        %swap3A_1469 = tpu.vector_load %arg7[%swap3A_1466, %swap3A_1467, %swap3A_1468] {strides = array<i32>} : memref<1x64x136xf32, #tpu.memory_space<vmem>>, vector<1x1x16xf32>,
        %swap3A_1470 = vector.shape_cast %swap3A_1469 : vector<1x1x16xf32> to vector<16xf32>
        %swap3A_1471 = vector.shape_cast %mul3A_1460 : vector<16xf32> to vector<1x1x16xf32>
        tpu.vector_store %arg7[%swap3A_1466, %swap3A_1467, %swap3A_1468], %swap3A_1471 {strides = array<i32>} : memref<1x64x136xf32, #tpu.memory_space<vmem>>, vector<1x1x16xf32>,
        %scan3A_1472 = arith.constant 0 : i32
        scf.yield %scan3A_1472 : i32
      }
      %scan3A_903 = arith.constant 32 : i32
      %add3A_904 = arith.constant 8 : i32
      %add3A_905 = arith.addi %add3A_882, %add3A_904 : i32
      %lt3A = arith.constant 200 : i32
      %lt3A_906 = arith.cmpi slt, %add3A_905, %lt3A : i32
      %convert_element_type3A = arith.extui %lt3A_906 : i1 to i32
      %cond3A = arith.constant 0 : i32
      %cond3A_907 = arith.cmpi ne, %convert_element_type3A, %cond3A : i32
      scf.if %cond3A_907 {
        %add3A_1119 = arith.constant 8 : i32
        %add3A_1120 = arith.addi %add3A_882, %add3A_1119 : i32
        %dma_start3A_1121 = arith.constant 0 : i32
        %dma_start3A_1122 = arith.constant 0 : i32
        %dma_start3A_1123 = arith.constant 0 : i32
        %dma_start3A_1124 = arith.constant 0 : i32
        %dma_start3A_1125 = tpu.memref_slice %arg6[%dma_start3A_1121, %dma_start3A_1123, %dma_start3A_1124] : memref<8x128x64xf32, #tpu.memory_space<vmem>> -> memref<1x128x64xf32, #tpu.memory_space<vmem>>
        %dma_start3A_1126 = tpu.memref_squeeze %dma_start3A_1125 : memref<1x128x64xf32, #tpu.memory_space<vmem>> -> memref<128x64xf32, #tpu.memory_space<vmem>>
        %dma_start3A_1127 = arith.constant 0 : i32
        %dma_start3A_1128 = tpu.memref_slice %arg5[%add3A_1120, %dma_start3A_1127] : memref<200x128xi32, #tpu.memory_space<vmem>> -> memref<1x128xi32, #tpu.memory_space<vmem>>
        %dma_start3A_1129 = tpu.memref_squeeze %dma_start3A_1128 : memref<1x128xi32, #tpu.memory_space<vmem>> -> memref<128xi32, #tpu.memory_space<vmem>>
        %dma_start3A_1130 = arith.constant 0 : i32
        %dma_start3A_1131 = arith.constant 0 : i32
        %dma_start3A_1132 = tpu.memref_slice %arg3[%dma_start3A_1130, %dma_start3A_1131] : memref<1000000x64xf32, #tpu.memory_space<hbm>> -> memref<1000000x64xf32, #tpu.memory_space<hbm>>
        %dma_start3A_1133 = tpu.memref_slice %arg9[%dma_start3A_1122] : memref<8x!tpu.dma_semaphore, #tpu.memory_space<semaphore_mem>> -> memref<1x!tpu.dma_semaphore, #tpu.memory_space<semaphore_mem>>
        %dma_start3A_1134 = tpu.memref_squeeze %dma_start3A_1133 : memref<1x!tpu.dma_semaphore, #tpu.memory_space<semaphore_mem>> -> memref<!tpu.dma_semaphore, #tpu.memory_space<semaphore_mem>>
        tpu.enqueue_indirect_dma source(%dma_start3A_1132 : memref<1000000x64xf32, #tpu.memory_space<hbm>>) target(%dma_start3A_1126 : memref<128x64xf32, #tpu.memory_space<vmem>>) offsets(%dma_start3A_1129 : memref<128xi32, #tpu.memory_space<vmem>>) semaphore(%dma_start3A_1134 : memref<!tpu.dma_semaphore, #tpu.memory_space<semaphore_mem>>)
      } else {
      }
      %add3A_908 = arith.constant 1 : i32
      %add3A_909 = arith.addi %mul3A_880, %add3A_908 : i32
      %dma_wait3A_910 = arith.constant 1 : i32
      %dma_wait3A_911 = arith.constant 1 : i32
      %dma_wait3A_912 = arith.constant 0 : i32
      %dma_wait3A_913 = arith.constant 0 : i32
      %dma_wait3A_914 = tpu.memref_slice %arg6[%dma_wait3A_910, %dma_wait3A_912, %dma_wait3A_913] : memref<8x128x64xf32, #tpu.memory_space<vmem>> -> memref<1x128x64xf32, #tpu.memory_space<vmem>>
      %dma_wait3A_915 = tpu.memref_squeeze %dma_wait3A_914 : memref<1x128x64xf32, #tpu.memory_space<vmem>> -> memref<128x64xf32, #tpu.memory_space<vmem>>
      %dma_wait3A_916 = arith.constant 0 : i32
      %dma_wait3A_917 = tpu.memref_slice %arg5[%add3A_909, %dma_wait3A_916] : memref<200x128xi32, #tpu.memory_space<vmem>> -> memref<1x128xi32, #tpu.memory_space<vmem>>
      %dma_wait3A_918 = tpu.memref_squeeze %dma_wait3A_917 : memref<1x128xi32, #tpu.memory_space<vmem>> -> memref<128xi32, #tpu.memory_space<vmem>>
      %dma_wait3A_919 = arith.constant 0 : i32
      %dma_wait3A_920 = arith.constant 0 : i32
      %dma_wait3A_921 = tpu.memref_slice %arg3[%dma_wait3A_919, %dma_wait3A_920] : memref<1000000x64xf32, #tpu.memory_space<hbm>> -> memref<1000000x64xf32, #tpu.memory_space<hbm>>
      %dma_wait3A_922 = tpu.memref_slice %arg9[%dma_wait3A_911] : memref<8x!tpu.dma_semaphore, #tpu.memory_space<semaphore_mem>> -> memref<1x!tpu.dma_semaphore, #tpu.memory_space<semaphore_mem>>
      %dma_wait3A_923 = tpu.memref_squeeze %dma_wait3A_922 : memref<1x!tpu.dma_semaphore, #tpu.memory_space<semaphore_mem>> -> memref<!tpu.dma_semaphore, #tpu.memory_space<semaphore_mem>>
      tpu.wait_indirect_dma semaphore(%dma_wait3A_923 : memref<!tpu.dma_semaphore, #tpu.memory_space<semaphore_mem>>) src(%dma_wait3A_921 : memref<1000000x64xf32, #tpu.memory_space<hbm>>) dst(%dma_wait3A_915 : memref<128x64xf32, #tpu.memory_space<vmem>>)
      %scan3A_924 = arith.constant 0 : i32
      %scan3A_925 = arith.constant 0 : i32
      %scan3A_926 = arith.constant 32 : i32
      %scan3A_927 = arith.addi %scan3A_925, %scan3A_926 : i32
      %scan3A_928 = arith.constant 1 : i32
      %scan3A_929 = scf.for %scan3A_1119 = %scan3A_925 to %scan3A_927 step %scan3A_928 iter_args(%scan3A_1120 = %scan3A_924) -> (i32)  : i32 {
        %mul3A_1121 = arith.constant 4 : i32
        %mul3A_1122 = arith.muli %scan3A_1119, %mul3A_1121 : i32
        %add3A_1123 = arith.constant 0 : i32
        %add3A_1124 = arith.addi %mul3A_1122, %add3A_1123 : i32
        %get3A = arith.constant 1 : i32
        %get3A_1125 = arith.index_cast %get3A : i32 to index
        %get3A_1126 = arith.index_cast %add3A_1124 : i32 to index
        %get3A_1127 = arith.constant 0 : index
        %get3A_1128 = tpu.vector_load %arg6[%get3A_1125, %get3A_1126, %get3A_1127] {strides = array<i32>} : memref<8x128x64xf32, #tpu.memory_space<vmem>>, vector<1x1x16xf32>,
        %get3A_1129 = vector.shape_cast %get3A_1128 : vector<1x1x16xf32> to vector<16xf32>
        %mul3A_1130 = arith.constant 8.000000e+00 : f32
        %mul3A_1131 = vector.broadcast %mul3A_1130 : f32 to vector<16xf32>
        %mul3A_1132 = arith.mulf %get3A_1129, %mul3A_1131 : vector<16xf32>
        %add3A_1133 = arith.constant 0 : i32
        %add3A_1134 = arith.addi %mul3A_1122, %add3A_1133 : i32
        %and3A = arith.constant 63 : i32
        %and3A_1135 = arith.andi %add3A_1134, %and3A : i32
        %swap3A = arith.constant 0 : i32
        %swap3A_1136 = arith.index_cast %swap3A : i32 to index
        %swap3A_1137 = arith.index_cast %and3A_1135 : i32 to index
        %swap3A_1138 = arith.constant 0 : index
        %swap3A_1139 = tpu.vector_load %arg7[%swap3A_1136, %swap3A_1137, %swap3A_1138] {strides = array<i32>} : memref<1x64x136xf32, #tpu.memory_space<vmem>>, vector<1x1x16xf32>,
        %swap3A_1140 = vector.shape_cast %swap3A_1139 : vector<1x1x16xf32> to vector<16xf32>
        %swap3A_1141 = vector.shape_cast %mul3A_1132 : vector<16xf32> to vector<1x1x16xf32>
        tpu.vector_store %arg7[%swap3A_1136, %swap3A_1137, %swap3A_1138], %swap3A_1141 {strides = array<i32>} : memref<1x64x136xf32, #tpu.memory_space<vmem>>, vector<1x1x16xf32>,
        %add3A_1142 = arith.constant 0 : i32
        %add3A_1143 = arith.addi %mul3A_1122, %add3A_1142 : i32
        %get3A_1144 = arith.constant 1 : i32
        %get3A_1145 = arith.index_cast %get3A_1144 : i32 to index
        %get3A_1146 = arith.index_cast %add3A_1143 : i32 to index
        %get3A_1147 = arith.constant 16 : index
        %get3A_1148 = tpu.vector_load %arg6[%get3A_1145, %get3A_1146, %get3A_1147] {strides = array<i32>} : memref<8x128x64xf32, #tpu.memory_space<vmem>>, vector<1x1x16xf32>,
        %get3A_1149 = vector.shape_cast %get3A_1148 : vector<1x1x16xf32> to vector<16xf32>
        %mul3A_1150 = arith.constant 8.000000e+00 : f32
        %mul3A_1151 = vector.broadcast %mul3A_1150 : f32 to vector<16xf32>
        %mul3A_1152 = arith.mulf %get3A_1149, %mul3A_1151 : vector<16xf32>
        %add3A_1153 = arith.constant 0 : i32
        %add3A_1154 = arith.addi %mul3A_1122, %add3A_1153 : i32
        %and3A_1155 = arith.constant 63 : i32
        %and3A_1156 = arith.andi %add3A_1154, %and3A_1155 : i32
        %swap3A_1157 = arith.constant 0 : i32
        %swap3A_1158 = arith.index_cast %swap3A_1157 : i32 to index
        %swap3A_1159 = arith.index_cast %and3A_1156 : i32 to index
        %swap3A_1160 = arith.constant 16 : index
        %swap3A_1161 = tpu.vector_load %arg7[%swap3A_1158, %swap3A_1159, %swap3A_1160] {strides = array<i32>} : memref<1x64x136xf32, #tpu.memory_space<vmem>>, vector<1x1x16xf32>,
        %swap3A_1162 = vector.shape_cast %swap3A_1161 : vector<1x1x16xf32> to vector<16xf32>
        %swap3A_1163 = vector.shape_cast %mul3A_1152 : vector<16xf32> to vector<1x1x16xf32>
        tpu.vector_store %arg7[%swap3A_1158, %swap3A_1159, %swap3A_1160], %swap3A_1163 {strides = array<i32>} : memref<1x64x136xf32, #tpu.memory_space<vmem>>, vector<1x1x16xf32>,
        %add3A_1164 = arith.constant 0 : i32
        %add3A_1165 = arith.addi %mul3A_1122, %add3A_1164 : i32
        %get3A_1166 = arith.constant 1 : i32
        %get3A_1167 = arith.index_cast %get3A_1166 : i32 to index
        %get3A_1168 = arith.index_cast %add3A_1165 : i32 to index
        %get3A_1169 = arith.constant 32 : index
        %get3A_1170 = tpu.vector_load %arg6[%get3A_1167, %get3A_1168, %get3A_1169] {strides = array<i32>} : memref<8x128x64xf32, #tpu.memory_space<vmem>>, vector<1x1x16xf32>,
        %get3A_1171 = vector.shape_cast %get3A_1170 : vector<1x1x16xf32> to vector<16xf32>
        %mul3A_1172 = arith.constant 8.000000e+00 : f32
        %mul3A_1173 = vector.broadcast %mul3A_1172 : f32 to vector<16xf32>
        %mul3A_1174 = arith.mulf %get3A_1171, %mul3A_1173 : vector<16xf32>
        %add3A_1175 = arith.constant 0 : i32
        %add3A_1176 = arith.addi %mul3A_1122, %add3A_1175 : i32
        %and3A_1177 = arith.constant 63 : i32
        %and3A_1178 = arith.andi %add3A_1176, %and3A_1177 : i32
        %swap3A_1179 = arith.constant 0 : i32
        %swap3A_1180 = arith.index_cast %swap3A_1179 : i32 to index
        %swap3A_1181 = arith.index_cast %and3A_1178 : i32 to index
        %swap3A_1182 = arith.constant 32 : index
        %swap3A_1183 = tpu.vector_load %arg7[%swap3A_1180, %swap3A_1181, %swap3A_1182] {strides = array<i32>} : memref<1x64x136xf32, #tpu.memory_space<vmem>>, vector<1x1x16xf32>,
        %swap3A_1184 = vector.shape_cast %swap3A_1183 : vector<1x1x16xf32> to vector<16xf32>
        %swap3A_1185 = vector.shape_cast %mul3A_1174 : vector<16xf32> to vector<1x1x16xf32>
        tpu.vector_store %arg7[%swap3A_1180, %swap3A_1181, %swap3A_1182], %swap3A_1185 {strides = array<i32>} : memref<1x64x136xf32, #tpu.memory_space<vmem>>, vector<1x1x16xf32>,
        %add3A_1186 = arith.constant 0 : i32
        %add3A_1187 = arith.addi %mul3A_1122, %add3A_1186 : i32
        %get3A_1188 = arith.constant 1 : i32
        %get3A_1189 = arith.index_cast %get3A_1188 : i32 to index
        %get3A_1190 = arith.index_cast %add3A_1187 : i32 to index
        %get3A_1191 = arith.constant 48 : index
        %get3A_1192 = tpu.vector_load %arg6[%get3A_1189, %get3A_1190, %get3A_1191] {strides = array<i32>} : memref<8x128x64xf32, #tpu.memory_space<vmem>>, vector<1x1x16xf32>,
        %get3A_1193 = vector.shape_cast %get3A_1192 : vector<1x1x16xf32> to vector<16xf32>
        %mul3A_1194 = arith.constant 8.000000e+00 : f32
        %mul3A_1195 = vector.broadcast %mul3A_1194 : f32 to vector<16xf32>
        %mul3A_1196 = arith.mulf %get3A_1193, %mul3A_1195 : vector<16xf32>
        %add3A_1197 = arith.constant 0 : i32
        %add3A_1198 = arith.addi %mul3A_1122, %add3A_1197 : i32
        %and3A_1199 = arith.constant 63 : i32
        %and3A_1200 = arith.andi %add3A_1198, %and3A_1199 : i32
        %swap3A_1201 = arith.constant 0 : i32
        %swap3A_1202 = arith.index_cast %swap3A_1201 : i32 to index
        %swap3A_1203 = arith.index_cast %and3A_1200 : i32 to index
        %swap3A_1204 = arith.constant 48 : index
        %swap3A_1205 = tpu.vector_load %arg7[%swap3A_1202, %swap3A_1203, %swap3A_1204] {strides = array<i32>} : memref<1x64x136xf32, #tpu.memory_space<vmem>>, vector<1x1x16xf32>,
        %swap3A_1206 = vector.shape_cast %swap3A_1205 : vector<1x1x16xf32> to vector<16xf32>
        %swap3A_1207 = vector.shape_cast %mul3A_1196 : vector<16xf32> to vector<1x1x16xf32>
        tpu.vector_store %arg7[%swap3A_1202, %swap3A_1203, %swap3A_1204], %swap3A_1207 {strides = array<i32>} : memref<1x64x136xf32, #tpu.memory_space<vmem>>, vector<1x1x16xf32>,
        %add3A_1208 = arith.constant 1 : i32
        %add3A_1209 = arith.addi %mul3A_1122, %add3A_1208 : i32
        %get3A_1210 = arith.constant 1 : i32
        %get3A_1211 = arith.index_cast %get3A_1210 : i32 to index
        %get3A_1212 = arith.index_cast %add3A_1209 : i32 to index
        %get3A_1213 = arith.constant 0 : index
        %get3A_1214 = tpu.vector_load %arg6[%get3A_1211, %get3A_1212, %get3A_1213] {strides = array<i32>} : memref<8x128x64xf32, #tpu.memory_space<vmem>>, vector<1x1x16xf32>,
        %get3A_1215 = vector.shape_cast %get3A_1214 : vector<1x1x16xf32> to vector<16xf32>
        %mul3A_1216 = arith.constant 8.000000e+00 : f32
        %mul3A_1217 = vector.broadcast %mul3A_1216 : f32 to vector<16xf32>
        %mul3A_1218 = arith.mulf %get3A_1215, %mul3A_1217 : vector<16xf32>
        %add3A_1219 = arith.constant 1 : i32
        %add3A_1220 = arith.addi %mul3A_1122, %add3A_1219 : i32
        %and3A_1221 = arith.constant 63 : i32
        %and3A_1222 = arith.andi %add3A_1220, %and3A_1221 : i32
        %swap3A_1223 = arith.constant 0 : i32
        %swap3A_1224 = arith.index_cast %swap3A_1223 : i32 to index
        %swap3A_1225 = arith.index_cast %and3A_1222 : i32 to index
        %swap3A_1226 = arith.constant 0 : index
        %swap3A_1227 = tpu.vector_load %arg7[%swap3A_1224, %swap3A_1225, %swap3A_1226] {strides = array<i32>} : memref<1x64x136xf32, #tpu.memory_space<vmem>>, vector<1x1x16xf32>,
        %swap3A_1228 = vector.shape_cast %swap3A_1227 : vector<1x1x16xf32> to vector<16xf32>
        %swap3A_1229 = vector.shape_cast %mul3A_1218 : vector<16xf32> to vector<1x1x16xf32>
        tpu.vector_store %arg7[%swap3A_1224, %swap3A_1225, %swap3A_1226], %swap3A_1229 {strides = array<i32>} : memref<1x64x136xf32, #tpu.memory_space<vmem>>, vector<1x1x16xf32>,
        %add3A_1230 = arith.constant 1 : i32
        %add3A_1231 = arith.addi %mul3A_1122, %add3A_1230 : i32
        %get3A_1232 = arith.constant 1 : i32
        %get3A_1233 = arith.index_cast %get3A_1232 : i32 to index
        %get3A_1234 = arith.index_cast %add3A_1231 : i32 to index
        %get3A_1235 = arith.constant 16 : index
        %get3A_1236 = tpu.vector_load %arg6[%get3A_1233, %get3A_1234, %get3A_1235] {strides = array<i32>} : memref<8x128x64xf32, #tpu.memory_space<vmem>>, vector<1x1x16xf32>,
        %get3A_1237 = vector.shape_cast %get3A_1236 : vector<1x1x16xf32> to vector<16xf32>
        %mul3A_1238 = arith.constant 8.000000e+00 : f32
        %mul3A_1239 = vector.broadcast %mul3A_1238 : f32 to vector<16xf32>
        %mul3A_1240 = arith.mulf %get3A_1237, %mul3A_1239 : vector<16xf32>
        %add3A_1241 = arith.constant 1 : i32
        %add3A_1242 = arith.addi %mul3A_1122, %add3A_1241 : i32
        %and3A_1243 = arith.constant 63 : i32
        %and3A_1244 = arith.andi %add3A_1242, %and3A_1243 : i32
        %swap3A_1245 = arith.constant 0 : i32
        %swap3A_1246 = arith.index_cast %swap3A_1245 : i32 to index
        %swap3A_1247 = arith.index_cast %and3A_1244 : i32 to index
        %swap3A_1248 = arith.constant 16 : index
        %swap3A_1249 = tpu.vector_load %arg7[%swap3A_1246, %swap3A_1247, %swap3A_1248] {strides = array<i32>} : memref<1x64x136xf32, #tpu.memory_space<vmem>>, vector<1x1x16xf32>,
        %swap3A_1250 = vector.shape_cast %swap3A_1249 : vector<1x1x16xf32> to vector<16xf32>
        %swap3A_1251 = vector.shape_cast %mul3A_1240 : vector<16xf32> to vector<1x1x16xf32>
        tpu.vector_store %arg7[%swap3A_1246, %swap3A_1247, %swap3A_1248], %swap3A_1251 {strides = array<i32>} : memref<1x64x136xf32, #tpu.memory_space<vmem>>, vector<1x1x16xf32>,
        %add3A_1252 = arith.constant 1 : i32
        %add3A_1253 = arith.addi %mul3A_1122, %add3A_1252 : i32
        %get3A_1254 = arith.constant 1 : i32
        %get3A_1255 = arith.index_cast %get3A_1254 : i32 to index
        %get3A_1256 = arith.index_cast %add3A_1253 : i32 to index
        %get3A_1257 = arith.constant 32 : index
        %get3A_1258 = tpu.vector_load %arg6[%get3A_1255, %get3A_1256, %get3A_1257] {strides = array<i32>} : memref<8x128x64xf32, #tpu.memory_space<vmem>>, vector<1x1x16xf32>,
        %get3A_1259 = vector.shape_cast %get3A_1258 : vector<1x1x16xf32> to vector<16xf32>
        %mul3A_1260 = arith.constant 8.000000e+00 : f32
        %mul3A_1261 = vector.broadcast %mul3A_1260 : f32 to vector<16xf32>
        %mul3A_1262 = arith.mulf %get3A_1259, %mul3A_1261 : vector<16xf32>
        %add3A_1263 = arith.constant 1 : i32
        %add3A_1264 = arith.addi %mul3A_1122, %add3A_1263 : i32
        %and3A_1265 = arith.constant 63 : i32
        %and3A_1266 = arith.andi %add3A_1264, %and3A_1265 : i32
        %swap3A_1267 = arith.constant 0 : i32
        %swap3A_1268 = arith.index_cast %swap3A_1267 : i32 to index
        %swap3A_1269 = arith.index_cast %and3A_1266 : i32 to index
        %swap3A_1270 = arith.constant 32 : index
        %swap3A_1271 = tpu.vector_load %arg7[%swap3A_1268, %swap3A_1269, %swap3A_1270] {strides = array<i32>} : memref<1x64x136xf32, #tpu.memory_space<vmem>>, vector<1x1x16xf32>,
        %swap3A_1272 = vector.shape_cast %swap3A_1271 : vector<1x1x16xf32> to vector<16xf32>
        %swap3A_1273 = vector.shape_cast %mul3A_1262 : vector<16xf32> to vector<1x1x16xf32>
        tpu.vector_store %arg7[%swap3A_1268, %swap3A_1269, %swap3A_1270], %swap3A_1273 {strides = array<i32>} : memref<1x64x136xf32, #tpu.memory_space<vmem>>, vector<1x1x16xf32>,
        %add3A_1274 = arith.constant 1 : i32
        %add3A_1275 = arith.addi %mul3A_1122, %add3A_1274 : i32
        %get3A_1276 = arith.constant 1 : i32
        %get3A_1277 = arith.index_cast %get3A_1276 : i32 to index
        %get3A_1278 = arith.index_cast %add3A_1275 : i32 to index
        %get3A_1279 = arith.constant 48 : index
        %get3A_1280 = tpu.vector_load %arg6[%get3A_1277, %get3A_1278, %get3A_1279] {strides = array<i32>} : memref<8x128x64xf32, #tpu.memory_space<vmem>>, vector<1x1x16xf32>,
        %get3A_1281 = vector.shape_cast %get3A_1280 : vector<1x1x16xf32> to vector<16xf32>
        %mul3A_1282 = arith.constant 8.000000e+00 : f32
        %mul3A_1283 = vector.broadcast %mul3A_1282 : f32 to vector<16xf32>
        %mul3A_1284 = arith.mulf %get3A_1281, %mul3A_1283 : vector<16xf32>
        %add3A_1285 = arith.constant 1 : i32
        %add3A_1286 = arith.addi %mul3A_1122, %add3A_1285 : i32
        %and3A_1287 = arith.constant 63 : i32
        %and3A_1288 = arith.andi %add3A_1286, %and3A_1287 : i32
        %swap3A_1289 = arith.constant 0 : i32
        %swap3A_1290 = arith.index_cast %swap3A_1289 : i32 to index
        %swap3A_1291 = arith.index_cast %and3A_1288 : i32 to index
        %swap3A_1292 = arith.constant 48 : index
        %swap3A_1293 = tpu.vector_load %arg7[%swap3A_1290, %swap3A_1291, %swap3A_1292] {strides = array<i32>} : memref<1x64x136xf32, #tpu.memory_space<vmem>>, vector<1x1x16xf32>,
        %swap3A_1294 = vector.shape_cast %swap3A_1293 : vector<1x1x16xf32> to vector<16xf32>
        %swap3A_1295 = vector.shape_cast %mul3A_1284 : vector<16xf32> to vector<1x1x16xf32>
        tpu.vector_store %arg7[%swap3A_1290, %swap3A_1291, %swap3A_1292], %swap3A_1295 {strides = array<i32>} : memref<1x64x136xf32, #tpu.memory_space<vmem>>, vector<1x1x16xf32>,
        %add3A_1296 = arith.constant 2 : i32
        %add3A_1297 = arith.addi %mul3A_1122, %add3A_1296 : i32
        %get3A_1298 = arith.constant 1 : i32
        %get3A_1299 = arith.index_cast %get3A_1298 : i32 to index
        %get3A_1300 = arith.index_cast %add3A_1297 : i32 to index
        %get3A_1301 = arith.constant 0 : index
        %get3A_1302 = tpu.vector_load %arg6[%get3A_1299, %get3A_1300, %get3A_1301] {strides = array<i32>} : memref<8x128x64xf32, #tpu.memory_space<vmem>>, vector<1x1x16xf32>,
        %get3A_1303 = vector.shape_cast %get3A_1302 : vector<1x1x16xf32> to vector<16xf32>
        %mul3A_1304 = arith.constant 8.000000e+00 : f32
        %mul3A_1305 = vector.broadcast %mul3A_1304 : f32 to vector<16xf32>
        %mul3A_1306 = arith.mulf %get3A_1303, %mul3A_1305 : vector<16xf32>
        %add3A_1307 = arith.constant 2 : i32
        %add3A_1308 = arith.addi %mul3A_1122, %add3A_1307 : i32
        %and3A_1309 = arith.constant 63 : i32
        %and3A_1310 = arith.andi %add3A_1308, %and3A_1309 : i32
        %swap3A_1311 = arith.constant 0 : i32
        %swap3A_1312 = arith.index_cast %swap3A_1311 : i32 to index
        %swap3A_1313 = arith.index_cast %and3A_1310 : i32 to index
        %swap3A_1314 = arith.constant 0 : index
        %swap3A_1315 = tpu.vector_load %arg7[%swap3A_1312, %swap3A_1313, %swap3A_1314] {strides = array<i32>} : memref<1x64x136xf32, #tpu.memory_space<vmem>>, vector<1x1x16xf32>,
        %swap3A_1316 = vector.shape_cast %swap3A_1315 : vector<1x1x16xf32> to vector<16xf32>
        %swap3A_1317 = vector.shape_cast %mul3A_1306 : vector<16xf32> to vector<1x1x16xf32>
        tpu.vector_store %arg7[%swap3A_1312, %swap3A_1313, %swap3A_1314], %swap3A_1317 {strides = array<i32>} : memref<1x64x136xf32, #tpu.memory_space<vmem>>, vector<1x1x16xf32>,
        %add3A_1318 = arith.constant 2 : i32
        %add3A_1319 = arith.addi %mul3A_1122, %add3A_1318 : i32
        %get3A_1320 = arith.constant 1 : i32
        %get3A_1321 = arith.index_cast %get3A_1320 : i32 to index
        %get3A_1322 = arith.index_cast %add3A_1319 : i32 to index
        %get3A_1323 = arith.constant 16 : index
        %get3A_1324 = tpu.vector_load %arg6[%get3A_1321, %get3A_1322, %get3A_1323] {strides = array<i32>} : memref<8x128x64xf32, #tpu.memory_space<vmem>>, vector<1x1x16xf32>,
        %get3A_1325 = vector.shape_cast %get3A_1324 : vector<1x1x16xf32> to vector<16xf32>
        %mul3A_1326 = arith.constant 8.000000e+00 : f32
        %mul3A_1327 = vector.broadcast %mul3A_1326 : f32 to vector<16xf32>
        %mul3A_1328 = arith.mulf %get3A_1325, %mul3A_1327 : vector<16xf32>
        %add3A_1329 = arith.constant 2 : i32
        %add3A_1330 = arith.addi %mul3A_1122, %add3A_1329 : i32
        %and3A_1331 = arith.constant 63 : i32
        %and3A_1332 = arith.andi %add3A_1330, %and3A_1331 : i32
        %swap3A_1333 = arith.constant 0 : i32
        %swap3A_1334 = arith.index_cast %swap3A_1333 : i32 to index
        %swap3A_1335 = arith.index_cast %and3A_1332 : i32 to index
        %swap3A_1336 = arith.constant 16 : index
        %swap3A_1337 = tpu.vector_load %arg7[%swap3A_1334, %swap3A_1335, %swap3A_1336] {strides = array<i32>} : memref<1x64x136xf32, #tpu.memory_space<vmem>>, vector<1x1x16xf32>,
        %swap3A_1338 = vector.shape_cast %swap3A_1337 : vector<1x1x16xf32> to vector<16xf32>
        %swap3A_1339 = vector.shape_cast %mul3A_1328 : vector<16xf32> to vector<1x1x16xf32>
        tpu.vector_store %arg7[%swap3A_1334, %swap3A_1335, %swap3A_1336], %swap3A_1339 {strides = array<i32>} : memref<1x64x136xf32, #tpu.memory_space<vmem>>, vector<1x1x16xf32>,
        %add3A_1340 = arith.constant 2 : i32
        %add3A_1341 = arith.addi %mul3A_1122, %add3A_1340 : i32
        %get3A_1342 = arith.constant 1 : i32
        %get3A_1343 = arith.index_cast %get3A_1342 : i32 to index
        %get3A_1344 = arith.index_cast %add3A_1341 : i32 to index
        %get3A_1345 = arith.constant 32 : index
        %get3A_1346 = tpu.vector_load %arg6[%get3A_1343, %get3A_1344, %get3A_1345] {strides = array<i32>} : memref<8x128x64xf32, #tpu.memory_space<vmem>>, vector<1x1x16xf32>,
        %get3A_1347 = vector.shape_cast %get3A_1346 : vector<1x1x16xf32> to vector<16xf32>
        %mul3A_1348 = arith.constant 8.000000e+00 : f32
        %mul3A_1349 = vector.broadcast %mul3A_1348 : f32 to vector<16xf32>
        %mul3A_1350 = arith.mulf %get3A_1347, %mul3A_1349 : vector<16xf32>
        %add3A_1351 = arith.constant 2 : i32
        %add3A_1352 = arith.addi %mul3A_1122, %add3A_1351 : i32
        %and3A_1353 = arith.constant 63 : i32
        %and3A_1354 = arith.andi %add3A_1352, %and3A_1353 : i32
        %swap3A_1355 = arith.constant 0 : i32
        %swap3A_1356 = arith.index_cast %swap3A_1355 : i32 to index
        %swap3A_1357 = arith.index_cast %and3A_1354 : i32 to index
        %swap3A_1358 = arith.constant 32 : index
        %swap3A_1359 = tpu.vector_load %arg7[%swap3A_1356, %swap3A_1357, %swap3A_1358] {strides = array<i32>} : memref<1x64x136xf32, #tpu.memory_space<vmem>>, vector<1x1x16xf32>,
        %swap3A_1360 = vector.shape_cast %swap3A_1359 : vector<1x1x16xf32> to vector<16xf32>
        %swap3A_1361 = vector.shape_cast %mul3A_1350 : vector<16xf32> to vector<1x1x16xf32>
        tpu.vector_store %arg7[%swap3A_1356, %swap3A_1357, %swap3A_1358], %swap3A_1361 {strides = array<i32>} : memref<1x64x136xf32, #tpu.memory_space<vmem>>, vector<1x1x16xf32>,
        %add3A_1362 = arith.constant 2 : i32
        %add3A_1363 = arith.addi %mul3A_1122, %add3A_1362 : i32
        %get3A_1364 = arith.constant 1 : i32
        %get3A_1365 = arith.index_cast %get3A_1364 : i32 to index
        %get3A_1366 = arith.index_cast %add3A_1363 : i32 to index
        %get3A_1367 = arith.constant 48 : index
        %get3A_1368 = tpu.vector_load %arg6[%get3A_1365, %get3A_1366, %get3A_1367] {strides = array<i32>} : memref<8x128x64xf32, #tpu.memory_space<vmem>>, vector<1x1x16xf32>,
        %get3A_1369 = vector.shape_cast %get3A_1368 : vector<1x1x16xf32> to vector<16xf32>
        %mul3A_1370 = arith.constant 8.000000e+00 : f32
        %mul3A_1371 = vector.broadcast %mul3A_1370 : f32 to vector<16xf32>
        %mul3A_1372 = arith.mulf %get3A_1369, %mul3A_1371 : vector<16xf32>
        %add3A_1373 = arith.constant 2 : i32
        %add3A_1374 = arith.addi %mul3A_1122, %add3A_1373 : i32
        %and3A_1375 = arith.constant 63 : i32
        %and3A_1376 = arith.andi %add3A_1374, %and3A_1375 : i32
        %swap3A_1377 = arith.constant 0 : i32
        %swap3A_1378 = arith.index_cast %swap3A_1377 : i32 to index
        %swap3A_1379 = arith.index_cast %and3A_1376 : i32 to index
        %swap3A_1380 = arith.constant 48 : index
        %swap3A_1381 = tpu.vector_load %arg7[%swap3A_1378, %swap3A_1379, %swap3A_1380] {strides = array<i32>} : memref<1x64x136xf32, #tpu.memory_space<vmem>>, vector<1x1x16xf32>,
        %swap3A_1382 = vector.shape_cast %swap3A_1381 : vector<1x1x16xf32> to vector<16xf32>
        %swap3A_1383 = vector.shape_cast %mul3A_1372 : vector<16xf32> to vector<1x1x16xf32>
        tpu.vector_store %arg7[%swap3A_1378, %swap3A_1379, %swap3A_1380], %swap3A_1383 {strides = array<i32>} : memref<1x64x136xf32, #tpu.memory_space<vmem>>, vector<1x1x16xf32>,
        %add3A_1384 = arith.constant 3 : i32
        %add3A_1385 = arith.addi %mul3A_1122, %add3A_1384 : i32
        %get3A_1386 = arith.constant 1 : i32
        %get3A_1387 = arith.index_cast %get3A_1386 : i32 to index
        %get3A_1388 = arith.index_cast %add3A_1385 : i32 to index
        %get3A_1389 = arith.constant 0 : index
        %get3A_1390 = tpu.vector_load %arg6[%get3A_1387, %get3A_1388, %get3A_1389] {strides = array<i32>} : memref<8x128x64xf32, #tpu.memory_space<vmem>>, vector<1x1x16xf32>,
        %get3A_1391 = vector.shape_cast %get3A_1390 : vector<1x1x16xf32> to vector<16xf32>
        %mul3A_1392 = arith.constant 8.000000e+00 : f32
        %mul3A_1393 = vector.broadcast %mul3A_1392 : f32 to vector<16xf32>
        %mul3A_1394 = arith.mulf %get3A_1391, %mul3A_1393 : vector<16xf32>
        %add3A_1395 = arith.constant 3 : i32
        %add3A_1396 = arith.addi %mul3A_1122, %add3A_1395 : i32
        %and3A_1397 = arith.constant 63 : i32
        %and3A_1398 = arith.andi %add3A_1396, %and3A_1397 : i32
        %swap3A_1399 = arith.constant 0 : i32
        %swap3A_1400 = arith.index_cast %swap3A_1399 : i32 to index
        %swap3A_1401 = arith.index_cast %and3A_1398 : i32 to index
        %swap3A_1402 = arith.constant 0 : index
        %swap3A_1403 = tpu.vector_load %arg7[%swap3A_1400, %swap3A_1401, %swap3A_1402] {strides = array<i32>} : memref<1x64x136xf32, #tpu.memory_space<vmem>>, vector<1x1x16xf32>,
        %swap3A_1404 = vector.shape_cast %swap3A_1403 : vector<1x1x16xf32> to vector<16xf32>
        %swap3A_1405 = vector.shape_cast %mul3A_1394 : vector<16xf32> to vector<1x1x16xf32>
        tpu.vector_store %arg7[%swap3A_1400, %swap3A_1401, %swap3A_1402], %swap3A_1405 {strides = array<i32>} : memref<1x64x136xf32, #tpu.memory_space<vmem>>, vector<1x1x16xf32>,
        %add3A_1406 = arith.constant 3 : i32
        %add3A_1407 = arith.addi %mul3A_1122, %add3A_1406 : i32
        %get3A_1408 = arith.constant 1 : i32
        %get3A_1409 = arith.index_cast %get3A_1408 : i32 to index
        %get3A_1410 = arith.index_cast %add3A_1407 : i32 to index
        %get3A_1411 = arith.constant 16 : index
        %get3A_1412 = tpu.vector_load %arg6[%get3A_1409, %get3A_1410, %get3A_1411] {strides = array<i32>} : memref<8x128x64xf32, #tpu.memory_space<vmem>>, vector<1x1x16xf32>,
        %get3A_1413 = vector.shape_cast %get3A_1412 : vector<1x1x16xf32> to vector<16xf32>
        %mul3A_1414 = arith.constant 8.000000e+00 : f32
        %mul3A_1415 = vector.broadcast %mul3A_1414 : f32 to vector<16xf32>
        %mul3A_1416 = arith.mulf %get3A_1413, %mul3A_1415 : vector<16xf32>
        %add3A_1417 = arith.constant 3 : i32
        %add3A_1418 = arith.addi %mul3A_1122, %add3A_1417 : i32
        %and3A_1419 = arith.constant 63 : i32
        %and3A_1420 = arith.andi %add3A_1418, %and3A_1419 : i32
        %swap3A_1421 = arith.constant 0 : i32
        %swap3A_1422 = arith.index_cast %swap3A_1421 : i32 to index
        %swap3A_1423 = arith.index_cast %and3A_1420 : i32 to index
        %swap3A_1424 = arith.constant 16 : index
        %swap3A_1425 = tpu.vector_load %arg7[%swap3A_1422, %swap3A_1423, %swap3A_1424] {strides = array<i32>} : memref<1x64x136xf32, #tpu.memory_space<vmem>>, vector<1x1x16xf32>,
        %swap3A_1426 = vector.shape_cast %swap3A_1425 : vector<1x1x16xf32> to vector<16xf32>
        %swap3A_1427 = vector.shape_cast %mul3A_1416 : vector<16xf32> to vector<1x1x16xf32>
        tpu.vector_store %arg7[%swap3A_1422, %swap3A_1423, %swap3A_1424], %swap3A_1427 {strides = array<i32>} : memref<1x64x136xf32, #tpu.memory_space<vmem>>, vector<1x1x16xf32>,
        %add3A_1428 = arith.constant 3 : i32
        %add3A_1429 = arith.addi %mul3A_1122, %add3A_1428 : i32
        %get3A_1430 = arith.constant 1 : i32
        %get3A_1431 = arith.index_cast %get3A_1430 : i32 to index
        %get3A_1432 = arith.index_cast %add3A_1429 : i32 to index
        %get3A_1433 = arith.constant 32 : index
        %get3A_1434 = tpu.vector_load %arg6[%get3A_1431, %get3A_1432, %get3A_1433] {strides = array<i32>} : memref<8x128x64xf32, #tpu.memory_space<vmem>>, vector<1x1x16xf32>,
        %get3A_1435 = vector.shape_cast %get3A_1434 : vector<1x1x16xf32> to vector<16xf32>
        %mul3A_1436 = arith.constant 8.000000e+00 : f32
        %mul3A_1437 = vector.broadcast %mul3A_1436 : f32 to vector<16xf32>
        %mul3A_1438 = arith.mulf %get3A_1435, %mul3A_1437 : vector<16xf32>
        %add3A_1439 = arith.constant 3 : i32
        %add3A_1440 = arith.addi %mul3A_1122, %add3A_1439 : i32
        %and3A_1441 = arith.constant 63 : i32
        %and3A_1442 = arith.andi %add3A_1440, %and3A_1441 : i32
        %swap3A_1443 = arith.constant 0 : i32
        %swap3A_1444 = arith.index_cast %swap3A_1443 : i32 to index
        %swap3A_1445 = arith.index_cast %and3A_1442 : i32 to index
        %swap3A_1446 = arith.constant 32 : index
        %swap3A_1447 = tpu.vector_load %arg7[%swap3A_1444, %swap3A_1445, %swap3A_1446] {strides = array<i32>} : memref<1x64x136xf32, #tpu.memory_space<vmem>>, vector<1x1x16xf32>,
        %swap3A_1448 = vector.shape_cast %swap3A_1447 : vector<1x1x16xf32> to vector<16xf32>
        %swap3A_1449 = vector.shape_cast %mul3A_1438 : vector<16xf32> to vector<1x1x16xf32>
        tpu.vector_store %arg7[%swap3A_1444, %swap3A_1445, %swap3A_1446], %swap3A_1449 {strides = array<i32>} : memref<1x64x136xf32, #tpu.memory_space<vmem>>, vector<1x1x16xf32>,
        %add3A_1450 = arith.constant 3 : i32
        %add3A_1451 = arith.addi %mul3A_1122, %add3A_1450 : i32
        %get3A_1452 = arith.constant 1 : i32
        %get3A_1453 = arith.index_cast %get3A_1452 : i32 to index
        %get3A_1454 = arith.index_cast %add3A_1451 : i32 to index
        %get3A_1455 = arith.constant 48 : index
        %get3A_1456 = tpu.vector_load %arg6[%get3A_1453, %get3A_1454, %get3A_1455] {strides = array<i32>} : memref<8x128x64xf32, #tpu.memory_space<vmem>>, vector<1x1x16xf32>,
        %get3A_1457 = vector.shape_cast %get3A_1456 : vector<1x1x16xf32> to vector<16xf32>
        %mul3A_1458 = arith.constant 8.000000e+00 : f32
        %mul3A_1459 = vector.broadcast %mul3A_1458 : f32 to vector<16xf32>
        %mul3A_1460 = arith.mulf %get3A_1457, %mul3A_1459 : vector<16xf32>
        %add3A_1461 = arith.constant 3 : i32
        %add3A_1462 = arith.addi %mul3A_1122, %add3A_1461 : i32
        %and3A_1463 = arith.constant 63 : i32
        %and3A_1464 = arith.andi %add3A_1462, %and3A_1463 : i32
        %swap3A_1465 = arith.constant 0 : i32
        %swap3A_1466 = arith.index_cast %swap3A_1465 : i32 to index
        %swap3A_1467 = arith.index_cast %and3A_1464 : i32 to index
        %swap3A_1468 = arith.constant 48 : index
        %swap3A_1469 = tpu.vector_load %arg7[%swap3A_1466, %swap3A_1467, %swap3A_1468] {strides = array<i32>} : memref<1x64x136xf32, #tpu.memory_space<vmem>>, vector<1x1x16xf32>,
        %swap3A_1470 = vector.shape_cast %swap3A_1469 : vector<1x1x16xf32> to vector<16xf32>
        %swap3A_1471 = vector.shape_cast %mul3A_1460 : vector<16xf32> to vector<1x1x16xf32>
        tpu.vector_store %arg7[%swap3A_1466, %swap3A_1467, %swap3A_1468], %swap3A_1471 {strides = array<i32>} : memref<1x64x136xf32, #tpu.memory_space<vmem>>, vector<1x1x16xf32>,
        %scan3A_1472 = arith.constant 0 : i32
        scf.yield %scan3A_1472 : i32
      }
      %scan3A_930 = arith.constant 32 : i32
      %add3A_931 = arith.constant 8 : i32
      %add3A_932 = arith.addi %add3A_909, %add3A_931 : i32
      %lt3A_933 = arith.constant 200 : i32
      %lt3A_934 = arith.cmpi slt, %add3A_932, %lt3A_933 : i32
      %convert_element_type3A_935 = arith.extui %lt3A_934 : i1 to i32
      %cond3A_936 = arith.constant 0 : i32
      %cond3A_937 = arith.cmpi ne, %convert_element_type3A_935, %cond3A_936 : i32
      scf.if %cond3A_937 {
        %add3A_1119 = arith.constant 8 : i32
        %add3A_1120 = arith.addi %add3A_909, %add3A_1119 : i32
        %dma_start3A_1121 = arith.constant 1 : i32
        %dma_start3A_1122 = arith.constant 1 : i32
        %dma_start3A_1123 = arith.constant 0 : i32
        %dma_start3A_1124 = arith.constant 0 : i32
        %dma_start3A_1125 = tpu.memref_slice %arg6[%dma_start3A_1121, %dma_start3A_1123, %dma_start3A_1124] : memref<8x128x64xf32, #tpu.memory_space<vmem>> -> memref<1x128x64xf32, #tpu.memory_space<vmem>>
        %dma_start3A_1126 = tpu.memref_squeeze %dma_start3A_1125 : memref<1x128x64xf32, #tpu.memory_space<vmem>> -> memref<128x64xf32, #tpu.memory_space<vmem>>
        %dma_start3A_1127 = arith.constant 0 : i32
        %dma_start3A_1128 = tpu.memref_slice %arg5[%add3A_1120, %dma_start3A_1127] : memref<200x128xi32, #tpu.memory_space<vmem>> -> memref<1x128xi32, #tpu.memory_space<vmem>>
        %dma_start3A_1129 = tpu.memref_squeeze %dma_start3A_1128 : memref<1x128xi32, #tpu.memory_space<vmem>> -> memref<128xi32, #tpu.memory_space<vmem>>
        %dma_start3A_1130 = arith.constant 0 : i32
        %dma_start3A_1131 = arith.constant 0 : i32
        %dma_start3A_1132 = tpu.memref_slice %arg3[%dma_start3A_1130, %dma_start3A_1131] : memref<1000000x64xf32, #tpu.memory_space<hbm>> -> memref<1000000x64xf32, #tpu.memory_space<hbm>>
        %dma_start3A_1133 = tpu.memref_slice %arg9[%dma_start3A_1122] : memref<8x!tpu.dma_semaphore, #tpu.memory_space<semaphore_mem>> -> memref<1x!tpu.dma_semaphore, #tpu.memory_space<semaphore_mem>>
        %dma_start3A_1134 = tpu.memref_squeeze %dma_start3A_1133 : memref<1x!tpu.dma_semaphore, #tpu.memory_space<semaphore_mem>> -> memref<!tpu.dma_semaphore, #tpu.memory_space<semaphore_mem>>
        tpu.enqueue_indirect_dma source(%dma_start3A_1132 : memref<1000000x64xf32, #tpu.memory_space<hbm>>) target(%dma_start3A_1126 : memref<128x64xf32, #tpu.memory_space<vmem>>) offsets(%dma_start3A_1129 : memref<128xi32, #tpu.memory_space<vmem>>) semaphore(%dma_start3A_1134 : memref<!tpu.dma_semaphore, #tpu.memory_space<semaphore_mem>>)
      } else {
      }
      %add3A_938 = arith.constant 2 : i32
      %add3A_939 = arith.addi %mul3A_880, %add3A_938 : i32
      %dma_wait3A_940 = arith.constant 2 : i32
      %dma_wait3A_941 = arith.constant 2 : i32
      %dma_wait3A_942 = arith.constant 0 : i32
      %dma_wait3A_943 = arith.constant 0 : i32
      %dma_wait3A_944 = tpu.memref_slice %arg6[%dma_wait3A_940, %dma_wait3A_942, %dma_wait3A_943] : memref<8x128x64xf32, #tpu.memory_space<vmem>> -> memref<1x128x64xf32, #tpu.memory_space<vmem>>
      %dma_wait3A_945 = tpu.memref_squeeze %dma_wait3A_944 : memref<1x128x64xf32, #tpu.memory_space<vmem>> -> memref<128x64xf32, #tpu.memory_space<vmem>>
      %dma_wait3A_946 = arith.constant 0 : i32
      %dma_wait3A_947 = tpu.memref_slice %arg5[%add3A_939, %dma_wait3A_946] : memref<200x128xi32, #tpu.memory_space<vmem>> -> memref<1x128xi32, #tpu.memory_space<vmem>>
      %dma_wait3A_948 = tpu.memref_squeeze %dma_wait3A_947 : memref<1x128xi32, #tpu.memory_space<vmem>> -> memref<128xi32, #tpu.memory_space<vmem>>
      %dma_wait3A_949 = arith.constant 0 : i32
      %dma_wait3A_950 = arith.constant 0 : i32
      %dma_wait3A_951 = tpu.memref_slice %arg3[%dma_wait3A_949, %dma_wait3A_950] : memref<1000000x64xf32, #tpu.memory_space<hbm>> -> memref<1000000x64xf32, #tpu.memory_space<hbm>>
      %dma_wait3A_952 = tpu.memref_slice %arg9[%dma_wait3A_941] : memref<8x!tpu.dma_semaphore, #tpu.memory_space<semaphore_mem>> -> memref<1x!tpu.dma_semaphore, #tpu.memory_space<semaphore_mem>>
      %dma_wait3A_953 = tpu.memref_squeeze %dma_wait3A_952 : memref<1x!tpu.dma_semaphore, #tpu.memory_space<semaphore_mem>> -> memref<!tpu.dma_semaphore, #tpu.memory_space<semaphore_mem>>
      tpu.wait_indirect_dma semaphore(%dma_wait3A_953 : memref<!tpu.dma_semaphore, #tpu.memory_space<semaphore_mem>>) src(%dma_wait3A_951 : memref<1000000x64xf32, #tpu.memory_space<hbm>>) dst(%dma_wait3A_945 : memref<128x64xf32, #tpu.memory_space<vmem>>)
      %scan3A_954 = arith.constant 0 : i32
      %scan3A_955 = arith.constant 0 : i32
      %scan3A_956 = arith.constant 32 : i32
      %scan3A_957 = arith.addi %scan3A_955, %scan3A_956 : i32
      %scan3A_958 = arith.constant 1 : i32
      %scan3A_959 = scf.for %scan3A_1119 = %scan3A_955 to %scan3A_957 step %scan3A_958 iter_args(%scan3A_1120 = %scan3A_954) -> (i32)  : i32 {
        %mul3A_1121 = arith.constant 4 : i32
        %mul3A_1122 = arith.muli %scan3A_1119, %mul3A_1121 : i32
        %add3A_1123 = arith.constant 0 : i32
        %add3A_1124 = arith.addi %mul3A_1122, %add3A_1123 : i32
        %get3A = arith.constant 2 : i32
        %get3A_1125 = arith.index_cast %get3A : i32 to index
        %get3A_1126 = arith.index_cast %add3A_1124 : i32 to index
        %get3A_1127 = arith.constant 0 : index
        %get3A_1128 = tpu.vector_load %arg6[%get3A_1125, %get3A_1126, %get3A_1127] {strides = array<i32>} : memref<8x128x64xf32, #tpu.memory_space<vmem>>, vector<1x1x16xf32>,
        %get3A_1129 = vector.shape_cast %get3A_1128 : vector<1x1x16xf32> to vector<16xf32>
        %mul3A_1130 = arith.constant 8.000000e+00 : f32
        %mul3A_1131 = vector.broadcast %mul3A_1130 : f32 to vector<16xf32>
        %mul3A_1132 = arith.mulf %get3A_1129, %mul3A_1131 : vector<16xf32>
        %add3A_1133 = arith.constant 0 : i32
        %add3A_1134 = arith.addi %mul3A_1122, %add3A_1133 : i32
        %and3A = arith.constant 63 : i32
        %and3A_1135 = arith.andi %add3A_1134, %and3A : i32
        %swap3A = arith.constant 0 : i32
        %swap3A_1136 = arith.index_cast %swap3A : i32 to index
        %swap3A_1137 = arith.index_cast %and3A_1135 : i32 to index
        %swap3A_1138 = arith.constant 0 : index
        %swap3A_1139 = tpu.vector_load %arg7[%swap3A_1136, %swap3A_1137, %swap3A_1138] {strides = array<i32>} : memref<1x64x136xf32, #tpu.memory_space<vmem>>, vector<1x1x16xf32>,
        %swap3A_1140 = vector.shape_cast %swap3A_1139 : vector<1x1x16xf32> to vector<16xf32>
        %swap3A_1141 = vector.shape_cast %mul3A_1132 : vector<16xf32> to vector<1x1x16xf32>
        tpu.vector_store %arg7[%swap3A_1136, %swap3A_1137, %swap3A_1138], %swap3A_1141 {strides = array<i32>} : memref<1x64x136xf32, #tpu.memory_space<vmem>>, vector<1x1x16xf32>,
        %add3A_1142 = arith.constant 0 : i32
        %add3A_1143 = arith.addi %mul3A_1122, %add3A_1142 : i32
        %get3A_1144 = arith.constant 2 : i32
        %get3A_1145 = arith.index_cast %get3A_1144 : i32 to index
        %get3A_1146 = arith.index_cast %add3A_1143 : i32 to index
        %get3A_1147 = arith.constant 16 : index
        %get3A_1148 = tpu.vector_load %arg6[%get3A_1145, %get3A_1146, %get3A_1147] {strides = array<i32>} : memref<8x128x64xf32, #tpu.memory_space<vmem>>, vector<1x1x16xf32>,
        %get3A_1149 = vector.shape_cast %get3A_1148 : vector<1x1x16xf32> to vector<16xf32>
        %mul3A_1150 = arith.constant 8.000000e+00 : f32
        %mul3A_1151 = vector.broadcast %mul3A_1150 : f32 to vector<16xf32>
        %mul3A_1152 = arith.mulf %get3A_1149, %mul3A_1151 : vector<16xf32>
        %add3A_1153 = arith.constant 0 : i32
        %add3A_1154 = arith.addi %mul3A_1122, %add3A_1153 : i32
        %and3A_1155 = arith.constant 63 : i32
        %and3A_1156 = arith.andi %add3A_1154, %and3A_1155 : i32
        %swap3A_1157 = arith.constant 0 : i32
        %swap3A_1158 = arith.index_cast %swap3A_1157 : i32 to index
        %swap3A_1159 = arith.index_cast %and3A_1156 : i32 to index
        %swap3A_1160 = arith.constant 16 : index
        %swap3A_1161 = tpu.vector_load %arg7[%swap3A_1158, %swap3A_1159, %swap3A_1160] {strides = array<i32>} : memref<1x64x136xf32, #tpu.memory_space<vmem>>, vector<1x1x16xf32>,
        %swap3A_1162 = vector.shape_cast %swap3A_1161 : vector<1x1x16xf32> to vector<16xf32>
        %swap3A_1163 = vector.shape_cast %mul3A_1152 : vector<16xf32> to vector<1x1x16xf32>
        tpu.vector_store %arg7[%swap3A_1158, %swap3A_1159, %swap3A_1160], %swap3A_1163 {strides = array<i32>} : memref<1x64x136xf32, #tpu.memory_space<vmem>>, vector<1x1x16xf32>,
        %add3A_1164 = arith.constant 0 : i32
        %add3A_1165 = arith.addi %mul3A_1122, %add3A_1164 : i32
        %get3A_1166 = arith.constant 2 : i32
        %get3A_1167 = arith.index_cast %get3A_1166 : i32 to index
        %get3A_1168 = arith.index_cast %add3A_1165 : i32 to index
        %get3A_1169 = arith.constant 32 : index
        %get3A_1170 = tpu.vector_load %arg6[%get3A_1167, %get3A_1168, %get3A_1169] {strides = array<i32>} : memref<8x128x64xf32, #tpu.memory_space<vmem>>, vector<1x1x16xf32>,
        %get3A_1171 = vector.shape_cast %get3A_1170 : vector<1x1x16xf32> to vector<16xf32>
        %mul3A_1172 = arith.constant 8.000000e+00 : f32
        %mul3A_1173 = vector.broadcast %mul3A_1172 : f32 to vector<16xf32>
        %mul3A_1174 = arith.mulf %get3A_1171, %mul3A_1173 : vector<16xf32>
        %add3A_1175 = arith.constant 0 : i32
        %add3A_1176 = arith.addi %mul3A_1122, %add3A_1175 : i32
        %and3A_1177 = arith.constant 63 : i32
        %and3A_1178 = arith.andi %add3A_1176, %and3A_1177 : i32
        %swap3A_1179 = arith.constant 0 : i32
        %swap3A_1180 = arith.index_cast %swap3A_1179 : i32 to index
        %swap3A_1181 = arith.index_cast %and3A_1178 : i32 to index
        %swap3A_1182 = arith.constant 32 : index
        %swap3A_1183 = tpu.vector_load %arg7[%swap3A_1180, %swap3A_1181, %swap3A_1182] {strides = array<i32>} : memref<1x64x136xf32, #tpu.memory_space<vmem>>, vector<1x1x16xf32>,
        %swap3A_1184 = vector.shape_cast %swap3A_1183 : vector<1x1x16xf32> to vector<16xf32>
        %swap3A_1185 = vector.shape_cast %mul3A_1174 : vector<16xf32> to vector<1x1x16xf32>
        tpu.vector_store %arg7[%swap3A_1180, %swap3A_1181, %swap3A_1182], %swap3A_1185 {strides = array<i32>} : memref<1x64x136xf32, #tpu.memory_space<vmem>>, vector<1x1x16xf32>,
        %add3A_1186 = arith.constant 0 : i32
        %add3A_1187 = arith.addi %mul3A_1122, %add3A_1186 : i32
        %get3A_1188 = arith.constant 2 : i32
        %get3A_1189 = arith.index_cast %get3A_1188 : i32 to index
        %get3A_1190 = arith.index_cast %add3A_1187 : i32 to index
        %get3A_1191 = arith.constant 48 : index
        %get3A_1192 = tpu.vector_load %arg6[%get3A_1189, %get3A_1190, %get3A_1191] {strides = array<i32>} : memref<8x128x64xf32, #tpu.memory_space<vmem>>, vector<1x1x16xf32>,
        %get3A_1193 = vector.shape_cast %get3A_1192 : vector<1x1x16xf32> to vector<16xf32>
        %mul3A_1194 = arith.constant 8.000000e+00 : f32
        %mul3A_1195 = vector.broadcast %mul3A_1194 : f32 to vector<16xf32>
        %mul3A_1196 = arith.mulf %get3A_1193, %mul3A_1195 : vector<16xf32>
        %add3A_1197 = arith.constant 0 : i32
        %add3A_1198 = arith.addi %mul3A_1122, %add3A_1197 : i32
        %and3A_1199 = arith.constant 63 : i32
        %and3A_1200 = arith.andi %add3A_1198, %and3A_1199 : i32
        %swap3A_1201 = arith.constant 0 : i32
        %swap3A_1202 = arith.index_cast %swap3A_1201 : i32 to index
        %swap3A_1203 = arith.index_cast %and3A_1200 : i32 to index
        %swap3A_1204 = arith.constant 48 : index
        %swap3A_1205 = tpu.vector_load %arg7[%swap3A_1202, %swap3A_1203, %swap3A_1204] {strides = array<i32>} : memref<1x64x136xf32, #tpu.memory_space<vmem>>, vector<1x1x16xf32>,
        %swap3A_1206 = vector.shape_cast %swap3A_1205 : vector<1x1x16xf32> to vector<16xf32>
        %swap3A_1207 = vector.shape_cast %mul3A_1196 : vector<16xf32> to vector<1x1x16xf32>
        tpu.vector_store %arg7[%swap3A_1202, %swap3A_1203, %swap3A_1204], %swap3A_1207 {strides = array<i32>} : memref<1x64x136xf32, #tpu.memory_space<vmem>>, vector<1x1x16xf32>,
        %add3A_1208 = arith.constant 1 : i32
        %add3A_1209 = arith.addi %mul3A_1122, %add3A_1208 : i32
        %get3A_1210 = arith.constant 2 : i32
        %get3A_1211 = arith.index_cast %get3A_1210 : i32 to index
        %get3A_1212 = arith.index_cast %add3A_1209 : i32 to index
        %get3A_1213 = arith.constant 0 : index
        %get3A_1214 = tpu.vector_load %arg6[%get3A_1211, %get3A_1212, %get3A_1213] {strides = array<i32>} : memref<8x128x64xf32, #tpu.memory_space<vmem>>, vector<1x1x16xf32>,
        %get3A_1215 = vector.shape_cast %get3A_1214 : vector<1x1x16xf32> to vector<16xf32>
        %mul3A_1216 = arith.constant 8.000000e+00 : f32
        %mul3A_1217 = vector.broadcast %mul3A_1216 : f32 to vector<16xf32>
        %mul3A_1218 = arith.mulf %get3A_1215, %mul3A_1217 : vector<16xf32>
        %add3A_1219 = arith.constant 1 : i32
        %add3A_1220 = arith.addi %mul3A_1122, %add3A_1219 : i32
        %and3A_1221 = arith.constant 63 : i32
        %and3A_1222 = arith.andi %add3A_1220, %and3A_1221 : i32
        %swap3A_1223 = arith.constant 0 : i32
        %swap3A_1224 = arith.index_cast %swap3A_1223 : i32 to index
        %swap3A_1225 = arith.index_cast %and3A_1222 : i32 to index
        %swap3A_1226 = arith.constant 0 : index
        %swap3A_1227 = tpu.vector_load %arg7[%swap3A_1224, %swap3A_1225, %swap3A_1226] {strides = array<i32>} : memref<1x64x136xf32, #tpu.memory_space<vmem>>, vector<1x1x16xf32>,
        %swap3A_1228 = vector.shape_cast %swap3A_1227 : vector<1x1x16xf32> to vector<16xf32>
        %swap3A_1229 = vector.shape_cast %mul3A_1218 : vector<16xf32> to vector<1x1x16xf32>
        tpu.vector_store %arg7[%swap3A_1224, %swap3A_1225, %swap3A_1226], %swap3A_1229 {strides = array<i32>} : memref<1x64x136xf32, #tpu.memory_space<vmem>>, vector<1x1x16xf32>,
        %add3A_1230 = arith.constant 1 : i32
        %add3A_1231 = arith.addi %mul3A_1122, %add3A_1230 : i32
        %get3A_1232 = arith.constant 2 : i32
        %get3A_1233 = arith.index_cast %get3A_1232 : i32 to index
        %get3A_1234 = arith.index_cast %add3A_1231 : i32 to index
        %get3A_1235 = arith.constant 16 : index
        %get3A_1236 = tpu.vector_load %arg6[%get3A_1233, %get3A_1234, %get3A_1235] {strides = array<i32>} : memref<8x128x64xf32, #tpu.memory_space<vmem>>, vector<1x1x16xf32>,
        %get3A_1237 = vector.shape_cast %get3A_1236 : vector<1x1x16xf32> to vector<16xf32>
        %mul3A_1238 = arith.constant 8.000000e+00 : f32
        %mul3A_1239 = vector.broadcast %mul3A_1238 : f32 to vector<16xf32>
        %mul3A_1240 = arith.mulf %get3A_1237, %mul3A_1239 : vector<16xf32>
        %add3A_1241 = arith.constant 1 : i32
        %add3A_1242 = arith.addi %mul3A_1122, %add3A_1241 : i32
        %and3A_1243 = arith.constant 63 : i32
        %and3A_1244 = arith.andi %add3A_1242, %and3A_1243 : i32
        %swap3A_1245 = arith.constant 0 : i32
        %swap3A_1246 = arith.index_cast %swap3A_1245 : i32 to index
        %swap3A_1247 = arith.index_cast %and3A_1244 : i32 to index
        %swap3A_1248 = arith.constant 16 : index
        %swap3A_1249 = tpu.vector_load %arg7[%swap3A_1246, %swap3A_1247, %swap3A_1248] {strides = array<i32>} : memref<1x64x136xf32, #tpu.memory_space<vmem>>, vector<1x1x16xf32>,
        %swap3A_1250 = vector.shape_cast %swap3A_1249 : vector<1x1x16xf32> to vector<16xf32>
        %swap3A_1251 = vector.shape_cast %mul3A_1240 : vector<16xf32> to vector<1x1x16xf32>
        tpu.vector_store %arg7[%swap3A_1246, %swap3A_1247, %swap3A_1248], %swap3A_1251 {strides = array<i32>} : memref<1x64x136xf32, #tpu.memory_space<vmem>>, vector<1x1x16xf32>,
        %add3A_1252 = arith.constant 1 : i32
        %add3A_1253 = arith.addi %mul3A_1122, %add3A_1252 : i32
        %get3A_1254 = arith.constant 2 : i32
        %get3A_1255 = arith.index_cast %get3A_1254 : i32 to index
        %get3A_1256 = arith.index_cast %add3A_1253 : i32 to index
        %get3A_1257 = arith.constant 32 : index
        %get3A_1258 = tpu.vector_load %arg6[%get3A_1255, %get3A_1256, %get3A_1257] {strides = array<i32>} : memref<8x128x64xf32, #tpu.memory_space<vmem>>, vector<1x1x16xf32>,
        %get3A_1259 = vector.shape_cast %get3A_1258 : vector<1x1x16xf32> to vector<16xf32>
        %mul3A_1260 = arith.constant 8.000000e+00 : f32
        %mul3A_1261 = vector.broadcast %mul3A_1260 : f32 to vector<16xf32>
        %mul3A_1262 = arith.mulf %get3A_1259, %mul3A_1261 : vector<16xf32>
        %add3A_1263 = arith.constant 1 : i32
        %add3A_1264 = arith.addi %mul3A_1122, %add3A_1263 : i32
        %and3A_1265 = arith.constant 63 : i32
        %and3A_1266 = arith.andi %add3A_1264, %and3A_1265 : i32
        %swap3A_1267 = arith.constant 0 : i32
        %swap3A_1268 = arith.index_cast %swap3A_1267 : i32 to index
        %swap3A_1269 = arith.index_cast %and3A_1266 : i32 to index
        %swap3A_1270 = arith.constant 32 : index
        %swap3A_1271 = tpu.vector_load %arg7[%swap3A_1268, %swap3A_1269, %swap3A_1270] {strides = array<i32>} : memref<1x64x136xf32, #tpu.memory_space<vmem>>, vector<1x1x16xf32>,
        %swap3A_1272 = vector.shape_cast %swap3A_1271 : vector<1x1x16xf32> to vector<16xf32>
        %swap3A_1273 = vector.shape_cast %mul3A_1262 : vector<16xf32> to vector<1x1x16xf32>
        tpu.vector_store %arg7[%swap3A_1268, %swap3A_1269, %swap3A_1270], %swap3A_1273 {strides = array<i32>} : memref<1x64x136xf32, #tpu.memory_space<vmem>>, vector<1x1x16xf32>,
        %add3A_1274 = arith.constant 1 : i32
        %add3A_1275 = arith.addi %mul3A_1122, %add3A_1274 : i32
        %get3A_1276 = arith.constant 2 : i32
        %get3A_1277 = arith.index_cast %get3A_1276 : i32 to index
        %get3A_1278 = arith.index_cast %add3A_1275 : i32 to index
        %get3A_1279 = arith.constant 48 : index
        %get3A_1280 = tpu.vector_load %arg6[%get3A_1277, %get3A_1278, %get3A_1279] {strides = array<i32>} : memref<8x128x64xf32, #tpu.memory_space<vmem>>, vector<1x1x16xf32>,
        %get3A_1281 = vector.shape_cast %get3A_1280 : vector<1x1x16xf32> to vector<16xf32>
        %mul3A_1282 = arith.constant 8.000000e+00 : f32
        %mul3A_1283 = vector.broadcast %mul3A_1282 : f32 to vector<16xf32>
        %mul3A_1284 = arith.mulf %get3A_1281, %mul3A_1283 : vector<16xf32>
        %add3A_1285 = arith.constant 1 : i32
        %add3A_1286 = arith.addi %mul3A_1122, %add3A_1285 : i32
        %and3A_1287 = arith.constant 63 : i32
        %and3A_1288 = arith.andi %add3A_1286, %and3A_1287 : i32
        %swap3A_1289 = arith.constant 0 : i32
        %swap3A_1290 = arith.index_cast %swap3A_1289 : i32 to index
        %swap3A_1291 = arith.index_cast %and3A_1288 : i32 to index
        %swap3A_1292 = arith.constant 48 : index
        %swap3A_1293 = tpu.vector_load %arg7[%swap3A_1290, %swap3A_1291, %swap3A_1292] {strides = array<i32>} : memref<1x64x136xf32, #tpu.memory_space<vmem>>, vector<1x1x16xf32>,
        %swap3A_1294 = vector.shape_cast %swap3A_1293 : vector<1x1x16xf32> to vector<16xf32>
        %swap3A_1295 = vector.shape_cast %mul3A_1284 : vector<16xf32> to vector<1x1x16xf32>
        tpu.vector_store %arg7[%swap3A_1290, %swap3A_1291, %swap3A_1292], %swap3A_1295 {strides = array<i32>} : memref<1x64x136xf32, #tpu.memory_space<vmem>>, vector<1x1x16xf32>,
        %add3A_1296 = arith.constant 2 : i32
        %add3A_1297 = arith.addi %mul3A_1122, %add3A_1296 : i32
        %get3A_1298 = arith.constant 2 : i32
        %get3A_1299 = arith.index_cast %get3A_1298 : i32 to index
        %get3A_1300 = arith.index_cast %add3A_1297 : i32 to index
        %get3A_1301 = arith.constant 0 : index
        %get3A_1302 = tpu.vector_load %arg6[%get3A_1299, %get3A_1300, %get3A_1301] {strides = array<i32>} : memref<8x128x64xf32, #tpu.memory_space<vmem>>, vector<1x1x16xf32>,
        %get3A_1303 = vector.shape_cast %get3A_1302 : vector<1x1x16xf32> to vector<16xf32>
        %mul3A_1304 = arith.constant 8.000000e+00 : f32
        %mul3A_1305 = vector.broadcast %mul3A_1304 : f32 to vector<16xf32>
        %mul3A_1306 = arith.mulf %get3A_1303, %mul3A_1305 : vector<16xf32>
        %add3A_1307 = arith.constant 2 : i32
        %add3A_1308 = arith.addi %mul3A_1122, %add3A_1307 : i32
        %and3A_1309 = arith.constant 63 : i32
        %and3A_1310 = arith.andi %add3A_1308, %and3A_1309 : i32
        %swap3A_1311 = arith.constant 0 : i32
        %swap3A_1312 = arith.index_cast %swap3A_1311 : i32 to index
        %swap3A_1313 = arith.index_cast %and3A_1310 : i32 to index
        %swap3A_1314 = arith.constant 0 : index
        %swap3A_1315 = tpu.vector_load %arg7[%swap3A_1312, %swap3A_1313, %swap3A_1314] {strides = array<i32>} : memref<1x64x136xf32, #tpu.memory_space<vmem>>, vector<1x1x16xf32>,
        %swap3A_1316 = vector.shape_cast %swap3A_1315 : vector<1x1x16xf32> to vector<16xf32>
        %swap3A_1317 = vector.shape_cast %mul3A_1306 : vector<16xf32> to vector<1x1x16xf32>
        tpu.vector_store %arg7[%swap3A_1312, %swap3A_1313, %swap3A_1314], %swap3A_1317 {strides = array<i32>} : memref<1x64x136xf32, #tpu.memory_space<vmem>>, vector<1x1x16xf32>,
        %add3A_1318 = arith.constant 2 : i32
        %add3A_1319 = arith.addi %mul3A_1122, %add3A_1318 : i32
        %get3A_1320 = arith.constant 2 : i32
        %get3A_1321 = arith.index_cast %get3A_1320 : i32 to index
        %get3A_1322 = arith.index_cast %add3A_1319 : i32 to index
        %get3A_1323 = arith.constant 16 : index
        %get3A_1324 = tpu.vector_load %arg6[%get3A_1321, %get3A_1322, %get3A_1323] {strides = array<i32>} : memref<8x128x64xf32, #tpu.memory_space<vmem>>, vector<1x1x16xf32>,
        %get3A_1325 = vector.shape_cast %get3A_1324 : vector<1x1x16xf32> to vector<16xf32>
        %mul3A_1326 = arith.constant 8.000000e+00 : f32
        %mul3A_1327 = vector.broadcast %mul3A_1326 : f32 to vector<16xf32>
        %mul3A_1328 = arith.mulf %get3A_1325, %mul3A_1327 : vector<16xf32>
        %add3A_1329 = arith.constant 2 : i32
        %add3A_1330 = arith.addi %mul3A_1122, %add3A_1329 : i32
        %and3A_1331 = arith.constant 63 : i32
        %and3A_1332 = arith.andi %add3A_1330, %and3A_1331 : i32
        %swap3A_1333 = arith.constant 0 : i32
        %swap3A_1334 = arith.index_cast %swap3A_1333 : i32 to index
        %swap3A_1335 = arith.index_cast %and3A_1332 : i32 to index
        %swap3A_1336 = arith.constant 16 : index
        %swap3A_1337 = tpu.vector_load %arg7[%swap3A_1334, %swap3A_1335, %swap3A_1336] {strides = array<i32>} : memref<1x64x136xf32, #tpu.memory_space<vmem>>, vector<1x1x16xf32>,
        %swap3A_1338 = vector.shape_cast %swap3A_1337 : vector<1x1x16xf32> to vector<16xf32>
        %swap3A_1339 = vector.shape_cast %mul3A_1328 : vector<16xf32> to vector<1x1x16xf32>
        tpu.vector_store %arg7[%swap3A_1334, %swap3A_1335, %swap3A_1336], %swap3A_1339 {strides = array<i32>} : memref<1x64x136xf32, #tpu.memory_space<vmem>>, vector<1x1x16xf32>,
        %add3A_1340 = arith.constant 2 : i32
        %add3A_1341 = arith.addi %mul3A_1122, %add3A_1340 : i32
        %get3A_1342 = arith.constant 2 : i32
        %get3A_1343 = arith.index_cast %get3A_1342 : i32 to index
        %get3A_1344 = arith.index_cast %add3A_1341 : i32 to index
        %get3A_1345 = arith.constant 32 : index
        %get3A_1346 = tpu.vector_load %arg6[%get3A_1343, %get3A_1344, %get3A_1345] {strides = array<i32>} : memref<8x128x64xf32, #tpu.memory_space<vmem>>, vector<1x1x16xf32>,
        %get3A_1347 = vector.shape_cast %get3A_1346 : vector<1x1x16xf32> to vector<16xf32>
        %mul3A_1348 = arith.constant 8.000000e+00 : f32
        %mul3A_1349 = vector.broadcast %mul3A_1348 : f32 to vector<16xf32>
        %mul3A_1350 = arith.mulf %get3A_1347, %mul3A_1349 : vector<16xf32>
        %add3A_1351 = arith.constant 2 : i32
        %add3A_1352 = arith.addi %mul3A_1122, %add3A_1351 : i32
        %and3A_1353 = arith.constant 63 : i32
        %and3A_1354 = arith.andi %add3A_1352, %and3A_1353 : i32
        %swap3A_1355 = arith.constant 0 : i32
        %swap3A_1356 = arith.index_cast %swap3A_1355 : i32 to index
        %swap3A_1357 = arith.index_cast %and3A_1354 : i32 to index
        %swap3A_1358 = arith.constant 32 : index
        %swap3A_1359 = tpu.vector_load %arg7[%swap3A_1356, %swap3A_1357, %swap3A_1358] {strides = array<i32>} : memref<1x64x136xf32, #tpu.memory_space<vmem>>, vector<1x1x16xf32>,
        %swap3A_1360 = vector.shape_cast %swap3A_1359 : vector<1x1x16xf32> to vector<16xf32>
        %swap3A_1361 = vector.shape_cast %mul3A_1350 : vector<16xf32> to vector<1x1x16xf32>
        tpu.vector_store %arg7[%swap3A_1356, %swap3A_1357, %swap3A_1358], %swap3A_1361 {strides = array<i32>} : memref<1x64x136xf32, #tpu.memory_space<vmem>>, vector<1x1x16xf32>,
        %add3A_1362 = arith.constant 2 : i32
        %add3A_1363 = arith.addi %mul3A_1122, %add3A_1362 : i32
        %get3A_1364 = arith.constant 2 : i32
        %get3A_1365 = arith.index_cast %get3A_1364 : i32 to index
        %get3A_1366 = arith.index_cast %add3A_1363 : i32 to index
        %get3A_1367 = arith.constant 48 : index
        %get3A_1368 = tpu.vector_load %arg6[%get3A_1365, %get3A_1366, %get3A_1367] {strides = array<i32>} : memref<8x128x64xf32, #tpu.memory_space<vmem>>, vector<1x1x16xf32>,
        %get3A_1369 = vector.shape_cast %get3A_1368 : vector<1x1x16xf32> to vector<16xf32>
        %mul3A_1370 = arith.constant 8.000000e+00 : f32
        %mul3A_1371 = vector.broadcast %mul3A_1370 : f32 to vector<16xf32>
        %mul3A_1372 = arith.mulf %get3A_1369, %mul3A_1371 : vector<16xf32>
        %add3A_1373 = arith.constant 2 : i32
        %add3A_1374 = arith.addi %mul3A_1122, %add3A_1373 : i32
        %and3A_1375 = arith.constant 63 : i32
        %and3A_1376 = arith.andi %add3A_1374, %and3A_1375 : i32
        %swap3A_1377 = arith.constant 0 : i32
        %swap3A_1378 = arith.index_cast %swap3A_1377 : i32 to index
        %swap3A_1379 = arith.index_cast %and3A_1376 : i32 to index
        %swap3A_1380 = arith.constant 48 : index
        %swap3A_1381 = tpu.vector_load %arg7[%swap3A_1378, %swap3A_1379, %swap3A_1380] {strides = array<i32>} : memref<1x64x136xf32, #tpu.memory_space<vmem>>, vector<1x1x16xf32>,
        %swap3A_1382 = vector.shape_cast %swap3A_1381 : vector<1x1x16xf32> to vector<16xf32>
        %swap3A_1383 = vector.shape_cast %mul3A_1372 : vector<16xf32> to vector<1x1x16xf32>
        tpu.vector_store %arg7[%swap3A_1378, %swap3A_1379, %swap3A_1380], %swap3A_1383 {strides = array<i32>} : memref<1x64x136xf32, #tpu.memory_space<vmem>>, vector<1x1x16xf32>,
        %add3A_1384 = arith.constant 3 : i32
        %add3A_1385 = arith.addi %mul3A_1122, %add3A_1384 : i32
        %get3A_1386 = arith.constant 2 : i32
        %get3A_1387 = arith.index_cast %get3A_1386 : i32 to index
        %get3A_1388 = arith.index_cast %add3A_1385 : i32 to index
        %get3A_1389 = arith.constant 0 : index
        %get3A_1390 = tpu.vector_load %arg6[%get3A_1387, %get3A_1388, %get3A_1389] {strides = array<i32>} : memref<8x128x64xf32, #tpu.memory_space<vmem>>, vector<1x1x16xf32>,
        %get3A_1391 = vector.shape_cast %get3A_1390 : vector<1x1x16xf32> to vector<16xf32>
        %mul3A_1392 = arith.constant 8.000000e+00 : f32
        %mul3A_1393 = vector.broadcast %mul3A_1392 : f32 to vector<16xf32>
        %mul3A_1394 = arith.mulf %get3A_1391, %mul3A_1393 : vector<16xf32>
        %add3A_1395 = arith.constant 3 : i32
        %add3A_1396 = arith.addi %mul3A_1122, %add3A_1395 : i32
        %and3A_1397 = arith.constant 63 : i32
        %and3A_1398 = arith.andi %add3A_1396, %and3A_1397 : i32
        %swap3A_1399 = arith.constant 0 : i32
        %swap3A_1400 = arith.index_cast %swap3A_1399 : i32 to index
        %swap3A_1401 = arith.index_cast %and3A_1398 : i32 to index
        %swap3A_1402 = arith.constant 0 : index
        %swap3A_1403 = tpu.vector_load %arg7[%swap3A_1400, %swap3A_1401, %swap3A_1402] {strides = array<i32>} : memref<1x64x136xf32, #tpu.memory_space<vmem>>, vector<1x1x16xf32>,
        %swap3A_1404 = vector.shape_cast %swap3A_1403 : vector<1x1x16xf32> to vector<16xf32>
        %swap3A_1405 = vector.shape_cast %mul3A_1394 : vector<16xf32> to vector<1x1x16xf32>
        tpu.vector_store %arg7[%swap3A_1400, %swap3A_1401, %swap3A_1402], %swap3A_1405 {strides = array<i32>} : memref<1x64x136xf32, #tpu.memory_space<vmem>>, vector<1x1x16xf32>,
        %add3A_1406 = arith.constant 3 : i32
        %add3A_1407 = arith.addi %mul3A_1122, %add3A_1406 : i32
        %get3A_1408 = arith.constant 2 : i32
        %get3A_1409 = arith.index_cast %get3A_1408 : i32 to index
        %get3A_1410 = arith.index_cast %add3A_1407 : i32 to index
        %get3A_1411 = arith.constant 16 : index
        %get3A_1412 = tpu.vector_load %arg6[%get3A_1409, %get3A_1410, %get3A_1411] {strides = array<i32>} : memref<8x128x64xf32, #tpu.memory_space<vmem>>, vector<1x1x16xf32>,
        %get3A_1413 = vector.shape_cast %get3A_1412 : vector<1x1x16xf32> to vector<16xf32>
        %mul3A_1414 = arith.constant 8.000000e+00 : f32
        %mul3A_1415 = vector.broadcast %mul3A_1414 : f32 to vector<16xf32>
        %mul3A_1416 = arith.mulf %get3A_1413, %mul3A_1415 : vector<16xf32>
        %add3A_1417 = arith.constant 3 : i32
        %add3A_1418 = arith.addi %mul3A_1122, %add3A_1417 : i32
        %and3A_1419 = arith.constant 63 : i32
        %and3A_1420 = arith.andi %add3A_1418, %and3A_1419 : i32
        %swap3A_1421 = arith.constant 0 : i32
        %swap3A_1422 = arith.index_cast %swap3A_1421 : i32 to index
        %swap3A_1423 = arith.index_cast %and3A_1420 : i32 to index
        %swap3A_1424 = arith.constant 16 : index
        %swap3A_1425 = tpu.vector_load %arg7[%swap3A_1422, %swap3A_1423, %swap3A_1424] {strides = array<i32>} : memref<1x64x136xf32, #tpu.memory_space<vmem>>, vector<1x1x16xf32>,
        %swap3A_1426 = vector.shape_cast %swap3A_1425 : vector<1x1x16xf32> to vector<16xf32>
        %swap3A_1427 = vector.shape_cast %mul3A_1416 : vector<16xf32> to vector<1x1x16xf32>
        tpu.vector_store %arg7[%swap3A_1422, %swap3A_1423, %swap3A_1424], %swap3A_1427 {strides = array<i32>} : memref<1x64x136xf32, #tpu.memory_space<vmem>>, vector<1x1x16xf32>,
        %add3A_1428 = arith.constant 3 : i32
        %add3A_1429 = arith.addi %mul3A_1122, %add3A_1428 : i32
        %get3A_1430 = arith.constant 2 : i32
        %get3A_1431 = arith.index_cast %get3A_1430 : i32 to index
        %get3A_1432 = arith.index_cast %add3A_1429 : i32 to index
        %get3A_1433 = arith.constant 32 : index
        %get3A_1434 = tpu.vector_load %arg6[%get3A_1431, %get3A_1432, %get3A_1433] {strides = array<i32>} : memref<8x128x64xf32, #tpu.memory_space<vmem>>, vector<1x1x16xf32>,
        %get3A_1435 = vector.shape_cast %get3A_1434 : vector<1x1x16xf32> to vector<16xf32>
        %mul3A_1436 = arith.constant 8.000000e+00 : f32
        %mul3A_1437 = vector.broadcast %mul3A_1436 : f32 to vector<16xf32>
        %mul3A_1438 = arith.mulf %get3A_1435, %mul3A_1437 : vector<16xf32>
        %add3A_1439 = arith.constant 3 : i32
        %add3A_1440 = arith.addi %mul3A_1122, %add3A_1439 : i32
        %and3A_1441 = arith.constant 63 : i32
        %and3A_1442 = arith.andi %add3A_1440, %and3A_1441 : i32
        %swap3A_1443 = arith.constant 0 : i32
        %swap3A_1444 = arith.index_cast %swap3A_1443 : i32 to index
        %swap3A_1445 = arith.index_cast %and3A_1442 : i32 to index
        %swap3A_1446 = arith.constant 32 : index
        %swap3A_1447 = tpu.vector_load %arg7[%swap3A_1444, %swap3A_1445, %swap3A_1446] {strides = array<i32>} : memref<1x64x136xf32, #tpu.memory_space<vmem>>, vector<1x1x16xf32>,
        %swap3A_1448 = vector.shape_cast %swap3A_1447 : vector<1x1x16xf32> to vector<16xf32>
        %swap3A_1449 = vector.shape_cast %mul3A_1438 : vector<16xf32> to vector<1x1x16xf32>
        tpu.vector_store %arg7[%swap3A_1444, %swap3A_1445, %swap3A_1446], %swap3A_1449 {strides = array<i32>} : memref<1x64x136xf32, #tpu.memory_space<vmem>>, vector<1x1x16xf32>,
        %add3A_1450 = arith.constant 3 : i32
        %add3A_1451 = arith.addi %mul3A_1122, %add3A_1450 : i32
        %get3A_1452 = arith.constant 2 : i32
        %get3A_1453 = arith.index_cast %get3A_1452 : i32 to index
        %get3A_1454 = arith.index_cast %add3A_1451 : i32 to index
        %get3A_1455 = arith.constant 48 : index
        %get3A_1456 = tpu.vector_load %arg6[%get3A_1453, %get3A_1454, %get3A_1455] {strides = array<i32>} : memref<8x128x64xf32, #tpu.memory_space<vmem>>, vector<1x1x16xf32>,
        %get3A_1457 = vector.shape_cast %get3A_1456 : vector<1x1x16xf32> to vector<16xf32>
        %mul3A_1458 = arith.constant 8.000000e+00 : f32
        %mul3A_1459 = vector.broadcast %mul3A_1458 : f32 to vector<16xf32>
        %mul3A_1460 = arith.mulf %get3A_1457, %mul3A_1459 : vector<16xf32>
        %add3A_1461 = arith.constant 3 : i32
        %add3A_1462 = arith.addi %mul3A_1122, %add3A_1461 : i32
        %and3A_1463 = arith.constant 63 : i32
        %and3A_1464 = arith.andi %add3A_1462, %and3A_1463 : i32
        %swap3A_1465 = arith.constant 0 : i32
        %swap3A_1466 = arith.index_cast %swap3A_1465 : i32 to index
        %swap3A_1467 = arith.index_cast %and3A_1464 : i32 to index
        %swap3A_1468 = arith.constant 48 : index
        %swap3A_1469 = tpu.vector_load %arg7[%swap3A_1466, %swap3A_1467, %swap3A_1468] {strides = array<i32>} : memref<1x64x136xf32, #tpu.memory_space<vmem>>, vector<1x1x16xf32>,
        %swap3A_1470 = vector.shape_cast %swap3A_1469 : vector<1x1x16xf32> to vector<16xf32>
        %swap3A_1471 = vector.shape_cast %mul3A_1460 : vector<16xf32> to vector<1x1x16xf32>
        tpu.vector_store %arg7[%swap3A_1466, %swap3A_1467, %swap3A_1468], %swap3A_1471 {strides = array<i32>} : memref<1x64x136xf32, #tpu.memory_space<vmem>>, vector<1x1x16xf32>,
        %scan3A_1472 = arith.constant 0 : i32
        scf.yield %scan3A_1472 : i32
      }
      %scan3A_960 = arith.constant 32 : i32
      %add3A_961 = arith.constant 8 : i32
      %add3A_962 = arith.addi %add3A_939, %add3A_961 : i32
      %lt3A_963 = arith.constant 200 : i32
      %lt3A_964 = arith.cmpi slt, %add3A_962, %lt3A_963 : i32
      %convert_element_type3A_965 = arith.extui %lt3A_964 : i1 to i32
      %cond3A_966 = arith.constant 0 : i32
      %cond3A_967 = arith.cmpi ne, %convert_element_type3A_965, %cond3A_966 : i32
      scf.if %cond3A_967 {
        %add3A_1119 = arith.constant 8 : i32
        %add3A_1120 = arith.addi %add3A_939, %add3A_1119 : i32
        %dma_start3A_1121 = arith.constant 2 : i32
        %dma_start3A_1122 = arith.constant 2 : i32
        %dma_start3A_1123 = arith.constant 0 : i32
        %dma_start3A_1124 = arith.constant 0 : i32
        %dma_start3A_1125 = tpu.memref_slice %arg6[%dma_start3A_1121, %dma_start3A_1123, %dma_start3A_1124] : memref<8x128x64xf32, #tpu.memory_space<vmem>> -> memref<1x128x64xf32, #tpu.memory_space<vmem>>
        %dma_start3A_1126 = tpu.memref_squeeze %dma_start3A_1125 : memref<1x128x64xf32, #tpu.memory_space<vmem>> -> memref<128x64xf32, #tpu.memory_space<vmem>>
        %dma_start3A_1127 = arith.constant 0 : i32
        %dma_start3A_1128 = tpu.memref_slice %arg5[%add3A_1120, %dma_start3A_1127] : memref<200x128xi32, #tpu.memory_space<vmem>> -> memref<1x128xi32, #tpu.memory_space<vmem>>
        %dma_start3A_1129 = tpu.memref_squeeze %dma_start3A_1128 : memref<1x128xi32, #tpu.memory_space<vmem>> -> memref<128xi32, #tpu.memory_space<vmem>>
        %dma_start3A_1130 = arith.constant 0 : i32
        %dma_start3A_1131 = arith.constant 0 : i32
        %dma_start3A_1132 = tpu.memref_slice %arg3[%dma_start3A_1130, %dma_start3A_1131] : memref<1000000x64xf32, #tpu.memory_space<hbm>> -> memref<1000000x64xf32, #tpu.memory_space<hbm>>
        %dma_start3A_1133 = tpu.memref_slice %arg9[%dma_start3A_1122] : memref<8x!tpu.dma_semaphore, #tpu.memory_space<semaphore_mem>> -> memref<1x!tpu.dma_semaphore, #tpu.memory_space<semaphore_mem>>
        %dma_start3A_1134 = tpu.memref_squeeze %dma_start3A_1133 : memref<1x!tpu.dma_semaphore, #tpu.memory_space<semaphore_mem>> -> memref<!tpu.dma_semaphore, #tpu.memory_space<semaphore_mem>>
        tpu.enqueue_indirect_dma source(%dma_start3A_1132 : memref<1000000x64xf32, #tpu.memory_space<hbm>>) target(%dma_start3A_1126 : memref<128x64xf32, #tpu.memory_space<vmem>>) offsets(%dma_start3A_1129 : memref<128xi32, #tpu.memory_space<vmem>>) semaphore(%dma_start3A_1134 : memref<!tpu.dma_semaphore, #tpu.memory_space<semaphore_mem>>)
      } else {
      }
      %add3A_968 = arith.constant 3 : i32
      %add3A_969 = arith.addi %mul3A_880, %add3A_968 : i32
      %dma_wait3A_970 = arith.constant 3 : i32
      %dma_wait3A_971 = arith.constant 3 : i32
      %dma_wait3A_972 = arith.constant 0 : i32
      %dma_wait3A_973 = arith.constant 0 : i32
      %dma_wait3A_974 = tpu.memref_slice %arg6[%dma_wait3A_970, %dma_wait3A_972, %dma_wait3A_973] : memref<8x128x64xf32, #tpu.memory_space<vmem>> -> memref<1x128x64xf32, #tpu.memory_space<vmem>>
      %dma_wait3A_975 = tpu.memref_squeeze %dma_wait3A_974 : memref<1x128x64xf32, #tpu.memory_space<vmem>> -> memref<128x64xf32, #tpu.memory_space<vmem>>
      %dma_wait3A_976 = arith.constant 0 : i32
      %dma_wait3A_977 = tpu.memref_slice %arg5[%add3A_969, %dma_wait3A_976] : memref<200x128xi32, #tpu.memory_space<vmem>> -> memref<1x128xi32, #tpu.memory_space<vmem>>
      %dma_wait3A_978 = tpu.memref_squeeze %dma_wait3A_977 : memref<1x128xi32, #tpu.memory_space<vmem>> -> memref<128xi32, #tpu.memory_space<vmem>>
      %dma_wait3A_979 = arith.constant 0 : i32
      %dma_wait3A_980 = arith.constant 0 : i32
      %dma_wait3A_981 = tpu.memref_slice %arg3[%dma_wait3A_979, %dma_wait3A_980] : memref<1000000x64xf32, #tpu.memory_space<hbm>> -> memref<1000000x64xf32, #tpu.memory_space<hbm>>
      %dma_wait3A_982 = tpu.memref_slice %arg9[%dma_wait3A_971] : memref<8x!tpu.dma_semaphore, #tpu.memory_space<semaphore_mem>> -> memref<1x!tpu.dma_semaphore, #tpu.memory_space<semaphore_mem>>
      %dma_wait3A_983 = tpu.memref_squeeze %dma_wait3A_982 : memref<1x!tpu.dma_semaphore, #tpu.memory_space<semaphore_mem>> -> memref<!tpu.dma_semaphore, #tpu.memory_space<semaphore_mem>>
      tpu.wait_indirect_dma semaphore(%dma_wait3A_983 : memref<!tpu.dma_semaphore, #tpu.memory_space<semaphore_mem>>) src(%dma_wait3A_981 : memref<1000000x64xf32, #tpu.memory_space<hbm>>) dst(%dma_wait3A_975 : memref<128x64xf32, #tpu.memory_space<vmem>>)
      %scan3A_984 = arith.constant 0 : i32
      %scan3A_985 = arith.constant 0 : i32
      %scan3A_986 = arith.constant 32 : i32
      %scan3A_987 = arith.addi %scan3A_985, %scan3A_986 : i32
      %scan3A_988 = arith.constant 1 : i32
      %scan3A_989 = scf.for %scan3A_1119 = %scan3A_985 to %scan3A_987 step %scan3A_988 iter_args(%scan3A_1120 = %scan3A_984) -> (i32)  : i32 {
        %mul3A_1121 = arith.constant 4 : i32
        %mul3A_1122 = arith.muli %scan3A_1119, %mul3A_1121 : i32
        %add3A_1123 = arith.constant 0 : i32
        %add3A_1124 = arith.addi %mul3A_1122, %add3A_1123 : i32
        %get3A = arith.constant 3 : i32
        %get3A_1125 = arith.index_cast %get3A : i32 to index
        %get3A_1126 = arith.index_cast %add3A_1124 : i32 to index
        %get3A_1127 = arith.constant 0 : index
        %get3A_1128 = tpu.vector_load %arg6[%get3A_1125, %get3A_1126, %get3A_1127] {strides = array<i32>} : memref<8x128x64xf32, #tpu.memory_space<vmem>>, vector<1x1x16xf32>,
        %get3A_1129 = vector.shape_cast %get3A_1128 : vector<1x1x16xf32> to vector<16xf32>
        %mul3A_1130 = arith.constant 8.000000e+00 : f32
        %mul3A_1131 = vector.broadcast %mul3A_1130 : f32 to vector<16xf32>
        %mul3A_1132 = arith.mulf %get3A_1129, %mul3A_1131 : vector<16xf32>
        %add3A_1133 = arith.constant 0 : i32
        %add3A_1134 = arith.addi %mul3A_1122, %add3A_1133 : i32
        %and3A = arith.constant 63 : i32
        %and3A_1135 = arith.andi %add3A_1134, %and3A : i32
        %swap3A = arith.constant 0 : i32
        %swap3A_1136 = arith.index_cast %swap3A : i32 to index
        %swap3A_1137 = arith.index_cast %and3A_1135 : i32 to index
        %swap3A_1138 = arith.constant 0 : index
        %swap3A_1139 = tpu.vector_load %arg7[%swap3A_1136, %swap3A_1137, %swap3A_1138] {strides = array<i32>} : memref<1x64x136xf32, #tpu.memory_space<vmem>>, vector<1x1x16xf32>,
        %swap3A_1140 = vector.shape_cast %swap3A_1139 : vector<1x1x16xf32> to vector<16xf32>
        %swap3A_1141 = vector.shape_cast %mul3A_1132 : vector<16xf32> to vector<1x1x16xf32>
        tpu.vector_store %arg7[%swap3A_1136, %swap3A_1137, %swap3A_1138], %swap3A_1141 {strides = array<i32>} : memref<1x64x136xf32, #tpu.memory_space<vmem>>, vector<1x1x16xf32>,
        %add3A_1142 = arith.constant 0 : i32
        %add3A_1143 = arith.addi %mul3A_1122, %add3A_1142 : i32
        %get3A_1144 = arith.constant 3 : i32
        %get3A_1145 = arith.index_cast %get3A_1144 : i32 to index
        %get3A_1146 = arith.index_cast %add3A_1143 : i32 to index
        %get3A_1147 = arith.constant 16 : index
        %get3A_1148 = tpu.vector_load %arg6[%get3A_1145, %get3A_1146, %get3A_1147] {strides = array<i32>} : memref<8x128x64xf32, #tpu.memory_space<vmem>>, vector<1x1x16xf32>,
        %get3A_1149 = vector.shape_cast %get3A_1148 : vector<1x1x16xf32> to vector<16xf32>
        %mul3A_1150 = arith.constant 8.000000e+00 : f32
        %mul3A_1151 = vector.broadcast %mul3A_1150 : f32 to vector<16xf32>
        %mul3A_1152 = arith.mulf %get3A_1149, %mul3A_1151 : vector<16xf32>
        %add3A_1153 = arith.constant 0 : i32
        %add3A_1154 = arith.addi %mul3A_1122, %add3A_1153 : i32
        %and3A_1155 = arith.constant 63 : i32
        %and3A_1156 = arith.andi %add3A_1154, %and3A_1155 : i32
        %swap3A_1157 = arith.constant 0 : i32
        %swap3A_1158 = arith.index_cast %swap3A_1157 : i32 to index
        %swap3A_1159 = arith.index_cast %and3A_1156 : i32 to index
        %swap3A_1160 = arith.constant 16 : index
        %swap3A_1161 = tpu.vector_load %arg7[%swap3A_1158, %swap3A_1159, %swap3A_1160] {strides = array<i32>} : memref<1x64x136xf32, #tpu.memory_space<vmem>>, vector<1x1x16xf32>,
        %swap3A_1162 = vector.shape_cast %swap3A_1161 : vector<1x1x16xf32> to vector<16xf32>
        %swap3A_1163 = vector.shape_cast %mul3A_1152 : vector<16xf32> to vector<1x1x16xf32>
        tpu.vector_store %arg7[%swap3A_1158, %swap3A_1159, %swap3A_1160], %swap3A_1163 {strides = array<i32>} : memref<1x64x136xf32, #tpu.memory_space<vmem>>, vector<1x1x16xf32>,
        %add3A_1164 = arith.constant 0 : i32
        %add3A_1165 = arith.addi %mul3A_1122, %add3A_1164 : i32
        %get3A_1166 = arith.constant 3 : i32
        %get3A_1167 = arith.index_cast %get3A_1166 : i32 to index
        %get3A_1168 = arith.index_cast %add3A_1165 : i32 to index
        %get3A_1169 = arith.constant 32 : index
        %get3A_1170 = tpu.vector_load %arg6[%get3A_1167, %get3A_1168, %get3A_1169] {strides = array<i32>} : memref<8x128x64xf32, #tpu.memory_space<vmem>>, vector<1x1x16xf32>,
        %get3A_1171 = vector.shape_cast %get3A_1170 : vector<1x1x16xf32> to vector<16xf32>
        %mul3A_1172 = arith.constant 8.000000e+00 : f32
        %mul3A_1173 = vector.broadcast %mul3A_1172 : f32 to vector<16xf32>
        %mul3A_1174 = arith.mulf %get3A_1171, %mul3A_1173 : vector<16xf32>
        %add3A_1175 = arith.constant 0 : i32
        %add3A_1176 = arith.addi %mul3A_1122, %add3A_1175 : i32
        %and3A_1177 = arith.constant 63 : i32
        %and3A_1178 = arith.andi %add3A_1176, %and3A_1177 : i32
        %swap3A_1179 = arith.constant 0 : i32
        %swap3A_1180 = arith.index_cast %swap3A_1179 : i32 to index
        %swap3A_1181 = arith.index_cast %and3A_1178 : i32 to index
        %swap3A_1182 = arith.constant 32 : index
        %swap3A_1183 = tpu.vector_load %arg7[%swap3A_1180, %swap3A_1181, %swap3A_1182] {strides = array<i32>} : memref<1x64x136xf32, #tpu.memory_space<vmem>>, vector<1x1x16xf32>,
        %swap3A_1184 = vector.shape_cast %swap3A_1183 : vector<1x1x16xf32> to vector<16xf32>
        %swap3A_1185 = vector.shape_cast %mul3A_1174 : vector<16xf32> to vector<1x1x16xf32>
        tpu.vector_store %arg7[%swap3A_1180, %swap3A_1181, %swap3A_1182], %swap3A_1185 {strides = array<i32>} : memref<1x64x136xf32, #tpu.memory_space<vmem>>, vector<1x1x16xf32>,
        %add3A_1186 = arith.constant 0 : i32
        %add3A_1187 = arith.addi %mul3A_1122, %add3A_1186 : i32
        %get3A_1188 = arith.constant 3 : i32
        %get3A_1189 = arith.index_cast %get3A_1188 : i32 to index
        %get3A_1190 = arith.index_cast %add3A_1187 : i32 to index
        %get3A_1191 = arith.constant 48 : index
        %get3A_1192 = tpu.vector_load %arg6[%get3A_1189, %get3A_1190, %get3A_1191] {strides = array<i32>} : memref<8x128x64xf32, #tpu.memory_space<vmem>>, vector<1x1x16xf32>,
        %get3A_1193 = vector.shape_cast %get3A_1192 : vector<1x1x16xf32> to vector<16xf32>
        %mul3A_1194 = arith.constant 8.000000e+00 : f32
        %mul3A_1195 = vector.broadcast %mul3A_1194 : f32 to vector<16xf32>
        %mul3A_1196 = arith.mulf %get3A_1193, %mul3A_1195 : vector<16xf32>
        %add3A_1197 = arith.constant 0 : i32
        %add3A_1198 = arith.addi %mul3A_1122, %add3A_1197 : i32
        %and3A_1199 = arith.constant 63 : i32
        %and3A_1200 = arith.andi %add3A_1198, %and3A_1199 : i32
        %swap3A_1201 = arith.constant 0 : i32
        %swap3A_1202 = arith.index_cast %swap3A_1201 : i32 to index
        %swap3A_1203 = arith.index_cast %and3A_1200 : i32 to index
        %swap3A_1204 = arith.constant 48 : index
        %swap3A_1205 = tpu.vector_load %arg7[%swap3A_1202, %swap3A_1203, %swap3A_1204] {strides = array<i32>} : memref<1x64x136xf32, #tpu.memory_space<vmem>>, vector<1x1x16xf32>,
        %swap3A_1206 = vector.shape_cast %swap3A_1205 : vector<1x1x16xf32> to vector<16xf32>
        %swap3A_1207 = vector.shape_cast %mul3A_1196 : vector<16xf32> to vector<1x1x16xf32>
        tpu.vector_store %arg7[%swap3A_1202, %swap3A_1203, %swap3A_1204], %swap3A_1207 {strides = array<i32>} : memref<1x64x136xf32, #tpu.memory_space<vmem>>, vector<1x1x16xf32>,
        %add3A_1208 = arith.constant 1 : i32
        %add3A_1209 = arith.addi %mul3A_1122, %add3A_1208 : i32
        %get3A_1210 = arith.constant 3 : i32
        %get3A_1211 = arith.index_cast %get3A_1210 : i32 to index
        %get3A_1212 = arith.index_cast %add3A_1209 : i32 to index
        %get3A_1213 = arith.constant 0 : index
        %get3A_1214 = tpu.vector_load %arg6[%get3A_1211, %get3A_1212, %get3A_1213] {strides = array<i32>} : memref<8x128x64xf32, #tpu.memory_space<vmem>>, vector<1x1x16xf32>,
        %get3A_1215 = vector.shape_cast %get3A_1214 : vector<1x1x16xf32> to vector<16xf32>
        %mul3A_1216 = arith.constant 8.000000e+00 : f32
        %mul3A_1217 = vector.broadcast %mul3A_1216 : f32 to vector<16xf32>
        %mul3A_1218 = arith.mulf %get3A_1215, %mul3A_1217 : vector<16xf32>
        %add3A_1219 = arith.constant 1 : i32
        %add3A_1220 = arith.addi %mul3A_1122, %add3A_1219 : i32
        %and3A_1221 = arith.constant 63 : i32
        %and3A_1222 = arith.andi %add3A_1220, %and3A_1221 : i32
        %swap3A_1223 = arith.constant 0 : i32
        %swap3A_1224 = arith.index_cast %swap3A_1223 : i32 to index
        %swap3A_1225 = arith.index_cast %and3A_1222 : i32 to index
        %swap3A_1226 = arith.constant 0 : index
        %swap3A_1227 = tpu.vector_load %arg7[%swap3A_1224, %swap3A_1225, %swap3A_1226] {strides = array<i32>} : memref<1x64x136xf32, #tpu.memory_space<vmem>>, vector<1x1x16xf32>,
        %swap3A_1228 = vector.shape_cast %swap3A_1227 : vector<1x1x16xf32> to vector<16xf32>
        %swap3A_1229 = vector.shape_cast %mul3A_1218 : vector<16xf32> to vector<1x1x16xf32>
        tpu.vector_store %arg7[%swap3A_1224, %swap3A_1225, %swap3A_1226], %swap3A_1229 {strides = array<i32>} : memref<1x64x136xf32, #tpu.memory_space<vmem>>, vector<1x1x16xf32>,
        %add3A_1230 = arith.constant 1 : i32
        %add3A_1231 = arith.addi %mul3A_1122, %add3A_1230 : i32
        %get3A_1232 = arith.constant 3 : i32
        %get3A_1233 = arith.index_cast %get3A_1232 : i32 to index
        %get3A_1234 = arith.index_cast %add3A_1231 : i32 to index
        %get3A_1235 = arith.constant 16 : index
        %get3A_1236 = tpu.vector_load %arg6[%get3A_1233, %get3A_1234, %get3A_1235] {strides = array<i32>} : memref<8x128x64xf32, #tpu.memory_space<vmem>>, vector<1x1x16xf32>,
        %get3A_1237 = vector.shape_cast %get3A_1236 : vector<1x1x16xf32> to vector<16xf32>
        %mul3A_1238 = arith.constant 8.000000e+00 : f32
        %mul3A_1239 = vector.broadcast %mul3A_1238 : f32 to vector<16xf32>
        %mul3A_1240 = arith.mulf %get3A_1237, %mul3A_1239 : vector<16xf32>
        %add3A_1241 = arith.constant 1 : i32
        %add3A_1242 = arith.addi %mul3A_1122, %add3A_1241 : i32
        %and3A_1243 = arith.constant 63 : i32
        %and3A_1244 = arith.andi %add3A_1242, %and3A_1243 : i32
        %swap3A_1245 = arith.constant 0 : i32
        %swap3A_1246 = arith.index_cast %swap3A_1245 : i32 to index
        %swap3A_1247 = arith.index_cast %and3A_1244 : i32 to index
        %swap3A_1248 = arith.constant 16 : index
        %swap3A_1249 = tpu.vector_load %arg7[%swap3A_1246, %swap3A_1247, %swap3A_1248] {strides = array<i32>} : memref<1x64x136xf32, #tpu.memory_space<vmem>>, vector<1x1x16xf32>,
        %swap3A_1250 = vector.shape_cast %swap3A_1249 : vector<1x1x16xf32> to vector<16xf32>
        %swap3A_1251 = vector.shape_cast %mul3A_1240 : vector<16xf32> to vector<1x1x16xf32>
        tpu.vector_store %arg7[%swap3A_1246, %swap3A_1247, %swap3A_1248], %swap3A_1251 {strides = array<i32>} : memref<1x64x136xf32, #tpu.memory_space<vmem>>, vector<1x1x16xf32>,
        %add3A_1252 = arith.constant 1 : i32
        %add3A_1253 = arith.addi %mul3A_1122, %add3A_1252 : i32
        %get3A_1254 = arith.constant 3 : i32
        %get3A_1255 = arith.index_cast %get3A_1254 : i32 to index
        %get3A_1256 = arith.index_cast %add3A_1253 : i32 to index
        %get3A_1257 = arith.constant 32 : index
        %get3A_1258 = tpu.vector_load %arg6[%get3A_1255, %get3A_1256, %get3A_1257] {strides = array<i32>} : memref<8x128x64xf32, #tpu.memory_space<vmem>>, vector<1x1x16xf32>,
        %get3A_1259 = vector.shape_cast %get3A_1258 : vector<1x1x16xf32> to vector<16xf32>
        %mul3A_1260 = arith.constant 8.000000e+00 : f32
        %mul3A_1261 = vector.broadcast %mul3A_1260 : f32 to vector<16xf32>
        %mul3A_1262 = arith.mulf %get3A_1259, %mul3A_1261 : vector<16xf32>
        %add3A_1263 = arith.constant 1 : i32
        %add3A_1264 = arith.addi %mul3A_1122, %add3A_1263 : i32
        %and3A_1265 = arith.constant 63 : i32
        %and3A_1266 = arith.andi %add3A_1264, %and3A_1265 : i32
        %swap3A_1267 = arith.constant 0 : i32
        %swap3A_1268 = arith.index_cast %swap3A_1267 : i32 to index
        %swap3A_1269 = arith.index_cast %and3A_1266 : i32 to index
        %swap3A_1270 = arith.constant 32 : index
        %swap3A_1271 = tpu.vector_load %arg7[%swap3A_1268, %swap3A_1269, %swap3A_1270] {strides = array<i32>} : memref<1x64x136xf32, #tpu.memory_space<vmem>>, vector<1x1x16xf32>,
        %swap3A_1272 = vector.shape_cast %swap3A_1271 : vector<1x1x16xf32> to vector<16xf32>
        %swap3A_1273 = vector.shape_cast %mul3A_1262 : vector<16xf32> to vector<1x1x16xf32>
        tpu.vector_store %arg7[%swap3A_1268, %swap3A_1269, %swap3A_1270], %swap3A_1273 {strides = array<i32>} : memref<1x64x136xf32, #tpu.memory_space<vmem>>, vector<1x1x16xf32>,
        %add3A_1274 = arith.constant 1 : i32
        %add3A_1275 = arith.addi %mul3A_1122, %add3A_1274 : i32
        %get3A_1276 = arith.constant 3 : i32
        %get3A_1277 = arith.index_cast %get3A_1276 : i32 to index
        %get3A_1278 = arith.index_cast %add3A_1275 : i32 to index
        %get3A_1279 = arith.constant 48 : index
        %get3A_1280 = tpu.vector_load %arg6[%get3A_1277, %get3A_1278, %get3A_1279] {strides = array<i32>} : memref<8x128x64xf32, #tpu.memory_space<vmem>>, vector<1x1x16xf32>,
        %get3A_1281 = vector.shape_cast %get3A_1280 : vector<1x1x16xf32> to vector<16xf32>
        %mul3A_1282 = arith.constant 8.000000e+00 : f32
        %mul3A_1283 = vector.broadcast %mul3A_1282 : f32 to vector<16xf32>
        %mul3A_1284 = arith.mulf %get3A_1281, %mul3A_1283 : vector<16xf32>
        %add3A_1285 = arith.constant 1 : i32
        %add3A_1286 = arith.addi %mul3A_1122, %add3A_1285 : i32
        %and3A_1287 = arith.constant 63 : i32
        %and3A_1288 = arith.andi %add3A_1286, %and3A_1287 : i32
        %swap3A_1289 = arith.constant 0 : i32
        %swap3A_1290 = arith.index_cast %swap3A_1289 : i32 to index
        %swap3A_1291 = arith.index_cast %and3A_1288 : i32 to index
        %swap3A_1292 = arith.constant 48 : index
        %swap3A_1293 = tpu.vector_load %arg7[%swap3A_1290, %swap3A_1291, %swap3A_1292] {strides = array<i32>} : memref<1x64x136xf32, #tpu.memory_space<vmem>>, vector<1x1x16xf32>,
        %swap3A_1294 = vector.shape_cast %swap3A_1293 : vector<1x1x16xf32> to vector<16xf32>
        %swap3A_1295 = vector.shape_cast %mul3A_1284 : vector<16xf32> to vector<1x1x16xf32>
        tpu.vector_store %arg7[%swap3A_1290, %swap3A_1291, %swap3A_1292], %swap3A_1295 {strides = array<i32>} : memref<1x64x136xf32, #tpu.memory_space<vmem>>, vector<1x1x16xf32>,
        %add3A_1296 = arith.constant 2 : i32
        %add3A_1297 = arith.addi %mul3A_1122, %add3A_1296 : i32
        %get3A_1298 = arith.constant 3 : i32
        %get3A_1299 = arith.index_cast %get3A_1298 : i32 to index
        %get3A_1300 = arith.index_cast %add3A_1297 : i32 to index
        %get3A_1301 = arith.constant 0 : index
        %get3A_1302 = tpu.vector_load %arg6[%get3A_1299, %get3A_1300, %get3A_1301] {strides = array<i32>} : memref<8x128x64xf32, #tpu.memory_space<vmem>>, vector<1x1x16xf32>,
        %get3A_1303 = vector.shape_cast %get3A_1302 : vector<1x1x16xf32> to vector<16xf32>
        %mul3A_1304 = arith.constant 8.000000e+00 : f32
        %mul3A_1305 = vector.broadcast %mul3A_1304 : f32 to vector<16xf32>
        %mul3A_1306 = arith.mulf %get3A_1303, %mul3A_1305 : vector<16xf32>
        %add3A_1307 = arith.constant 2 : i32
        %add3A_1308 = arith.addi %mul3A_1122, %add3A_1307 : i32
        %and3A_1309 = arith.constant 63 : i32
        %and3A_1310 = arith.andi %add3A_1308, %and3A_1309 : i32
        %swap3A_1311 = arith.constant 0 : i32
        %swap3A_1312 = arith.index_cast %swap3A_1311 : i32 to index
        %swap3A_1313 = arith.index_cast %and3A_1310 : i32 to index
        %swap3A_1314 = arith.constant 0 : index
        %swap3A_1315 = tpu.vector_load %arg7[%swap3A_1312, %swap3A_1313, %swap3A_1314] {strides = array<i32>} : memref<1x64x136xf32, #tpu.memory_space<vmem>>, vector<1x1x16xf32>,
        %swap3A_1316 = vector.shape_cast %swap3A_1315 : vector<1x1x16xf32> to vector<16xf32>
        %swap3A_1317 = vector.shape_cast %mul3A_1306 : vector<16xf32> to vector<1x1x16xf32>
        tpu.vector_store %arg7[%swap3A_1312, %swap3A_1313, %swap3A_1314], %swap3A_1317 {strides = array<i32>} : memref<1x64x136xf32, #tpu.memory_space<vmem>>, vector<1x1x16xf32>,
        %add3A_1318 = arith.constant 2 : i32
        %add3A_1319 = arith.addi %mul3A_1122, %add3A_1318 : i32
        %get3A_1320 = arith.constant 3 : i32
        %get3A_1321 = arith.index_cast %get3A_1320 : i32 to index
        %get3A_1322 = arith.index_cast %add3A_1319 : i32 to index
        %get3A_1323 = arith.constant 16 : index
        %get3A_1324 = tpu.vector_load %arg6[%get3A_1321, %get3A_1322, %get3A_1323] {strides = array<i32>} : memref<8x128x64xf32, #tpu.memory_space<vmem>>, vector<1x1x16xf32>,
        %get3A_1325 = vector.shape_cast %get3A_1324 : vector<1x1x16xf32> to vector<16xf32>
        %mul3A_1326 = arith.constant 8.000000e+00 : f32
        %mul3A_1327 = vector.broadcast %mul3A_1326 : f32 to vector<16xf32>
        %mul3A_1328 = arith.mulf %get3A_1325, %mul3A_1327 : vector<16xf32>
        %add3A_1329 = arith.constant 2 : i32
        %add3A_1330 = arith.addi %mul3A_1122, %add3A_1329 : i32
        %and3A_1331 = arith.constant 63 : i32
        %and3A_1332 = arith.andi %add3A_1330, %and3A_1331 : i32
        %swap3A_1333 = arith.constant 0 : i32
        %swap3A_1334 = arith.index_cast %swap3A_1333 : i32 to index
        %swap3A_1335 = arith.index_cast %and3A_1332 : i32 to index
        %swap3A_1336 = arith.constant 16 : index
        %swap3A_1337 = tpu.vector_load %arg7[%swap3A_1334, %swap3A_1335, %swap3A_1336] {strides = array<i32>} : memref<1x64x136xf32, #tpu.memory_space<vmem>>, vector<1x1x16xf32>,
        %swap3A_1338 = vector.shape_cast %swap3A_1337 : vector<1x1x16xf32> to vector<16xf32>
        %swap3A_1339 = vector.shape_cast %mul3A_1328 : vector<16xf32> to vector<1x1x16xf32>
        tpu.vector_store %arg7[%swap3A_1334, %swap3A_1335, %swap3A_1336], %swap3A_1339 {strides = array<i32>} : memref<1x64x136xf32, #tpu.memory_space<vmem>>, vector<1x1x16xf32>,
        %add3A_1340 = arith.constant 2 : i32
        %add3A_1341 = arith.addi %mul3A_1122, %add3A_1340 : i32
        %get3A_1342 = arith.constant 3 : i32
        %get3A_1343 = arith.index_cast %get3A_1342 : i32 to index
        %get3A_1344 = arith.index_cast %add3A_1341 : i32 to index
        %get3A_1345 = arith.constant 32 : index
        %get3A_1346 = tpu.vector_load %arg6[%get3A_1343, %get3A_1344, %get3A_1345] {strides = array<i32>} : memref<8x128x64xf32, #tpu.memory_space<vmem>>, vector<1x1x16xf32>,
        %get3A_1347 = vector.shape_cast %get3A_1346 : vector<1x1x16xf32> to vector<16xf32>
        %mul3A_1348 = arith.constant 8.000000e+00 : f32
        %mul3A_1349 = vector.broadcast %mul3A_1348 : f32 to vector<16xf32>
        %mul3A_1350 = arith.mulf %get3A_1347, %mul3A_1349 : vector<16xf32>
        %add3A_1351 = arith.constant 2 : i32
        %add3A_1352 = arith.addi %mul3A_1122, %add3A_1351 : i32
        %and3A_1353 = arith.constant 63 : i32
        %and3A_1354 = arith.andi %add3A_1352, %and3A_1353 : i32
        %swap3A_1355 = arith.constant 0 : i32
        %swap3A_1356 = arith.index_cast %swap3A_1355 : i32 to index
        %swap3A_1357 = arith.index_cast %and3A_1354 : i32 to index
        %swap3A_1358 = arith.constant 32 : index
        %swap3A_1359 = tpu.vector_load %arg7[%swap3A_1356, %swap3A_1357, %swap3A_1358] {strides = array<i32>} : memref<1x64x136xf32, #tpu.memory_space<vmem>>, vector<1x1x16xf32>,
        %swap3A_1360 = vector.shape_cast %swap3A_1359 : vector<1x1x16xf32> to vector<16xf32>
        %swap3A_1361 = vector.shape_cast %mul3A_1350 : vector<16xf32> to vector<1x1x16xf32>
        tpu.vector_store %arg7[%swap3A_1356, %swap3A_1357, %swap3A_1358], %swap3A_1361 {strides = array<i32>} : memref<1x64x136xf32, #tpu.memory_space<vmem>>, vector<1x1x16xf32>,
        %add3A_1362 = arith.constant 2 : i32
        %add3A_1363 = arith.addi %mul3A_1122, %add3A_1362 : i32
        %get3A_1364 = arith.constant 3 : i32
        %get3A_1365 = arith.index_cast %get3A_1364 : i32 to index
        %get3A_1366 = arith.index_cast %add3A_1363 : i32 to index
        %get3A_1367 = arith.constant 48 : index
        %get3A_1368 = tpu.vector_load %arg6[%get3A_1365, %get3A_1366, %get3A_1367] {strides = array<i32>} : memref<8x128x64xf32, #tpu.memory_space<vmem>>, vector<1x1x16xf32>,
        %get3A_1369 = vector.shape_cast %get3A_1368 : vector<1x1x16xf32> to vector<16xf32>
        %mul3A_1370 = arith.constant 8.000000e+00 : f32
        %mul3A_1371 = vector.broadcast %mul3A_1370 : f32 to vector<16xf32>
        %mul3A_1372 = arith.mulf %get3A_1369, %mul3A_1371 : vector<16xf32>
        %add3A_1373 = arith.constant 2 : i32
        %add3A_1374 = arith.addi %mul3A_1122, %add3A_1373 : i32
        %and3A_1375 = arith.constant 63 : i32
        %and3A_1376 = arith.andi %add3A_1374, %and3A_1375 : i32
        %swap3A_1377 = arith.constant 0 : i32
        %swap3A_1378 = arith.index_cast %swap3A_1377 : i32 to index
        %swap3A_1379 = arith.index_cast %and3A_1376 : i32 to index
        %swap3A_1380 = arith.constant 48 : index
        %swap3A_1381 = tpu.vector_load %arg7[%swap3A_1378, %swap3A_1379, %swap3A_1380] {strides = array<i32>} : memref<1x64x136xf32, #tpu.memory_space<vmem>>, vector<1x1x16xf32>,
        %swap3A_1382 = vector.shape_cast %swap3A_1381 : vector<1x1x16xf32> to vector<16xf32>
        %swap3A_1383 = vector.shape_cast %mul3A_1372 : vector<16xf32> to vector<1x1x16xf32>
        tpu.vector_store %arg7[%swap3A_1378, %swap3A_1379, %swap3A_1380], %swap3A_1383 {strides = array<i32>} : memref<1x64x136xf32, #tpu.memory_space<vmem>>, vector<1x1x16xf32>,
        %add3A_1384 = arith.constant 3 : i32
        %add3A_1385 = arith.addi %mul3A_1122, %add3A_1384 : i32
        %get3A_1386 = arith.constant 3 : i32
        %get3A_1387 = arith.index_cast %get3A_1386 : i32 to index
        %get3A_1388 = arith.index_cast %add3A_1385 : i32 to index
        %get3A_1389 = arith.constant 0 : index
        %get3A_1390 = tpu.vector_load %arg6[%get3A_1387, %get3A_1388, %get3A_1389] {strides = array<i32>} : memref<8x128x64xf32, #tpu.memory_space<vmem>>, vector<1x1x16xf32>,
        %get3A_1391 = vector.shape_cast %get3A_1390 : vector<1x1x16xf32> to vector<16xf32>
        %mul3A_1392 = arith.constant 8.000000e+00 : f32
        %mul3A_1393 = vector.broadcast %mul3A_1392 : f32 to vector<16xf32>
        %mul3A_1394 = arith.mulf %get3A_1391, %mul3A_1393 : vector<16xf32>
        %add3A_1395 = arith.constant 3 : i32
        %add3A_1396 = arith.addi %mul3A_1122, %add3A_1395 : i32
        %and3A_1397 = arith.constant 63 : i32
        %and3A_1398 = arith.andi %add3A_1396, %and3A_1397 : i32
        %swap3A_1399 = arith.constant 0 : i32
        %swap3A_1400 = arith.index_cast %swap3A_1399 : i32 to index
        %swap3A_1401 = arith.index_cast %and3A_1398 : i32 to index
        %swap3A_1402 = arith.constant 0 : index
        %swap3A_1403 = tpu.vector_load %arg7[%swap3A_1400, %swap3A_1401, %swap3A_1402] {strides = array<i32>} : memref<1x64x136xf32, #tpu.memory_space<vmem>>, vector<1x1x16xf32>,
        %swap3A_1404 = vector.shape_cast %swap3A_1403 : vector<1x1x16xf32> to vector<16xf32>
        %swap3A_1405 = vector.shape_cast %mul3A_1394 : vector<16xf32> to vector<1x1x16xf32>
        tpu.vector_store %arg7[%swap3A_1400, %swap3A_1401, %swap3A_1402], %swap3A_1405 {strides = array<i32>} : memref<1x64x136xf32, #tpu.memory_space<vmem>>, vector<1x1x16xf32>,
        %add3A_1406 = arith.constant 3 : i32
        %add3A_1407 = arith.addi %mul3A_1122, %add3A_1406 : i32
        %get3A_1408 = arith.constant 3 : i32
        %get3A_1409 = arith.index_cast %get3A_1408 : i32 to index
        %get3A_1410 = arith.index_cast %add3A_1407 : i32 to index
        %get3A_1411 = arith.constant 16 : index
        %get3A_1412 = tpu.vector_load %arg6[%get3A_1409, %get3A_1410, %get3A_1411] {strides = array<i32>} : memref<8x128x64xf32, #tpu.memory_space<vmem>>, vector<1x1x16xf32>,
        %get3A_1413 = vector.shape_cast %get3A_1412 : vector<1x1x16xf32> to vector<16xf32>
        %mul3A_1414 = arith.constant 8.000000e+00 : f32
        %mul3A_1415 = vector.broadcast %mul3A_1414 : f32 to vector<16xf32>
        %mul3A_1416 = arith.mulf %get3A_1413, %mul3A_1415 : vector<16xf32>
        %add3A_1417 = arith.constant 3 : i32
        %add3A_1418 = arith.addi %mul3A_1122, %add3A_1417 : i32
        %and3A_1419 = arith.constant 63 : i32
        %and3A_1420 = arith.andi %add3A_1418, %and3A_1419 : i32
        %swap3A_1421 = arith.constant 0 : i32
        %swap3A_1422 = arith.index_cast %swap3A_1421 : i32 to index
        %swap3A_1423 = arith.index_cast %and3A_1420 : i32 to index
        %swap3A_1424 = arith.constant 16 : index
        %swap3A_1425 = tpu.vector_load %arg7[%swap3A_1422, %swap3A_1423, %swap3A_1424] {strides = array<i32>} : memref<1x64x136xf32, #tpu.memory_space<vmem>>, vector<1x1x16xf32>,
        %swap3A_1426 = vector.shape_cast %swap3A_1425 : vector<1x1x16xf32> to vector<16xf32>
        %swap3A_1427 = vector.shape_cast %mul3A_1416 : vector<16xf32> to vector<1x1x16xf32>
        tpu.vector_store %arg7[%swap3A_1422, %swap3A_1423, %swap3A_1424], %swap3A_1427 {strides = array<i32>} : memref<1x64x136xf32, #tpu.memory_space<vmem>>, vector<1x1x16xf32>,
        %add3A_1428 = arith.constant 3 : i32
        %add3A_1429 = arith.addi %mul3A_1122, %add3A_1428 : i32
        %get3A_1430 = arith.constant 3 : i32
        %get3A_1431 = arith.index_cast %get3A_1430 : i32 to index
        %get3A_1432 = arith.index_cast %add3A_1429 : i32 to index
        %get3A_1433 = arith.constant 32 : index
        %get3A_1434 = tpu.vector_load %arg6[%get3A_1431, %get3A_1432, %get3A_1433] {strides = array<i32>} : memref<8x128x64xf32, #tpu.memory_space<vmem>>, vector<1x1x16xf32>,
        %get3A_1435 = vector.shape_cast %get3A_1434 : vector<1x1x16xf32> to vector<16xf32>
        %mul3A_1436 = arith.constant 8.000000e+00 : f32
        %mul3A_1437 = vector.broadcast %mul3A_1436 : f32 to vector<16xf32>
        %mul3A_1438 = arith.mulf %get3A_1435, %mul3A_1437 : vector<16xf32>
        %add3A_1439 = arith.constant 3 : i32
        %add3A_1440 = arith.addi %mul3A_1122, %add3A_1439 : i32
        %and3A_1441 = arith.constant 63 : i32
        %and3A_1442 = arith.andi %add3A_1440, %and3A_1441 : i32
        %swap3A_1443 = arith.constant 0 : i32
        %swap3A_1444 = arith.index_cast %swap3A_1443 : i32 to index
        %swap3A_1445 = arith.index_cast %and3A_1442 : i32 to index
        %swap3A_1446 = arith.constant 32 : index
        %swap3A_1447 = tpu.vector_load %arg7[%swap3A_1444, %swap3A_1445, %swap3A_1446] {strides = array<i32>} : memref<1x64x136xf32, #tpu.memory_space<vmem>>, vector<1x1x16xf32>,
        %swap3A_1448 = vector.shape_cast %swap3A_1447 : vector<1x1x16xf32> to vector<16xf32>
        %swap3A_1449 = vector.shape_cast %mul3A_1438 : vector<16xf32> to vector<1x1x16xf32>
        tpu.vector_store %arg7[%swap3A_1444, %swap3A_1445, %swap3A_1446], %swap3A_1449 {strides = array<i32>} : memref<1x64x136xf32, #tpu.memory_space<vmem>>, vector<1x1x16xf32>,
        %add3A_1450 = arith.constant 3 : i32
        %add3A_1451 = arith.addi %mul3A_1122, %add3A_1450 : i32
        %get3A_1452 = arith.constant 3 : i32
        %get3A_1453 = arith.index_cast %get3A_1452 : i32 to index
        %get3A_1454 = arith.index_cast %add3A_1451 : i32 to index
        %get3A_1455 = arith.constant 48 : index
        %get3A_1456 = tpu.vector_load %arg6[%get3A_1453, %get3A_1454, %get3A_1455] {strides = array<i32>} : memref<8x128x64xf32, #tpu.memory_space<vmem>>, vector<1x1x16xf32>,
        %get3A_1457 = vector.shape_cast %get3A_1456 : vector<1x1x16xf32> to vector<16xf32>
        %mul3A_1458 = arith.constant 8.000000e+00 : f32
        %mul3A_1459 = vector.broadcast %mul3A_1458 : f32 to vector<16xf32>
        %mul3A_1460 = arith.mulf %get3A_1457, %mul3A_1459 : vector<16xf32>
        %add3A_1461 = arith.constant 3 : i32
        %add3A_1462 = arith.addi %mul3A_1122, %add3A_1461 : i32
        %and3A_1463 = arith.constant 63 : i32
        %and3A_1464 = arith.andi %add3A_1462, %and3A_1463 : i32
        %swap3A_1465 = arith.constant 0 : i32
        %swap3A_1466 = arith.index_cast %swap3A_1465 : i32 to index
        %swap3A_1467 = arith.index_cast %and3A_1464 : i32 to index
        %swap3A_1468 = arith.constant 48 : index
        %swap3A_1469 = tpu.vector_load %arg7[%swap3A_1466, %swap3A_1467, %swap3A_1468] {strides = array<i32>} : memref<1x64x136xf32, #tpu.memory_space<vmem>>, vector<1x1x16xf32>,
        %swap3A_1470 = vector.shape_cast %swap3A_1469 : vector<1x1x16xf32> to vector<16xf32>
        %swap3A_1471 = vector.shape_cast %mul3A_1460 : vector<16xf32> to vector<1x1x16xf32>
        tpu.vector_store %arg7[%swap3A_1466, %swap3A_1467, %swap3A_1468], %swap3A_1471 {strides = array<i32>} : memref<1x64x136xf32, #tpu.memory_space<vmem>>, vector<1x1x16xf32>,
        %scan3A_1472 = arith.constant 0 : i32
        scf.yield %scan3A_1472 : i32
      }
      %scan3A_990 = arith.constant 32 : i32
      %add3A_991 = arith.constant 8 : i32
      %add3A_992 = arith.addi %add3A_969, %add3A_991 : i32
      %lt3A_993 = arith.constant 200 : i32
      %lt3A_994 = arith.cmpi slt, %add3A_992, %lt3A_993 : i32
      %convert_element_type3A_995 = arith.extui %lt3A_994 : i1 to i32
      %cond3A_996 = arith.constant 0 : i32
      %cond3A_997 = arith.cmpi ne, %convert_element_type3A_995, %cond3A_996 : i32
      scf.if %cond3A_997 {
        %add3A_1119 = arith.constant 8 : i32
        %add3A_1120 = arith.addi %add3A_969, %add3A_1119 : i32
        %dma_start3A_1121 = arith.constant 3 : i32
        %dma_start3A_1122 = arith.constant 3 : i32
        %dma_start3A_1123 = arith.constant 0 : i32
        %dma_start3A_1124 = arith.constant 0 : i32
        %dma_start3A_1125 = tpu.memref_slice %arg6[%dma_start3A_1121, %dma_start3A_1123, %dma_start3A_1124] : memref<8x128x64xf32, #tpu.memory_space<vmem>> -> memref<1x128x64xf32, #tpu.memory_space<vmem>>
        %dma_start3A_1126 = tpu.memref_squeeze %dma_start3A_1125 : memref<1x128x64xf32, #tpu.memory_space<vmem>> -> memref<128x64xf32, #tpu.memory_space<vmem>>
        %dma_start3A_1127 = arith.constant 0 : i32
        %dma_start3A_1128 = tpu.memref_slice %arg5[%add3A_1120, %dma_start3A_1127] : memref<200x128xi32, #tpu.memory_space<vmem>> -> memref<1x128xi32, #tpu.memory_space<vmem>>
        %dma_start3A_1129 = tpu.memref_squeeze %dma_start3A_1128 : memref<1x128xi32, #tpu.memory_space<vmem>> -> memref<128xi32, #tpu.memory_space<vmem>>
        %dma_start3A_1130 = arith.constant 0 : i32
        %dma_start3A_1131 = arith.constant 0 : i32
        %dma_start3A_1132 = tpu.memref_slice %arg3[%dma_start3A_1130, %dma_start3A_1131] : memref<1000000x64xf32, #tpu.memory_space<hbm>> -> memref<1000000x64xf32, #tpu.memory_space<hbm>>
        %dma_start3A_1133 = tpu.memref_slice %arg9[%dma_start3A_1122] : memref<8x!tpu.dma_semaphore, #tpu.memory_space<semaphore_mem>> -> memref<1x!tpu.dma_semaphore, #tpu.memory_space<semaphore_mem>>
        %dma_start3A_1134 = tpu.memref_squeeze %dma_start3A_1133 : memref<1x!tpu.dma_semaphore, #tpu.memory_space<semaphore_mem>> -> memref<!tpu.dma_semaphore, #tpu.memory_space<semaphore_mem>>
        tpu.enqueue_indirect_dma source(%dma_start3A_1132 : memref<1000000x64xf32, #tpu.memory_space<hbm>>) target(%dma_start3A_1126 : memref<128x64xf32, #tpu.memory_space<vmem>>) offsets(%dma_start3A_1129 : memref<128xi32, #tpu.memory_space<vmem>>) semaphore(%dma_start3A_1134 : memref<!tpu.dma_semaphore, #tpu.memory_space<semaphore_mem>>)
      } else {
      }
      %add3A_998 = arith.constant 4 : i32
      %add3A_999 = arith.addi %mul3A_880, %add3A_998 : i32
      %dma_wait3A_1000 = arith.constant 4 : i32
      %dma_wait3A_1001 = arith.constant 4 : i32
      %dma_wait3A_1002 = arith.constant 0 : i32
      %dma_wait3A_1003 = arith.constant 0 : i32
      %dma_wait3A_1004 = tpu.memref_slice %arg6[%dma_wait3A_1000, %dma_wait3A_1002, %dma_wait3A_1003] : memref<8x128x64xf32, #tpu.memory_space<vmem>> -> memref<1x128x64xf32, #tpu.memory_space<vmem>>
      %dma_wait3A_1005 = tpu.memref_squeeze %dma_wait3A_1004 : memref<1x128x64xf32, #tpu.memory_space<vmem>> -> memref<128x64xf32, #tpu.memory_space<vmem>>
      %dma_wait3A_1006 = arith.constant 0 : i32
      %dma_wait3A_1007 = tpu.memref_slice %arg5[%add3A_999, %dma_wait3A_1006] : memref<200x128xi32, #tpu.memory_space<vmem>> -> memref<1x128xi32, #tpu.memory_space<vmem>>
      %dma_wait3A_1008 = tpu.memref_squeeze %dma_wait3A_1007 : memref<1x128xi32, #tpu.memory_space<vmem>> -> memref<128xi32, #tpu.memory_space<vmem>>
      %dma_wait3A_1009 = arith.constant 0 : i32
      %dma_wait3A_1010 = arith.constant 0 : i32
      %dma_wait3A_1011 = tpu.memref_slice %arg3[%dma_wait3A_1009, %dma_wait3A_1010] : memref<1000000x64xf32, #tpu.memory_space<hbm>> -> memref<1000000x64xf32, #tpu.memory_space<hbm>>
      %dma_wait3A_1012 = tpu.memref_slice %arg9[%dma_wait3A_1001] : memref<8x!tpu.dma_semaphore, #tpu.memory_space<semaphore_mem>> -> memref<1x!tpu.dma_semaphore, #tpu.memory_space<semaphore_mem>>
      %dma_wait3A_1013 = tpu.memref_squeeze %dma_wait3A_1012 : memref<1x!tpu.dma_semaphore, #tpu.memory_space<semaphore_mem>> -> memref<!tpu.dma_semaphore, #tpu.memory_space<semaphore_mem>>
      tpu.wait_indirect_dma semaphore(%dma_wait3A_1013 : memref<!tpu.dma_semaphore, #tpu.memory_space<semaphore_mem>>) src(%dma_wait3A_1011 : memref<1000000x64xf32, #tpu.memory_space<hbm>>) dst(%dma_wait3A_1005 : memref<128x64xf32, #tpu.memory_space<vmem>>)
      %scan3A_1014 = arith.constant 0 : i32
      %scan3A_1015 = arith.constant 0 : i32
      %scan3A_1016 = arith.constant 32 : i32
      %scan3A_1017 = arith.addi %scan3A_1015, %scan3A_1016 : i32
      %scan3A_1018 = arith.constant 1 : i32
      %scan3A_1019 = scf.for %scan3A_1119 = %scan3A_1015 to %scan3A_1017 step %scan3A_1018 iter_args(%scan3A_1120 = %scan3A_1014) -> (i32)  : i32 {
        %mul3A_1121 = arith.constant 4 : i32
        %mul3A_1122 = arith.muli %scan3A_1119, %mul3A_1121 : i32
        %add3A_1123 = arith.constant 0 : i32
        %add3A_1124 = arith.addi %mul3A_1122, %add3A_1123 : i32
        %get3A = arith.constant 4 : i32
        %get3A_1125 = arith.index_cast %get3A : i32 to index
        %get3A_1126 = arith.index_cast %add3A_1124 : i32 to index
        %get3A_1127 = arith.constant 0 : index
        %get3A_1128 = tpu.vector_load %arg6[%get3A_1125, %get3A_1126, %get3A_1127] {strides = array<i32>} : memref<8x128x64xf32, #tpu.memory_space<vmem>>, vector<1x1x16xf32>,
        %get3A_1129 = vector.shape_cast %get3A_1128 : vector<1x1x16xf32> to vector<16xf32>
        %mul3A_1130 = arith.constant 8.000000e+00 : f32
        %mul3A_1131 = vector.broadcast %mul3A_1130 : f32 to vector<16xf32>
        %mul3A_1132 = arith.mulf %get3A_1129, %mul3A_1131 : vector<16xf32>
        %add3A_1133 = arith.constant 0 : i32
        %add3A_1134 = arith.addi %mul3A_1122, %add3A_1133 : i32
        %and3A = arith.constant 63 : i32
        %and3A_1135 = arith.andi %add3A_1134, %and3A : i32
        %swap3A = arith.constant 0 : i32
        %swap3A_1136 = arith.index_cast %swap3A : i32 to index
        %swap3A_1137 = arith.index_cast %and3A_1135 : i32 to index
        %swap3A_1138 = arith.constant 0 : index
        %swap3A_1139 = tpu.vector_load %arg7[%swap3A_1136, %swap3A_1137, %swap3A_1138] {strides = array<i32>} : memref<1x64x136xf32, #tpu.memory_space<vmem>>, vector<1x1x16xf32>,
        %swap3A_1140 = vector.shape_cast %swap3A_1139 : vector<1x1x16xf32> to vector<16xf32>
        %swap3A_1141 = vector.shape_cast %mul3A_1132 : vector<16xf32> to vector<1x1x16xf32>
        tpu.vector_store %arg7[%swap3A_1136, %swap3A_1137, %swap3A_1138], %swap3A_1141 {strides = array<i32>} : memref<1x64x136xf32, #tpu.memory_space<vmem>>, vector<1x1x16xf32>,
        %add3A_1142 = arith.constant 0 : i32
        %add3A_1143 = arith.addi %mul3A_1122, %add3A_1142 : i32
        %get3A_1144 = arith.constant 4 : i32
        %get3A_1145 = arith.index_cast %get3A_1144 : i32 to index
        %get3A_1146 = arith.index_cast %add3A_1143 : i32 to index
        %get3A_1147 = arith.constant 16 : index
        %get3A_1148 = tpu.vector_load %arg6[%get3A_1145, %get3A_1146, %get3A_1147] {strides = array<i32>} : memref<8x128x64xf32, #tpu.memory_space<vmem>>, vector<1x1x16xf32>,
        %get3A_1149 = vector.shape_cast %get3A_1148 : vector<1x1x16xf32> to vector<16xf32>
        %mul3A_1150 = arith.constant 8.000000e+00 : f32
        %mul3A_1151 = vector.broadcast %mul3A_1150 : f32 to vector<16xf32>
        %mul3A_1152 = arith.mulf %get3A_1149, %mul3A_1151 : vector<16xf32>
        %add3A_1153 = arith.constant 0 : i32
        %add3A_1154 = arith.addi %mul3A_1122, %add3A_1153 : i32
        %and3A_1155 = arith.constant 63 : i32
        %and3A_1156 = arith.andi %add3A_1154, %and3A_1155 : i32
        %swap3A_1157 = arith.constant 0 : i32
        %swap3A_1158 = arith.index_cast %swap3A_1157 : i32 to index
        %swap3A_1159 = arith.index_cast %and3A_1156 : i32 to index
        %swap3A_1160 = arith.constant 16 : index
        %swap3A_1161 = tpu.vector_load %arg7[%swap3A_1158, %swap3A_1159, %swap3A_1160] {strides = array<i32>} : memref<1x64x136xf32, #tpu.memory_space<vmem>>, vector<1x1x16xf32>,
        %swap3A_1162 = vector.shape_cast %swap3A_1161 : vector<1x1x16xf32> to vector<16xf32>
        %swap3A_1163 = vector.shape_cast %mul3A_1152 : vector<16xf32> to vector<1x1x16xf32>
        tpu.vector_store %arg7[%swap3A_1158, %swap3A_1159, %swap3A_1160], %swap3A_1163 {strides = array<i32>} : memref<1x64x136xf32, #tpu.memory_space<vmem>>, vector<1x1x16xf32>,
        %add3A_1164 = arith.constant 0 : i32
        %add3A_1165 = arith.addi %mul3A_1122, %add3A_1164 : i32
        %get3A_1166 = arith.constant 4 : i32
        %get3A_1167 = arith.index_cast %get3A_1166 : i32 to index
        %get3A_1168 = arith.index_cast %add3A_1165 : i32 to index
        %get3A_1169 = arith.constant 32 : index
        %get3A_1170 = tpu.vector_load %arg6[%get3A_1167, %get3A_1168, %get3A_1169] {strides = array<i32>} : memref<8x128x64xf32, #tpu.memory_space<vmem>>, vector<1x1x16xf32>,
        %get3A_1171 = vector.shape_cast %get3A_1170 : vector<1x1x16xf32> to vector<16xf32>
        %mul3A_1172 = arith.constant 8.000000e+00 : f32
        %mul3A_1173 = vector.broadcast %mul3A_1172 : f32 to vector<16xf32>
        %mul3A_1174 = arith.mulf %get3A_1171, %mul3A_1173 : vector<16xf32>
        %add3A_1175 = arith.constant 0 : i32
        %add3A_1176 = arith.addi %mul3A_1122, %add3A_1175 : i32
        %and3A_1177 = arith.constant 63 : i32
        %and3A_1178 = arith.andi %add3A_1176, %and3A_1177 : i32
        %swap3A_1179 = arith.constant 0 : i32
        %swap3A_1180 = arith.index_cast %swap3A_1179 : i32 to index
        %swap3A_1181 = arith.index_cast %and3A_1178 : i32 to index
        %swap3A_1182 = arith.constant 32 : index
        %swap3A_1183 = tpu.vector_load %arg7[%swap3A_1180, %swap3A_1181, %swap3A_1182] {strides = array<i32>} : memref<1x64x136xf32, #tpu.memory_space<vmem>>, vector<1x1x16xf32>,
        %swap3A_1184 = vector.shape_cast %swap3A_1183 : vector<1x1x16xf32> to vector<16xf32>
        %swap3A_1185 = vector.shape_cast %mul3A_1174 : vector<16xf32> to vector<1x1x16xf32>
        tpu.vector_store %arg7[%swap3A_1180, %swap3A_1181, %swap3A_1182], %swap3A_1185 {strides = array<i32>} : memref<1x64x136xf32, #tpu.memory_space<vmem>>, vector<1x1x16xf32>,
        %add3A_1186 = arith.constant 0 : i32
        %add3A_1187 = arith.addi %mul3A_1122, %add3A_1186 : i32
        %get3A_1188 = arith.constant 4 : i32
        %get3A_1189 = arith.index_cast %get3A_1188 : i32 to index
        %get3A_1190 = arith.index_cast %add3A_1187 : i32 to index
        %get3A_1191 = arith.constant 48 : index
        %get3A_1192 = tpu.vector_load %arg6[%get3A_1189, %get3A_1190, %get3A_1191] {strides = array<i32>} : memref<8x128x64xf32, #tpu.memory_space<vmem>>, vector<1x1x16xf32>,
        %get3A_1193 = vector.shape_cast %get3A_1192 : vector<1x1x16xf32> to vector<16xf32>
        %mul3A_1194 = arith.constant 8.000000e+00 : f32
        %mul3A_1195 = vector.broadcast %mul3A_1194 : f32 to vector<16xf32>
        %mul3A_1196 = arith.mulf %get3A_1193, %mul3A_1195 : vector<16xf32>
        %add3A_1197 = arith.constant 0 : i32
        %add3A_1198 = arith.addi %mul3A_1122, %add3A_1197 : i32
        %and3A_1199 = arith.constant 63 : i32
        %and3A_1200 = arith.andi %add3A_1198, %and3A_1199 : i32
        %swap3A_1201 = arith.constant 0 : i32
        %swap3A_1202 = arith.index_cast %swap3A_1201 : i32 to index
        %swap3A_1203 = arith.index_cast %and3A_1200 : i32 to index
        %swap3A_1204 = arith.constant 48 : index
        %swap3A_1205 = tpu.vector_load %arg7[%swap3A_1202, %swap3A_1203, %swap3A_1204] {strides = array<i32>} : memref<1x64x136xf32, #tpu.memory_space<vmem>>, vector<1x1x16xf32>,
        %swap3A_1206 = vector.shape_cast %swap3A_1205 : vector<1x1x16xf32> to vector<16xf32>
        %swap3A_1207 = vector.shape_cast %mul3A_1196 : vector<16xf32> to vector<1x1x16xf32>
        tpu.vector_store %arg7[%swap3A_1202, %swap3A_1203, %swap3A_1204], %swap3A_1207 {strides = array<i32>} : memref<1x64x136xf32, #tpu.memory_space<vmem>>, vector<1x1x16xf32>,
        %add3A_1208 = arith.constant 1 : i32
        %add3A_1209 = arith.addi %mul3A_1122, %add3A_1208 : i32
        %get3A_1210 = arith.constant 4 : i32
        %get3A_1211 = arith.index_cast %get3A_1210 : i32 to index
        %get3A_1212 = arith.index_cast %add3A_1209 : i32 to index
        %get3A_1213 = arith.constant 0 : index
        %get3A_1214 = tpu.vector_load %arg6[%get3A_1211, %get3A_1212, %get3A_1213] {strides = array<i32>} : memref<8x128x64xf32, #tpu.memory_space<vmem>>, vector<1x1x16xf32>,
        %get3A_1215 = vector.shape_cast %get3A_1214 : vector<1x1x16xf32> to vector<16xf32>
        %mul3A_1216 = arith.constant 8.000000e+00 : f32
        %mul3A_1217 = vector.broadcast %mul3A_1216 : f32 to vector<16xf32>
        %mul3A_1218 = arith.mulf %get3A_1215, %mul3A_1217 : vector<16xf32>
        %add3A_1219 = arith.constant 1 : i32
        %add3A_1220 = arith.addi %mul3A_1122, %add3A_1219 : i32
        %and3A_1221 = arith.constant 63 : i32
        %and3A_1222 = arith.andi %add3A_1220, %and3A_1221 : i32
        %swap3A_1223 = arith.constant 0 : i32
        %swap3A_1224 = arith.index_cast %swap3A_1223 : i32 to index
        %swap3A_1225 = arith.index_cast %and3A_1222 : i32 to index
        %swap3A_1226 = arith.constant 0 : index
        %swap3A_1227 = tpu.vector_load %arg7[%swap3A_1224, %swap3A_1225, %swap3A_1226] {strides = array<i32>} : memref<1x64x136xf32, #tpu.memory_space<vmem>>, vector<1x1x16xf32>,
        %swap3A_1228 = vector.shape_cast %swap3A_1227 : vector<1x1x16xf32> to vector<16xf32>
        %swap3A_1229 = vector.shape_cast %mul3A_1218 : vector<16xf32> to vector<1x1x16xf32>
        tpu.vector_store %arg7[%swap3A_1224, %swap3A_1225, %swap3A_1226], %swap3A_1229 {strides = array<i32>} : memref<1x64x136xf32, #tpu.memory_space<vmem>>, vector<1x1x16xf32>,
        %add3A_1230 = arith.constant 1 : i32
        %add3A_1231 = arith.addi %mul3A_1122, %add3A_1230 : i32
        %get3A_1232 = arith.constant 4 : i32
        %get3A_1233 = arith.index_cast %get3A_1232 : i32 to index
        %get3A_1234 = arith.index_cast %add3A_1231 : i32 to index
        %get3A_1235 = arith.constant 16 : index
        %get3A_1236 = tpu.vector_load %arg6[%get3A_1233, %get3A_1234, %get3A_1235] {strides = array<i32>} : memref<8x128x64xf32, #tpu.memory_space<vmem>>, vector<1x1x16xf32>,
        %get3A_1237 = vector.shape_cast %get3A_1236 : vector<1x1x16xf32> to vector<16xf32>
        %mul3A_1238 = arith.constant 8.000000e+00 : f32
        %mul3A_1239 = vector.broadcast %mul3A_1238 : f32 to vector<16xf32>
        %mul3A_1240 = arith.mulf %get3A_1237, %mul3A_1239 : vector<16xf32>
        %add3A_1241 = arith.constant 1 : i32
        %add3A_1242 = arith.addi %mul3A_1122, %add3A_1241 : i32
        %and3A_1243 = arith.constant 63 : i32
        %and3A_1244 = arith.andi %add3A_1242, %and3A_1243 : i32
        %swap3A_1245 = arith.constant 0 : i32
        %swap3A_1246 = arith.index_cast %swap3A_1245 : i32 to index
        %swap3A_1247 = arith.index_cast %and3A_1244 : i32 to index
        %swap3A_1248 = arith.constant 16 : index
        %swap3A_1249 = tpu.vector_load %arg7[%swap3A_1246, %swap3A_1247, %swap3A_1248] {strides = array<i32>} : memref<1x64x136xf32, #tpu.memory_space<vmem>>, vector<1x1x16xf32>,
        %swap3A_1250 = vector.shape_cast %swap3A_1249 : vector<1x1x16xf32> to vector<16xf32>
        %swap3A_1251 = vector.shape_cast %mul3A_1240 : vector<16xf32> to vector<1x1x16xf32>
        tpu.vector_store %arg7[%swap3A_1246, %swap3A_1247, %swap3A_1248], %swap3A_1251 {strides = array<i32>} : memref<1x64x136xf32, #tpu.memory_space<vmem>>, vector<1x1x16xf32>,
        %add3A_1252 = arith.constant 1 : i32
        %add3A_1253 = arith.addi %mul3A_1122, %add3A_1252 : i32
        %get3A_1254 = arith.constant 4 : i32
        %get3A_1255 = arith.index_cast %get3A_1254 : i32 to index
        %get3A_1256 = arith.index_cast %add3A_1253 : i32 to index
        %get3A_1257 = arith.constant 32 : index
        %get3A_1258 = tpu.vector_load %arg6[%get3A_1255, %get3A_1256, %get3A_1257] {strides = array<i32>} : memref<8x128x64xf32, #tpu.memory_space<vmem>>, vector<1x1x16xf32>,
        %get3A_1259 = vector.shape_cast %get3A_1258 : vector<1x1x16xf32> to vector<16xf32>
        %mul3A_1260 = arith.constant 8.000000e+00 : f32
        %mul3A_1261 = vector.broadcast %mul3A_1260 : f32 to vector<16xf32>
        %mul3A_1262 = arith.mulf %get3A_1259, %mul3A_1261 : vector<16xf32>
        %add3A_1263 = arith.constant 1 : i32
        %add3A_1264 = arith.addi %mul3A_1122, %add3A_1263 : i32
        %and3A_1265 = arith.constant 63 : i32
        %and3A_1266 = arith.andi %add3A_1264, %and3A_1265 : i32
        %swap3A_1267 = arith.constant 0 : i32
        %swap3A_1268 = arith.index_cast %swap3A_1267 : i32 to index
        %swap3A_1269 = arith.index_cast %and3A_1266 : i32 to index
        %swap3A_1270 = arith.constant 32 : index
        %swap3A_1271 = tpu.vector_load %arg7[%swap3A_1268, %swap3A_1269, %swap3A_1270] {strides = array<i32>} : memref<1x64x136xf32, #tpu.memory_space<vmem>>, vector<1x1x16xf32>,
        %swap3A_1272 = vector.shape_cast %swap3A_1271 : vector<1x1x16xf32> to vector<16xf32>
        %swap3A_1273 = vector.shape_cast %mul3A_1262 : vector<16xf32> to vector<1x1x16xf32>
        tpu.vector_store %arg7[%swap3A_1268, %swap3A_1269, %swap3A_1270], %swap3A_1273 {strides = array<i32>} : memref<1x64x136xf32, #tpu.memory_space<vmem>>, vector<1x1x16xf32>,
        %add3A_1274 = arith.constant 1 : i32
        %add3A_1275 = arith.addi %mul3A_1122, %add3A_1274 : i32
        %get3A_1276 = arith.constant 4 : i32
        %get3A_1277 = arith.index_cast %get3A_1276 : i32 to index
        %get3A_1278 = arith.index_cast %add3A_1275 : i32 to index
        %get3A_1279 = arith.constant 48 : index
        %get3A_1280 = tpu.vector_load %arg6[%get3A_1277, %get3A_1278, %get3A_1279] {strides = array<i32>} : memref<8x128x64xf32, #tpu.memory_space<vmem>>, vector<1x1x16xf32>,
        %get3A_1281 = vector.shape_cast %get3A_1280 : vector<1x1x16xf32> to vector<16xf32>
        %mul3A_1282 = arith.constant 8.000000e+00 : f32
        %mul3A_1283 = vector.broadcast %mul3A_1282 : f32 to vector<16xf32>
        %mul3A_1284 = arith.mulf %get3A_1281, %mul3A_1283 : vector<16xf32>
        %add3A_1285 = arith.constant 1 : i32
        %add3A_1286 = arith.addi %mul3A_1122, %add3A_1285 : i32
        %and3A_1287 = arith.constant 63 : i32
        %and3A_1288 = arith.andi %add3A_1286, %and3A_1287 : i32
        %swap3A_1289 = arith.constant 0 : i32
        %swap3A_1290 = arith.index_cast %swap3A_1289 : i32 to index
        %swap3A_1291 = arith.index_cast %and3A_1288 : i32 to index
        %swap3A_1292 = arith.constant 48 : index
        %swap3A_1293 = tpu.vector_load %arg7[%swap3A_1290, %swap3A_1291, %swap3A_1292] {strides = array<i32>} : memref<1x64x136xf32, #tpu.memory_space<vmem>>, vector<1x1x16xf32>,
        %swap3A_1294 = vector.shape_cast %swap3A_1293 : vector<1x1x16xf32> to vector<16xf32>
        %swap3A_1295 = vector.shape_cast %mul3A_1284 : vector<16xf32> to vector<1x1x16xf32>
        tpu.vector_store %arg7[%swap3A_1290, %swap3A_1291, %swap3A_1292], %swap3A_1295 {strides = array<i32>} : memref<1x64x136xf32, #tpu.memory_space<vmem>>, vector<1x1x16xf32>,
        %add3A_1296 = arith.constant 2 : i32
        %add3A_1297 = arith.addi %mul3A_1122, %add3A_1296 : i32
        %get3A_1298 = arith.constant 4 : i32
        %get3A_1299 = arith.index_cast %get3A_1298 : i32 to index
        %get3A_1300 = arith.index_cast %add3A_1297 : i32 to index
        %get3A_1301 = arith.constant 0 : index
        %get3A_1302 = tpu.vector_load %arg6[%get3A_1299, %get3A_1300, %get3A_1301] {strides = array<i32>} : memref<8x128x64xf32, #tpu.memory_space<vmem>>, vector<1x1x16xf32>,
        %get3A_1303 = vector.shape_cast %get3A_1302 : vector<1x1x16xf32> to vector<16xf32>
        %mul3A_1304 = arith.constant 8.000000e+00 : f32
        %mul3A_1305 = vector.broadcast %mul3A_1304 : f32 to vector<16xf32>
        %mul3A_1306 = arith.mulf %get3A_1303, %mul3A_1305 : vector<16xf32>
        %add3A_1307 = arith.constant 2 : i32
        %add3A_1308 = arith.addi %mul3A_1122, %add3A_1307 : i32
        %and3A_1309 = arith.constant 63 : i32
        %and3A_1310 = arith.andi %add3A_1308, %and3A_1309 : i32
        %swap3A_1311 = arith.constant 0 : i32
        %swap3A_1312 = arith.index_cast %swap3A_1311 : i32 to index
        %swap3A_1313 = arith.index_cast %and3A_1310 : i32 to index
        %swap3A_1314 = arith.constant 0 : index
        %swap3A_1315 = tpu.vector_load %arg7[%swap3A_1312, %swap3A_1313, %swap3A_1314] {strides = array<i32>} : memref<1x64x136xf32, #tpu.memory_space<vmem>>, vector<1x1x16xf32>,
        %swap3A_1316 = vector.shape_cast %swap3A_1315 : vector<1x1x16xf32> to vector<16xf32>
        %swap3A_1317 = vector.shape_cast %mul3A_1306 : vector<16xf32> to vector<1x1x16xf32>
        tpu.vector_store %arg7[%swap3A_1312, %swap3A_1313, %swap3A_1314], %swap3A_1317 {strides = array<i32>} : memref<1x64x136xf32, #tpu.memory_space<vmem>>, vector<1x1x16xf32>,
        %add3A_1318 = arith.constant 2 : i32
        %add3A_1319 = arith.addi %mul3A_1122, %add3A_1318 : i32
        %get3A_1320 = arith.constant 4 : i32
        %get3A_1321 = arith.index_cast %get3A_1320 : i32 to index
        %get3A_1322 = arith.index_cast %add3A_1319 : i32 to index
        %get3A_1323 = arith.constant 16 : index
        %get3A_1324 = tpu.vector_load %arg6[%get3A_1321, %get3A_1322, %get3A_1323] {strides = array<i32>} : memref<8x128x64xf32, #tpu.memory_space<vmem>>, vector<1x1x16xf32>,
        %get3A_1325 = vector.shape_cast %get3A_1324 : vector<1x1x16xf32> to vector<16xf32>
        %mul3A_1326 = arith.constant 8.000000e+00 : f32
        %mul3A_1327 = vector.broadcast %mul3A_1326 : f32 to vector<16xf32>
        %mul3A_1328 = arith.mulf %get3A_1325, %mul3A_1327 : vector<16xf32>
        %add3A_1329 = arith.constant 2 : i32
        %add3A_1330 = arith.addi %mul3A_1122, %add3A_1329 : i32
        %and3A_1331 = arith.constant 63 : i32
        %and3A_1332 = arith.andi %add3A_1330, %and3A_1331 : i32
        %swap3A_1333 = arith.constant 0 : i32
        %swap3A_1334 = arith.index_cast %swap3A_1333 : i32 to index
        %swap3A_1335 = arith.index_cast %and3A_1332 : i32 to index
        %swap3A_1336 = arith.constant 16 : index
        %swap3A_1337 = tpu.vector_load %arg7[%swap3A_1334, %swap3A_1335, %swap3A_1336] {strides = array<i32>} : memref<1x64x136xf32, #tpu.memory_space<vmem>>, vector<1x1x16xf32>,
        %swap3A_1338 = vector.shape_cast %swap3A_1337 : vector<1x1x16xf32> to vector<16xf32>
        %swap3A_1339 = vector.shape_cast %mul3A_1328 : vector<16xf32> to vector<1x1x16xf32>
        tpu.vector_store %arg7[%swap3A_1334, %swap3A_1335, %swap3A_1336], %swap3A_1339 {strides = array<i32>} : memref<1x64x136xf32, #tpu.memory_space<vmem>>, vector<1x1x16xf32>,
        %add3A_1340 = arith.constant 2 : i32
        %add3A_1341 = arith.addi %mul3A_1122, %add3A_1340 : i32
        %get3A_1342 = arith.constant 4 : i32
        %get3A_1343 = arith.index_cast %get3A_1342 : i32 to index
        %get3A_1344 = arith.index_cast %add3A_1341 : i32 to index
        %get3A_1345 = arith.constant 32 : index
        %get3A_1346 = tpu.vector_load %arg6[%get3A_1343, %get3A_1344, %get3A_1345] {strides = array<i32>} : memref<8x128x64xf32, #tpu.memory_space<vmem>>, vector<1x1x16xf32>,
        %get3A_1347 = vector.shape_cast %get3A_1346 : vector<1x1x16xf32> to vector<16xf32>
        %mul3A_1348 = arith.constant 8.000000e+00 : f32
        %mul3A_1349 = vector.broadcast %mul3A_1348 : f32 to vector<16xf32>
        %mul3A_1350 = arith.mulf %get3A_1347, %mul3A_1349 : vector<16xf32>
        %add3A_1351 = arith.constant 2 : i32
        %add3A_1352 = arith.addi %mul3A_1122, %add3A_1351 : i32
        %and3A_1353 = arith.constant 63 : i32
        %and3A_1354 = arith.andi %add3A_1352, %and3A_1353 : i32
        %swap3A_1355 = arith.constant 0 : i32
        %swap3A_1356 = arith.index_cast %swap3A_1355 : i32 to index
        %swap3A_1357 = arith.index_cast %and3A_1354 : i32 to index
        %swap3A_1358 = arith.constant 32 : index
        %swap3A_1359 = tpu.vector_load %arg7[%swap3A_1356, %swap3A_1357, %swap3A_1358] {strides = array<i32>} : memref<1x64x136xf32, #tpu.memory_space<vmem>>, vector<1x1x16xf32>,
        %swap3A_1360 = vector.shape_cast %swap3A_1359 : vector<1x1x16xf32> to vector<16xf32>
        %swap3A_1361 = vector.shape_cast %mul3A_1350 : vector<16xf32> to vector<1x1x16xf32>
        tpu.vector_store %arg7[%swap3A_1356, %swap3A_1357, %swap3A_1358], %swap3A_1361 {strides = array<i32>} : memref<1x64x136xf32, #tpu.memory_space<vmem>>, vector<1x1x16xf32>,
        %add3A_1362 = arith.constant 2 : i32
        %add3A_1363 = arith.addi %mul3A_1122, %add3A_1362 : i32
        %get3A_1364 = arith.constant 4 : i32
        %get3A_1365 = arith.index_cast %get3A_1364 : i32 to index
        %get3A_1366 = arith.index_cast %add3A_1363 : i32 to index
        %get3A_1367 = arith.constant 48 : index
        %get3A_1368 = tpu.vector_load %arg6[%get3A_1365, %get3A_1366, %get3A_1367] {strides = array<i32>} : memref<8x128x64xf32, #tpu.memory_space<vmem>>, vector<1x1x16xf32>,
        %get3A_1369 = vector.shape_cast %get3A_1368 : vector<1x1x16xf32> to vector<16xf32>
        %mul3A_1370 = arith.constant 8.000000e+00 : f32
        %mul3A_1371 = vector.broadcast %mul3A_1370 : f32 to vector<16xf32>
        %mul3A_1372 = arith.mulf %get3A_1369, %mul3A_1371 : vector<16xf32>
        %add3A_1373 = arith.constant 2 : i32
        %add3A_1374 = arith.addi %mul3A_1122, %add3A_1373 : i32
        %and3A_1375 = arith.constant 63 : i32
        %and3A_1376 = arith.andi %add3A_1374, %and3A_1375 : i32
        %swap3A_1377 = arith.constant 0 : i32
        %swap3A_1378 = arith.index_cast %swap3A_1377 : i32 to index
        %swap3A_1379 = arith.index_cast %and3A_1376 : i32 to index
        %swap3A_1380 = arith.constant 48 : index
        %swap3A_1381 = tpu.vector_load %arg7[%swap3A_1378, %swap3A_1379, %swap3A_1380] {strides = array<i32>} : memref<1x64x136xf32, #tpu.memory_space<vmem>>, vector<1x1x16xf32>,
        %swap3A_1382 = vector.shape_cast %swap3A_1381 : vector<1x1x16xf32> to vector<16xf32>
        %swap3A_1383 = vector.shape_cast %mul3A_1372 : vector<16xf32> to vector<1x1x16xf32>
        tpu.vector_store %arg7[%swap3A_1378, %swap3A_1379, %swap3A_1380], %swap3A_1383 {strides = array<i32>} : memref<1x64x136xf32, #tpu.memory_space<vmem>>, vector<1x1x16xf32>,
        %add3A_1384 = arith.constant 3 : i32
        %add3A_1385 = arith.addi %mul3A_1122, %add3A_1384 : i32
        %get3A_1386 = arith.constant 4 : i32
        %get3A_1387 = arith.index_cast %get3A_1386 : i32 to index
        %get3A_1388 = arith.index_cast %add3A_1385 : i32 to index
        %get3A_1389 = arith.constant 0 : index
        %get3A_1390 = tpu.vector_load %arg6[%get3A_1387, %get3A_1388, %get3A_1389] {strides = array<i32>} : memref<8x128x64xf32, #tpu.memory_space<vmem>>, vector<1x1x16xf32>,
        %get3A_1391 = vector.shape_cast %get3A_1390 : vector<1x1x16xf32> to vector<16xf32>
        %mul3A_1392 = arith.constant 8.000000e+00 : f32
        %mul3A_1393 = vector.broadcast %mul3A_1392 : f32 to vector<16xf32>
        %mul3A_1394 = arith.mulf %get3A_1391, %mul3A_1393 : vector<16xf32>
        %add3A_1395 = arith.constant 3 : i32
        %add3A_1396 = arith.addi %mul3A_1122, %add3A_1395 : i32
        %and3A_1397 = arith.constant 63 : i32
        %and3A_1398 = arith.andi %add3A_1396, %and3A_1397 : i32
        %swap3A_1399 = arith.constant 0 : i32
        %swap3A_1400 = arith.index_cast %swap3A_1399 : i32 to index
        %swap3A_1401 = arith.index_cast %and3A_1398 : i32 to index
        %swap3A_1402 = arith.constant 0 : index
        %swap3A_1403 = tpu.vector_load %arg7[%swap3A_1400, %swap3A_1401, %swap3A_1402] {strides = array<i32>} : memref<1x64x136xf32, #tpu.memory_space<vmem>>, vector<1x1x16xf32>,
        %swap3A_1404 = vector.shape_cast %swap3A_1403 : vector<1x1x16xf32> to vector<16xf32>
        %swap3A_1405 = vector.shape_cast %mul3A_1394 : vector<16xf32> to vector<1x1x16xf32>
        tpu.vector_store %arg7[%swap3A_1400, %swap3A_1401, %swap3A_1402], %swap3A_1405 {strides = array<i32>} : memref<1x64x136xf32, #tpu.memory_space<vmem>>, vector<1x1x16xf32>,
        %add3A_1406 = arith.constant 3 : i32
        %add3A_1407 = arith.addi %mul3A_1122, %add3A_1406 : i32
        %get3A_1408 = arith.constant 4 : i32
        %get3A_1409 = arith.index_cast %get3A_1408 : i32 to index
        %get3A_1410 = arith.index_cast %add3A_1407 : i32 to index
        %get3A_1411 = arith.constant 16 : index
        %get3A_1412 = tpu.vector_load %arg6[%get3A_1409, %get3A_1410, %get3A_1411] {strides = array<i32>} : memref<8x128x64xf32, #tpu.memory_space<vmem>>, vector<1x1x16xf32>,
        %get3A_1413 = vector.shape_cast %get3A_1412 : vector<1x1x16xf32> to vector<16xf32>
        %mul3A_1414 = arith.constant 8.000000e+00 : f32
        %mul3A_1415 = vector.broadcast %mul3A_1414 : f32 to vector<16xf32>
        %mul3A_1416 = arith.mulf %get3A_1413, %mul3A_1415 : vector<16xf32>
        %add3A_1417 = arith.constant 3 : i32
        %add3A_1418 = arith.addi %mul3A_1122, %add3A_1417 : i32
        %and3A_1419 = arith.constant 63 : i32
        %and3A_1420 = arith.andi %add3A_1418, %and3A_1419 : i32
        %swap3A_1421 = arith.constant 0 : i32
        %swap3A_1422 = arith.index_cast %swap3A_1421 : i32 to index
        %swap3A_1423 = arith.index_cast %and3A_1420 : i32 to index
        %swap3A_1424 = arith.constant 16 : index
        %swap3A_1425 = tpu.vector_load %arg7[%swap3A_1422, %swap3A_1423, %swap3A_1424] {strides = array<i32>} : memref<1x64x136xf32, #tpu.memory_space<vmem>>, vector<1x1x16xf32>,
        %swap3A_1426 = vector.shape_cast %swap3A_1425 : vector<1x1x16xf32> to vector<16xf32>
        %swap3A_1427 = vector.shape_cast %mul3A_1416 : vector<16xf32> to vector<1x1x16xf32>
        tpu.vector_store %arg7[%swap3A_1422, %swap3A_1423, %swap3A_1424], %swap3A_1427 {strides = array<i32>} : memref<1x64x136xf32, #tpu.memory_space<vmem>>, vector<1x1x16xf32>,
        %add3A_1428 = arith.constant 3 : i32
        %add3A_1429 = arith.addi %mul3A_1122, %add3A_1428 : i32
        %get3A_1430 = arith.constant 4 : i32
        %get3A_1431 = arith.index_cast %get3A_1430 : i32 to index
        %get3A_1432 = arith.index_cast %add3A_1429 : i32 to index
        %get3A_1433 = arith.constant 32 : index
        %get3A_1434 = tpu.vector_load %arg6[%get3A_1431, %get3A_1432, %get3A_1433] {strides = array<i32>} : memref<8x128x64xf32, #tpu.memory_space<vmem>>, vector<1x1x16xf32>,
        %get3A_1435 = vector.shape_cast %get3A_1434 : vector<1x1x16xf32> to vector<16xf32>
        %mul3A_1436 = arith.constant 8.000000e+00 : f32
        %mul3A_1437 = vector.broadcast %mul3A_1436 : f32 to vector<16xf32>
        %mul3A_1438 = arith.mulf %get3A_1435, %mul3A_1437 : vector<16xf32>
        %add3A_1439 = arith.constant 3 : i32
        %add3A_1440 = arith.addi %mul3A_1122, %add3A_1439 : i32
        %and3A_1441 = arith.constant 63 : i32
        %and3A_1442 = arith.andi %add3A_1440, %and3A_1441 : i32
        %swap3A_1443 = arith.constant 0 : i32
        %swap3A_1444 = arith.index_cast %swap3A_1443 : i32 to index
        %swap3A_1445 = arith.index_cast %and3A_1442 : i32 to index
        %swap3A_1446 = arith.constant 32 : index
        %swap3A_1447 = tpu.vector_load %arg7[%swap3A_1444, %swap3A_1445, %swap3A_1446] {strides = array<i32>} : memref<1x64x136xf32, #tpu.memory_space<vmem>>, vector<1x1x16xf32>,
        %swap3A_1448 = vector.shape_cast %swap3A_1447 : vector<1x1x16xf32> to vector<16xf32>
        %swap3A_1449 = vector.shape_cast %mul3A_1438 : vector<16xf32> to vector<1x1x16xf32>
        tpu.vector_store %arg7[%swap3A_1444, %swap3A_1445, %swap3A_1446], %swap3A_1449 {strides = array<i32>} : memref<1x64x136xf32, #tpu.memory_space<vmem>>, vector<1x1x16xf32>,
        %add3A_1450 = arith.constant 3 : i32
        %add3A_1451 = arith.addi %mul3A_1122, %add3A_1450 : i32
        %get3A_1452 = arith.constant 4 : i32
        %get3A_1453 = arith.index_cast %get3A_1452 : i32 to index
        %get3A_1454 = arith.index_cast %add3A_1451 : i32 to index
        %get3A_1455 = arith.constant 48 : index
        %get3A_1456 = tpu.vector_load %arg6[%get3A_1453, %get3A_1454, %get3A_1455] {strides = array<i32>} : memref<8x128x64xf32, #tpu.memory_space<vmem>>, vector<1x1x16xf32>,
        %get3A_1457 = vector.shape_cast %get3A_1456 : vector<1x1x16xf32> to vector<16xf32>
        %mul3A_1458 = arith.constant 8.000000e+00 : f32
        %mul3A_1459 = vector.broadcast %mul3A_1458 : f32 to vector<16xf32>
        %mul3A_1460 = arith.mulf %get3A_1457, %mul3A_1459 : vector<16xf32>
        %add3A_1461 = arith.constant 3 : i32
        %add3A_1462 = arith.addi %mul3A_1122, %add3A_1461 : i32
        %and3A_1463 = arith.constant 63 : i32
        %and3A_1464 = arith.andi %add3A_1462, %and3A_1463 : i32
        %swap3A_1465 = arith.constant 0 : i32
        %swap3A_1466 = arith.index_cast %swap3A_1465 : i32 to index
        %swap3A_1467 = arith.index_cast %and3A_1464 : i32 to index
        %swap3A_1468 = arith.constant 48 : index
        %swap3A_1469 = tpu.vector_load %arg7[%swap3A_1466, %swap3A_1467, %swap3A_1468] {strides = array<i32>} : memref<1x64x136xf32, #tpu.memory_space<vmem>>, vector<1x1x16xf32>,
        %swap3A_1470 = vector.shape_cast %swap3A_1469 : vector<1x1x16xf32> to vector<16xf32>
        %swap3A_1471 = vector.shape_cast %mul3A_1460 : vector<16xf32> to vector<1x1x16xf32>
        tpu.vector_store %arg7[%swap3A_1466, %swap3A_1467, %swap3A_1468], %swap3A_1471 {strides = array<i32>} : memref<1x64x136xf32, #tpu.memory_space<vmem>>, vector<1x1x16xf32>,
        %scan3A_1472 = arith.constant 0 : i32
        scf.yield %scan3A_1472 : i32
      }
      %scan3A_1020 = arith.constant 32 : i32
      %add3A_1021 = arith.constant 8 : i32
      %add3A_1022 = arith.addi %add3A_999, %add3A_1021 : i32
      %lt3A_1023 = arith.constant 200 : i32
      %lt3A_1024 = arith.cmpi slt, %add3A_1022, %lt3A_1023 : i32
      %convert_element_type3A_1025 = arith.extui %lt3A_1024 : i1 to i32
      %cond3A_1026 = arith.constant 0 : i32
      %cond3A_1027 = arith.cmpi ne, %convert_element_type3A_1025, %cond3A_1026 : i32
      scf.if %cond3A_1027 {
        %add3A_1119 = arith.constant 8 : i32
        %add3A_1120 = arith.addi %add3A_999, %add3A_1119 : i32
        %dma_start3A_1121 = arith.constant 4 : i32
        %dma_start3A_1122 = arith.constant 4 : i32
        %dma_start3A_1123 = arith.constant 0 : i32
        %dma_start3A_1124 = arith.constant 0 : i32
        %dma_start3A_1125 = tpu.memref_slice %arg6[%dma_start3A_1121, %dma_start3A_1123, %dma_start3A_1124] : memref<8x128x64xf32, #tpu.memory_space<vmem>> -> memref<1x128x64xf32, #tpu.memory_space<vmem>>
        %dma_start3A_1126 = tpu.memref_squeeze %dma_start3A_1125 : memref<1x128x64xf32, #tpu.memory_space<vmem>> -> memref<128x64xf32, #tpu.memory_space<vmem>>
        %dma_start3A_1127 = arith.constant 0 : i32
        %dma_start3A_1128 = tpu.memref_slice %arg5[%add3A_1120, %dma_start3A_1127] : memref<200x128xi32, #tpu.memory_space<vmem>> -> memref<1x128xi32, #tpu.memory_space<vmem>>
        %dma_start3A_1129 = tpu.memref_squeeze %dma_start3A_1128 : memref<1x128xi32, #tpu.memory_space<vmem>> -> memref<128xi32, #tpu.memory_space<vmem>>
        %dma_start3A_1130 = arith.constant 0 : i32
        %dma_start3A_1131 = arith.constant 0 : i32
        %dma_start3A_1132 = tpu.memref_slice %arg3[%dma_start3A_1130, %dma_start3A_1131] : memref<1000000x64xf32, #tpu.memory_space<hbm>> -> memref<1000000x64xf32, #tpu.memory_space<hbm>>
        %dma_start3A_1133 = tpu.memref_slice %arg9[%dma_start3A_1122] : memref<8x!tpu.dma_semaphore, #tpu.memory_space<semaphore_mem>> -> memref<1x!tpu.dma_semaphore, #tpu.memory_space<semaphore_mem>>
        %dma_start3A_1134 = tpu.memref_squeeze %dma_start3A_1133 : memref<1x!tpu.dma_semaphore, #tpu.memory_space<semaphore_mem>> -> memref<!tpu.dma_semaphore, #tpu.memory_space<semaphore_mem>>
        tpu.enqueue_indirect_dma source(%dma_start3A_1132 : memref<1000000x64xf32, #tpu.memory_space<hbm>>) target(%dma_start3A_1126 : memref<128x64xf32, #tpu.memory_space<vmem>>) offsets(%dma_start3A_1129 : memref<128xi32, #tpu.memory_space<vmem>>) semaphore(%dma_start3A_1134 : memref<!tpu.dma_semaphore, #tpu.memory_space<semaphore_mem>>)
      } else {
      }
      %add3A_1028 = arith.constant 5 : i32
      %add3A_1029 = arith.addi %mul3A_880, %add3A_1028 : i32
      %dma_wait3A_1030 = arith.constant 5 : i32
      %dma_wait3A_1031 = arith.constant 5 : i32
      %dma_wait3A_1032 = arith.constant 0 : i32
      %dma_wait3A_1033 = arith.constant 0 : i32
      %dma_wait3A_1034 = tpu.memref_slice %arg6[%dma_wait3A_1030, %dma_wait3A_1032, %dma_wait3A_1033] : memref<8x128x64xf32, #tpu.memory_space<vmem>> -> memref<1x128x64xf32, #tpu.memory_space<vmem>>
      %dma_wait3A_1035 = tpu.memref_squeeze %dma_wait3A_1034 : memref<1x128x64xf32, #tpu.memory_space<vmem>> -> memref<128x64xf32, #tpu.memory_space<vmem>>
      %dma_wait3A_1036 = arith.constant 0 : i32
      %dma_wait3A_1037 = tpu.memref_slice %arg5[%add3A_1029, %dma_wait3A_1036] : memref<200x128xi32, #tpu.memory_space<vmem>> -> memref<1x128xi32, #tpu.memory_space<vmem>>
      %dma_wait3A_1038 = tpu.memref_squeeze %dma_wait3A_1037 : memref<1x128xi32, #tpu.memory_space<vmem>> -> memref<128xi32, #tpu.memory_space<vmem>>
      %dma_wait3A_1039 = arith.constant 0 : i32
      %dma_wait3A_1040 = arith.constant 0 : i32
      %dma_wait3A_1041 = tpu.memref_slice %arg3[%dma_wait3A_1039, %dma_wait3A_1040] : memref<1000000x64xf32, #tpu.memory_space<hbm>> -> memref<1000000x64xf32, #tpu.memory_space<hbm>>
      %dma_wait3A_1042 = tpu.memref_slice %arg9[%dma_wait3A_1031] : memref<8x!tpu.dma_semaphore, #tpu.memory_space<semaphore_mem>> -> memref<1x!tpu.dma_semaphore, #tpu.memory_space<semaphore_mem>>
      %dma_wait3A_1043 = tpu.memref_squeeze %dma_wait3A_1042 : memref<1x!tpu.dma_semaphore, #tpu.memory_space<semaphore_mem>> -> memref<!tpu.dma_semaphore, #tpu.memory_space<semaphore_mem>>
      tpu.wait_indirect_dma semaphore(%dma_wait3A_1043 : memref<!tpu.dma_semaphore, #tpu.memory_space<semaphore_mem>>) src(%dma_wait3A_1041 : memref<1000000x64xf32, #tpu.memory_space<hbm>>) dst(%dma_wait3A_1035 : memref<128x64xf32, #tpu.memory_space<vmem>>)
      %scan3A_1044 = arith.constant 0 : i32
      %scan3A_1045 = arith.constant 0 : i32
      %scan3A_1046 = arith.constant 32 : i32
      %scan3A_1047 = arith.addi %scan3A_1045, %scan3A_1046 : i32
      %scan3A_1048 = arith.constant 1 : i32
      %scan3A_1049 = scf.for %scan3A_1119 = %scan3A_1045 to %scan3A_1047 step %scan3A_1048 iter_args(%scan3A_1120 = %scan3A_1044) -> (i32)  : i32 {
        %mul3A_1121 = arith.constant 4 : i32
        %mul3A_1122 = arith.muli %scan3A_1119, %mul3A_1121 : i32
        %add3A_1123 = arith.constant 0 : i32
        %add3A_1124 = arith.addi %mul3A_1122, %add3A_1123 : i32
        %get3A = arith.constant 5 : i32
        %get3A_1125 = arith.index_cast %get3A : i32 to index
        %get3A_1126 = arith.index_cast %add3A_1124 : i32 to index
        %get3A_1127 = arith.constant 0 : index
        %get3A_1128 = tpu.vector_load %arg6[%get3A_1125, %get3A_1126, %get3A_1127] {strides = array<i32>} : memref<8x128x64xf32, #tpu.memory_space<vmem>>, vector<1x1x16xf32>,
        %get3A_1129 = vector.shape_cast %get3A_1128 : vector<1x1x16xf32> to vector<16xf32>
        %mul3A_1130 = arith.constant 8.000000e+00 : f32
        %mul3A_1131 = vector.broadcast %mul3A_1130 : f32 to vector<16xf32>
        %mul3A_1132 = arith.mulf %get3A_1129, %mul3A_1131 : vector<16xf32>
        %add3A_1133 = arith.constant 0 : i32
        %add3A_1134 = arith.addi %mul3A_1122, %add3A_1133 : i32
        %and3A = arith.constant 63 : i32
        %and3A_1135 = arith.andi %add3A_1134, %and3A : i32
        %swap3A = arith.constant 0 : i32
        %swap3A_1136 = arith.index_cast %swap3A : i32 to index
        %swap3A_1137 = arith.index_cast %and3A_1135 : i32 to index
        %swap3A_1138 = arith.constant 0 : index
        %swap3A_1139 = tpu.vector_load %arg7[%swap3A_1136, %swap3A_1137, %swap3A_1138] {strides = array<i32>} : memref<1x64x136xf32, #tpu.memory_space<vmem>>, vector<1x1x16xf32>,
        %swap3A_1140 = vector.shape_cast %swap3A_1139 : vector<1x1x16xf32> to vector<16xf32>
        %swap3A_1141 = vector.shape_cast %mul3A_1132 : vector<16xf32> to vector<1x1x16xf32>
        tpu.vector_store %arg7[%swap3A_1136, %swap3A_1137, %swap3A_1138], %swap3A_1141 {strides = array<i32>} : memref<1x64x136xf32, #tpu.memory_space<vmem>>, vector<1x1x16xf32>,
        %add3A_1142 = arith.constant 0 : i32
        %add3A_1143 = arith.addi %mul3A_1122, %add3A_1142 : i32
        %get3A_1144 = arith.constant 5 : i32
        %get3A_1145 = arith.index_cast %get3A_1144 : i32 to index
        %get3A_1146 = arith.index_cast %add3A_1143 : i32 to index
        %get3A_1147 = arith.constant 16 : index
        %get3A_1148 = tpu.vector_load %arg6[%get3A_1145, %get3A_1146, %get3A_1147] {strides = array<i32>} : memref<8x128x64xf32, #tpu.memory_space<vmem>>, vector<1x1x16xf32>,
        %get3A_1149 = vector.shape_cast %get3A_1148 : vector<1x1x16xf32> to vector<16xf32>
        %mul3A_1150 = arith.constant 8.000000e+00 : f32
        %mul3A_1151 = vector.broadcast %mul3A_1150 : f32 to vector<16xf32>
        %mul3A_1152 = arith.mulf %get3A_1149, %mul3A_1151 : vector<16xf32>
        %add3A_1153 = arith.constant 0 : i32
        %add3A_1154 = arith.addi %mul3A_1122, %add3A_1153 : i32
        %and3A_1155 = arith.constant 63 : i32
        %and3A_1156 = arith.andi %add3A_1154, %and3A_1155 : i32
        %swap3A_1157 = arith.constant 0 : i32
        %swap3A_1158 = arith.index_cast %swap3A_1157 : i32 to index
        %swap3A_1159 = arith.index_cast %and3A_1156 : i32 to index
        %swap3A_1160 = arith.constant 16 : index
        %swap3A_1161 = tpu.vector_load %arg7[%swap3A_1158, %swap3A_1159, %swap3A_1160] {strides = array<i32>} : memref<1x64x136xf32, #tpu.memory_space<vmem>>, vector<1x1x16xf32>,
        %swap3A_1162 = vector.shape_cast %swap3A_1161 : vector<1x1x16xf32> to vector<16xf32>
        %swap3A_1163 = vector.shape_cast %mul3A_1152 : vector<16xf32> to vector<1x1x16xf32>
        tpu.vector_store %arg7[%swap3A_1158, %swap3A_1159, %swap3A_1160], %swap3A_1163 {strides = array<i32>} : memref<1x64x136xf32, #tpu.memory_space<vmem>>, vector<1x1x16xf32>,
        %add3A_1164 = arith.constant 0 : i32
        %add3A_1165 = arith.addi %mul3A_1122, %add3A_1164 : i32
        %get3A_1166 = arith.constant 5 : i32
        %get3A_1167 = arith.index_cast %get3A_1166 : i32 to index
        %get3A_1168 = arith.index_cast %add3A_1165 : i32 to index
        %get3A_1169 = arith.constant 32 : index
        %get3A_1170 = tpu.vector_load %arg6[%get3A_1167, %get3A_1168, %get3A_1169] {strides = array<i32>} : memref<8x128x64xf32, #tpu.memory_space<vmem>>, vector<1x1x16xf32>,
        %get3A_1171 = vector.shape_cast %get3A_1170 : vector<1x1x16xf32> to vector<16xf32>
        %mul3A_1172 = arith.constant 8.000000e+00 : f32
        %mul3A_1173 = vector.broadcast %mul3A_1172 : f32 to vector<16xf32>
        %mul3A_1174 = arith.mulf %get3A_1171, %mul3A_1173 : vector<16xf32>
        %add3A_1175 = arith.constant 0 : i32
        %add3A_1176 = arith.addi %mul3A_1122, %add3A_1175 : i32
        %and3A_1177 = arith.constant 63 : i32
        %and3A_1178 = arith.andi %add3A_1176, %and3A_1177 : i32
        %swap3A_1179 = arith.constant 0 : i32
        %swap3A_1180 = arith.index_cast %swap3A_1179 : i32 to index
        %swap3A_1181 = arith.index_cast %and3A_1178 : i32 to index
        %swap3A_1182 = arith.constant 32 : index
        %swap3A_1183 = tpu.vector_load %arg7[%swap3A_1180, %swap3A_1181, %swap3A_1182] {strides = array<i32>} : memref<1x64x136xf32, #tpu.memory_space<vmem>>, vector<1x1x16xf32>,
        %swap3A_1184 = vector.shape_cast %swap3A_1183 : vector<1x1x16xf32> to vector<16xf32>
        %swap3A_1185 = vector.shape_cast %mul3A_1174 : vector<16xf32> to vector<1x1x16xf32>
        tpu.vector_store %arg7[%swap3A_1180, %swap3A_1181, %swap3A_1182], %swap3A_1185 {strides = array<i32>} : memref<1x64x136xf32, #tpu.memory_space<vmem>>, vector<1x1x16xf32>,
        %add3A_1186 = arith.constant 0 : i32
        %add3A_1187 = arith.addi %mul3A_1122, %add3A_1186 : i32
        %get3A_1188 = arith.constant 5 : i32
        %get3A_1189 = arith.index_cast %get3A_1188 : i32 to index
        %get3A_1190 = arith.index_cast %add3A_1187 : i32 to index
        %get3A_1191 = arith.constant 48 : index
        %get3A_1192 = tpu.vector_load %arg6[%get3A_1189, %get3A_1190, %get3A_1191] {strides = array<i32>} : memref<8x128x64xf32, #tpu.memory_space<vmem>>, vector<1x1x16xf32>,
        %get3A_1193 = vector.shape_cast %get3A_1192 : vector<1x1x16xf32> to vector<16xf32>
        %mul3A_1194 = arith.constant 8.000000e+00 : f32
        %mul3A_1195 = vector.broadcast %mul3A_1194 : f32 to vector<16xf32>
        %mul3A_1196 = arith.mulf %get3A_1193, %mul3A_1195 : vector<16xf32>
        %add3A_1197 = arith.constant 0 : i32
        %add3A_1198 = arith.addi %mul3A_1122, %add3A_1197 : i32
        %and3A_1199 = arith.constant 63 : i32
        %and3A_1200 = arith.andi %add3A_1198, %and3A_1199 : i32
        %swap3A_1201 = arith.constant 0 : i32
        %swap3A_1202 = arith.index_cast %swap3A_1201 : i32 to index
        %swap3A_1203 = arith.index_cast %and3A_1200 : i32 to index
        %swap3A_1204 = arith.constant 48 : index
        %swap3A_1205 = tpu.vector_load %arg7[%swap3A_1202, %swap3A_1203, %swap3A_1204] {strides = array<i32>} : memref<1x64x136xf32, #tpu.memory_space<vmem>>, vector<1x1x16xf32>,
        %swap3A_1206 = vector.shape_cast %swap3A_1205 : vector<1x1x16xf32> to vector<16xf32>
        %swap3A_1207 = vector.shape_cast %mul3A_1196 : vector<16xf32> to vector<1x1x16xf32>
        tpu.vector_store %arg7[%swap3A_1202, %swap3A_1203, %swap3A_1204], %swap3A_1207 {strides = array<i32>} : memref<1x64x136xf32, #tpu.memory_space<vmem>>, vector<1x1x16xf32>,
        %add3A_1208 = arith.constant 1 : i32
        %add3A_1209 = arith.addi %mul3A_1122, %add3A_1208 : i32
        %get3A_1210 = arith.constant 5 : i32
        %get3A_1211 = arith.index_cast %get3A_1210 : i32 to index
        %get3A_1212 = arith.index_cast %add3A_1209 : i32 to index
        %get3A_1213 = arith.constant 0 : index
        %get3A_1214 = tpu.vector_load %arg6[%get3A_1211, %get3A_1212, %get3A_1213] {strides = array<i32>} : memref<8x128x64xf32, #tpu.memory_space<vmem>>, vector<1x1x16xf32>,
        %get3A_1215 = vector.shape_cast %get3A_1214 : vector<1x1x16xf32> to vector<16xf32>
        %mul3A_1216 = arith.constant 8.000000e+00 : f32
        %mul3A_1217 = vector.broadcast %mul3A_1216 : f32 to vector<16xf32>
        %mul3A_1218 = arith.mulf %get3A_1215, %mul3A_1217 : vector<16xf32>
        %add3A_1219 = arith.constant 1 : i32
        %add3A_1220 = arith.addi %mul3A_1122, %add3A_1219 : i32
        %and3A_1221 = arith.constant 63 : i32
        %and3A_1222 = arith.andi %add3A_1220, %and3A_1221 : i32
        %swap3A_1223 = arith.constant 0 : i32
        %swap3A_1224 = arith.index_cast %swap3A_1223 : i32 to index
        %swap3A_1225 = arith.index_cast %and3A_1222 : i32 to index
        %swap3A_1226 = arith.constant 0 : index
        %swap3A_1227 = tpu.vector_load %arg7[%swap3A_1224, %swap3A_1225, %swap3A_1226] {strides = array<i32>} : memref<1x64x136xf32, #tpu.memory_space<vmem>>, vector<1x1x16xf32>,
        %swap3A_1228 = vector.shape_cast %swap3A_1227 : vector<1x1x16xf32> to vector<16xf32>
        %swap3A_1229 = vector.shape_cast %mul3A_1218 : vector<16xf32> to vector<1x1x16xf32>
        tpu.vector_store %arg7[%swap3A_1224, %swap3A_1225, %swap3A_1226], %swap3A_1229 {strides = array<i32>} : memref<1x64x136xf32, #tpu.memory_space<vmem>>, vector<1x1x16xf32>,
        %add3A_1230 = arith.constant 1 : i32
        %add3A_1231 = arith.addi %mul3A_1122, %add3A_1230 : i32
        %get3A_1232 = arith.constant 5 : i32
        %get3A_1233 = arith.index_cast %get3A_1232 : i32 to index
        %get3A_1234 = arith.index_cast %add3A_1231 : i32 to index
        %get3A_1235 = arith.constant 16 : index
        %get3A_1236 = tpu.vector_load %arg6[%get3A_1233, %get3A_1234, %get3A_1235] {strides = array<i32>} : memref<8x128x64xf32, #tpu.memory_space<vmem>>, vector<1x1x16xf32>,
        %get3A_1237 = vector.shape_cast %get3A_1236 : vector<1x1x16xf32> to vector<16xf32>
        %mul3A_1238 = arith.constant 8.000000e+00 : f32
        %mul3A_1239 = vector.broadcast %mul3A_1238 : f32 to vector<16xf32>
        %mul3A_1240 = arith.mulf %get3A_1237, %mul3A_1239 : vector<16xf32>
        %add3A_1241 = arith.constant 1 : i32
        %add3A_1242 = arith.addi %mul3A_1122, %add3A_1241 : i32
        %and3A_1243 = arith.constant 63 : i32
        %and3A_1244 = arith.andi %add3A_1242, %and3A_1243 : i32
        %swap3A_1245 = arith.constant 0 : i32
        %swap3A_1246 = arith.index_cast %swap3A_1245 : i32 to index
        %swap3A_1247 = arith.index_cast %and3A_1244 : i32 to index
        %swap3A_1248 = arith.constant 16 : index
        %swap3A_1249 = tpu.vector_load %arg7[%swap3A_1246, %swap3A_1247, %swap3A_1248] {strides = array<i32>} : memref<1x64x136xf32, #tpu.memory_space<vmem>>, vector<1x1x16xf32>,
        %swap3A_1250 = vector.shape_cast %swap3A_1249 : vector<1x1x16xf32> to vector<16xf32>
        %swap3A_1251 = vector.shape_cast %mul3A_1240 : vector<16xf32> to vector<1x1x16xf32>
        tpu.vector_store %arg7[%swap3A_1246, %swap3A_1247, %swap3A_1248], %swap3A_1251 {strides = array<i32>} : memref<1x64x136xf32, #tpu.memory_space<vmem>>, vector<1x1x16xf32>,
        %add3A_1252 = arith.constant 1 : i32
        %add3A_1253 = arith.addi %mul3A_1122, %add3A_1252 : i32
        %get3A_1254 = arith.constant 5 : i32
        %get3A_1255 = arith.index_cast %get3A_1254 : i32 to index
        %get3A_1256 = arith.index_cast %add3A_1253 : i32 to index
        %get3A_1257 = arith.constant 32 : index
        %get3A_1258 = tpu.vector_load %arg6[%get3A_1255, %get3A_1256, %get3A_1257] {strides = array<i32>} : memref<8x128x64xf32, #tpu.memory_space<vmem>>, vector<1x1x16xf32>,
        %get3A_1259 = vector.shape_cast %get3A_1258 : vector<1x1x16xf32> to vector<16xf32>
        %mul3A_1260 = arith.constant 8.000000e+00 : f32
        %mul3A_1261 = vector.broadcast %mul3A_1260 : f32 to vector<16xf32>
        %mul3A_1262 = arith.mulf %get3A_1259, %mul3A_1261 : vector<16xf32>
        %add3A_1263 = arith.constant 1 : i32
        %add3A_1264 = arith.addi %mul3A_1122, %add3A_1263 : i32
        %and3A_1265 = arith.constant 63 : i32
        %and3A_1266 = arith.andi %add3A_1264, %and3A_1265 : i32
        %swap3A_1267 = arith.constant 0 : i32
        %swap3A_1268 = arith.index_cast %swap3A_1267 : i32 to index
        %swap3A_1269 = arith.index_cast %and3A_1266 : i32 to index
        %swap3A_1270 = arith.constant 32 : index
        %swap3A_1271 = tpu.vector_load %arg7[%swap3A_1268, %swap3A_1269, %swap3A_1270] {strides = array<i32>} : memref<1x64x136xf32, #tpu.memory_space<vmem>>, vector<1x1x16xf32>,
        %swap3A_1272 = vector.shape_cast %swap3A_1271 : vector<1x1x16xf32> to vector<16xf32>
        %swap3A_1273 = vector.shape_cast %mul3A_1262 : vector<16xf32> to vector<1x1x16xf32>
        tpu.vector_store %arg7[%swap3A_1268, %swap3A_1269, %swap3A_1270], %swap3A_1273 {strides = array<i32>} : memref<1x64x136xf32, #tpu.memory_space<vmem>>, vector<1x1x16xf32>,
        %add3A_1274 = arith.constant 1 : i32
        %add3A_1275 = arith.addi %mul3A_1122, %add3A_1274 : i32
        %get3A_1276 = arith.constant 5 : i32
        %get3A_1277 = arith.index_cast %get3A_1276 : i32 to index
        %get3A_1278 = arith.index_cast %add3A_1275 : i32 to index
        %get3A_1279 = arith.constant 48 : index
        %get3A_1280 = tpu.vector_load %arg6[%get3A_1277, %get3A_1278, %get3A_1279] {strides = array<i32>} : memref<8x128x64xf32, #tpu.memory_space<vmem>>, vector<1x1x16xf32>,
        %get3A_1281 = vector.shape_cast %get3A_1280 : vector<1x1x16xf32> to vector<16xf32>
        %mul3A_1282 = arith.constant 8.000000e+00 : f32
        %mul3A_1283 = vector.broadcast %mul3A_1282 : f32 to vector<16xf32>
        %mul3A_1284 = arith.mulf %get3A_1281, %mul3A_1283 : vector<16xf32>
        %add3A_1285 = arith.constant 1 : i32
        %add3A_1286 = arith.addi %mul3A_1122, %add3A_1285 : i32
        %and3A_1287 = arith.constant 63 : i32
        %and3A_1288 = arith.andi %add3A_1286, %and3A_1287 : i32
        %swap3A_1289 = arith.constant 0 : i32
        %swap3A_1290 = arith.index_cast %swap3A_1289 : i32 to index
        %swap3A_1291 = arith.index_cast %and3A_1288 : i32 to index
        %swap3A_1292 = arith.constant 48 : index
        %swap3A_1293 = tpu.vector_load %arg7[%swap3A_1290, %swap3A_1291, %swap3A_1292] {strides = array<i32>} : memref<1x64x136xf32, #tpu.memory_space<vmem>>, vector<1x1x16xf32>,
        %swap3A_1294 = vector.shape_cast %swap3A_1293 : vector<1x1x16xf32> to vector<16xf32>
        %swap3A_1295 = vector.shape_cast %mul3A_1284 : vector<16xf32> to vector<1x1x16xf32>
        tpu.vector_store %arg7[%swap3A_1290, %swap3A_1291, %swap3A_1292], %swap3A_1295 {strides = array<i32>} : memref<1x64x136xf32, #tpu.memory_space<vmem>>, vector<1x1x16xf32>,
        %add3A_1296 = arith.constant 2 : i32
        %add3A_1297 = arith.addi %mul3A_1122, %add3A_1296 : i32
        %get3A_1298 = arith.constant 5 : i32
        %get3A_1299 = arith.index_cast %get3A_1298 : i32 to index
        %get3A_1300 = arith.index_cast %add3A_1297 : i32 to index
        %get3A_1301 = arith.constant 0 : index
        %get3A_1302 = tpu.vector_load %arg6[%get3A_1299, %get3A_1300, %get3A_1301] {strides = array<i32>} : memref<8x128x64xf32, #tpu.memory_space<vmem>>, vector<1x1x16xf32>,
        %get3A_1303 = vector.shape_cast %get3A_1302 : vector<1x1x16xf32> to vector<16xf32>
        %mul3A_1304 = arith.constant 8.000000e+00 : f32
        %mul3A_1305 = vector.broadcast %mul3A_1304 : f32 to vector<16xf32>
        %mul3A_1306 = arith.mulf %get3A_1303, %mul3A_1305 : vector<16xf32>
        %add3A_1307 = arith.constant 2 : i32
        %add3A_1308 = arith.addi %mul3A_1122, %add3A_1307 : i32
        %and3A_1309 = arith.constant 63 : i32
        %and3A_1310 = arith.andi %add3A_1308, %and3A_1309 : i32
        %swap3A_1311 = arith.constant 0 : i32
        %swap3A_1312 = arith.index_cast %swap3A_1311 : i32 to index
        %swap3A_1313 = arith.index_cast %and3A_1310 : i32 to index
        %swap3A_1314 = arith.constant 0 : index
        %swap3A_1315 = tpu.vector_load %arg7[%swap3A_1312, %swap3A_1313, %swap3A_1314] {strides = array<i32>} : memref<1x64x136xf32, #tpu.memory_space<vmem>>, vector<1x1x16xf32>,
        %swap3A_1316 = vector.shape_cast %swap3A_1315 : vector<1x1x16xf32> to vector<16xf32>
        %swap3A_1317 = vector.shape_cast %mul3A_1306 : vector<16xf32> to vector<1x1x16xf32>
        tpu.vector_store %arg7[%swap3A_1312, %swap3A_1313, %swap3A_1314], %swap3A_1317 {strides = array<i32>} : memref<1x64x136xf32, #tpu.memory_space<vmem>>, vector<1x1x16xf32>,
        %add3A_1318 = arith.constant 2 : i32
        %add3A_1319 = arith.addi %mul3A_1122, %add3A_1318 : i32
        %get3A_1320 = arith.constant 5 : i32
        %get3A_1321 = arith.index_cast %get3A_1320 : i32 to index
        %get3A_1322 = arith.index_cast %add3A_1319 : i32 to index
        %get3A_1323 = arith.constant 16 : index
        %get3A_1324 = tpu.vector_load %arg6[%get3A_1321, %get3A_1322, %get3A_1323] {strides = array<i32>} : memref<8x128x64xf32, #tpu.memory_space<vmem>>, vector<1x1x16xf32>,
        %get3A_1325 = vector.shape_cast %get3A_1324 : vector<1x1x16xf32> to vector<16xf32>
        %mul3A_1326 = arith.constant 8.000000e+00 : f32
        %mul3A_1327 = vector.broadcast %mul3A_1326 : f32 to vector<16xf32>
        %mul3A_1328 = arith.mulf %get3A_1325, %mul3A_1327 : vector<16xf32>
        %add3A_1329 = arith.constant 2 : i32
        %add3A_1330 = arith.addi %mul3A_1122, %add3A_1329 : i32
        %and3A_1331 = arith.constant 63 : i32
        %and3A_1332 = arith.andi %add3A_1330, %and3A_1331 : i32
        %swap3A_1333 = arith.constant 0 : i32
        %swap3A_1334 = arith.index_cast %swap3A_1333 : i32 to index
        %swap3A_1335 = arith.index_cast %and3A_1332 : i32 to index
        %swap3A_1336 = arith.constant 16 : index
        %swap3A_1337 = tpu.vector_load %arg7[%swap3A_1334, %swap3A_1335, %swap3A_1336] {strides = array<i32>} : memref<1x64x136xf32, #tpu.memory_space<vmem>>, vector<1x1x16xf32>,
        %swap3A_1338 = vector.shape_cast %swap3A_1337 : vector<1x1x16xf32> to vector<16xf32>
        %swap3A_1339 = vector.shape_cast %mul3A_1328 : vector<16xf32> to vector<1x1x16xf32>
        tpu.vector_store %arg7[%swap3A_1334, %swap3A_1335, %swap3A_1336], %swap3A_1339 {strides = array<i32>} : memref<1x64x136xf32, #tpu.memory_space<vmem>>, vector<1x1x16xf32>,
        %add3A_1340 = arith.constant 2 : i32
        %add3A_1341 = arith.addi %mul3A_1122, %add3A_1340 : i32
        %get3A_1342 = arith.constant 5 : i32
        %get3A_1343 = arith.index_cast %get3A_1342 : i32 to index
        %get3A_1344 = arith.index_cast %add3A_1341 : i32 to index
        %get3A_1345 = arith.constant 32 : index
        %get3A_1346 = tpu.vector_load %arg6[%get3A_1343, %get3A_1344, %get3A_1345] {strides = array<i32>} : memref<8x128x64xf32, #tpu.memory_space<vmem>>, vector<1x1x16xf32>,
        %get3A_1347 = vector.shape_cast %get3A_1346 : vector<1x1x16xf32> to vector<16xf32>
        %mul3A_1348 = arith.constant 8.000000e+00 : f32
        %mul3A_1349 = vector.broadcast %mul3A_1348 : f32 to vector<16xf32>
        %mul3A_1350 = arith.mulf %get3A_1347, %mul3A_1349 : vector<16xf32>
        %add3A_1351 = arith.constant 2 : i32
        %add3A_1352 = arith.addi %mul3A_1122, %add3A_1351 : i32
        %and3A_1353 = arith.constant 63 : i32
        %and3A_1354 = arith.andi %add3A_1352, %and3A_1353 : i32
        %swap3A_1355 = arith.constant 0 : i32
        %swap3A_1356 = arith.index_cast %swap3A_1355 : i32 to index
        %swap3A_1357 = arith.index_cast %and3A_1354 : i32 to index
        %swap3A_1358 = arith.constant 32 : index
        %swap3A_1359 = tpu.vector_load %arg7[%swap3A_1356, %swap3A_1357, %swap3A_1358] {strides = array<i32>} : memref<1x64x136xf32, #tpu.memory_space<vmem>>, vector<1x1x16xf32>,
        %swap3A_1360 = vector.shape_cast %swap3A_1359 : vector<1x1x16xf32> to vector<16xf32>
        %swap3A_1361 = vector.shape_cast %mul3A_1350 : vector<16xf32> to vector<1x1x16xf32>
        tpu.vector_store %arg7[%swap3A_1356, %swap3A_1357, %swap3A_1358], %swap3A_1361 {strides = array<i32>} : memref<1x64x136xf32, #tpu.memory_space<vmem>>, vector<1x1x16xf32>,
        %add3A_1362 = arith.constant 2 : i32
        %add3A_1363 = arith.addi %mul3A_1122, %add3A_1362 : i32
        %get3A_1364 = arith.constant 5 : i32
        %get3A_1365 = arith.index_cast %get3A_1364 : i32 to index
        %get3A_1366 = arith.index_cast %add3A_1363 : i32 to index
        %get3A_1367 = arith.constant 48 : index
        %get3A_1368 = tpu.vector_load %arg6[%get3A_1365, %get3A_1366, %get3A_1367] {strides = array<i32>} : memref<8x128x64xf32, #tpu.memory_space<vmem>>, vector<1x1x16xf32>,
        %get3A_1369 = vector.shape_cast %get3A_1368 : vector<1x1x16xf32> to vector<16xf32>
        %mul3A_1370 = arith.constant 8.000000e+00 : f32
        %mul3A_1371 = vector.broadcast %mul3A_1370 : f32 to vector<16xf32>
        %mul3A_1372 = arith.mulf %get3A_1369, %mul3A_1371 : vector<16xf32>
        %add3A_1373 = arith.constant 2 : i32
        %add3A_1374 = arith.addi %mul3A_1122, %add3A_1373 : i32
        %and3A_1375 = arith.constant 63 : i32
        %and3A_1376 = arith.andi %add3A_1374, %and3A_1375 : i32
        %swap3A_1377 = arith.constant 0 : i32
        %swap3A_1378 = arith.index_cast %swap3A_1377 : i32 to index
        %swap3A_1379 = arith.index_cast %and3A_1376 : i32 to index
        %swap3A_1380 = arith.constant 48 : index
        %swap3A_1381 = tpu.vector_load %arg7[%swap3A_1378, %swap3A_1379, %swap3A_1380] {strides = array<i32>} : memref<1x64x136xf32, #tpu.memory_space<vmem>>, vector<1x1x16xf32>,
        %swap3A_1382 = vector.shape_cast %swap3A_1381 : vector<1x1x16xf32> to vector<16xf32>
        %swap3A_1383 = vector.shape_cast %mul3A_1372 : vector<16xf32> to vector<1x1x16xf32>
        tpu.vector_store %arg7[%swap3A_1378, %swap3A_1379, %swap3A_1380], %swap3A_1383 {strides = array<i32>} : memref<1x64x136xf32, #tpu.memory_space<vmem>>, vector<1x1x16xf32>,
        %add3A_1384 = arith.constant 3 : i32
        %add3A_1385 = arith.addi %mul3A_1122, %add3A_1384 : i32
        %get3A_1386 = arith.constant 5 : i32
        %get3A_1387 = arith.index_cast %get3A_1386 : i32 to index
        %get3A_1388 = arith.index_cast %add3A_1385 : i32 to index
        %get3A_1389 = arith.constant 0 : index
        %get3A_1390 = tpu.vector_load %arg6[%get3A_1387, %get3A_1388, %get3A_1389] {strides = array<i32>} : memref<8x128x64xf32, #tpu.memory_space<vmem>>, vector<1x1x16xf32>,
        %get3A_1391 = vector.shape_cast %get3A_1390 : vector<1x1x16xf32> to vector<16xf32>
        %mul3A_1392 = arith.constant 8.000000e+00 : f32
        %mul3A_1393 = vector.broadcast %mul3A_1392 : f32 to vector<16xf32>
        %mul3A_1394 = arith.mulf %get3A_1391, %mul3A_1393 : vector<16xf32>
        %add3A_1395 = arith.constant 3 : i32
        %add3A_1396 = arith.addi %mul3A_1122, %add3A_1395 : i32
        %and3A_1397 = arith.constant 63 : i32
        %and3A_1398 = arith.andi %add3A_1396, %and3A_1397 : i32
        %swap3A_1399 = arith.constant 0 : i32
        %swap3A_1400 = arith.index_cast %swap3A_1399 : i32 to index
        %swap3A_1401 = arith.index_cast %and3A_1398 : i32 to index
        %swap3A_1402 = arith.constant 0 : index
        %swap3A_1403 = tpu.vector_load %arg7[%swap3A_1400, %swap3A_1401, %swap3A_1402] {strides = array<i32>} : memref<1x64x136xf32, #tpu.memory_space<vmem>>, vector<1x1x16xf32>,
        %swap3A_1404 = vector.shape_cast %swap3A_1403 : vector<1x1x16xf32> to vector<16xf32>
        %swap3A_1405 = vector.shape_cast %mul3A_1394 : vector<16xf32> to vector<1x1x16xf32>
        tpu.vector_store %arg7[%swap3A_1400, %swap3A_1401, %swap3A_1402], %swap3A_1405 {strides = array<i32>} : memref<1x64x136xf32, #tpu.memory_space<vmem>>, vector<1x1x16xf32>,
        %add3A_1406 = arith.constant 3 : i32
        %add3A_1407 = arith.addi %mul3A_1122, %add3A_1406 : i32
        %get3A_1408 = arith.constant 5 : i32
        %get3A_1409 = arith.index_cast %get3A_1408 : i32 to index
        %get3A_1410 = arith.index_cast %add3A_1407 : i32 to index
        %get3A_1411 = arith.constant 16 : index
        %get3A_1412 = tpu.vector_load %arg6[%get3A_1409, %get3A_1410, %get3A_1411] {strides = array<i32>} : memref<8x128x64xf32, #tpu.memory_space<vmem>>, vector<1x1x16xf32>,
        %get3A_1413 = vector.shape_cast %get3A_1412 : vector<1x1x16xf32> to vector<16xf32>
        %mul3A_1414 = arith.constant 8.000000e+00 : f32
        %mul3A_1415 = vector.broadcast %mul3A_1414 : f32 to vector<16xf32>
        %mul3A_1416 = arith.mulf %get3A_1413, %mul3A_1415 : vector<16xf32>
        %add3A_1417 = arith.constant 3 : i32
        %add3A_1418 = arith.addi %mul3A_1122, %add3A_1417 : i32
        %and3A_1419 = arith.constant 63 : i32
        %and3A_1420 = arith.andi %add3A_1418, %and3A_1419 : i32
        %swap3A_1421 = arith.constant 0 : i32
        %swap3A_1422 = arith.index_cast %swap3A_1421 : i32 to index
        %swap3A_1423 = arith.index_cast %and3A_1420 : i32 to index
        %swap3A_1424 = arith.constant 16 : index
        %swap3A_1425 = tpu.vector_load %arg7[%swap3A_1422, %swap3A_1423, %swap3A_1424] {strides = array<i32>} : memref<1x64x136xf32, #tpu.memory_space<vmem>>, vector<1x1x16xf32>,
        %swap3A_1426 = vector.shape_cast %swap3A_1425 : vector<1x1x16xf32> to vector<16xf32>
        %swap3A_1427 = vector.shape_cast %mul3A_1416 : vector<16xf32> to vector<1x1x16xf32>
        tpu.vector_store %arg7[%swap3A_1422, %swap3A_1423, %swap3A_1424], %swap3A_1427 {strides = array<i32>} : memref<1x64x136xf32, #tpu.memory_space<vmem>>, vector<1x1x16xf32>,
        %add3A_1428 = arith.constant 3 : i32
        %add3A_1429 = arith.addi %mul3A_1122, %add3A_1428 : i32
        %get3A_1430 = arith.constant 5 : i32
        %get3A_1431 = arith.index_cast %get3A_1430 : i32 to index
        %get3A_1432 = arith.index_cast %add3A_1429 : i32 to index
        %get3A_1433 = arith.constant 32 : index
        %get3A_1434 = tpu.vector_load %arg6[%get3A_1431, %get3A_1432, %get3A_1433] {strides = array<i32>} : memref<8x128x64xf32, #tpu.memory_space<vmem>>, vector<1x1x16xf32>,
        %get3A_1435 = vector.shape_cast %get3A_1434 : vector<1x1x16xf32> to vector<16xf32>
        %mul3A_1436 = arith.constant 8.000000e+00 : f32
        %mul3A_1437 = vector.broadcast %mul3A_1436 : f32 to vector<16xf32>
        %mul3A_1438 = arith.mulf %get3A_1435, %mul3A_1437 : vector<16xf32>
        %add3A_1439 = arith.constant 3 : i32
        %add3A_1440 = arith.addi %mul3A_1122, %add3A_1439 : i32
        %and3A_1441 = arith.constant 63 : i32
        %and3A_1442 = arith.andi %add3A_1440, %and3A_1441 : i32
        %swap3A_1443 = arith.constant 0 : i32
        %swap3A_1444 = arith.index_cast %swap3A_1443 : i32 to index
        %swap3A_1445 = arith.index_cast %and3A_1442 : i32 to index
        %swap3A_1446 = arith.constant 32 : index
        %swap3A_1447 = tpu.vector_load %arg7[%swap3A_1444, %swap3A_1445, %swap3A_1446] {strides = array<i32>} : memref<1x64x136xf32, #tpu.memory_space<vmem>>, vector<1x1x16xf32>,
        %swap3A_1448 = vector.shape_cast %swap3A_1447 : vector<1x1x16xf32> to vector<16xf32>
        %swap3A_1449 = vector.shape_cast %mul3A_1438 : vector<16xf32> to vector<1x1x16xf32>
        tpu.vector_store %arg7[%swap3A_1444, %swap3A_1445, %swap3A_1446], %swap3A_1449 {strides = array<i32>} : memref<1x64x136xf32, #tpu.memory_space<vmem>>, vector<1x1x16xf32>,
        %add3A_1450 = arith.constant 3 : i32
        %add3A_1451 = arith.addi %mul3A_1122, %add3A_1450 : i32
        %get3A_1452 = arith.constant 5 : i32
        %get3A_1453 = arith.index_cast %get3A_1452 : i32 to index
        %get3A_1454 = arith.index_cast %add3A_1451 : i32 to index
        %get3A_1455 = arith.constant 48 : index
        %get3A_1456 = tpu.vector_load %arg6[%get3A_1453, %get3A_1454, %get3A_1455] {strides = array<i32>} : memref<8x128x64xf32, #tpu.memory_space<vmem>>, vector<1x1x16xf32>,
        %get3A_1457 = vector.shape_cast %get3A_1456 : vector<1x1x16xf32> to vector<16xf32>
        %mul3A_1458 = arith.constant 8.000000e+00 : f32
        %mul3A_1459 = vector.broadcast %mul3A_1458 : f32 to vector<16xf32>
        %mul3A_1460 = arith.mulf %get3A_1457, %mul3A_1459 : vector<16xf32>
        %add3A_1461 = arith.constant 3 : i32
        %add3A_1462 = arith.addi %mul3A_1122, %add3A_1461 : i32
        %and3A_1463 = arith.constant 63 : i32
        %and3A_1464 = arith.andi %add3A_1462, %and3A_1463 : i32
        %swap3A_1465 = arith.constant 0 : i32
        %swap3A_1466 = arith.index_cast %swap3A_1465 : i32 to index
        %swap3A_1467 = arith.index_cast %and3A_1464 : i32 to index
        %swap3A_1468 = arith.constant 48 : index
        %swap3A_1469 = tpu.vector_load %arg7[%swap3A_1466, %swap3A_1467, %swap3A_1468] {strides = array<i32>} : memref<1x64x136xf32, #tpu.memory_space<vmem>>, vector<1x1x16xf32>,
        %swap3A_1470 = vector.shape_cast %swap3A_1469 : vector<1x1x16xf32> to vector<16xf32>
        %swap3A_1471 = vector.shape_cast %mul3A_1460 : vector<16xf32> to vector<1x1x16xf32>
        tpu.vector_store %arg7[%swap3A_1466, %swap3A_1467, %swap3A_1468], %swap3A_1471 {strides = array<i32>} : memref<1x64x136xf32, #tpu.memory_space<vmem>>, vector<1x1x16xf32>,
        %scan3A_1472 = arith.constant 0 : i32
        scf.yield %scan3A_1472 : i32
      }
      %scan3A_1050 = arith.constant 32 : i32
      %add3A_1051 = arith.constant 8 : i32
      %add3A_1052 = arith.addi %add3A_1029, %add3A_1051 : i32
      %lt3A_1053 = arith.constant 200 : i32
      %lt3A_1054 = arith.cmpi slt, %add3A_1052, %lt3A_1053 : i32
      %convert_element_type3A_1055 = arith.extui %lt3A_1054 : i1 to i32
      %cond3A_1056 = arith.constant 0 : i32
      %cond3A_1057 = arith.cmpi ne, %convert_element_type3A_1055, %cond3A_1056 : i32
      scf.if %cond3A_1057 {
        %add3A_1119 = arith.constant 8 : i32
        %add3A_1120 = arith.addi %add3A_1029, %add3A_1119 : i32
        %dma_start3A_1121 = arith.constant 5 : i32
        %dma_start3A_1122 = arith.constant 5 : i32
        %dma_start3A_1123 = arith.constant 0 : i32
        %dma_start3A_1124 = arith.constant 0 : i32
        %dma_start3A_1125 = tpu.memref_slice %arg6[%dma_start3A_1121, %dma_start3A_1123, %dma_start3A_1124] : memref<8x128x64xf32, #tpu.memory_space<vmem>> -> memref<1x128x64xf32, #tpu.memory_space<vmem>>
        %dma_start3A_1126 = tpu.memref_squeeze %dma_start3A_1125 : memref<1x128x64xf32, #tpu.memory_space<vmem>> -> memref<128x64xf32, #tpu.memory_space<vmem>>
        %dma_start3A_1127 = arith.constant 0 : i32
        %dma_start3A_1128 = tpu.memref_slice %arg5[%add3A_1120, %dma_start3A_1127] : memref<200x128xi32, #tpu.memory_space<vmem>> -> memref<1x128xi32, #tpu.memory_space<vmem>>
        %dma_start3A_1129 = tpu.memref_squeeze %dma_start3A_1128 : memref<1x128xi32, #tpu.memory_space<vmem>> -> memref<128xi32, #tpu.memory_space<vmem>>
        %dma_start3A_1130 = arith.constant 0 : i32
        %dma_start3A_1131 = arith.constant 0 : i32
        %dma_start3A_1132 = tpu.memref_slice %arg3[%dma_start3A_1130, %dma_start3A_1131] : memref<1000000x64xf32, #tpu.memory_space<hbm>> -> memref<1000000x64xf32, #tpu.memory_space<hbm>>
        %dma_start3A_1133 = tpu.memref_slice %arg9[%dma_start3A_1122] : memref<8x!tpu.dma_semaphore, #tpu.memory_space<semaphore_mem>> -> memref<1x!tpu.dma_semaphore, #tpu.memory_space<semaphore_mem>>
        %dma_start3A_1134 = tpu.memref_squeeze %dma_start3A_1133 : memref<1x!tpu.dma_semaphore, #tpu.memory_space<semaphore_mem>> -> memref<!tpu.dma_semaphore, #tpu.memory_space<semaphore_mem>>
        tpu.enqueue_indirect_dma source(%dma_start3A_1132 : memref<1000000x64xf32, #tpu.memory_space<hbm>>) target(%dma_start3A_1126 : memref<128x64xf32, #tpu.memory_space<vmem>>) offsets(%dma_start3A_1129 : memref<128xi32, #tpu.memory_space<vmem>>) semaphore(%dma_start3A_1134 : memref<!tpu.dma_semaphore, #tpu.memory_space<semaphore_mem>>)
      } else {
      }
      %add3A_1058 = arith.constant 6 : i32
      %add3A_1059 = arith.addi %mul3A_880, %add3A_1058 : i32
      %dma_wait3A_1060 = arith.constant 6 : i32
      %dma_wait3A_1061 = arith.constant 6 : i32
      %dma_wait3A_1062 = arith.constant 0 : i32
      %dma_wait3A_1063 = arith.constant 0 : i32
      %dma_wait3A_1064 = tpu.memref_slice %arg6[%dma_wait3A_1060, %dma_wait3A_1062, %dma_wait3A_1063] : memref<8x128x64xf32, #tpu.memory_space<vmem>> -> memref<1x128x64xf32, #tpu.memory_space<vmem>>
      %dma_wait3A_1065 = tpu.memref_squeeze %dma_wait3A_1064 : memref<1x128x64xf32, #tpu.memory_space<vmem>> -> memref<128x64xf32, #tpu.memory_space<vmem>>
      %dma_wait3A_1066 = arith.constant 0 : i32
      %dma_wait3A_1067 = tpu.memref_slice %arg5[%add3A_1059, %dma_wait3A_1066] : memref<200x128xi32, #tpu.memory_space<vmem>> -> memref<1x128xi32, #tpu.memory_space<vmem>>
      %dma_wait3A_1068 = tpu.memref_squeeze %dma_wait3A_1067 : memref<1x128xi32, #tpu.memory_space<vmem>> -> memref<128xi32, #tpu.memory_space<vmem>>
      %dma_wait3A_1069 = arith.constant 0 : i32
      %dma_wait3A_1070 = arith.constant 0 : i32
      %dma_wait3A_1071 = tpu.memref_slice %arg3[%dma_wait3A_1069, %dma_wait3A_1070] : memref<1000000x64xf32, #tpu.memory_space<hbm>> -> memref<1000000x64xf32, #tpu.memory_space<hbm>>
      %dma_wait3A_1072 = tpu.memref_slice %arg9[%dma_wait3A_1061] : memref<8x!tpu.dma_semaphore, #tpu.memory_space<semaphore_mem>> -> memref<1x!tpu.dma_semaphore, #tpu.memory_space<semaphore_mem>>
      %dma_wait3A_1073 = tpu.memref_squeeze %dma_wait3A_1072 : memref<1x!tpu.dma_semaphore, #tpu.memory_space<semaphore_mem>> -> memref<!tpu.dma_semaphore, #tpu.memory_space<semaphore_mem>>
      tpu.wait_indirect_dma semaphore(%dma_wait3A_1073 : memref<!tpu.dma_semaphore, #tpu.memory_space<semaphore_mem>>) src(%dma_wait3A_1071 : memref<1000000x64xf32, #tpu.memory_space<hbm>>) dst(%dma_wait3A_1065 : memref<128x64xf32, #tpu.memory_space<vmem>>)
      %scan3A_1074 = arith.constant 0 : i32
      %scan3A_1075 = arith.constant 0 : i32
      %scan3A_1076 = arith.constant 32 : i32
      %scan3A_1077 = arith.addi %scan3A_1075, %scan3A_1076 : i32
      %scan3A_1078 = arith.constant 1 : i32
      %scan3A_1079 = scf.for %scan3A_1119 = %scan3A_1075 to %scan3A_1077 step %scan3A_1078 iter_args(%scan3A_1120 = %scan3A_1074) -> (i32)  : i32 {
        %mul3A_1121 = arith.constant 4 : i32
        %mul3A_1122 = arith.muli %scan3A_1119, %mul3A_1121 : i32
        %add3A_1123 = arith.constant 0 : i32
        %add3A_1124 = arith.addi %mul3A_1122, %add3A_1123 : i32
        %get3A = arith.constant 6 : i32
        %get3A_1125 = arith.index_cast %get3A : i32 to index
        %get3A_1126 = arith.index_cast %add3A_1124 : i32 to index
        %get3A_1127 = arith.constant 0 : index
        %get3A_1128 = tpu.vector_load %arg6[%get3A_1125, %get3A_1126, %get3A_1127] {strides = array<i32>} : memref<8x128x64xf32, #tpu.memory_space<vmem>>, vector<1x1x16xf32>,
        %get3A_1129 = vector.shape_cast %get3A_1128 : vector<1x1x16xf32> to vector<16xf32>
        %mul3A_1130 = arith.constant 8.000000e+00 : f32
        %mul3A_1131 = vector.broadcast %mul3A_1130 : f32 to vector<16xf32>
        %mul3A_1132 = arith.mulf %get3A_1129, %mul3A_1131 : vector<16xf32>
        %add3A_1133 = arith.constant 0 : i32
        %add3A_1134 = arith.addi %mul3A_1122, %add3A_1133 : i32
        %and3A = arith.constant 63 : i32
        %and3A_1135 = arith.andi %add3A_1134, %and3A : i32
        %swap3A = arith.constant 0 : i32
        %swap3A_1136 = arith.index_cast %swap3A : i32 to index
        %swap3A_1137 = arith.index_cast %and3A_1135 : i32 to index
        %swap3A_1138 = arith.constant 0 : index
        %swap3A_1139 = tpu.vector_load %arg7[%swap3A_1136, %swap3A_1137, %swap3A_1138] {strides = array<i32>} : memref<1x64x136xf32, #tpu.memory_space<vmem>>, vector<1x1x16xf32>,
        %swap3A_1140 = vector.shape_cast %swap3A_1139 : vector<1x1x16xf32> to vector<16xf32>
        %swap3A_1141 = vector.shape_cast %mul3A_1132 : vector<16xf32> to vector<1x1x16xf32>
        tpu.vector_store %arg7[%swap3A_1136, %swap3A_1137, %swap3A_1138], %swap3A_1141 {strides = array<i32>} : memref<1x64x136xf32, #tpu.memory_space<vmem>>, vector<1x1x16xf32>,
        %add3A_1142 = arith.constant 0 : i32
        %add3A_1143 = arith.addi %mul3A_1122, %add3A_1142 : i32
        %get3A_1144 = arith.constant 6 : i32
        %get3A_1145 = arith.index_cast %get3A_1144 : i32 to index
        %get3A_1146 = arith.index_cast %add3A_1143 : i32 to index
        %get3A_1147 = arith.constant 16 : index
        %get3A_1148 = tpu.vector_load %arg6[%get3A_1145, %get3A_1146, %get3A_1147] {strides = array<i32>} : memref<8x128x64xf32, #tpu.memory_space<vmem>>, vector<1x1x16xf32>,
        %get3A_1149 = vector.shape_cast %get3A_1148 : vector<1x1x16xf32> to vector<16xf32>
        %mul3A_1150 = arith.constant 8.000000e+00 : f32
        %mul3A_1151 = vector.broadcast %mul3A_1150 : f32 to vector<16xf32>
        %mul3A_1152 = arith.mulf %get3A_1149, %mul3A_1151 : vector<16xf32>
        %add3A_1153 = arith.constant 0 : i32
        %add3A_1154 = arith.addi %mul3A_1122, %add3A_1153 : i32
        %and3A_1155 = arith.constant 63 : i32
        %and3A_1156 = arith.andi %add3A_1154, %and3A_1155 : i32
        %swap3A_1157 = arith.constant 0 : i32
        %swap3A_1158 = arith.index_cast %swap3A_1157 : i32 to index
        %swap3A_1159 = arith.index_cast %and3A_1156 : i32 to index
        %swap3A_1160 = arith.constant 16 : index
        %swap3A_1161 = tpu.vector_load %arg7[%swap3A_1158, %swap3A_1159, %swap3A_1160] {strides = array<i32>} : memref<1x64x136xf32, #tpu.memory_space<vmem>>, vector<1x1x16xf32>,
        %swap3A_1162 = vector.shape_cast %swap3A_1161 : vector<1x1x16xf32> to vector<16xf32>
        %swap3A_1163 = vector.shape_cast %mul3A_1152 : vector<16xf32> to vector<1x1x16xf32>
        tpu.vector_store %arg7[%swap3A_1158, %swap3A_1159, %swap3A_1160], %swap3A_1163 {strides = array<i32>} : memref<1x64x136xf32, #tpu.memory_space<vmem>>, vector<1x1x16xf32>,
        %add3A_1164 = arith.constant 0 : i32
        %add3A_1165 = arith.addi %mul3A_1122, %add3A_1164 : i32
        %get3A_1166 = arith.constant 6 : i32
        %get3A_1167 = arith.index_cast %get3A_1166 : i32 to index
        %get3A_1168 = arith.index_cast %add3A_1165 : i32 to index
        %get3A_1169 = arith.constant 32 : index
        %get3A_1170 = tpu.vector_load %arg6[%get3A_1167, %get3A_1168, %get3A_1169] {strides = array<i32>} : memref<8x128x64xf32, #tpu.memory_space<vmem>>, vector<1x1x16xf32>,
        %get3A_1171 = vector.shape_cast %get3A_1170 : vector<1x1x16xf32> to vector<16xf32>
        %mul3A_1172 = arith.constant 8.000000e+00 : f32
        %mul3A_1173 = vector.broadcast %mul3A_1172 : f32 to vector<16xf32>
        %mul3A_1174 = arith.mulf %get3A_1171, %mul3A_1173 : vector<16xf32>
        %add3A_1175 = arith.constant 0 : i32
        %add3A_1176 = arith.addi %mul3A_1122, %add3A_1175 : i32
        %and3A_1177 = arith.constant 63 : i32
        %and3A_1178 = arith.andi %add3A_1176, %and3A_1177 : i32
        %swap3A_1179 = arith.constant 0 : i32
        %swap3A_1180 = arith.index_cast %swap3A_1179 : i32 to index
        %swap3A_1181 = arith.index_cast %and3A_1178 : i32 to index
        %swap3A_1182 = arith.constant 32 : index
        %swap3A_1183 = tpu.vector_load %arg7[%swap3A_1180, %swap3A_1181, %swap3A_1182] {strides = array<i32>} : memref<1x64x136xf32, #tpu.memory_space<vmem>>, vector<1x1x16xf32>,
        %swap3A_1184 = vector.shape_cast %swap3A_1183 : vector<1x1x16xf32> to vector<16xf32>
        %swap3A_1185 = vector.shape_cast %mul3A_1174 : vector<16xf32> to vector<1x1x16xf32>
        tpu.vector_store %arg7[%swap3A_1180, %swap3A_1181, %swap3A_1182], %swap3A_1185 {strides = array<i32>} : memref<1x64x136xf32, #tpu.memory_space<vmem>>, vector<1x1x16xf32>,
        %add3A_1186 = arith.constant 0 : i32
        %add3A_1187 = arith.addi %mul3A_1122, %add3A_1186 : i32
        %get3A_1188 = arith.constant 6 : i32
        %get3A_1189 = arith.index_cast %get3A_1188 : i32 to index
        %get3A_1190 = arith.index_cast %add3A_1187 : i32 to index
        %get3A_1191 = arith.constant 48 : index
        %get3A_1192 = tpu.vector_load %arg6[%get3A_1189, %get3A_1190, %get3A_1191] {strides = array<i32>} : memref<8x128x64xf32, #tpu.memory_space<vmem>>, vector<1x1x16xf32>,
        %get3A_1193 = vector.shape_cast %get3A_1192 : vector<1x1x16xf32> to vector<16xf32>
        %mul3A_1194 = arith.constant 8.000000e+00 : f32
        %mul3A_1195 = vector.broadcast %mul3A_1194 : f32 to vector<16xf32>
        %mul3A_1196 = arith.mulf %get3A_1193, %mul3A_1195 : vector<16xf32>
        %add3A_1197 = arith.constant 0 : i32
        %add3A_1198 = arith.addi %mul3A_1122, %add3A_1197 : i32
        %and3A_1199 = arith.constant 63 : i32
        %and3A_1200 = arith.andi %add3A_1198, %and3A_1199 : i32
        %swap3A_1201 = arith.constant 0 : i32
        %swap3A_1202 = arith.index_cast %swap3A_1201 : i32 to index
        %swap3A_1203 = arith.index_cast %and3A_1200 : i32 to index
        %swap3A_1204 = arith.constant 48 : index
        %swap3A_1205 = tpu.vector_load %arg7[%swap3A_1202, %swap3A_1203, %swap3A_1204] {strides = array<i32>} : memref<1x64x136xf32, #tpu.memory_space<vmem>>, vector<1x1x16xf32>,
        %swap3A_1206 = vector.shape_cast %swap3A_1205 : vector<1x1x16xf32> to vector<16xf32>
        %swap3A_1207 = vector.shape_cast %mul3A_1196 : vector<16xf32> to vector<1x1x16xf32>
        tpu.vector_store %arg7[%swap3A_1202, %swap3A_1203, %swap3A_1204], %swap3A_1207 {strides = array<i32>} : memref<1x64x136xf32, #tpu.memory_space<vmem>>, vector<1x1x16xf32>,
        %add3A_1208 = arith.constant 1 : i32
        %add3A_1209 = arith.addi %mul3A_1122, %add3A_1208 : i32
        %get3A_1210 = arith.constant 6 : i32
        %get3A_1211 = arith.index_cast %get3A_1210 : i32 to index
        %get3A_1212 = arith.index_cast %add3A_1209 : i32 to index
        %get3A_1213 = arith.constant 0 : index
        %get3A_1214 = tpu.vector_load %arg6[%get3A_1211, %get3A_1212, %get3A_1213] {strides = array<i32>} : memref<8x128x64xf32, #tpu.memory_space<vmem>>, vector<1x1x16xf32>,
        %get3A_1215 = vector.shape_cast %get3A_1214 : vector<1x1x16xf32> to vector<16xf32>
        %mul3A_1216 = arith.constant 8.000000e+00 : f32
        %mul3A_1217 = vector.broadcast %mul3A_1216 : f32 to vector<16xf32>
        %mul3A_1218 = arith.mulf %get3A_1215, %mul3A_1217 : vector<16xf32>
        %add3A_1219 = arith.constant 1 : i32
        %add3A_1220 = arith.addi %mul3A_1122, %add3A_1219 : i32
        %and3A_1221 = arith.constant 63 : i32
        %and3A_1222 = arith.andi %add3A_1220, %and3A_1221 : i32
        %swap3A_1223 = arith.constant 0 : i32
        %swap3A_1224 = arith.index_cast %swap3A_1223 : i32 to index
        %swap3A_1225 = arith.index_cast %and3A_1222 : i32 to index
        %swap3A_1226 = arith.constant 0 : index
        %swap3A_1227 = tpu.vector_load %arg7[%swap3A_1224, %swap3A_1225, %swap3A_1226] {strides = array<i32>} : memref<1x64x136xf32, #tpu.memory_space<vmem>>, vector<1x1x16xf32>,
        %swap3A_1228 = vector.shape_cast %swap3A_1227 : vector<1x1x16xf32> to vector<16xf32>
        %swap3A_1229 = vector.shape_cast %mul3A_1218 : vector<16xf32> to vector<1x1x16xf32>
        tpu.vector_store %arg7[%swap3A_1224, %swap3A_1225, %swap3A_1226], %swap3A_1229 {strides = array<i32>} : memref<1x64x136xf32, #tpu.memory_space<vmem>>, vector<1x1x16xf32>,
        %add3A_1230 = arith.constant 1 : i32
        %add3A_1231 = arith.addi %mul3A_1122, %add3A_1230 : i32
        %get3A_1232 = arith.constant 6 : i32
        %get3A_1233 = arith.index_cast %get3A_1232 : i32 to index
        %get3A_1234 = arith.index_cast %add3A_1231 : i32 to index
        %get3A_1235 = arith.constant 16 : index
        %get3A_1236 = tpu.vector_load %arg6[%get3A_1233, %get3A_1234, %get3A_1235] {strides = array<i32>} : memref<8x128x64xf32, #tpu.memory_space<vmem>>, vector<1x1x16xf32>,
        %get3A_1237 = vector.shape_cast %get3A_1236 : vector<1x1x16xf32> to vector<16xf32>
        %mul3A_1238 = arith.constant 8.000000e+00 : f32
        %mul3A_1239 = vector.broadcast %mul3A_1238 : f32 to vector<16xf32>
        %mul3A_1240 = arith.mulf %get3A_1237, %mul3A_1239 : vector<16xf32>
        %add3A_1241 = arith.constant 1 : i32
        %add3A_1242 = arith.addi %mul3A_1122, %add3A_1241 : i32
        %and3A_1243 = arith.constant 63 : i32
        %and3A_1244 = arith.andi %add3A_1242, %and3A_1243 : i32
        %swap3A_1245 = arith.constant 0 : i32
        %swap3A_1246 = arith.index_cast %swap3A_1245 : i32 to index
        %swap3A_1247 = arith.index_cast %and3A_1244 : i32 to index
        %swap3A_1248 = arith.constant 16 : index
        %swap3A_1249 = tpu.vector_load %arg7[%swap3A_1246, %swap3A_1247, %swap3A_1248] {strides = array<i32>} : memref<1x64x136xf32, #tpu.memory_space<vmem>>, vector<1x1x16xf32>,
        %swap3A_1250 = vector.shape_cast %swap3A_1249 : vector<1x1x16xf32> to vector<16xf32>
        %swap3A_1251 = vector.shape_cast %mul3A_1240 : vector<16xf32> to vector<1x1x16xf32>
        tpu.vector_store %arg7[%swap3A_1246, %swap3A_1247, %swap3A_1248], %swap3A_1251 {strides = array<i32>} : memref<1x64x136xf32, #tpu.memory_space<vmem>>, vector<1x1x16xf32>,
        %add3A_1252 = arith.constant 1 : i32
        %add3A_1253 = arith.addi %mul3A_1122, %add3A_1252 : i32
        %get3A_1254 = arith.constant 6 : i32
        %get3A_1255 = arith.index_cast %get3A_1254 : i32 to index
        %get3A_1256 = arith.index_cast %add3A_1253 : i32 to index
        %get3A_1257 = arith.constant 32 : index
        %get3A_1258 = tpu.vector_load %arg6[%get3A_1255, %get3A_1256, %get3A_1257] {strides = array<i32>} : memref<8x128x64xf32, #tpu.memory_space<vmem>>, vector<1x1x16xf32>,
        %get3A_1259 = vector.shape_cast %get3A_1258 : vector<1x1x16xf32> to vector<16xf32>
        %mul3A_1260 = arith.constant 8.000000e+00 : f32
        %mul3A_1261 = vector.broadcast %mul3A_1260 : f32 to vector<16xf32>
        %mul3A_1262 = arith.mulf %get3A_1259, %mul3A_1261 : vector<16xf32>
        %add3A_1263 = arith.constant 1 : i32
        %add3A_1264 = arith.addi %mul3A_1122, %add3A_1263 : i32
        %and3A_1265 = arith.constant 63 : i32
        %and3A_1266 = arith.andi %add3A_1264, %and3A_1265 : i32
        %swap3A_1267 = arith.constant 0 : i32
        %swap3A_1268 = arith.index_cast %swap3A_1267 : i32 to index
        %swap3A_1269 = arith.index_cast %and3A_1266 : i32 to index
        %swap3A_1270 = arith.constant 32 : index
        %swap3A_1271 = tpu.vector_load %arg7[%swap3A_1268, %swap3A_1269, %swap3A_1270] {strides = array<i32>} : memref<1x64x136xf32, #tpu.memory_space<vmem>>, vector<1x1x16xf32>,
        %swap3A_1272 = vector.shape_cast %swap3A_1271 : vector<1x1x16xf32> to vector<16xf32>
        %swap3A_1273 = vector.shape_cast %mul3A_1262 : vector<16xf32> to vector<1x1x16xf32>
        tpu.vector_store %arg7[%swap3A_1268, %swap3A_1269, %swap3A_1270], %swap3A_1273 {strides = array<i32>} : memref<1x64x136xf32, #tpu.memory_space<vmem>>, vector<1x1x16xf32>,
        %add3A_1274 = arith.constant 1 : i32
        %add3A_1275 = arith.addi %mul3A_1122, %add3A_1274 : i32
        %get3A_1276 = arith.constant 6 : i32
        %get3A_1277 = arith.index_cast %get3A_1276 : i32 to index
        %get3A_1278 = arith.index_cast %add3A_1275 : i32 to index
        %get3A_1279 = arith.constant 48 : index
        %get3A_1280 = tpu.vector_load %arg6[%get3A_1277, %get3A_1278, %get3A_1279] {strides = array<i32>} : memref<8x128x64xf32, #tpu.memory_space<vmem>>, vector<1x1x16xf32>,
        %get3A_1281 = vector.shape_cast %get3A_1280 : vector<1x1x16xf32> to vector<16xf32>
        %mul3A_1282 = arith.constant 8.000000e+00 : f32
        %mul3A_1283 = vector.broadcast %mul3A_1282 : f32 to vector<16xf32>
        %mul3A_1284 = arith.mulf %get3A_1281, %mul3A_1283 : vector<16xf32>
        %add3A_1285 = arith.constant 1 : i32
        %add3A_1286 = arith.addi %mul3A_1122, %add3A_1285 : i32
        %and3A_1287 = arith.constant 63 : i32
        %and3A_1288 = arith.andi %add3A_1286, %and3A_1287 : i32
        %swap3A_1289 = arith.constant 0 : i32
        %swap3A_1290 = arith.index_cast %swap3A_1289 : i32 to index
        %swap3A_1291 = arith.index_cast %and3A_1288 : i32 to index
        %swap3A_1292 = arith.constant 48 : index
        %swap3A_1293 = tpu.vector_load %arg7[%swap3A_1290, %swap3A_1291, %swap3A_1292] {strides = array<i32>} : memref<1x64x136xf32, #tpu.memory_space<vmem>>, vector<1x1x16xf32>,
        %swap3A_1294 = vector.shape_cast %swap3A_1293 : vector<1x1x16xf32> to vector<16xf32>
        %swap3A_1295 = vector.shape_cast %mul3A_1284 : vector<16xf32> to vector<1x1x16xf32>
        tpu.vector_store %arg7[%swap3A_1290, %swap3A_1291, %swap3A_1292], %swap3A_1295 {strides = array<i32>} : memref<1x64x136xf32, #tpu.memory_space<vmem>>, vector<1x1x16xf32>,
        %add3A_1296 = arith.constant 2 : i32
        %add3A_1297 = arith.addi %mul3A_1122, %add3A_1296 : i32
        %get3A_1298 = arith.constant 6 : i32
        %get3A_1299 = arith.index_cast %get3A_1298 : i32 to index
        %get3A_1300 = arith.index_cast %add3A_1297 : i32 to index
        %get3A_1301 = arith.constant 0 : index
        %get3A_1302 = tpu.vector_load %arg6[%get3A_1299, %get3A_1300, %get3A_1301] {strides = array<i32>} : memref<8x128x64xf32, #tpu.memory_space<vmem>>, vector<1x1x16xf32>,
        %get3A_1303 = vector.shape_cast %get3A_1302 : vector<1x1x16xf32> to vector<16xf32>
        %mul3A_1304 = arith.constant 8.000000e+00 : f32
        %mul3A_1305 = vector.broadcast %mul3A_1304 : f32 to vector<16xf32>
        %mul3A_1306 = arith.mulf %get3A_1303, %mul3A_1305 : vector<16xf32>
        %add3A_1307 = arith.constant 2 : i32
        %add3A_1308 = arith.addi %mul3A_1122, %add3A_1307 : i32
        %and3A_1309 = arith.constant 63 : i32
        %and3A_1310 = arith.andi %add3A_1308, %and3A_1309 : i32
        %swap3A_1311 = arith.constant 0 : i32
        %swap3A_1312 = arith.index_cast %swap3A_1311 : i32 to index
        %swap3A_1313 = arith.index_cast %and3A_1310 : i32 to index
        %swap3A_1314 = arith.constant 0 : index
        %swap3A_1315 = tpu.vector_load %arg7[%swap3A_1312, %swap3A_1313, %swap3A_1314] {strides = array<i32>} : memref<1x64x136xf32, #tpu.memory_space<vmem>>, vector<1x1x16xf32>,
        %swap3A_1316 = vector.shape_cast %swap3A_1315 : vector<1x1x16xf32> to vector<16xf32>
        %swap3A_1317 = vector.shape_cast %mul3A_1306 : vector<16xf32> to vector<1x1x16xf32>
        tpu.vector_store %arg7[%swap3A_1312, %swap3A_1313, %swap3A_1314], %swap3A_1317 {strides = array<i32>} : memref<1x64x136xf32, #tpu.memory_space<vmem>>, vector<1x1x16xf32>,
        %add3A_1318 = arith.constant 2 : i32
        %add3A_1319 = arith.addi %mul3A_1122, %add3A_1318 : i32
        %get3A_1320 = arith.constant 6 : i32
        %get3A_1321 = arith.index_cast %get3A_1320 : i32 to index
        %get3A_1322 = arith.index_cast %add3A_1319 : i32 to index
        %get3A_1323 = arith.constant 16 : index
        %get3A_1324 = tpu.vector_load %arg6[%get3A_1321, %get3A_1322, %get3A_1323] {strides = array<i32>} : memref<8x128x64xf32, #tpu.memory_space<vmem>>, vector<1x1x16xf32>,
        %get3A_1325 = vector.shape_cast %get3A_1324 : vector<1x1x16xf32> to vector<16xf32>
        %mul3A_1326 = arith.constant 8.000000e+00 : f32
        %mul3A_1327 = vector.broadcast %mul3A_1326 : f32 to vector<16xf32>
        %mul3A_1328 = arith.mulf %get3A_1325, %mul3A_1327 : vector<16xf32>
        %add3A_1329 = arith.constant 2 : i32
        %add3A_1330 = arith.addi %mul3A_1122, %add3A_1329 : i32
        %and3A_1331 = arith.constant 63 : i32
        %and3A_1332 = arith.andi %add3A_1330, %and3A_1331 : i32
        %swap3A_1333 = arith.constant 0 : i32
        %swap3A_1334 = arith.index_cast %swap3A_1333 : i32 to index
        %swap3A_1335 = arith.index_cast %and3A_1332 : i32 to index
        %swap3A_1336 = arith.constant 16 : index
        %swap3A_1337 = tpu.vector_load %arg7[%swap3A_1334, %swap3A_1335, %swap3A_1336] {strides = array<i32>} : memref<1x64x136xf32, #tpu.memory_space<vmem>>, vector<1x1x16xf32>,
        %swap3A_1338 = vector.shape_cast %swap3A_1337 : vector<1x1x16xf32> to vector<16xf32>
        %swap3A_1339 = vector.shape_cast %mul3A_1328 : vector<16xf32> to vector<1x1x16xf32>
        tpu.vector_store %arg7[%swap3A_1334, %swap3A_1335, %swap3A_1336], %swap3A_1339 {strides = array<i32>} : memref<1x64x136xf32, #tpu.memory_space<vmem>>, vector<1x1x16xf32>,
        %add3A_1340 = arith.constant 2 : i32
        %add3A_1341 = arith.addi %mul3A_1122, %add3A_1340 : i32
        %get3A_1342 = arith.constant 6 : i32
        %get3A_1343 = arith.index_cast %get3A_1342 : i32 to index
        %get3A_1344 = arith.index_cast %add3A_1341 : i32 to index
        %get3A_1345 = arith.constant 32 : index
        %get3A_1346 = tpu.vector_load %arg6[%get3A_1343, %get3A_1344, %get3A_1345] {strides = array<i32>} : memref<8x128x64xf32, #tpu.memory_space<vmem>>, vector<1x1x16xf32>,
        %get3A_1347 = vector.shape_cast %get3A_1346 : vector<1x1x16xf32> to vector<16xf32>
        %mul3A_1348 = arith.constant 8.000000e+00 : f32
        %mul3A_1349 = vector.broadcast %mul3A_1348 : f32 to vector<16xf32>
        %mul3A_1350 = arith.mulf %get3A_1347, %mul3A_1349 : vector<16xf32>
        %add3A_1351 = arith.constant 2 : i32
        %add3A_1352 = arith.addi %mul3A_1122, %add3A_1351 : i32
        %and3A_1353 = arith.constant 63 : i32
        %and3A_1354 = arith.andi %add3A_1352, %and3A_1353 : i32
        %swap3A_1355 = arith.constant 0 : i32
        %swap3A_1356 = arith.index_cast %swap3A_1355 : i32 to index
        %swap3A_1357 = arith.index_cast %and3A_1354 : i32 to index
        %swap3A_1358 = arith.constant 32 : index
        %swap3A_1359 = tpu.vector_load %arg7[%swap3A_1356, %swap3A_1357, %swap3A_1358] {strides = array<i32>} : memref<1x64x136xf32, #tpu.memory_space<vmem>>, vector<1x1x16xf32>,
        %swap3A_1360 = vector.shape_cast %swap3A_1359 : vector<1x1x16xf32> to vector<16xf32>
        %swap3A_1361 = vector.shape_cast %mul3A_1350 : vector<16xf32> to vector<1x1x16xf32>
        tpu.vector_store %arg7[%swap3A_1356, %swap3A_1357, %swap3A_1358], %swap3A_1361 {strides = array<i32>} : memref<1x64x136xf32, #tpu.memory_space<vmem>>, vector<1x1x16xf32>,
        %add3A_1362 = arith.constant 2 : i32
        %add3A_1363 = arith.addi %mul3A_1122, %add3A_1362 : i32
        %get3A_1364 = arith.constant 6 : i32
        %get3A_1365 = arith.index_cast %get3A_1364 : i32 to index
        %get3A_1366 = arith.index_cast %add3A_1363 : i32 to index
        %get3A_1367 = arith.constant 48 : index
        %get3A_1368 = tpu.vector_load %arg6[%get3A_1365, %get3A_1366, %get3A_1367] {strides = array<i32>} : memref<8x128x64xf32, #tpu.memory_space<vmem>>, vector<1x1x16xf32>,
        %get3A_1369 = vector.shape_cast %get3A_1368 : vector<1x1x16xf32> to vector<16xf32>
        %mul3A_1370 = arith.constant 8.000000e+00 : f32
        %mul3A_1371 = vector.broadcast %mul3A_1370 : f32 to vector<16xf32>
        %mul3A_1372 = arith.mulf %get3A_1369, %mul3A_1371 : vector<16xf32>
        %add3A_1373 = arith.constant 2 : i32
        %add3A_1374 = arith.addi %mul3A_1122, %add3A_1373 : i32
        %and3A_1375 = arith.constant 63 : i32
        %and3A_1376 = arith.andi %add3A_1374, %and3A_1375 : i32
        %swap3A_1377 = arith.constant 0 : i32
        %swap3A_1378 = arith.index_cast %swap3A_1377 : i32 to index
        %swap3A_1379 = arith.index_cast %and3A_1376 : i32 to index
        %swap3A_1380 = arith.constant 48 : index
        %swap3A_1381 = tpu.vector_load %arg7[%swap3A_1378, %swap3A_1379, %swap3A_1380] {strides = array<i32>} : memref<1x64x136xf32, #tpu.memory_space<vmem>>, vector<1x1x16xf32>,
        %swap3A_1382 = vector.shape_cast %swap3A_1381 : vector<1x1x16xf32> to vector<16xf32>
        %swap3A_1383 = vector.shape_cast %mul3A_1372 : vector<16xf32> to vector<1x1x16xf32>
        tpu.vector_store %arg7[%swap3A_1378, %swap3A_1379, %swap3A_1380], %swap3A_1383 {strides = array<i32>} : memref<1x64x136xf32, #tpu.memory_space<vmem>>, vector<1x1x16xf32>,
        %add3A_1384 = arith.constant 3 : i32
        %add3A_1385 = arith.addi %mul3A_1122, %add3A_1384 : i32
        %get3A_1386 = arith.constant 6 : i32
        %get3A_1387 = arith.index_cast %get3A_1386 : i32 to index
        %get3A_1388 = arith.index_cast %add3A_1385 : i32 to index
        %get3A_1389 = arith.constant 0 : index
        %get3A_1390 = tpu.vector_load %arg6[%get3A_1387, %get3A_1388, %get3A_1389] {strides = array<i32>} : memref<8x128x64xf32, #tpu.memory_space<vmem>>, vector<1x1x16xf32>,
        %get3A_1391 = vector.shape_cast %get3A_1390 : vector<1x1x16xf32> to vector<16xf32>
        %mul3A_1392 = arith.constant 8.000000e+00 : f32
        %mul3A_1393 = vector.broadcast %mul3A_1392 : f32 to vector<16xf32>
        %mul3A_1394 = arith.mulf %get3A_1391, %mul3A_1393 : vector<16xf32>
        %add3A_1395 = arith.constant 3 : i32
        %add3A_1396 = arith.addi %mul3A_1122, %add3A_1395 : i32
        %and3A_1397 = arith.constant 63 : i32
        %and3A_1398 = arith.andi %add3A_1396, %and3A_1397 : i32
        %swap3A_1399 = arith.constant 0 : i32
        %swap3A_1400 = arith.index_cast %swap3A_1399 : i32 to index
        %swap3A_1401 = arith.index_cast %and3A_1398 : i32 to index
        %swap3A_1402 = arith.constant 0 : index
        %swap3A_1403 = tpu.vector_load %arg7[%swap3A_1400, %swap3A_1401, %swap3A_1402] {strides = array<i32>} : memref<1x64x136xf32, #tpu.memory_space<vmem>>, vector<1x1x16xf32>,
        %swap3A_1404 = vector.shape_cast %swap3A_1403 : vector<1x1x16xf32> to vector<16xf32>
        %swap3A_1405 = vector.shape_cast %mul3A_1394 : vector<16xf32> to vector<1x1x16xf32>
        tpu.vector_store %arg7[%swap3A_1400, %swap3A_1401, %swap3A_1402], %swap3A_1405 {strides = array<i32>} : memref<1x64x136xf32, #tpu.memory_space<vmem>>, vector<1x1x16xf32>,
        %add3A_1406 = arith.constant 3 : i32
        %add3A_1407 = arith.addi %mul3A_1122, %add3A_1406 : i32
        %get3A_1408 = arith.constant 6 : i32
        %get3A_1409 = arith.index_cast %get3A_1408 : i32 to index
        %get3A_1410 = arith.index_cast %add3A_1407 : i32 to index
        %get3A_1411 = arith.constant 16 : index
        %get3A_1412 = tpu.vector_load %arg6[%get3A_1409, %get3A_1410, %get3A_1411] {strides = array<i32>} : memref<8x128x64xf32, #tpu.memory_space<vmem>>, vector<1x1x16xf32>,
        %get3A_1413 = vector.shape_cast %get3A_1412 : vector<1x1x16xf32> to vector<16xf32>
        %mul3A_1414 = arith.constant 8.000000e+00 : f32
        %mul3A_1415 = vector.broadcast %mul3A_1414 : f32 to vector<16xf32>
        %mul3A_1416 = arith.mulf %get3A_1413, %mul3A_1415 : vector<16xf32>
        %add3A_1417 = arith.constant 3 : i32
        %add3A_1418 = arith.addi %mul3A_1122, %add3A_1417 : i32
        %and3A_1419 = arith.constant 63 : i32
        %and3A_1420 = arith.andi %add3A_1418, %and3A_1419 : i32
        %swap3A_1421 = arith.constant 0 : i32
        %swap3A_1422 = arith.index_cast %swap3A_1421 : i32 to index
        %swap3A_1423 = arith.index_cast %and3A_1420 : i32 to index
        %swap3A_1424 = arith.constant 16 : index
        %swap3A_1425 = tpu.vector_load %arg7[%swap3A_1422, %swap3A_1423, %swap3A_1424] {strides = array<i32>} : memref<1x64x136xf32, #tpu.memory_space<vmem>>, vector<1x1x16xf32>,
        %swap3A_1426 = vector.shape_cast %swap3A_1425 : vector<1x1x16xf32> to vector<16xf32>
        %swap3A_1427 = vector.shape_cast %mul3A_1416 : vector<16xf32> to vector<1x1x16xf32>
        tpu.vector_store %arg7[%swap3A_1422, %swap3A_1423, %swap3A_1424], %swap3A_1427 {strides = array<i32>} : memref<1x64x136xf32, #tpu.memory_space<vmem>>, vector<1x1x16xf32>,
        %add3A_1428 = arith.constant 3 : i32
        %add3A_1429 = arith.addi %mul3A_1122, %add3A_1428 : i32
        %get3A_1430 = arith.constant 6 : i32
        %get3A_1431 = arith.index_cast %get3A_1430 : i32 to index
        %get3A_1432 = arith.index_cast %add3A_1429 : i32 to index
        %get3A_1433 = arith.constant 32 : index
        %get3A_1434 = tpu.vector_load %arg6[%get3A_1431, %get3A_1432, %get3A_1433] {strides = array<i32>} : memref<8x128x64xf32, #tpu.memory_space<vmem>>, vector<1x1x16xf32>,
        %get3A_1435 = vector.shape_cast %get3A_1434 : vector<1x1x16xf32> to vector<16xf32>
        %mul3A_1436 = arith.constant 8.000000e+00 : f32
        %mul3A_1437 = vector.broadcast %mul3A_1436 : f32 to vector<16xf32>
        %mul3A_1438 = arith.mulf %get3A_1435, %mul3A_1437 : vector<16xf32>
        %add3A_1439 = arith.constant 3 : i32
        %add3A_1440 = arith.addi %mul3A_1122, %add3A_1439 : i32
        %and3A_1441 = arith.constant 63 : i32
        %and3A_1442 = arith.andi %add3A_1440, %and3A_1441 : i32
        %swap3A_1443 = arith.constant 0 : i32
        %swap3A_1444 = arith.index_cast %swap3A_1443 : i32 to index
        %swap3A_1445 = arith.index_cast %and3A_1442 : i32 to index
        %swap3A_1446 = arith.constant 32 : index
        %swap3A_1447 = tpu.vector_load %arg7[%swap3A_1444, %swap3A_1445, %swap3A_1446] {strides = array<i32>} : memref<1x64x136xf32, #tpu.memory_space<vmem>>, vector<1x1x16xf32>,
        %swap3A_1448 = vector.shape_cast %swap3A_1447 : vector<1x1x16xf32> to vector<16xf32>
        %swap3A_1449 = vector.shape_cast %mul3A_1438 : vector<16xf32> to vector<1x1x16xf32>
        tpu.vector_store %arg7[%swap3A_1444, %swap3A_1445, %swap3A_1446], %swap3A_1449 {strides = array<i32>} : memref<1x64x136xf32, #tpu.memory_space<vmem>>, vector<1x1x16xf32>,
        %add3A_1450 = arith.constant 3 : i32
        %add3A_1451 = arith.addi %mul3A_1122, %add3A_1450 : i32
        %get3A_1452 = arith.constant 6 : i32
        %get3A_1453 = arith.index_cast %get3A_1452 : i32 to index
        %get3A_1454 = arith.index_cast %add3A_1451 : i32 to index
        %get3A_1455 = arith.constant 48 : index
        %get3A_1456 = tpu.vector_load %arg6[%get3A_1453, %get3A_1454, %get3A_1455] {strides = array<i32>} : memref<8x128x64xf32, #tpu.memory_space<vmem>>, vector<1x1x16xf32>,
        %get3A_1457 = vector.shape_cast %get3A_1456 : vector<1x1x16xf32> to vector<16xf32>
        %mul3A_1458 = arith.constant 8.000000e+00 : f32
        %mul3A_1459 = vector.broadcast %mul3A_1458 : f32 to vector<16xf32>
        %mul3A_1460 = arith.mulf %get3A_1457, %mul3A_1459 : vector<16xf32>
        %add3A_1461 = arith.constant 3 : i32
        %add3A_1462 = arith.addi %mul3A_1122, %add3A_1461 : i32
        %and3A_1463 = arith.constant 63 : i32
        %and3A_1464 = arith.andi %add3A_1462, %and3A_1463 : i32
        %swap3A_1465 = arith.constant 0 : i32
        %swap3A_1466 = arith.index_cast %swap3A_1465 : i32 to index
        %swap3A_1467 = arith.index_cast %and3A_1464 : i32 to index
        %swap3A_1468 = arith.constant 48 : index
        %swap3A_1469 = tpu.vector_load %arg7[%swap3A_1466, %swap3A_1467, %swap3A_1468] {strides = array<i32>} : memref<1x64x136xf32, #tpu.memory_space<vmem>>, vector<1x1x16xf32>,
        %swap3A_1470 = vector.shape_cast %swap3A_1469 : vector<1x1x16xf32> to vector<16xf32>
        %swap3A_1471 = vector.shape_cast %mul3A_1460 : vector<16xf32> to vector<1x1x16xf32>
        tpu.vector_store %arg7[%swap3A_1466, %swap3A_1467, %swap3A_1468], %swap3A_1471 {strides = array<i32>} : memref<1x64x136xf32, #tpu.memory_space<vmem>>, vector<1x1x16xf32>,
        %scan3A_1472 = arith.constant 0 : i32
        scf.yield %scan3A_1472 : i32
      }
      %scan3A_1080 = arith.constant 32 : i32
      %add3A_1081 = arith.constant 8 : i32
      %add3A_1082 = arith.addi %add3A_1059, %add3A_1081 : i32
      %lt3A_1083 = arith.constant 200 : i32
      %lt3A_1084 = arith.cmpi slt, %add3A_1082, %lt3A_1083 : i32
      %convert_element_type3A_1085 = arith.extui %lt3A_1084 : i1 to i32
      %cond3A_1086 = arith.constant 0 : i32
      %cond3A_1087 = arith.cmpi ne, %convert_element_type3A_1085, %cond3A_1086 : i32
      scf.if %cond3A_1087 {
        %add3A_1119 = arith.constant 8 : i32
        %add3A_1120 = arith.addi %add3A_1059, %add3A_1119 : i32
        %dma_start3A_1121 = arith.constant 6 : i32
        %dma_start3A_1122 = arith.constant 6 : i32
        %dma_start3A_1123 = arith.constant 0 : i32
        %dma_start3A_1124 = arith.constant 0 : i32
        %dma_start3A_1125 = tpu.memref_slice %arg6[%dma_start3A_1121, %dma_start3A_1123, %dma_start3A_1124] : memref<8x128x64xf32, #tpu.memory_space<vmem>> -> memref<1x128x64xf32, #tpu.memory_space<vmem>>
        %dma_start3A_1126 = tpu.memref_squeeze %dma_start3A_1125 : memref<1x128x64xf32, #tpu.memory_space<vmem>> -> memref<128x64xf32, #tpu.memory_space<vmem>>
        %dma_start3A_1127 = arith.constant 0 : i32
        %dma_start3A_1128 = tpu.memref_slice %arg5[%add3A_1120, %dma_start3A_1127] : memref<200x128xi32, #tpu.memory_space<vmem>> -> memref<1x128xi32, #tpu.memory_space<vmem>>
        %dma_start3A_1129 = tpu.memref_squeeze %dma_start3A_1128 : memref<1x128xi32, #tpu.memory_space<vmem>> -> memref<128xi32, #tpu.memory_space<vmem>>
        %dma_start3A_1130 = arith.constant 0 : i32
        %dma_start3A_1131 = arith.constant 0 : i32
        %dma_start3A_1132 = tpu.memref_slice %arg3[%dma_start3A_1130, %dma_start3A_1131] : memref<1000000x64xf32, #tpu.memory_space<hbm>> -> memref<1000000x64xf32, #tpu.memory_space<hbm>>
        %dma_start3A_1133 = tpu.memref_slice %arg9[%dma_start3A_1122] : memref<8x!tpu.dma_semaphore, #tpu.memory_space<semaphore_mem>> -> memref<1x!tpu.dma_semaphore, #tpu.memory_space<semaphore_mem>>
        %dma_start3A_1134 = tpu.memref_squeeze %dma_start3A_1133 : memref<1x!tpu.dma_semaphore, #tpu.memory_space<semaphore_mem>> -> memref<!tpu.dma_semaphore, #tpu.memory_space<semaphore_mem>>
        tpu.enqueue_indirect_dma source(%dma_start3A_1132 : memref<1000000x64xf32, #tpu.memory_space<hbm>>) target(%dma_start3A_1126 : memref<128x64xf32, #tpu.memory_space<vmem>>) offsets(%dma_start3A_1129 : memref<128xi32, #tpu.memory_space<vmem>>) semaphore(%dma_start3A_1134 : memref<!tpu.dma_semaphore, #tpu.memory_space<semaphore_mem>>)
      } else {
      }
      %add3A_1088 = arith.constant 7 : i32
      %add3A_1089 = arith.addi %mul3A_880, %add3A_1088 : i32
      %dma_wait3A_1090 = arith.constant 7 : i32
      %dma_wait3A_1091 = arith.constant 7 : i32
      %dma_wait3A_1092 = arith.constant 0 : i32
      %dma_wait3A_1093 = arith.constant 0 : i32
      %dma_wait3A_1094 = tpu.memref_slice %arg6[%dma_wait3A_1090, %dma_wait3A_1092, %dma_wait3A_1093] : memref<8x128x64xf32, #tpu.memory_space<vmem>> -> memref<1x128x64xf32, #tpu.memory_space<vmem>>
      %dma_wait3A_1095 = tpu.memref_squeeze %dma_wait3A_1094 : memref<1x128x64xf32, #tpu.memory_space<vmem>> -> memref<128x64xf32, #tpu.memory_space<vmem>>
      %dma_wait3A_1096 = arith.constant 0 : i32
      %dma_wait3A_1097 = tpu.memref_slice %arg5[%add3A_1089, %dma_wait3A_1096] : memref<200x128xi32, #tpu.memory_space<vmem>> -> memref<1x128xi32, #tpu.memory_space<vmem>>
      %dma_wait3A_1098 = tpu.memref_squeeze %dma_wait3A_1097 : memref<1x128xi32, #tpu.memory_space<vmem>> -> memref<128xi32, #tpu.memory_space<vmem>>
      %dma_wait3A_1099 = arith.constant 0 : i32
      %dma_wait3A_1100 = arith.constant 0 : i32
      %dma_wait3A_1101 = tpu.memref_slice %arg3[%dma_wait3A_1099, %dma_wait3A_1100] : memref<1000000x64xf32, #tpu.memory_space<hbm>> -> memref<1000000x64xf32, #tpu.memory_space<hbm>>
      %dma_wait3A_1102 = tpu.memref_slice %arg9[%dma_wait3A_1091] : memref<8x!tpu.dma_semaphore, #tpu.memory_space<semaphore_mem>> -> memref<1x!tpu.dma_semaphore, #tpu.memory_space<semaphore_mem>>
      %dma_wait3A_1103 = tpu.memref_squeeze %dma_wait3A_1102 : memref<1x!tpu.dma_semaphore, #tpu.memory_space<semaphore_mem>> -> memref<!tpu.dma_semaphore, #tpu.memory_space<semaphore_mem>>
      tpu.wait_indirect_dma semaphore(%dma_wait3A_1103 : memref<!tpu.dma_semaphore, #tpu.memory_space<semaphore_mem>>) src(%dma_wait3A_1101 : memref<1000000x64xf32, #tpu.memory_space<hbm>>) dst(%dma_wait3A_1095 : memref<128x64xf32, #tpu.memory_space<vmem>>)
      %scan3A_1104 = arith.constant 0 : i32
      %scan3A_1105 = arith.constant 0 : i32
      %scan3A_1106 = arith.constant 32 : i32
      %scan3A_1107 = arith.addi %scan3A_1105, %scan3A_1106 : i32
      %scan3A_1108 = arith.constant 1 : i32
      %scan3A_1109 = scf.for %scan3A_1119 = %scan3A_1105 to %scan3A_1107 step %scan3A_1108 iter_args(%scan3A_1120 = %scan3A_1104) -> (i32)  : i32 {
        %mul3A_1121 = arith.constant 4 : i32
        %mul3A_1122 = arith.muli %scan3A_1119, %mul3A_1121 : i32
        %add3A_1123 = arith.constant 0 : i32
        %add3A_1124 = arith.addi %mul3A_1122, %add3A_1123 : i32
        %get3A = arith.constant 7 : i32
        %get3A_1125 = arith.index_cast %get3A : i32 to index
        %get3A_1126 = arith.index_cast %add3A_1124 : i32 to index
        %get3A_1127 = arith.constant 0 : index
        %get3A_1128 = tpu.vector_load %arg6[%get3A_1125, %get3A_1126, %get3A_1127] {strides = array<i32>} : memref<8x128x64xf32, #tpu.memory_space<vmem>>, vector<1x1x16xf32>,
        %get3A_1129 = vector.shape_cast %get3A_1128 : vector<1x1x16xf32> to vector<16xf32>
        %mul3A_1130 = arith.constant 8.000000e+00 : f32
        %mul3A_1131 = vector.broadcast %mul3A_1130 : f32 to vector<16xf32>
        %mul3A_1132 = arith.mulf %get3A_1129, %mul3A_1131 : vector<16xf32>
        %add3A_1133 = arith.constant 0 : i32
        %add3A_1134 = arith.addi %mul3A_1122, %add3A_1133 : i32
        %and3A = arith.constant 63 : i32
        %and3A_1135 = arith.andi %add3A_1134, %and3A : i32
        %swap3A = arith.constant 0 : i32
        %swap3A_1136 = arith.index_cast %swap3A : i32 to index
        %swap3A_1137 = arith.index_cast %and3A_1135 : i32 to index
        %swap3A_1138 = arith.constant 0 : index
        %swap3A_1139 = tpu.vector_load %arg7[%swap3A_1136, %swap3A_1137, %swap3A_1138] {strides = array<i32>} : memref<1x64x136xf32, #tpu.memory_space<vmem>>, vector<1x1x16xf32>,
        %swap3A_1140 = vector.shape_cast %swap3A_1139 : vector<1x1x16xf32> to vector<16xf32>
        %swap3A_1141 = vector.shape_cast %mul3A_1132 : vector<16xf32> to vector<1x1x16xf32>
        tpu.vector_store %arg7[%swap3A_1136, %swap3A_1137, %swap3A_1138], %swap3A_1141 {strides = array<i32>} : memref<1x64x136xf32, #tpu.memory_space<vmem>>, vector<1x1x16xf32>,
        %add3A_1142 = arith.constant 0 : i32
        %add3A_1143 = arith.addi %mul3A_1122, %add3A_1142 : i32
        %get3A_1144 = arith.constant 7 : i32
        %get3A_1145 = arith.index_cast %get3A_1144 : i32 to index
        %get3A_1146 = arith.index_cast %add3A_1143 : i32 to index
        %get3A_1147 = arith.constant 16 : index
        %get3A_1148 = tpu.vector_load %arg6[%get3A_1145, %get3A_1146, %get3A_1147] {strides = array<i32>} : memref<8x128x64xf32, #tpu.memory_space<vmem>>, vector<1x1x16xf32>,
        %get3A_1149 = vector.shape_cast %get3A_1148 : vector<1x1x16xf32> to vector<16xf32>
        %mul3A_1150 = arith.constant 8.000000e+00 : f32
        %mul3A_1151 = vector.broadcast %mul3A_1150 : f32 to vector<16xf32>
        %mul3A_1152 = arith.mulf %get3A_1149, %mul3A_1151 : vector<16xf32>
        %add3A_1153 = arith.constant 0 : i32
        %add3A_1154 = arith.addi %mul3A_1122, %add3A_1153 : i32
        %and3A_1155 = arith.constant 63 : i32
        %and3A_1156 = arith.andi %add3A_1154, %and3A_1155 : i32
        %swap3A_1157 = arith.constant 0 : i32
        %swap3A_1158 = arith.index_cast %swap3A_1157 : i32 to index
        %swap3A_1159 = arith.index_cast %and3A_1156 : i32 to index
        %swap3A_1160 = arith.constant 16 : index
        %swap3A_1161 = tpu.vector_load %arg7[%swap3A_1158, %swap3A_1159, %swap3A_1160] {strides = array<i32>} : memref<1x64x136xf32, #tpu.memory_space<vmem>>, vector<1x1x16xf32>,
        %swap3A_1162 = vector.shape_cast %swap3A_1161 : vector<1x1x16xf32> to vector<16xf32>
        %swap3A_1163 = vector.shape_cast %mul3A_1152 : vector<16xf32> to vector<1x1x16xf32>
        tpu.vector_store %arg7[%swap3A_1158, %swap3A_1159, %swap3A_1160], %swap3A_1163 {strides = array<i32>} : memref<1x64x136xf32, #tpu.memory_space<vmem>>, vector<1x1x16xf32>,
        %add3A_1164 = arith.constant 0 : i32
        %add3A_1165 = arith.addi %mul3A_1122, %add3A_1164 : i32
        %get3A_1166 = arith.constant 7 : i32
        %get3A_1167 = arith.index_cast %get3A_1166 : i32 to index
        %get3A_1168 = arith.index_cast %add3A_1165 : i32 to index
        %get3A_1169 = arith.constant 32 : index
        %get3A_1170 = tpu.vector_load %arg6[%get3A_1167, %get3A_1168, %get3A_1169] {strides = array<i32>} : memref<8x128x64xf32, #tpu.memory_space<vmem>>, vector<1x1x16xf32>,
        %get3A_1171 = vector.shape_cast %get3A_1170 : vector<1x1x16xf32> to vector<16xf32>
        %mul3A_1172 = arith.constant 8.000000e+00 : f32
        %mul3A_1173 = vector.broadcast %mul3A_1172 : f32 to vector<16xf32>
        %mul3A_1174 = arith.mulf %get3A_1171, %mul3A_1173 : vector<16xf32>
        %add3A_1175 = arith.constant 0 : i32
        %add3A_1176 = arith.addi %mul3A_1122, %add3A_1175 : i32
        %and3A_1177 = arith.constant 63 : i32
        %and3A_1178 = arith.andi %add3A_1176, %and3A_1177 : i32
        %swap3A_1179 = arith.constant 0 : i32
        %swap3A_1180 = arith.index_cast %swap3A_1179 : i32 to index
        %swap3A_1181 = arith.index_cast %and3A_1178 : i32 to index
        %swap3A_1182 = arith.constant 32 : index
        %swap3A_1183 = tpu.vector_load %arg7[%swap3A_1180, %swap3A_1181, %swap3A_1182] {strides = array<i32>} : memref<1x64x136xf32, #tpu.memory_space<vmem>>, vector<1x1x16xf32>,
        %swap3A_1184 = vector.shape_cast %swap3A_1183 : vector<1x1x16xf32> to vector<16xf32>
        %swap3A_1185 = vector.shape_cast %mul3A_1174 : vector<16xf32> to vector<1x1x16xf32>
        tpu.vector_store %arg7[%swap3A_1180, %swap3A_1181, %swap3A_1182], %swap3A_1185 {strides = array<i32>} : memref<1x64x136xf32, #tpu.memory_space<vmem>>, vector<1x1x16xf32>,
        %add3A_1186 = arith.constant 0 : i32
        %add3A_1187 = arith.addi %mul3A_1122, %add3A_1186 : i32
        %get3A_1188 = arith.constant 7 : i32
        %get3A_1189 = arith.index_cast %get3A_1188 : i32 to index
        %get3A_1190 = arith.index_cast %add3A_1187 : i32 to index
        %get3A_1191 = arith.constant 48 : index
        %get3A_1192 = tpu.vector_load %arg6[%get3A_1189, %get3A_1190, %get3A_1191] {strides = array<i32>} : memref<8x128x64xf32, #tpu.memory_space<vmem>>, vector<1x1x16xf32>,
        %get3A_1193 = vector.shape_cast %get3A_1192 : vector<1x1x16xf32> to vector<16xf32>
        %mul3A_1194 = arith.constant 8.000000e+00 : f32
        %mul3A_1195 = vector.broadcast %mul3A_1194 : f32 to vector<16xf32>
        %mul3A_1196 = arith.mulf %get3A_1193, %mul3A_1195 : vector<16xf32>
        %add3A_1197 = arith.constant 0 : i32
        %add3A_1198 = arith.addi %mul3A_1122, %add3A_1197 : i32
        %and3A_1199 = arith.constant 63 : i32
        %and3A_1200 = arith.andi %add3A_1198, %and3A_1199 : i32
        %swap3A_1201 = arith.constant 0 : i32
        %swap3A_1202 = arith.index_cast %swap3A_1201 : i32 to index
        %swap3A_1203 = arith.index_cast %and3A_1200 : i32 to index
        %swap3A_1204 = arith.constant 48 : index
        %swap3A_1205 = tpu.vector_load %arg7[%swap3A_1202, %swap3A_1203, %swap3A_1204] {strides = array<i32>} : memref<1x64x136xf32, #tpu.memory_space<vmem>>, vector<1x1x16xf32>,
        %swap3A_1206 = vector.shape_cast %swap3A_1205 : vector<1x1x16xf32> to vector<16xf32>
        %swap3A_1207 = vector.shape_cast %mul3A_1196 : vector<16xf32> to vector<1x1x16xf32>
        tpu.vector_store %arg7[%swap3A_1202, %swap3A_1203, %swap3A_1204], %swap3A_1207 {strides = array<i32>} : memref<1x64x136xf32, #tpu.memory_space<vmem>>, vector<1x1x16xf32>,
        %add3A_1208 = arith.constant 1 : i32
        %add3A_1209 = arith.addi %mul3A_1122, %add3A_1208 : i32
        %get3A_1210 = arith.constant 7 : i32
        %get3A_1211 = arith.index_cast %get3A_1210 : i32 to index
        %get3A_1212 = arith.index_cast %add3A_1209 : i32 to index
        %get3A_1213 = arith.constant 0 : index
        %get3A_1214 = tpu.vector_load %arg6[%get3A_1211, %get3A_1212, %get3A_1213] {strides = array<i32>} : memref<8x128x64xf32, #tpu.memory_space<vmem>>, vector<1x1x16xf32>,
        %get3A_1215 = vector.shape_cast %get3A_1214 : vector<1x1x16xf32> to vector<16xf32>
        %mul3A_1216 = arith.constant 8.000000e+00 : f32
        %mul3A_1217 = vector.broadcast %mul3A_1216 : f32 to vector<16xf32>
        %mul3A_1218 = arith.mulf %get3A_1215, %mul3A_1217 : vector<16xf32>
        %add3A_1219 = arith.constant 1 : i32
        %add3A_1220 = arith.addi %mul3A_1122, %add3A_1219 : i32
        %and3A_1221 = arith.constant 63 : i32
        %and3A_1222 = arith.andi %add3A_1220, %and3A_1221 : i32
        %swap3A_1223 = arith.constant 0 : i32
        %swap3A_1224 = arith.index_cast %swap3A_1223 : i32 to index
        %swap3A_1225 = arith.index_cast %and3A_1222 : i32 to index
        %swap3A_1226 = arith.constant 0 : index
        %swap3A_1227 = tpu.vector_load %arg7[%swap3A_1224, %swap3A_1225, %swap3A_1226] {strides = array<i32>} : memref<1x64x136xf32, #tpu.memory_space<vmem>>, vector<1x1x16xf32>,
        %swap3A_1228 = vector.shape_cast %swap3A_1227 : vector<1x1x16xf32> to vector<16xf32>
        %swap3A_1229 = vector.shape_cast %mul3A_1218 : vector<16xf32> to vector<1x1x16xf32>
        tpu.vector_store %arg7[%swap3A_1224, %swap3A_1225, %swap3A_1226], %swap3A_1229 {strides = array<i32>} : memref<1x64x136xf32, #tpu.memory_space<vmem>>, vector<1x1x16xf32>,
        %add3A_1230 = arith.constant 1 : i32
        %add3A_1231 = arith.addi %mul3A_1122, %add3A_1230 : i32
        %get3A_1232 = arith.constant 7 : i32
        %get3A_1233 = arith.index_cast %get3A_1232 : i32 to index
        %get3A_1234 = arith.index_cast %add3A_1231 : i32 to index
        %get3A_1235 = arith.constant 16 : index
        %get3A_1236 = tpu.vector_load %arg6[%get3A_1233, %get3A_1234, %get3A_1235] {strides = array<i32>} : memref<8x128x64xf32, #tpu.memory_space<vmem>>, vector<1x1x16xf32>,
        %get3A_1237 = vector.shape_cast %get3A_1236 : vector<1x1x16xf32> to vector<16xf32>
        %mul3A_1238 = arith.constant 8.000000e+00 : f32
        %mul3A_1239 = vector.broadcast %mul3A_1238 : f32 to vector<16xf32>
        %mul3A_1240 = arith.mulf %get3A_1237, %mul3A_1239 : vector<16xf32>
        %add3A_1241 = arith.constant 1 : i32
        %add3A_1242 = arith.addi %mul3A_1122, %add3A_1241 : i32
        %and3A_1243 = arith.constant 63 : i32
        %and3A_1244 = arith.andi %add3A_1242, %and3A_1243 : i32
        %swap3A_1245 = arith.constant 0 : i32
        %swap3A_1246 = arith.index_cast %swap3A_1245 : i32 to index
        %swap3A_1247 = arith.index_cast %and3A_1244 : i32 to index
        %swap3A_1248 = arith.constant 16 : index
        %swap3A_1249 = tpu.vector_load %arg7[%swap3A_1246, %swap3A_1247, %swap3A_1248] {strides = array<i32>} : memref<1x64x136xf32, #tpu.memory_space<vmem>>, vector<1x1x16xf32>,
        %swap3A_1250 = vector.shape_cast %swap3A_1249 : vector<1x1x16xf32> to vector<16xf32>
        %swap3A_1251 = vector.shape_cast %mul3A_1240 : vector<16xf32> to vector<1x1x16xf32>
        tpu.vector_store %arg7[%swap3A_1246, %swap3A_1247, %swap3A_1248], %swap3A_1251 {strides = array<i32>} : memref<1x64x136xf32, #tpu.memory_space<vmem>>, vector<1x1x16xf32>,
        %add3A_1252 = arith.constant 1 : i32
        %add3A_1253 = arith.addi %mul3A_1122, %add3A_1252 : i32
        %get3A_1254 = arith.constant 7 : i32
        %get3A_1255 = arith.index_cast %get3A_1254 : i32 to index
        %get3A_1256 = arith.index_cast %add3A_1253 : i32 to index
        %get3A_1257 = arith.constant 32 : index
        %get3A_1258 = tpu.vector_load %arg6[%get3A_1255, %get3A_1256, %get3A_1257] {strides = array<i32>} : memref<8x128x64xf32, #tpu.memory_space<vmem>>, vector<1x1x16xf32>,
        %get3A_1259 = vector.shape_cast %get3A_1258 : vector<1x1x16xf32> to vector<16xf32>
        %mul3A_1260 = arith.constant 8.000000e+00 : f32
        %mul3A_1261 = vector.broadcast %mul3A_1260 : f32 to vector<16xf32>
        %mul3A_1262 = arith.mulf %get3A_1259, %mul3A_1261 : vector<16xf32>
        %add3A_1263 = arith.constant 1 : i32
        %add3A_1264 = arith.addi %mul3A_1122, %add3A_1263 : i32
        %and3A_1265 = arith.constant 63 : i32
        %and3A_1266 = arith.andi %add3A_1264, %and3A_1265 : i32
        %swap3A_1267 = arith.constant 0 : i32
        %swap3A_1268 = arith.index_cast %swap3A_1267 : i32 to index
        %swap3A_1269 = arith.index_cast %and3A_1266 : i32 to index
        %swap3A_1270 = arith.constant 32 : index
        %swap3A_1271 = tpu.vector_load %arg7[%swap3A_1268, %swap3A_1269, %swap3A_1270] {strides = array<i32>} : memref<1x64x136xf32, #tpu.memory_space<vmem>>, vector<1x1x16xf32>,
        %swap3A_1272 = vector.shape_cast %swap3A_1271 : vector<1x1x16xf32> to vector<16xf32>
        %swap3A_1273 = vector.shape_cast %mul3A_1262 : vector<16xf32> to vector<1x1x16xf32>
        tpu.vector_store %arg7[%swap3A_1268, %swap3A_1269, %swap3A_1270], %swap3A_1273 {strides = array<i32>} : memref<1x64x136xf32, #tpu.memory_space<vmem>>, vector<1x1x16xf32>,
        %add3A_1274 = arith.constant 1 : i32
        %add3A_1275 = arith.addi %mul3A_1122, %add3A_1274 : i32
        %get3A_1276 = arith.constant 7 : i32
        %get3A_1277 = arith.index_cast %get3A_1276 : i32 to index
        %get3A_1278 = arith.index_cast %add3A_1275 : i32 to index
        %get3A_1279 = arith.constant 48 : index
        %get3A_1280 = tpu.vector_load %arg6[%get3A_1277, %get3A_1278, %get3A_1279] {strides = array<i32>} : memref<8x128x64xf32, #tpu.memory_space<vmem>>, vector<1x1x16xf32>,
        %get3A_1281 = vector.shape_cast %get3A_1280 : vector<1x1x16xf32> to vector<16xf32>
        %mul3A_1282 = arith.constant 8.000000e+00 : f32
        %mul3A_1283 = vector.broadcast %mul3A_1282 : f32 to vector<16xf32>
        %mul3A_1284 = arith.mulf %get3A_1281, %mul3A_1283 : vector<16xf32>
        %add3A_1285 = arith.constant 1 : i32
        %add3A_1286 = arith.addi %mul3A_1122, %add3A_1285 : i32
        %and3A_1287 = arith.constant 63 : i32
        %and3A_1288 = arith.andi %add3A_1286, %and3A_1287 : i32
        %swap3A_1289 = arith.constant 0 : i32
        %swap3A_1290 = arith.index_cast %swap3A_1289 : i32 to index
        %swap3A_1291 = arith.index_cast %and3A_1288 : i32 to index
        %swap3A_1292 = arith.constant 48 : index
        %swap3A_1293 = tpu.vector_load %arg7[%swap3A_1290, %swap3A_1291, %swap3A_1292] {strides = array<i32>} : memref<1x64x136xf32, #tpu.memory_space<vmem>>, vector<1x1x16xf32>,
        %swap3A_1294 = vector.shape_cast %swap3A_1293 : vector<1x1x16xf32> to vector<16xf32>
        %swap3A_1295 = vector.shape_cast %mul3A_1284 : vector<16xf32> to vector<1x1x16xf32>
        tpu.vector_store %arg7[%swap3A_1290, %swap3A_1291, %swap3A_1292], %swap3A_1295 {strides = array<i32>} : memref<1x64x136xf32, #tpu.memory_space<vmem>>, vector<1x1x16xf32>,
        %add3A_1296 = arith.constant 2 : i32
        %add3A_1297 = arith.addi %mul3A_1122, %add3A_1296 : i32
        %get3A_1298 = arith.constant 7 : i32
        %get3A_1299 = arith.index_cast %get3A_1298 : i32 to index
        %get3A_1300 = arith.index_cast %add3A_1297 : i32 to index
        %get3A_1301 = arith.constant 0 : index
        %get3A_1302 = tpu.vector_load %arg6[%get3A_1299, %get3A_1300, %get3A_1301] {strides = array<i32>} : memref<8x128x64xf32, #tpu.memory_space<vmem>>, vector<1x1x16xf32>,
        %get3A_1303 = vector.shape_cast %get3A_1302 : vector<1x1x16xf32> to vector<16xf32>
        %mul3A_1304 = arith.constant 8.000000e+00 : f32
        %mul3A_1305 = vector.broadcast %mul3A_1304 : f32 to vector<16xf32>
        %mul3A_1306 = arith.mulf %get3A_1303, %mul3A_1305 : vector<16xf32>
        %add3A_1307 = arith.constant 2 : i32
        %add3A_1308 = arith.addi %mul3A_1122, %add3A_1307 : i32
        %and3A_1309 = arith.constant 63 : i32
        %and3A_1310 = arith.andi %add3A_1308, %and3A_1309 : i32
        %swap3A_1311 = arith.constant 0 : i32
        %swap3A_1312 = arith.index_cast %swap3A_1311 : i32 to index
        %swap3A_1313 = arith.index_cast %and3A_1310 : i32 to index
        %swap3A_1314 = arith.constant 0 : index
        %swap3A_1315 = tpu.vector_load %arg7[%swap3A_1312, %swap3A_1313, %swap3A_1314] {strides = array<i32>} : memref<1x64x136xf32, #tpu.memory_space<vmem>>, vector<1x1x16xf32>,
        %swap3A_1316 = vector.shape_cast %swap3A_1315 : vector<1x1x16xf32> to vector<16xf32>
        %swap3A_1317 = vector.shape_cast %mul3A_1306 : vector<16xf32> to vector<1x1x16xf32>
        tpu.vector_store %arg7[%swap3A_1312, %swap3A_1313, %swap3A_1314], %swap3A_1317 {strides = array<i32>} : memref<1x64x136xf32, #tpu.memory_space<vmem>>, vector<1x1x16xf32>,
        %add3A_1318 = arith.constant 2 : i32
        %add3A_1319 = arith.addi %mul3A_1122, %add3A_1318 : i32
        %get3A_1320 = arith.constant 7 : i32
        %get3A_1321 = arith.index_cast %get3A_1320 : i32 to index
        %get3A_1322 = arith.index_cast %add3A_1319 : i32 to index
        %get3A_1323 = arith.constant 16 : index
        %get3A_1324 = tpu.vector_load %arg6[%get3A_1321, %get3A_1322, %get3A_1323] {strides = array<i32>} : memref<8x128x64xf32, #tpu.memory_space<vmem>>, vector<1x1x16xf32>,
        %get3A_1325 = vector.shape_cast %get3A_1324 : vector<1x1x16xf32> to vector<16xf32>
        %mul3A_1326 = arith.constant 8.000000e+00 : f32
        %mul3A_1327 = vector.broadcast %mul3A_1326 : f32 to vector<16xf32>
        %mul3A_1328 = arith.mulf %get3A_1325, %mul3A_1327 : vector<16xf32>
        %add3A_1329 = arith.constant 2 : i32
        %add3A_1330 = arith.addi %mul3A_1122, %add3A_1329 : i32
        %and3A_1331 = arith.constant 63 : i32
        %and3A_1332 = arith.andi %add3A_1330, %and3A_1331 : i32
        %swap3A_1333 = arith.constant 0 : i32
        %swap3A_1334 = arith.index_cast %swap3A_1333 : i32 to index
        %swap3A_1335 = arith.index_cast %and3A_1332 : i32 to index
        %swap3A_1336 = arith.constant 16 : index
        %swap3A_1337 = tpu.vector_load %arg7[%swap3A_1334, %swap3A_1335, %swap3A_1336] {strides = array<i32>} : memref<1x64x136xf32, #tpu.memory_space<vmem>>, vector<1x1x16xf32>,
        %swap3A_1338 = vector.shape_cast %swap3A_1337 : vector<1x1x16xf32> to vector<16xf32>
        %swap3A_1339 = vector.shape_cast %mul3A_1328 : vector<16xf32> to vector<1x1x16xf32>
        tpu.vector_store %arg7[%swap3A_1334, %swap3A_1335, %swap3A_1336], %swap3A_1339 {strides = array<i32>} : memref<1x64x136xf32, #tpu.memory_space<vmem>>, vector<1x1x16xf32>,
        %add3A_1340 = arith.constant 2 : i32
        %add3A_1341 = arith.addi %mul3A_1122, %add3A_1340 : i32
        %get3A_1342 = arith.constant 7 : i32
        %get3A_1343 = arith.index_cast %get3A_1342 : i32 to index
        %get3A_1344 = arith.index_cast %add3A_1341 : i32 to index
        %get3A_1345 = arith.constant 32 : index
        %get3A_1346 = tpu.vector_load %arg6[%get3A_1343, %get3A_1344, %get3A_1345] {strides = array<i32>} : memref<8x128x64xf32, #tpu.memory_space<vmem>>, vector<1x1x16xf32>,
        %get3A_1347 = vector.shape_cast %get3A_1346 : vector<1x1x16xf32> to vector<16xf32>
        %mul3A_1348 = arith.constant 8.000000e+00 : f32
        %mul3A_1349 = vector.broadcast %mul3A_1348 : f32 to vector<16xf32>
        %mul3A_1350 = arith.mulf %get3A_1347, %mul3A_1349 : vector<16xf32>
        %add3A_1351 = arith.constant 2 : i32
        %add3A_1352 = arith.addi %mul3A_1122, %add3A_1351 : i32
        %and3A_1353 = arith.constant 63 : i32
        %and3A_1354 = arith.andi %add3A_1352, %and3A_1353 : i32
        %swap3A_1355 = arith.constant 0 : i32
        %swap3A_1356 = arith.index_cast %swap3A_1355 : i32 to index
        %swap3A_1357 = arith.index_cast %and3A_1354 : i32 to index
        %swap3A_1358 = arith.constant 32 : index
        %swap3A_1359 = tpu.vector_load %arg7[%swap3A_1356, %swap3A_1357, %swap3A_1358] {strides = array<i32>} : memref<1x64x136xf32, #tpu.memory_space<vmem>>, vector<1x1x16xf32>,
        %swap3A_1360 = vector.shape_cast %swap3A_1359 : vector<1x1x16xf32> to vector<16xf32>
        %swap3A_1361 = vector.shape_cast %mul3A_1350 : vector<16xf32> to vector<1x1x16xf32>
        tpu.vector_store %arg7[%swap3A_1356, %swap3A_1357, %swap3A_1358], %swap3A_1361 {strides = array<i32>} : memref<1x64x136xf32, #tpu.memory_space<vmem>>, vector<1x1x16xf32>,
        %add3A_1362 = arith.constant 2 : i32
        %add3A_1363 = arith.addi %mul3A_1122, %add3A_1362 : i32
        %get3A_1364 = arith.constant 7 : i32
        %get3A_1365 = arith.index_cast %get3A_1364 : i32 to index
        %get3A_1366 = arith.index_cast %add3A_1363 : i32 to index
        %get3A_1367 = arith.constant 48 : index
        %get3A_1368 = tpu.vector_load %arg6[%get3A_1365, %get3A_1366, %get3A_1367] {strides = array<i32>} : memref<8x128x64xf32, #tpu.memory_space<vmem>>, vector<1x1x16xf32>,
        %get3A_1369 = vector.shape_cast %get3A_1368 : vector<1x1x16xf32> to vector<16xf32>
        %mul3A_1370 = arith.constant 8.000000e+00 : f32
        %mul3A_1371 = vector.broadcast %mul3A_1370 : f32 to vector<16xf32>
        %mul3A_1372 = arith.mulf %get3A_1369, %mul3A_1371 : vector<16xf32>
        %add3A_1373 = arith.constant 2 : i32
        %add3A_1374 = arith.addi %mul3A_1122, %add3A_1373 : i32
        %and3A_1375 = arith.constant 63 : i32
        %and3A_1376 = arith.andi %add3A_1374, %and3A_1375 : i32
        %swap3A_1377 = arith.constant 0 : i32
        %swap3A_1378 = arith.index_cast %swap3A_1377 : i32 to index
        %swap3A_1379 = arith.index_cast %and3A_1376 : i32 to index
        %swap3A_1380 = arith.constant 48 : index
        %swap3A_1381 = tpu.vector_load %arg7[%swap3A_1378, %swap3A_1379, %swap3A_1380] {strides = array<i32>} : memref<1x64x136xf32, #tpu.memory_space<vmem>>, vector<1x1x16xf32>,
        %swap3A_1382 = vector.shape_cast %swap3A_1381 : vector<1x1x16xf32> to vector<16xf32>
        %swap3A_1383 = vector.shape_cast %mul3A_1372 : vector<16xf32> to vector<1x1x16xf32>
        tpu.vector_store %arg7[%swap3A_1378, %swap3A_1379, %swap3A_1380], %swap3A_1383 {strides = array<i32>} : memref<1x64x136xf32, #tpu.memory_space<vmem>>, vector<1x1x16xf32>,
        %add3A_1384 = arith.constant 3 : i32
        %add3A_1385 = arith.addi %mul3A_1122, %add3A_1384 : i32
        %get3A_1386 = arith.constant 7 : i32
        %get3A_1387 = arith.index_cast %get3A_1386 : i32 to index
        %get3A_1388 = arith.index_cast %add3A_1385 : i32 to index
        %get3A_1389 = arith.constant 0 : index
        %get3A_1390 = tpu.vector_load %arg6[%get3A_1387, %get3A_1388, %get3A_1389] {strides = array<i32>} : memref<8x128x64xf32, #tpu.memory_space<vmem>>, vector<1x1x16xf32>,
        %get3A_1391 = vector.shape_cast %get3A_1390 : vector<1x1x16xf32> to vector<16xf32>
        %mul3A_1392 = arith.constant 8.000000e+00 : f32
        %mul3A_1393 = vector.broadcast %mul3A_1392 : f32 to vector<16xf32>
        %mul3A_1394 = arith.mulf %get3A_1391, %mul3A_1393 : vector<16xf32>
        %add3A_1395 = arith.constant 3 : i32
        %add3A_1396 = arith.addi %mul3A_1122, %add3A_1395 : i32
        %and3A_1397 = arith.constant 63 : i32
        %and3A_1398 = arith.andi %add3A_1396, %and3A_1397 : i32
        %swap3A_1399 = arith.constant 0 : i32
        %swap3A_1400 = arith.index_cast %swap3A_1399 : i32 to index
        %swap3A_1401 = arith.index_cast %and3A_1398 : i32 to index
        %swap3A_1402 = arith.constant 0 : index
        %swap3A_1403 = tpu.vector_load %arg7[%swap3A_1400, %swap3A_1401, %swap3A_1402] {strides = array<i32>} : memref<1x64x136xf32, #tpu.memory_space<vmem>>, vector<1x1x16xf32>,
        %swap3A_1404 = vector.shape_cast %swap3A_1403 : vector<1x1x16xf32> to vector<16xf32>
        %swap3A_1405 = vector.shape_cast %mul3A_1394 : vector<16xf32> to vector<1x1x16xf32>
        tpu.vector_store %arg7[%swap3A_1400, %swap3A_1401, %swap3A_1402], %swap3A_1405 {strides = array<i32>} : memref<1x64x136xf32, #tpu.memory_space<vmem>>, vector<1x1x16xf32>,
        %add3A_1406 = arith.constant 3 : i32
        %add3A_1407 = arith.addi %mul3A_1122, %add3A_1406 : i32
        %get3A_1408 = arith.constant 7 : i32
        %get3A_1409 = arith.index_cast %get3A_1408 : i32 to index
        %get3A_1410 = arith.index_cast %add3A_1407 : i32 to index
        %get3A_1411 = arith.constant 16 : index
        %get3A_1412 = tpu.vector_load %arg6[%get3A_1409, %get3A_1410, %get3A_1411] {strides = array<i32>} : memref<8x128x64xf32, #tpu.memory_space<vmem>>, vector<1x1x16xf32>,
        %get3A_1413 = vector.shape_cast %get3A_1412 : vector<1x1x16xf32> to vector<16xf32>
        %mul3A_1414 = arith.constant 8.000000e+00 : f32
        %mul3A_1415 = vector.broadcast %mul3A_1414 : f32 to vector<16xf32>
        %mul3A_1416 = arith.mulf %get3A_1413, %mul3A_1415 : vector<16xf32>
        %add3A_1417 = arith.constant 3 : i32
        %add3A_1418 = arith.addi %mul3A_1122, %add3A_1417 : i32
        %and3A_1419 = arith.constant 63 : i32
        %and3A_1420 = arith.andi %add3A_1418, %and3A_1419 : i32
        %swap3A_1421 = arith.constant 0 : i32
        %swap3A_1422 = arith.index_cast %swap3A_1421 : i32 to index
        %swap3A_1423 = arith.index_cast %and3A_1420 : i32 to index
        %swap3A_1424 = arith.constant 16 : index
        %swap3A_1425 = tpu.vector_load %arg7[%swap3A_1422, %swap3A_1423, %swap3A_1424] {strides = array<i32>} : memref<1x64x136xf32, #tpu.memory_space<vmem>>, vector<1x1x16xf32>,
        %swap3A_1426 = vector.shape_cast %swap3A_1425 : vector<1x1x16xf32> to vector<16xf32>
        %swap3A_1427 = vector.shape_cast %mul3A_1416 : vector<16xf32> to vector<1x1x16xf32>
        tpu.vector_store %arg7[%swap3A_1422, %swap3A_1423, %swap3A_1424], %swap3A_1427 {strides = array<i32>} : memref<1x64x136xf32, #tpu.memory_space<vmem>>, vector<1x1x16xf32>,
        %add3A_1428 = arith.constant 3 : i32
        %add3A_1429 = arith.addi %mul3A_1122, %add3A_1428 : i32
        %get3A_1430 = arith.constant 7 : i32
        %get3A_1431 = arith.index_cast %get3A_1430 : i32 to index
        %get3A_1432 = arith.index_cast %add3A_1429 : i32 to index
        %get3A_1433 = arith.constant 32 : index
        %get3A_1434 = tpu.vector_load %arg6[%get3A_1431, %get3A_1432, %get3A_1433] {strides = array<i32>} : memref<8x128x64xf32, #tpu.memory_space<vmem>>, vector<1x1x16xf32>,
        %get3A_1435 = vector.shape_cast %get3A_1434 : vector<1x1x16xf32> to vector<16xf32>
        %mul3A_1436 = arith.constant 8.000000e+00 : f32
        %mul3A_1437 = vector.broadcast %mul3A_1436 : f32 to vector<16xf32>
        %mul3A_1438 = arith.mulf %get3A_1435, %mul3A_1437 : vector<16xf32>
        %add3A_1439 = arith.constant 3 : i32
        %add3A_1440 = arith.addi %mul3A_1122, %add3A_1439 : i32
        %and3A_1441 = arith.constant 63 : i32
        %and3A_1442 = arith.andi %add3A_1440, %and3A_1441 : i32
        %swap3A_1443 = arith.constant 0 : i32
        %swap3A_1444 = arith.index_cast %swap3A_1443 : i32 to index
        %swap3A_1445 = arith.index_cast %and3A_1442 : i32 to index
        %swap3A_1446 = arith.constant 32 : index
        %swap3A_1447 = tpu.vector_load %arg7[%swap3A_1444, %swap3A_1445, %swap3A_1446] {strides = array<i32>} : memref<1x64x136xf32, #tpu.memory_space<vmem>>, vector<1x1x16xf32>,
        %swap3A_1448 = vector.shape_cast %swap3A_1447 : vector<1x1x16xf32> to vector<16xf32>
        %swap3A_1449 = vector.shape_cast %mul3A_1438 : vector<16xf32> to vector<1x1x16xf32>
        tpu.vector_store %arg7[%swap3A_1444, %swap3A_1445, %swap3A_1446], %swap3A_1449 {strides = array<i32>} : memref<1x64x136xf32, #tpu.memory_space<vmem>>, vector<1x1x16xf32>,
        %add3A_1450 = arith.constant 3 : i32
        %add3A_1451 = arith.addi %mul3A_1122, %add3A_1450 : i32
        %get3A_1452 = arith.constant 7 : i32
        %get3A_1453 = arith.index_cast %get3A_1452 : i32 to index
        %get3A_1454 = arith.index_cast %add3A_1451 : i32 to index
        %get3A_1455 = arith.constant 48 : index
        %get3A_1456 = tpu.vector_load %arg6[%get3A_1453, %get3A_1454, %get3A_1455] {strides = array<i32>} : memref<8x128x64xf32, #tpu.memory_space<vmem>>, vector<1x1x16xf32>,
        %get3A_1457 = vector.shape_cast %get3A_1456 : vector<1x1x16xf32> to vector<16xf32>
        %mul3A_1458 = arith.constant 8.000000e+00 : f32
        %mul3A_1459 = vector.broadcast %mul3A_1458 : f32 to vector<16xf32>
        %mul3A_1460 = arith.mulf %get3A_1457, %mul3A_1459 : vector<16xf32>
        %add3A_1461 = arith.constant 3 : i32
        %add3A_1462 = arith.addi %mul3A_1122, %add3A_1461 : i32
        %and3A_1463 = arith.constant 63 : i32
        %and3A_1464 = arith.andi %add3A_1462, %and3A_1463 : i32
        %swap3A_1465 = arith.constant 0 : i32
        %swap3A_1466 = arith.index_cast %swap3A_1465 : i32 to index
        %swap3A_1467 = arith.index_cast %and3A_1464 : i32 to index
        %swap3A_1468 = arith.constant 48 : index
        %swap3A_1469 = tpu.vector_load %arg7[%swap3A_1466, %swap3A_1467, %swap3A_1468] {strides = array<i32>} : memref<1x64x136xf32, #tpu.memory_space<vmem>>, vector<1x1x16xf32>,
        %swap3A_1470 = vector.shape_cast %swap3A_1469 : vector<1x1x16xf32> to vector<16xf32>
        %swap3A_1471 = vector.shape_cast %mul3A_1460 : vector<16xf32> to vector<1x1x16xf32>
        tpu.vector_store %arg7[%swap3A_1466, %swap3A_1467, %swap3A_1468], %swap3A_1471 {strides = array<i32>} : memref<1x64x136xf32, #tpu.memory_space<vmem>>, vector<1x1x16xf32>,
        %scan3A_1472 = arith.constant 0 : i32
        scf.yield %scan3A_1472 : i32
      }
      %scan3A_1110 = arith.constant 32 : i32
      %add3A_1111 = arith.constant 8 : i32
      %add3A_1112 = arith.addi %add3A_1089, %add3A_1111 : i32
      %lt3A_1113 = arith.constant 200 : i32
      %lt3A_1114 = arith.cmpi slt, %add3A_1112, %lt3A_1113 : i32
      %convert_element_type3A_1115 = arith.extui %lt3A_1114 : i1 to i32
      %cond3A_1116 = arith.constant 0 : i32
      %cond3A_1117 = arith.cmpi ne, %convert_element_type3A_1115, %cond3A_1116 : i32
      scf.if %cond3A_1117 {
        %add3A_1119 = arith.constant 8 : i32
        %add3A_1120 = arith.addi %add3A_1089, %add3A_1119 : i32
        %dma_start3A_1121 = arith.constant 7 : i32
        %dma_start3A_1122 = arith.constant 7 : i32
        %dma_start3A_1123 = arith.constant 0 : i32
        %dma_start3A_1124 = arith.constant 0 : i32
        %dma_start3A_1125 = tpu.memref_slice %arg6[%dma_start3A_1121, %dma_start3A_1123, %dma_start3A_1124] : memref<8x128x64xf32, #tpu.memory_space<vmem>> -> memref<1x128x64xf32, #tpu.memory_space<vmem>>
        %dma_start3A_1126 = tpu.memref_squeeze %dma_start3A_1125 : memref<1x128x64xf32, #tpu.memory_space<vmem>> -> memref<128x64xf32, #tpu.memory_space<vmem>>
        %dma_start3A_1127 = arith.constant 0 : i32
        %dma_start3A_1128 = tpu.memref_slice %arg5[%add3A_1120, %dma_start3A_1127] : memref<200x128xi32, #tpu.memory_space<vmem>> -> memref<1x128xi32, #tpu.memory_space<vmem>>
        %dma_start3A_1129 = tpu.memref_squeeze %dma_start3A_1128 : memref<1x128xi32, #tpu.memory_space<vmem>> -> memref<128xi32, #tpu.memory_space<vmem>>
        %dma_start3A_1130 = arith.constant 0 : i32
        %dma_start3A_1131 = arith.constant 0 : i32
        %dma_start3A_1132 = tpu.memref_slice %arg3[%dma_start3A_1130, %dma_start3A_1131] : memref<1000000x64xf32, #tpu.memory_space<hbm>> -> memref<1000000x64xf32, #tpu.memory_space<hbm>>
        %dma_start3A_1133 = tpu.memref_slice %arg9[%dma_start3A_1122] : memref<8x!tpu.dma_semaphore, #tpu.memory_space<semaphore_mem>> -> memref<1x!tpu.dma_semaphore, #tpu.memory_space<semaphore_mem>>
        %dma_start3A_1134 = tpu.memref_squeeze %dma_start3A_1133 : memref<1x!tpu.dma_semaphore, #tpu.memory_space<semaphore_mem>> -> memref<!tpu.dma_semaphore, #tpu.memory_space<semaphore_mem>>
        tpu.enqueue_indirect_dma source(%dma_start3A_1132 : memref<1000000x64xf32, #tpu.memory_space<hbm>>) target(%dma_start3A_1126 : memref<128x64xf32, #tpu.memory_space<vmem>>) offsets(%dma_start3A_1129 : memref<128xi32, #tpu.memory_space<vmem>>) semaphore(%dma_start3A_1134 : memref<!tpu.dma_semaphore, #tpu.memory_space<semaphore_mem>>)
      } else {
      }
      %scan3A_1118 = arith.constant 0 : i32
      scf.yield %scan3A_1118 : i32
    }
    %scan3A_874 = arith.constant 25 : i32
    %run_scoped3A = arith.constant 0 : i32
    %run_scoped3A_875 = arith.constant 0 : i32
    %run_scoped3A_876 = arith.constant 0 : i32
    "tpu.region"() ({
      %run_scoped3A_877 = tpu.sem_alloc : memref<!tpu.dma_semaphore, #tpu.memory_space<semaphore_mem>>
      %dma_start3A_878 = arith.constant 0 : i32
      %dma_start3A_879 = arith.constant 0 : i32
      %dma_start3A_880 = tpu.memref_slice %arg7[%run_scoped3A, %dma_start3A_878, %dma_start3A_879] : memref<1x64x136xf32, #tpu.memory_space<vmem>> -> memref<1x8x128xf32, #tpu.memory_space<vmem>>
      %dma_start3A_881 = tpu.memref_squeeze %dma_start3A_880 : memref<1x8x128xf32, #tpu.memory_space<vmem>> -> memref<8x128xf32, #tpu.memory_space<vmem>>
      %dma_start3A_882 = arith.constant 0 : i32
      %dma_start3A_883 = arith.constant 0 : i32
      %dma_start3A_884 = tpu.memref_slice %arg4[%run_scoped3A_875, %run_scoped3A_876, %add3A, %dma_start3A_882, %dma_start3A_883] : memref<200x8x32x8x128xf32, #tpu.memory_space<hbm>> -> memref<1x1x1x8x128xf32, #tpu.memory_space<hbm>>
      %dma_start3A_885 = tpu.memref_squeeze %dma_start3A_884 : memref<1x1x1x8x128xf32, #tpu.memory_space<hbm>> -> memref<8x128xf32, #tpu.memory_space<hbm>>
      %dma_start3A_886 = arith.constant 0 : i32
      %dma_start3A_887 = arith.constant 0 : i32
      %dma_start3A_888 = tpu.memref_slice %arg4[%run_scoped3A_875, %run_scoped3A_876, %add3A, %dma_start3A_886, %dma_start3A_887] : memref<200x8x32x8x128xf32, #tpu.memory_space<hbm>> -> memref<1x1x1x8x128xf32, #tpu.memory_space<hbm>>
      %dma_start3A_889 = tpu.memref_squeeze %dma_start3A_888 : memref<1x1x1x8x128xf32, #tpu.memory_space<hbm>> -> memref<8x128xf32, #tpu.memory_space<hbm>>
      %dma_start3A_890 = arith.constant 0 : i32
      %dma_start3A_891 = arith.constant 0 : i32
      %dma_start3A_892 = tpu.memref_slice %arg7[%run_scoped3A, %dma_start3A_890, %dma_start3A_891] : memref<1x64x136xf32, #tpu.memory_space<vmem>> -> memref<1x8x128xf32, #tpu.memory_space<vmem>>
      %dma_start3A_893 = tpu.memref_squeeze %dma_start3A_892 : memref<1x8x128xf32, #tpu.memory_space<vmem>> -> memref<8x128xf32, #tpu.memory_space<vmem>>
      tpu.enqueue_dma source(%dma_start3A_893 : memref<8x128xf32, #tpu.memory_space<vmem>>) target(%dma_start3A_889 : memref<8x128xf32, #tpu.memory_space<hbm>>) target_semaphore(%run_scoped3A_877 : memref<!tpu.dma_semaphore, #tpu.memory_space<semaphore_mem>>)
      %dma_wait3A_894 = arith.constant 0 : i32
      %dma_wait3A_895 = arith.constant 0 : i32
      %dma_wait3A_896 = tpu.memref_slice %arg7[%run_scoped3A, %dma_wait3A_894, %dma_wait3A_895] : memref<1x64x136xf32, #tpu.memory_space<vmem>> -> memref<1x8x128xf32, #tpu.memory_space<vmem>>
      %dma_wait3A_897 = tpu.memref_squeeze %dma_wait3A_896 : memref<1x8x128xf32, #tpu.memory_space<vmem>> -> memref<8x128xf32, #tpu.memory_space<vmem>>
      %dma_wait3A_898 = arith.constant 0 : i32
      %dma_wait3A_899 = arith.constant 0 : i32
      %dma_wait3A_900 = tpu.memref_slice %arg4[%run_scoped3A_875, %run_scoped3A_876, %add3A, %dma_wait3A_898, %dma_wait3A_899] : memref<200x8x32x8x128xf32, #tpu.memory_space<hbm>> -> memref<1x1x1x8x128xf32, #tpu.memory_space<hbm>>
      %dma_wait3A_901 = tpu.memref_squeeze %dma_wait3A_900 : memref<1x1x1x8x128xf32, #tpu.memory_space<hbm>> -> memref<8x128xf32, #tpu.memory_space<hbm>>
      %dma_wait3A_902 = arith.constant 0 : i32
      %dma_wait3A_903 = arith.constant 0 : i32
      %dma_wait3A_904 = tpu.memref_slice %arg4[%run_scoped3A_875, %run_scoped3A_876, %add3A, %dma_wait3A_902, %dma_wait3A_903] : memref<200x8x32x8x128xf32, #tpu.memory_space<hbm>> -> memref<1x1x1x8x128xf32, #tpu.memory_space<hbm>>
      %dma_wait3A_905 = tpu.memref_squeeze %dma_wait3A_904 : memref<1x1x1x8x128xf32, #tpu.memory_space<hbm>> -> memref<8x128xf32, #tpu.memory_space<hbm>>
      %dma_wait3A_906 = arith.constant 0 : i32
      %dma_wait3A_907 = arith.constant 0 : i32
      %dma_wait3A_908 = tpu.memref_slice %arg7[%run_scoped3A, %dma_wait3A_906, %dma_wait3A_907] : memref<1x64x136xf32, #tpu.memory_space<vmem>> -> memref<1x8x128xf32, #tpu.memory_space<vmem>>
      %dma_wait3A_909 = tpu.memref_squeeze %dma_wait3A_908 : memref<1x8x128xf32, #tpu.memory_space<vmem>> -> memref<8x128xf32, #tpu.memory_space<vmem>>
      tpu.wait_dma2 semaphore(%run_scoped3A_877 : memref<!tpu.dma_semaphore, #tpu.memory_space<semaphore_mem>>) src(%dma_wait3A_909 : memref<8x128xf32, #tpu.memory_space<vmem>>) dst(%dma_wait3A_905 : memref<8x128xf32, #tpu.memory_space<hbm>>)
      tpu.yield
    }) : () -> ()
    return
  }
}

</mosaic_0001>

<sc_bundles>
// kernel: kernel.3.cloned.1.call-start
scs
__scs_entry_jumppad:
0x0: {  	(pc) =	sbr.rel $0x88, $3  }
0x1: {  	(tag) =	ssettag $0x0;
	lr =	simm.s32 $0x1  }
0x2: {  	[smem:$0x3F9F] =	sst lr;
	_ =	strace $0xD0000000  }
0x3: {  	_ = 	snop  }
0x4: {  	_ = 	snop  }
0x5: {  	_ = 	snop  }
0x6: {  	_ = 	snop  }
0x7: {  	_ = 	snop  }
__scs_overlays_trampoline_lowered:
0x8: {  	[smem:$0x3FAE] =	sst s0  }
0x9: {  	[smem:$0x3FAF] =	sst s1  }
0xa: {  	[smem:$0x3FB0] =	sst s2  }
0xb: {  	[smem:$0x3FB1] =	sst s3  }
0xc: {  	[smem:$0x3FB2] =	sst s4  }
0xd: {  	[smem:$0x3FB3] =	sst s5  }
0xe: {  	[smem:$0x3FB4] =	sst s6  }
0xf: {  	[smem:$0x3FB5] =	sst s7  }
0x10: {  	[smem:$0x3FB6] =	sst s8  }
0x11: {  	[smem:$0x3FB7] =	sst s9;
	s0 =	simm.s32 @!p0 $0x0  }
0x12: {  	s1 =	sld [smem:$0x3F9D];
	s0 =	simm.s32 @p0 $0x1  }
0x13: {  	[smem:$0x3FB8] =	sst s0;
	s0 =	simm.s32 @!p1 $0x0  }
0x14: {  	s2 =	sld [smem:$0x3F9C];
	s0 =	simm.s32 @p1 $0x1  }
0x15: {  	[smem:$0x3FB9] =	sst s0;
	s0 =	simm.s32 @!p2 $0x0  }
0x16: {  	s3 =	sld [smem:$0x3FDB];
	s0 =	simm.s32 @p2 $0x1  }
0x17: {  	s4 =	simm.s32 $0x1BF5;
	[smem:$0x3FBB] =	sst s0  }
0x18: {  	s0 =	sld [smem:$0x3F9E];
	_ =	swait.ge [sflag:s4], $0x0  }
0x19: {  	s7 =	sld [smem:$0x3F9F]  }
0x1a: {  	s8 =	sadd.s32 $0xFFFFE003, lr  }
0x1b: {  	s9 =	sadd.s32 $0xFFFFFEF7, lr;
	s5 =	simm.s32 $0xFFFFFFFF;
	p2 =	slt.u32 s8, $0xFFFFF086  }
0x1c: {  	p1 =	slt.u32 s9, $0xF7A;
	s5 =	simm.s32 @!p2 $0x0  }
0x1d: {  	s5 =	simm.s32 @p1 $0x1;
	p0 =	seq.s32 s7, s2  }
0x1e: {  	s7 =	smul.u32 @!p0 $0xF7A, s2;
	p2 =	seq.s32 @!p0 s5, $0x0  }
0x1f: {  	s9 =	smul.u32 $0xF7A, s1;
	s8 =	simm.s32 @!p0 $0x1BF5;
	p2 =	por !p2, p0  }
0x20: {  	[sflag:s8] =	ssyncset.s32 @!p0 $0xFFFFF086;
	s6 =	sadd.s32 @!p0 s3, s7;
	s7 =	simm.s32 @!p0 $0x108  }
0x21: {  	s3 =	sadd.s32 s3, s9;
	s6 =	sadd.s32 @!p0 $0x88, s6;
	s7 =	simm.s32 @p2 $0x1082  }
0x22: {  	[simem:s7], [sflag:s8] =	dma.local @!p0 [hbm:s6], $0xF7A  }
0x23: {  	s9 =	sor.u32 $0xD0000000, s2;
	s6 =	simm.s32 $0x108;
	_ =	swait.ge @!p0 [sflag:s8], $0x0  }
0x24: {  	s3 =	sadd.s32 $0x88, s3;
	s6 =	simm.s32 @!p1 $0x1082;
	[sflag:s4] =	ssyncset.s32 $0xFFFFF086  }
0x25: {  	[simem:s6], [sflag:s4] =	dma.local [hbm:s3], $0xF7A  }
0x26: {  	[smem:$0x3F9F] =	sst s1;
	(tag) =	ssettag s2;
	_ =	strace s9  }
0x27: {  	s1 =	sld [smem:$0x3FAF]  }
0x28: {  	s2 =	sld [smem:$0x3FB0]  }
0x29: {  	s4 =	sld [smem:$0x3FB2]  }
0x2a: {  	p0 =	seq.s32 s5, $0x0;
	s5 =	sld [smem:$0x3FB3]  }
0x2b: {  	s6 =	sld [smem:$0x3FB4]  }
0x2c: {  	s7 =	sld [smem:$0x3FB5]  }
0x2d: {  	s3 =	simm.s32 $0x108;
	s8 =	sld [smem:$0x3FB6]  }
0x2e: {  	s3 =	simm.s32 @!p0 $0x1082;
	s9 =	sld [smem:$0x3FB7]  }
0x2f: {  	lr =	sadd.s32 s0, s3;
	s0 =	sld [smem:$0x3FAE]  }
0x30: {  	s3 =	sld [smem:$0x3FB1]  }
0x31: {  	[smem:$0x3FBA] =	sst s10  }
0x32: {  	s10 =	sld [smem:$0x3FB8];
	_ =	sdelay $0x3  }
0x33: {  	p0 =	seq.s32 s10, $0x1;
	s10 =	sld [smem:$0x3FBA];
	_ =	sdelay $0x3  }
0x34: {  	[smem:$0x3FBA] =	sst s10  }
0x35: {  	s10 =	sld [smem:$0x3FB9];
	_ =	sdelay $0x3  }
0x36: {  	p1 =	seq.s32 s10, $0x1;
	s10 =	sld [smem:$0x3FBA];
	_ =	sdelay $0x3  }
0x37: {  	[smem:$0x3FBA] =	sst s10  }
0x38: {  	s10 =	sld [smem:$0x3FBB]  }
0x39: {  	_ = 	snop;
	(pc) =	sbr.ind lr, $3  }
0x3a: {  	_ = 	snop  }
0x3b: {  	_ = 	snop  }
0x3c: {  	p2 =	seq.s32 s10, $0x1;
	s10 =	sld [smem:$0x3FBA]  }
0x3d: {  	_ =	shalt  }
0x3e: {  	_ =	shalt  }
0x3f: {  	_ =	shalt  }
0x40: {  	_ =	shalt  }
0x41: {  	_ =	shalt  }
0x42: {  	_ =	shalt  }
0x43: {  	_ =	shalt  }
0x44: {  	_ =	shalt  }
0x45: {  	_ =	shalt  }
0x46: {  	_ =	shalt  }
0x47: {  	_ =	shalt  }
0x48: {  	_ =	shalt  }
0x49: {  	_ =	shalt  }
0x4a: {  	_ =	shalt  }
0x4b: {  	_ =	shalt  }
0x4c: {  	_ =	shalt  }
0x4d: {  	_ =	shalt  }
0x4e: {  	_ =	shalt  }
0x4f: {  	_ =	shalt  }
0x50: {  	_ =	shalt  }
0x51: {  	_ =	shalt  }
0x52: {  	_ =	shalt  }
0x53: {  	_ =	shalt  }
0x54: {  	_ =	shalt  }
0x55: {  	_ =	shalt  }
0x56: {  	_ =	shalt  }
0x57: {  	_ =	shalt  }
0x58: {  	_ =	shalt  }
0x59: {  	_ =	shalt  }
0x5a: {  	_ =	shalt  }
0x5b: {  	_ =	shalt  }
0x5c: {  	_ =	shalt  }
0x5d: {  	_ =	shalt  }
0x5e: {  	_ =	shalt  }
0x5f: {  	_ =	shalt  }
0x60: {  	_ =	shalt  }
0x61: {  	_ =	shalt  }
0x62: {  	_ =	shalt  }
0x63: {  	_ =	shalt  }
0x64: {  	_ =	shalt  }
0x65: {  	_ =	shalt  }
0x66: {  	_ =	shalt  }
0x67: {  	_ =	shalt  }
0x68: {  	_ =	shalt  }
0x69: {  	_ =	shalt  }
0x6a: {  	_ =	shalt  }
0x6b: {  	_ =	shalt  }
0x6c: {  	_ =	shalt  }
0x6d: {  	_ =	shalt  }
0x6e: {  	_ =	shalt  }
0x6f: {  	_ =	shalt  }
0x70: {  	_ =	shalt  }
0x71: {  	_ =	shalt  }
0x72: {  	_ =	shalt  }
0x73: {  	_ =	shalt  }
0x74: {  	_ =	shalt  }
0x75: {  	_ =	shalt  }
0x76: {  	_ =	shalt  }
0x77: {  	_ =	shalt  }
0x78: {  	_ =	shalt  }
0x79: {  	_ =	shalt  }
0x7a: {  	_ =	shalt  }
0x7b: {  	_ =	shalt  }
0x7c: {  	_ =	shalt  }
0x7d: {  	_ =	shalt  }
0x7e: {  	_ =	shalt  }
0x7f: {  	_ =	shalt  }
0x80: {  	_ =	shalt  }
0x81: {  	_ =	shalt  }
0x82: {  	_ =	shalt  }
0x83: {  	_ =	shalt  }
0x84: {  	_ =	shalt  }
0x85: {  	_ =	shalt  }
0x86: {  	_ =	shalt  }
0x87: {  	_ =	shalt  }
.Lfunc_end0:
.L_simem_size_0:
called_computation_lowered:
.L_overlay_start_0:
0x88: {  	s2 =	sld [smem:$0x3FD9]  }
0x89: {  	s3 =	sld [smem:$0x3FFE];
	_ =	sdelay $0x1  }
0x8a: {  	s1 =	srdreg.scid  }
0x8b: {  	s0 =	sand.u32 $0x1, s1  }
0x8c: {  	s17 =	sshll.u32 s0, $0xA;
	s2 =	sadd.s32 s3, s2  }
0x8d: {  	s2 =	sadd.s32 s2, s17  }
0x8e: {  	[smem:$0x3FC6] =	sst s2  }
0x8f: {  	_ = 	snop  }
0x90: {  	s2 =	sld [smem:$0x3FC9]  }
0x91: {  	s18 =	sld [smem:$0x3FD0];
	(tm) =	ssettm $0x1  }
0x92: {  	s4 =	sld [smem:$0x3FFB];
	_ =	sdelay $0x3  }
0x93: {  	_ =	strace s4  }
0x94: {  	s4 =	sld [smem:$0x3FFC];
	_ =	sdelay $0x3  }
0x95: {  	_ =	strace s4  }
0x96: {  	s4 =	sld [smem:$0x3FFD];
	_ =	sdelay $0x3  }
0x97: {  	_ =	strace s4  }
0x98: {  	_ =	strace $0x8FFFFFFF  }
0x99: {  	s19 =	sld [smem:$0x3FDB];
	_ =	sdelay $0x1  }
0x9a: {  	s5 =	simm.s32 $_scs_section_size  }
0x9b: {  	s6 =	simm.s32 $_size__tile_overlayer_lowered;
	s7 =	simm.s32 $_tile_overlayer_lowered  }
0x9c: {  	s22 =	simm.s32 $0x1BFF;
	s21 =	sshll.u32 s7, $0x1;
	s4 =	sadd.s32 s5, s19  }
0x9d: {  	s8 =	simm.s32 $0x0;
	s20 =	sshll.u32 s6, $0x1;
	s6 =	sadd.s32 s21, s4  }
0x9e: {  	[timem:s8], [sflag:s22] =	dma.local [hbm:s6], s20  }
0x9f: {  	_ =	swait.ge [sflag:s22], s20  }
0xa0: {  	s5 =	ssub.s32 $0x0, s20;
	[sflag:s22] =	ssyncset.done $0x0  }
0xa1: {  	[sflag:s22] =	ssyncadd.s32 s5;
	_ =	sdelay $0x1  }
0xa2: {  	s23 =	simm.s32 $0x1B8B  }
0xa3: {  	_ =	swait.ge [sflag:s23], $0x1  }
0xa4: {  	[sflag:s23] =	ssyncset.done $0x0  }
0xa5: {  	s25 =	simm.s32 $0x1B8E;
	s24 =	sld [smem:$0x3FFE];
	[sflag:s23] =	ssyncadd.s32 $0xFFFFFFFF  }
0xa6: {  	s26 =	simm.s32 $execute0_lowered;
	[smem:$0x3FD2] =	sst s25  }
0xa7: {  	s6 =	sshll.u32 s26, $0x1;
	_ =	strace $0x80000046;
	[dreg:$0x1] =	wrdreg $0xFFFFFFFF  }
0xa8: {  	s28 =	simm.s32 $_size_execute0_lowered;
	s4 =	sadd.s32 s4, s6;
	[dreg:$0x0] =	wrdreg $0x0  }
0xa9: {  	s6 =	sshll.u32 s28, $0x1;
	[dreg:$0x2] =	wrdreg s4  }
0xaa: {  	[dreg:$0x3] =	wrdreg s6  }
0xab: {  	[dreg:$0x4] =	wrdreg $0xC0  }
0xac: {  	_ =	task [dreg:s8], $0x5FFFF  }
0xad: {  	[dreg:$0x1] =	wrdreg $0xFFFFFFFF  }
0xae: {  	[dreg:$0x0] =	wrdreg $0x60  }
0xaf: {  	[dreg:$0x2] =	wrdreg s2  }
0xb0: {  	[dreg:$0x3] =	wrdreg s24  }
0xb1: {  	[dreg:$0x4] =	wrdreg s18  }
0xb2: {  	[dreg:$0x5] =	wrdreg $0x9  }
0xb3: {  	_ =	task.clear_ibuf [dreg:s8], $0x6FFFF;
	_ =	strace $0x90000046  }
0xb4: {  	s29 =	simm.s32 $0x9;
	_ =	strace $0x80000048  }
0xb5: {  	_ =	swait.ge [sflag:s29], $0x1  }
0xb6: {  	[sflag:s29] =	ssyncadd.s32 $0xFFFFFFFF  }
0xb7: {  	_ =	strace $0x90000048  }
0xb8: {  	_ =	sfence  }
0xb9: {  	s30 =	sld [smem:$0x0];
	_ =	sdelay $0x2  }
0xba: {  	s31 =	sshll.u32 s1, $0xD;
	s1 =	sshrl.u32 s1, $0x2  }
0xbb: {  	s3 =	sand.u32 $0x4000, s31;
	s1 =	sadd.s32 s1, s30  }
0xbc: {  	s0 =	sor.u32 s3, s0;
	s1 =	sshll.u32 s1, $0x11  }
0xbd: {  	s0 =	sor.u32 s1, s0  }
0xbe: {  	s0 =	sadd.s32 $0x8F2B, s0  }
0xbf: {  	[sflag:s0] =	ssyncadd.remote.s32 $0x1  }
0xc0: {  	_ =	sfence.sel $0xFFFF  }
0xc1: {  	[dreg:$0x0] =	wrdreg $0xFFFFFFFF;
	(pc) =	sbr.abs _section_cstart, $3  }
0xc2: {  	[dreg:$0x1] =	wrdreg $0xFFFFFFFF  }
0xc3: {  	_ =	task.clear_ibuf [dreg:s8], $0x2FFFF;
	_ =	strace $0x9FFFFFFF  }
0xc4: {  	(tm) =	ssettm $0x7FFFFFFF  }
0xc5: {  	_ =	shalt  }
tec
execute0_lowered:
.L_overlay_start_1:
0x0: {  	(tag) =	ssettag $0x1  }
0x1: {  	s0 =	rddreg [dreg:$0x0];
	s3 =	srdreg.scid  }
0x2: {  	s1 =	rddreg [dreg:$0x1];
	s6 =	stileid.u32;
	s3 =	sand.u32 $0x1, s3  }
0x3: {  	s6 =	sshll.u32 s6, $0x8;
	s4 =	ssub.s32 $0x2, s3;
	s3 =	sshll.u32 s3, $0x7  }
0x4: {  	s5 =	rddreg [dreg:$0x2];
	s7 =	sshrl.u32 s4, $0x1;
	s6 =	sor.u32 s3, s6  }
0x5: {  	s2 =	simm.s32 $0x0;
	s7 =	ssub.s32 s4, s7;
	s4 =	sadd.s32 s0, s6  }
0x6: {  	[smem:$0x7FF] =	sst s2;
	s0 =	sadd.s32 $0x1000, s4  }
0x7: {  	_ =	strace $0x80000047;
	s8 =	sadd.s32 $0x2000, s4;
	[dreg:$0x4] =	wrdreg s0  }
0x8: {  	s9 =	sadd.s32 $0x3000, s4;
	[dreg:$0x5] =	wrdreg s8  }
0x9: {  	s10 =	sadd.s32 $0x4000, s4;
	[dreg:$0x6] =	wrdreg s9  }
0xa: {  	s11 =	sadd.s32 $0x5000, s4;
	[dreg:$0x7] =	wrdreg s10  }
0xb: {  	s12 =	sadd.s32 $0x6000, s4;
	[dreg:$0x8] =	wrdreg s11  }
0xc: {  	s13 =	sadd.s32 $0x7000, s4;
	[dreg:$0x9] =	wrdreg s12  }
0xd: {  	s14 =	sadd.s32 $0x8000, s4;
	[dreg:$0xa] =	wrdreg s13  }
0xe: {  	s15 =	sadd.s32 $0x9000, s4;
	[dreg:$0xb] =	wrdreg s14  }
0xf: {  	s16 =	sadd.s32 $0xA000, s4;
	[dreg:$0xc] =	wrdreg s15  }
0x10: {  	s17 =	sadd.s32 $0xB000, s4;
	[dreg:$0xd] =	wrdreg s16  }
0x11: {  	s18 =	sadd.s32 $0xC000, s4;
	[dreg:$0xe] =	wrdreg s17  }
0x12: {  	s19 =	sadd.s32 $0xD000, s4;
	[dreg:$0xf] =	wrdreg s18  }
0x13: {  	s3 =	sadd.s32 $0xF42800, s1;
	s20 =	sadd.s32 $0xE000, s4;
	[dreg:$0x10] =	wrdreg s19  }
0x14: {  	s1 =	simm.s32 $0x80;
	s21 =	sadd.s32 $0xF000, s4;
	[dreg:$0x11] =	wrdreg s20  }
0x15: {  	s22 =	sadd.s32 $0x10000, s4;
	s23 =	sadd.s32 $0x11000, s4;
	[dreg:$0x12] =	wrdreg s21  }
0x16: {  	s24 =	sadd.s32 $0x12000, s4;
	s25 =	sadd.s32 $0x13000, s4;
	[dreg:$0x13] =	wrdreg s22  }
0x17: {  	s26 =	smax.u32 s7, $0x1;
	s28 =	sadd.s32 $0x15000, s4;
	[dreg:$0x14] =	wrdreg s23  }
0x18: {  	s29 =	sadd.s32 $0x16000, s4;
	s30 =	sadd.s32 $0x17000, s4;
	[dreg:$0x15] =	wrdreg s24  }
0x19: {  	s31 =	sadd.s32 $0x18000, s4;
	s7 =	simm.s32 $0x3;
	[dreg:$0x16] =	wrdreg s25  }
.Ltmp0:
0x1a: {  	s23 =	sadd.s32 s5, s6;
	[dreg:$0x17] =	wrdreg s26;
	(pc) =	sbr.rel .LBB2_1-.Ltmp0, $4  }
0x1b: {  	s26 =	sadd.s32 $0x14000, s4;
	s0 =	simm.s32 $0x1;
	s5 =	simm.s32 $0x14400  }
0x1c: {  	s6 =	simm.s32 $0x2;
	s8 =	simm.s32 $0x4;
	s9 =	simm.s32 $0x5  }
0x1d: {  	s10 =	simm.s32 $0x6;
	s11 =	simm.s32 $0x7;
	s12 =	simm.s32 $0x8  }
0x1e: {  	s13 =	simm.s32 $0x9;
	s14 =	simm.s32 $0xA;
	s15 =	simm.s32 $0x0  }
.LBB2_20:
0x1f: {  	s16 =	simm.s32 $0x16400  }
0x20: {  	[hbm4b:s23+s2] =	stream.linear.scatter [tilespmem:s16], [sflag:$0xA], $0x80, $0x38;
	[tilespmem:$0x18600] =	vst v63  }
0x21: {  	s18 =	sadd.s32 $0x10, s23;
	s17 =	simm.s32 $0x16488  }
0x22: {  	[hbm4b:s18+s2] =	stream.linear.scatter [tilespmem:s17], [sflag:$0xA], $0x80, $0x38;
	[tilespmem:$0x18600] =	vst v63  }
0x23: {  	s19 =	sadd.s32 $0x20, s23;
	s20 =	simm.s32 $0x16510  }
0x24: {  	[hbm4b:s19+s2] =	stream.linear.scatter [tilespmem:s20], [sflag:$0xA], $0x80, $0x38;
	[tilespmem:$0x18600] =	vst v63  }
0x25: {  	s21 =	sadd.s32 $0x30, s23;
	s22 =	simm.s32 $0x16598  }
0x26: {  	[hbm4b:s21+s2] =	stream.linear.scatter [tilespmem:s22], [sflag:$0xA], $0x80, $0x38;
	[tilespmem:$0x18600] =	vst v63  }
0x27: {  	s24 =	sadd.s32 $0x40, s23;
	s25 =	simm.s32 $0x16620  }
0x28: {  	[hbm4b:s24+s2] =	stream.linear.scatter [tilespmem:s25], [sflag:$0xA], $0x80, $0x38;
	[tilespmem:$0x18600] =	vst v63  }
0x29: {  	s18 =	sadd.s32 $0x50, s23;
	s19 =	simm.s32 $0x166A8  }
0x2a: {  	[hbm4b:s18+s2] =	stream.linear.scatter [tilespmem:s19], [sflag:$0xA], $0x80, $0x38;
	[tilespmem:$0x18600] =	vst v63  }
0x2b: {  	s20 =	sadd.s32 $0x60, s23;
	s21 =	simm.s32 $0x16730  }
0x2c: {  	[hbm4b:s20+s2] =	stream.linear.scatter [tilespmem:s21], [sflag:$0xA], $0x80, $0x38;
	[tilespmem:$0x18600] =	vst v63  }
0x2d: {  	s22 =	sadd.s32 $0x70, s23;
	s24 =	simm.s32 $0x167B8  }
0x2e: {  	[hbm4b:s22+s2] =	stream.linear.scatter [tilespmem:s24], [sflag:$0xA], $0x80, $0x38;
	[tilespmem:$0x18600] =	vst v63  }
0x2f: {  	_ =	swait.ge [sflag:s14], $0x400  }
0x30: {  	s15 =	sadd.s32 $0x1, s15;
	s25 =	rddreg [dreg:$0x17]  }
0x31: {  	p0 =	sne.s32 s15, s25  }
.Ltmp1:
0x32: {  	_ = 	snop;
	(pc) =	sbr.rel @!p0 .LBB2_21-.Ltmp1, $3  }
0x33: {  	_ =	sdelay $0x1  }
0x34: {  	[sflag:s14] =	ssyncset.done $0x0  }
0x35: {  	[sflag:s14] =	ssyncadd.s32 $0xFFFFFC00  }
.LBB2_1:
0x36: {  	[tilespmem:s2], [sflag:$0x1] =	stream.linear.gather [hbm4b:s4+s2], $0x400, $0x38;
	[tilespmem:$0x18600] =	vst v63  }
0x37: {  	s16 =	rddreg [dreg:$0x4];
	s17 =	simm.s32 $0x400  }
0x38: {  	[tilespmem:s17], [sflag:$0x1] =	stream.linear.gather [hbm4b:s16+s2], $0x400, $0x38;
	[tilespmem:$0x18600] =	vst v63  }
0x39: {  	s18 =	simm.s32 $0x800;
	s17 =	rddreg [dreg:$0x5]  }
0x3a: {  	[tilespmem:s18], [sflag:$0x1] =	stream.linear.gather [hbm4b:s17+s2], $0x400, $0x38;
	[tilespmem:$0x18600] =	vst v63  }
0x3b: {  	s19 =	rddreg [dreg:$0x6];
	s20 =	simm.s32 $0xC00  }
0x3c: {  	[tilespmem:s20], [sflag:$0x1] =	stream.linear.gather [hbm4b:s19+s2], $0x400, $0x38;
	[tilespmem:$0x18600] =	vst v63  }
0x3d: {  	s21 =	rddreg [dreg:$0x7];
	s22 =	simm.s32 $0x1000  }
0x3e: {  	[tilespmem:s22], [sflag:$0x1] =	stream.linear.gather [hbm4b:s21+s2], $0x400, $0x38;
	[tilespmem:$0x18600] =	vst v63  }
0x3f: {  	s24 =	rddreg [dreg:$0x8];
	s25 =	simm.s32 $0x1400  }
0x40: {  	[tilespmem:s25], [sflag:$0x1] =	stream.linear.gather [hbm4b:s24+s2], $0x400, $0x38;
	[tilespmem:$0x18600] =	vst v63  }
0x41: {  	s17 =	rddreg [dreg:$0x9];
	s18 =	simm.s32 $0x1800  }
0x42: {  	[tilespmem:s18], [sflag:$0x1] =	stream.linear.gather [hbm4b:s17+s2], $0x400, $0x38;
	[tilespmem:$0x18600] =	vst v63  }
0x43: {  	s19 =	rddreg [dreg:$0xa];
	s20 =	simm.s32 $0x1C00  }
0x44: {  	[tilespmem:s20], [sflag:$0x1] =	stream.linear.gather [hbm4b:s19+s2], $0x400, $0x38;
	[tilespmem:$0x18600] =	vst v63  }
0x45: {  	s21 =	rddreg [dreg:$0xb];
	s22 =	simm.s32 $0x2000  }
0x46: {  	[tilespmem:s22], [sflag:$0x1] =	stream.linear.gather [hbm4b:s21+s2], $0x400, $0x38;
	[tilespmem:$0x18600] =	vst v63  }
0x47: {  	s24 =	rddreg [dreg:$0xc];
	s25 =	simm.s32 $0x2400  }
0x48: {  	[tilespmem:s25], [sflag:$0x1] =	stream.linear.gather [hbm4b:s24+s2], $0x400, $0x38;
	[tilespmem:$0x18600] =	vst v63  }
0x49: {  	s17 =	rddreg [dreg:$0xd];
	s18 =	simm.s32 $0x2800  }
0x4a: {  	[tilespmem:s18], [sflag:$0x1] =	stream.linear.gather [hbm4b:s17+s2], $0x400, $0x38;
	[tilespmem:$0x18600] =	vst v63  }
0x4b: {  	s19 =	rddreg [dreg:$0xe];
	s20 =	simm.s32 $0x2C00  }
0x4c: {  	[tilespmem:s20], [sflag:$0x1] =	stream.linear.gather [hbm4b:s19+s2], $0x400, $0x38;
	[tilespmem:$0x18600] =	vst v63  }
0x4d: {  	s21 =	rddreg [dreg:$0xf];
	s22 =	simm.s32 $0x3000  }
0x4e: {  	[tilespmem:s22], [sflag:$0x1] =	stream.linear.gather [hbm4b:s21+s2], $0x400, $0x38;
	[tilespmem:$0x18600] =	vst v63  }
0x4f: {  	s24 =	rddreg [dreg:$0x10];
	s25 =	simm.s32 $0x3400  }
0x50: {  	[tilespmem:s25], [sflag:$0x1] =	stream.linear.gather [hbm4b:s24+s2], $0x400, $0x38;
	[tilespmem:$0x18600] =	vst v63  }
0x51: {  	s17 =	rddreg [dreg:$0x11];
	s18 =	simm.s32 $0x3800  }
0x52: {  	[tilespmem:s18], [sflag:$0x1] =	stream.linear.gather [hbm4b:s17+s2], $0x400, $0x38;
	[tilespmem:$0x18600] =	vst v63  }
0x53: {  	s19 =	rddreg [dreg:$0x12];
	s20 =	simm.s32 $0x3C00  }
0x54: {  	[tilespmem:s20], [sflag:$0x1] =	stream.linear.gather [hbm4b:s19+s2], $0x400, $0x38;
	[tilespmem:$0x18600] =	vst v63  }
0x55: {  	s21 =	rddreg [dreg:$0x13];
	s22 =	simm.s32 $0x4000  }
0x56: {  	[tilespmem:s22], [sflag:$0x1] =	stream.linear.gather [hbm4b:s21+s2], $0x400, $0x38;
	[tilespmem:$0x18600] =	vst v63  }
0x57: {  	s24 =	rddreg [dreg:$0x14];
	s25 =	simm.s32 $0x4400  }
0x58: {  	[tilespmem:s25], [sflag:$0x1] =	stream.linear.gather [hbm4b:s24+s2], $0x400, $0x38;
	[tilespmem:$0x18600] =	vst v63  }
0x59: {  	s18 =	rddreg [dreg:$0x15];
	s19 =	simm.s32 $0x4800  }
0x5a: {  	[tilespmem:s19], [sflag:$0x1] =	stream.linear.gather [hbm4b:s18+s2], $0x400, $0x38;
	[tilespmem:$0x18600] =	vst v63  }
0x5b: {  	s20 =	rddreg [dreg:$0x16];
	s21 =	simm.s32 $0x4C00  }
0x5c: {  	[tilespmem:s21], [sflag:$0x1] =	stream.linear.gather [hbm4b:s20+s2], $0x400, $0x38;
	[tilespmem:$0x18600] =	vst v63  }
0x5d: {  	s22 =	simm.s32 $0x5000  }
0x5e: {  	[tilespmem:s22], [sflag:$0x1] =	stream.linear.gather [hbm4b:s26+s2], $0x400, $0x38;
	[tilespmem:$0x18600] =	vst v63  }
0x5f: {  	s24 =	simm.s32 $0x5400  }
0x60: {  	[tilespmem:s24], [sflag:$0x1] =	stream.linear.gather [hbm4b:s28+s2], $0x400, $0x38;
	[tilespmem:$0x18600] =	vst v63  }
0x61: {  	s25 =	simm.s32 $0x5800  }
0x62: {  	[tilespmem:s25], [sflag:$0x1] =	stream.linear.gather [hbm4b:s29+s2], $0x400, $0x38;
	[tilespmem:$0x18600] =	vst v63  }
0x63: {  	s17 =	simm.s32 $0x5C00  }
0x64: {  	[tilespmem:s17], [sflag:$0x1] =	stream.linear.gather [hbm4b:s30+s2], $0x400, $0x38;
	[tilespmem:$0x18600] =	vst v63  }
0x65: {  	s18 =	simm.s32 $0x6000  }
0x66: {  	[tilespmem:s18], [sflag:$0x1] =	stream.linear.gather [hbm4b:s31+s2], $0x400, $0x38;
	[tilespmem:$0x18600] =	vst v63  }
0x67: {  	_ =	swait.ge [sflag:s0], $0x400  }
0x68: {  	[sflag:s0] =	ssyncset.done $0x0  }
0x69: {  	[sflag:s0] =	ssyncadd.s32 $0xFFFFFC00  }
0x6a: {  	_ =	swait.ge [sflag:s0], $0x400  }
0x6b: {  	[sflag:s0] =	ssyncset.done $0x0  }
0x6c: {  	[sflag:s0] =	ssyncadd.s32 $0xFFFFFC00  }
0x6d: {  	_ =	swait.ge [sflag:s0], $0x400  }
0x6e: {  	[sflag:s0] =	ssyncset.done $0x0  }
0x6f: {  	[sflag:s0] =	ssyncadd.s32 $0xFFFFFC00  }
0x70: {  	_ =	swait.ge [sflag:s0], $0x400  }
0x71: {  	[sflag:s0] =	ssyncset.done $0x0  }
0x72: {  	[sflag:s0] =	ssyncadd.s32 $0xFFFFFC00  }
0x73: {  	_ =	swait.ge [sflag:s0], $0x400  }
0x74: {  	[sflag:s0] =	ssyncset.done $0x0  }
0x75: {  	[sflag:s0] =	ssyncadd.s32 $0xFFFFFC00  }
0x76: {  	_ =	swait.ge [sflag:s0], $0x400  }
0x77: {  	[sflag:s0] =	ssyncset.done $0x0  }
0x78: {  	[sflag:s0] =	ssyncadd.s32 $0xFFFFFC00  }
0x79: {  	_ =	swait.ge [sflag:s0], $0x400  }
0x7a: {  	[sflag:s0] =	ssyncset.done $0x0  }
0x7b: {  	[sflag:s0] =	ssyncadd.s32 $0xFFFFFC00  }
0x7c: {  	_ =	swait.ge [sflag:s0], $0x400  }
0x7d: {  	[sflag:s0] =	ssyncset.done $0x0  }
0x7e: {  	[sflag:s0] =	ssyncadd.s32 $0xFFFFFC00  }
0x7f: {  	_ =	swait.ge [sflag:s0], $0x400  }
0x80: {  	[sflag:s0] =	ssyncset.done $0x0  }
0x81: {  	[sflag:s0] =	ssyncadd.s32 $0xFFFFFC00  }
0x82: {  	_ =	swait.ge [sflag:s0], $0x400  }
0x83: {  	[sflag:s0] =	ssyncset.done $0x0  }
0x84: {  	[sflag:s0] =	ssyncadd.s32 $0xFFFFFC00  }
0x85: {  	_ =	swait.ge [sflag:s0], $0x400  }
0x86: {  	[sflag:s0] =	ssyncset.done $0x0  }
0x87: {  	[sflag:s0] =	ssyncadd.s32 $0xFFFFFC00  }
0x88: {  	_ =	swait.ge [sflag:s0], $0x400  }
0x89: {  	[sflag:s0] =	ssyncset.done $0x0  }
0x8a: {  	[sflag:s0] =	ssyncadd.s32 $0xFFFFFC00  }
0x8b: {  	_ =	swait.ge [sflag:s0], $0x400  }
0x8c: {  	[sflag:s0] =	ssyncset.done $0x0  }
0x8d: {  	[sflag:s0] =	ssyncadd.s32 $0xFFFFFC00  }
0x8e: {  	_ =	swait.ge [sflag:s0], $0x400  }
0x8f: {  	[sflag:s0] =	ssyncset.done $0x0  }
0x90: {  	[sflag:s0] =	ssyncadd.s32 $0xFFFFFC00  }
0x91: {  	_ =	swait.ge [sflag:s0], $0x400  }
0x92: {  	[sflag:s0] =	ssyncset.done $0x0  }
0x93: {  	[sflag:s0] =	ssyncadd.s32 $0xFFFFFC00  }
0x94: {  	_ =	swait.ge [sflag:s0], $0x400  }
0x95: {  	[sflag:s0] =	ssyncset.done $0x0  }
0x96: {  	[sflag:s0] =	ssyncadd.s32 $0xFFFFFC00  }
0x97: {  	_ =	swait.ge [sflag:s0], $0x400  }
0x98: {  	[sflag:s0] =	ssyncset.done $0x0  }
0x99: {  	[sflag:s0] =	ssyncadd.s32 $0xFFFFFC00  }
0x9a: {  	_ =	swait.ge [sflag:s0], $0x400  }
0x9b: {  	[sflag:s0] =	ssyncset.done $0x0  }
0x9c: {  	[sflag:s0] =	ssyncadd.s32 $0xFFFFFC00  }
0x9d: {  	_ =	swait.ge [sflag:s0], $0x400  }
0x9e: {  	[sflag:s0] =	ssyncset.done $0x0  }
0x9f: {  	[sflag:s0] =	ssyncadd.s32 $0xFFFFFC00  }
0xa0: {  	_ =	swait.ge [sflag:s0], $0x400  }
0xa1: {  	[sflag:s0] =	ssyncset.done $0x0  }
0xa2: {  	[sflag:s0] =	ssyncadd.s32 $0xFFFFFC00  }
0xa3: {  	_ =	swait.ge [sflag:s0], $0x400  }
0xa4: {  	[sflag:s0] =	ssyncset.done $0x0  }
0xa5: {  	[sflag:s0] =	ssyncadd.s32 $0xFFFFFC00  }
0xa6: {  	_ =	swait.ge [sflag:s0], $0x400  }
0xa7: {  	[sflag:s0] =	ssyncset.done $0x0  }
0xa8: {  	[sflag:s0] =	ssyncadd.s32 $0xFFFFFC00  }
0xa9: {  	_ =	swait.ge [sflag:s0], $0x400  }
0xaa: {  	[sflag:s0] =	ssyncset.done $0x0  }
0xab: {  	[sflag:s0] =	ssyncadd.s32 $0xFFFFFC00  }
0xac: {  	_ =	swait.ge [sflag:s0], $0x400  }
0xad: {  	[sflag:s0] =	ssyncset.done $0x0  }
0xae: {  	[sflag:s0] =	ssyncadd.s32 $0xFFFFFC00  }
0xaf: {  	_ =	swait.ge [sflag:s0], $0x400  }
0xb0: {  	[sflag:s0] =	ssyncset.done $0x0  }
0xb1: {  	s19 =	simm.s32 $0x6400;
	[sflag:s0] =	ssyncadd.s32 $0xFFFFFC00  }
0xb2: {  	[tilespmem:s19], [sflag:$0x2] =	stream.indirect.gather [hbm4b:s3+s1], $0x40, s2, s1, $0xb8;
	[tilespmem:$0x18600] =	vst v63  }
0xb3: {  	s20 =	simm.s32 $0x8400  }
0xb4: {  	[tilespmem:s20], [sflag:$0x3] =	stream.indirect.gather [hbm4b:s3+s1], $0x40, s1, s1, $0xb8;
	[tilespmem:$0x18600] =	vst v63  }
0xb5: {  	s21 =	simm.s32 $0x100;
	s22 =	simm.s32 $0xA400  }
0xb6: {  	[tilespmem:s22], [sflag:$0x4] =	stream.indirect.gather [hbm4b:s3+s1], $0x40, s21, s1, $0xb8;
	[tilespmem:$0x18600] =	vst v63  }
0xb7: {  	s24 =	simm.s32 $0x180;
	s25 =	simm.s32 $0xC400  }
0xb8: {  	[tilespmem:s25], [sflag:$0x5] =	stream.indirect.gather [hbm4b:s3+s1], $0x40, s24, s1, $0xb8;
	[tilespmem:$0x18600] =	vst v63  }
0xb9: {  	s18 =	simm.s32 $0x200;
	s19 =	simm.s32 $0xE400  }
0xba: {  	[tilespmem:s19], [sflag:$0x6] =	stream.indirect.gather [hbm4b:s3+s1], $0x40, s18, s1, $0xb8;
	[tilespmem:$0x18600] =	vst v63  }
0xbb: {  	s20 =	simm.s32 $0x280;
	s21 =	simm.s32 $0x10400  }
0xbc: {  	[tilespmem:s21], [sflag:$0x7] =	stream.indirect.gather [hbm4b:s3+s1], $0x40, s20, s1, $0xb8;
	[tilespmem:$0x18600] =	vst v63  }
0xbd: {  	s22 =	simm.s32 $0x300;
	s24 =	simm.s32 $0x12400  }
0xbe: {  	[tilespmem:s24], [sflag:$0x8] =	stream.indirect.gather [hbm4b:s3+s1], $0x40, s22, s1, $0xb8;
	[tilespmem:$0x18600] =	vst v63  }
0xbf: {  	s16 =	simm.s32 $0x0;
	s25 =	simm.s32 $0x380  }
0xc0: {  	[tilespmem:s5], [sflag:$0x9] =	stream.indirect.gather [hbm4b:s3+s1], $0x40, s25, s1, $0xb8;
	[tilespmem:$0x18600] =	vst v63  }
.LBB2_2:
0xc1: {  	_ =	swait.ge [sflag:s6], $0x2000  }
0xc2: {  	[sflag:s6] =	ssyncset.done $0x0  }
0xc3: {  	s17 =	simm.s32 $0x6480;
	[sflag:s6] =	ssyncadd.s32 $0xFFFFE000  }
0xc4: {  	v0 =	vld [tilespmem:s17+$0xFFFFFF80];
	_ =	sdelay $0x1  }
0xc5: {  	s18 =	simm.s32 $0x0  }
0xc6: {  	s18 =	sand.u32 $0x3C, s18  }
0xc7: {  	s18 =	smul.u32 $0x220, s18  }
0xc8: {  	v0 =	vmul.f32 $8.000000000e+00, v0  }
0xc9: {  	s18 =	sshrl.u32 s18, $0x2  }
0xca: {  	[tilespmem:s18+$0x16400] =	vst v0  }
0xcb: {  	v0 =	vld [tilespmem:s17+$0xFFFFFF90];
	_ =	sdelay $0x4  }
0xcc: {  	v0 =	vmul.f32 $8.000000000e+00, v0;
	_ =	sdelay $0x1  }
0xcd: {  	[tilespmem:s18+$0x16410] =	vst v0  }
0xce: {  	v0 =	vld [tilespmem:s17+$0xFFFFFFA0];
	_ =	sdelay $0x4  }
0xcf: {  	v0 =	vmul.f32 $8.000000000e+00, v0;
	_ =	sdelay $0x1  }
0xd0: {  	[tilespmem:s18+$0x16420] =	vst v0  }
0xd1: {  	v0 =	vld [tilespmem:s17+$0xFFFFFFB0];
	_ =	sdelay $0x4  }
0xd2: {  	v0 =	vmul.f32 $8.000000000e+00, v0;
	_ =	sdelay $0x1  }
0xd3: {  	[tilespmem:s18+$0x16430] =	vst v0  }
0xd4: {  	v0 =	vld [tilespmem:s17+$0xFFFFFFC0];
	_ =	sdelay $0x1  }
0xd5: {  	s22 =	simm.s32 $0x1  }
0xd6: {  	s18 =	sand.u32 $0x3D, s22  }
0xd7: {  	s18 =	smul.u32 $0x220, s18  }
0xd8: {  	v0 =	vmul.f32 $8.000000000e+00, v0  }
0xd9: {  	s18 =	sshrl.u32 s18, $0x2  }
0xda: {  	[tilespmem:s18+$0x16400] =	vst v0  }
0xdb: {  	v0 =	vld [tilespmem:s17+$0xFFFFFFD0];
	_ =	sdelay $0x4  }
0xdc: {  	v0 =	vmul.f32 $8.000000000e+00, v0;
	_ =	sdelay $0x1  }
0xdd: {  	[tilespmem:s18+$0x16410] =	vst v0  }
0xde: {  	v0 =	vld [tilespmem:s17+$0xFFFFFFE0];
	_ =	sdelay $0x4  }
0xdf: {  	v0 =	vmul.f32 $8.000000000e+00, v0;
	_ =	sdelay $0x1  }
0xe0: {  	[tilespmem:s18+$0x16420] =	vst v0  }
0xe1: {  	v0 =	vld [tilespmem:s17+$0xFFFFFFF0];
	_ =	sdelay $0x4  }
0xe2: {  	v0 =	vmul.f32 $8.000000000e+00, v0;
	_ =	sdelay $0x1  }
0xe3: {  	[tilespmem:s18+$0x16430] =	vst v0  }
0xe4: {  	v0 =	vld [tilespmem:s17+$0x0];
	_ =	sdelay $0x1  }
0xe5: {  	s24 =	simm.s32 $0x2  }
0xe6: {  	s18 =	sand.u32 $0x3E, s24  }
0xe7: {  	s18 =	smul.u32 $0x220, s18  }
0xe8: {  	v0 =	vmul.f32 $8.000000000e+00, v0  }
0xe9: {  	s18 =	sshrl.u32 s18, $0x2  }
0xea: {  	[tilespmem:s18+$0x16400] =	vst v0  }
0xeb: {  	v0 =	vld [tilespmem:s17+$0x10];
	_ =	sdelay $0x4  }
0xec: {  	v0 =	vmul.f32 $8.000000000e+00, v0;
	_ =	sdelay $0x1  }
0xed: {  	[tilespmem:s18+$0x16410] =	vst v0  }
0xee: {  	v0 =	vld [tilespmem:s17+$0x20];
	_ =	sdelay $0x4  }
0xef: {  	v0 =	vmul.f32 $8.000000000e+00, v0;
	_ =	sdelay $0x1  }
0xf0: {  	[tilespmem:s18+$0x16420] =	vst v0  }
0xf1: {  	v0 =	vld [tilespmem:s17+$0x30];
	_ =	sdelay $0x4  }
0xf2: {  	v0 =	vmul.f32 $8.000000000e+00, v0;
	_ =	sdelay $0x1  }
0xf3: {  	[tilespmem:s18+$0x16430] =	vst v0  }
0xf4: {  	v0 =	vld [tilespmem:s17+$0x40];
	_ =	sdelay $0x1  }
0xf5: {  	s25 =	simm.s32 $0x3  }
0xf6: {  	s18 =	sand.u32 $0x3F, s25  }
0xf7: {  	s18 =	smul.u32 $0x220, s18  }
0xf8: {  	v0 =	vmul.f32 $8.000000000e+00, v0  }
0xf9: {  	s19 =	sshrl.u32 s18, $0x2  }
0xfa: {  	[tilespmem:s19+$0x16400] =	vst v0  }
0xfb: {  	v0 =	vld [tilespmem:s17+$0x50];
	_ =	sdelay $0x4  }
0xfc: {  	v0 =	vmul.f32 $8.000000000e+00, v0;
	_ =	sdelay $0x1  }
0xfd: {  	[tilespmem:s19+$0x16410] =	vst v0  }
0xfe: {  	v0 =	vld [tilespmem:s17+$0x60];
	_ =	sdelay $0x4  }
0xff: {  	v0 =	vmul.f32 $8.000000000e+00, v0;
	_ =	sdelay $0x1  }
0x100: {  	[tilespmem:s19+$0x16420] =	vst v0  }
0x101: {  	v0 =	vld [tilespmem:s17+$0x70];
	_ =	sdelay $0x4  }
0x102: {  	s18 =	simm.s32 $0x4;
	v0 =	vmul.f32 $8.000000000e+00, v0  }
.LBB2_3:
0x103: {  	p0 =	sne.s32 s18, $0x7C  }
0x104: {  	s17 =	sadd.s32 $0x100, s17;
	[tilespmem:s19+$0x16430] =	vst v0;
	s19 =	smov.u32 s18;
	s18 =	sadd.s32 $0x4, s18  }
0x105: {  	v0 =	vld [tilespmem:s17+$0xFFFFFF80];
	_ =	sdelay $0x2  }
0x106: {  	s20 =	sand.u32 $0x3C, s19  }
0x107: {  	s20 =	smul.u32 $0x220, s20  }
0x108: {  	v0 =	vmul.f32 $8.000000000e+00, v0  }
0x109: {  	s20 =	sshrl.u32 s20, $0x2  }
0x10a: {  	[tilespmem:s20+$0x16400] =	vst v0  }
0x10b: {  	v0 =	vld [tilespmem:s17+$0xFFFFFF90];
	_ =	sdelay $0x4  }
0x10c: {  	v0 =	vmul.f32 $8.000000000e+00, v0;
	_ =	sdelay $0x1  }
0x10d: {  	[tilespmem:s20+$0x16410] =	vst v0  }
0x10e: {  	v0 =	vld [tilespmem:s17+$0xFFFFFFA0];
	_ =	sdelay $0x4  }
0x10f: {  	v0 =	vmul.f32 $8.000000000e+00, v0;
	_ =	sdelay $0x1  }
0x110: {  	[tilespmem:s20+$0x16420] =	vst v0  }
0x111: {  	v0 =	vld [tilespmem:s17+$0xFFFFFFB0];
	_ =	sdelay $0x4  }
0x112: {  	v0 =	vmul.f32 $8.000000000e+00, v0;
	_ =	sdelay $0x1  }
0x113: {  	[tilespmem:s20+$0x16430] =	vst v0  }
0x114: {  	v0 =	vld [tilespmem:s17+$0xFFFFFFC0];
	_ =	sdelay $0x1  }
0x115: {  	s20 =	sadd.s32 $0x1, s19  }
0x116: {  	s20 =	sand.u32 $0x3D, s20  }
0x117: {  	s20 =	smul.u32 $0x220, s20  }
0x118: {  	v0 =	vmul.f32 $8.000000000e+00, v0  }
0x119: {  	s20 =	sshrl.u32 s20, $0x2  }
0x11a: {  	[tilespmem:s20+$0x16400] =	vst v0  }
0x11b: {  	v0 =	vld [tilespmem:s17+$0xFFFFFFD0];
	_ =	sdelay $0x4  }
0x11c: {  	v0 =	vmul.f32 $8.000000000e+00, v0;
	_ =	sdelay $0x1  }
0x11d: {  	[tilespmem:s20+$0x16410] =	vst v0  }
0x11e: {  	v0 =	vld [tilespmem:s17+$0xFFFFFFE0];
	_ =	sdelay $0x4  }
0x11f: {  	v0 =	vmul.f32 $8.000000000e+00, v0;
	_ =	sdelay $0x1  }
0x120: {  	[tilespmem:s20+$0x16420] =	vst v0  }
0x121: {  	v0 =	vld [tilespmem:s17+$0xFFFFFFF0];
	_ =	sdelay $0x4  }
0x122: {  	v0 =	vmul.f32 $8.000000000e+00, v0;
	_ =	sdelay $0x1  }
0x123: {  	[tilespmem:s20+$0x16430] =	vst v0  }
0x124: {  	v0 =	vld [tilespmem:s17+$0x0];
	_ =	sdelay $0x1  }
0x125: {  	s20 =	sadd.s32 $0x2, s19  }
0x126: {  	s20 =	sand.u32 $0x3E, s20  }
0x127: {  	s20 =	smul.u32 $0x220, s20  }
0x128: {  	v0 =	vmul.f32 $8.000000000e+00, v0  }
0x129: {  	s20 =	sshrl.u32 s20, $0x2  }
0x12a: {  	[tilespmem:s20+$0x16400] =	vst v0  }
0x12b: {  	v0 =	vld [tilespmem:s17+$0x10];
	_ =	sdelay $0x4  }
0x12c: {  	v0 =	vmul.f32 $8.000000000e+00, v0;
	_ =	sdelay $0x1  }
0x12d: {  	[tilespmem:s20+$0x16410] =	vst v0  }
0x12e: {  	v0 =	vld [tilespmem:s17+$0x20];
	_ =	sdelay $0x4  }
0x12f: {  	v0 =	vmul.f32 $8.000000000e+00, v0;
	_ =	sdelay $0x1  }
0x130: {  	[tilespmem:s20+$0x16420] =	vst v0  }
0x131: {  	v0 =	vld [tilespmem:s17+$0x30];
	_ =	sdelay $0x4  }
0x132: {  	v0 =	vmul.f32 $8.000000000e+00, v0;
	_ =	sdelay $0x1  }
0x133: {  	[tilespmem:s20+$0x16430] =	vst v0  }
0x134: {  	v0 =	vld [tilespmem:s17+$0x40];
	_ =	sdelay $0x1  }
0x135: {  	s19 =	sadd.s32 $0x3, s19  }
0x136: {  	s19 =	sand.u32 $0x3F, s19  }
0x137: {  	s19 =	smul.u32 $0x220, s19  }
0x138: {  	v0 =	vmul.f32 $8.000000000e+00, v0  }
0x139: {  	s19 =	sshrl.u32 s19, $0x2  }
0x13a: {  	[tilespmem:s19+$0x16400] =	vst v0  }
0x13b: {  	v0 =	vld [tilespmem:s17+$0x50];
	_ =	sdelay $0x4  }
0x13c: {  	v0 =	vmul.f32 $8.000000000e+00, v0;
	_ =	sdelay $0x1  }
0x13d: {  	[tilespmem:s19+$0x16410] =	vst v0  }
0x13e: {  	v0 =	vld [tilespmem:s17+$0x60];
	_ =	sdelay $0x4  }
0x13f: {  	v0 =	vmul.f32 $8.000000000e+00, v0;
	_ =	sdelay $0x1  }
0x140: {  	[tilespmem:s19+$0x16420] =	vst v0  }
0x141: {  	v0 =	vld [tilespmem:s17+$0x70]  }
.Ltmp2:
0x142: {  	(pc) =	sbr.rel @p0 .LBB2_3-.Ltmp2, $2  }
0x143: {  	_ =	sdelay $0x2  }
0x144: {  	v0 =	vmul.f32 $8.000000000e+00, v0  }
0x145: {  	s17 =	sshll.u32 s16, $0xC;
	p0 =	seq.s32 s16, $0x18  }
0x146: {  	s18 =	sshrl.u32 @!p0 s17, $0x2  }
0x147: {  	[tilespmem:s19+$0x16430] =	vst v0;
	s20 =	simm.s32 @!p0 $0x80;
	s21 =	simm.s32 @!p0 $0x6400;
	s19 =	sadd.s32 @!p0 $0x400, s18  }
0x148: {  	[tilespmem:s21], [sflag:$0x2] =	stream.indirect.gather @!p0 [hbm4b:s3+s20], $0x40, s19, s20, $0xb8;
	[tilespmem:$0x18600] =	vst v63  }
0x149: {  	_ =	swait.ge [sflag:s7], $0x2000  }
0x14a: {  	[sflag:s7] =	ssyncset.done $0x0  }
0x14b: {  	s19 =	simm.s32 $0x84F0;
	[sflag:s7] =	ssyncadd.s32 $0xFFFFE000  }
0x14c: {  	v0 =	vld [tilespmem:s19+$0xFFFFFF10];
	_ =	sdelay $0x1  }
0x14d: {  	s21 =	simm.s32 $0x0  }
0x14e: {  	s20 =	sand.u32 $0x3C, s21  }
0x14f: {  	s20 =	smul.u32 $0x220, s20  }
0x150: {  	v0 =	vmul.f32 $8.000000000e+00, v0  }
0x151: {  	s20 =	sshrl.u32 s20, $0x2  }
0x152: {  	[tilespmem:s20+$0x16400] =	vst v0  }
0x153: {  	v0 =	vld [tilespmem:s19+$0xFFFFFF20];
	_ =	sdelay $0x4  }
0x154: {  	v0 =	vmul.f32 $8.000000000e+00, v0;
	_ =	sdelay $0x1  }
0x155: {  	[tilespmem:s20+$0x16410] =	vst v0  }
0x156: {  	v0 =	vld [tilespmem:s19+$0xFFFFFF30];
	_ =	sdelay $0x4  }
0x157: {  	v0 =	vmul.f32 $8.000000000e+00, v0;
	_ =	sdelay $0x1  }
0x158: {  	[tilespmem:s20+$0x16420] =	vst v0  }
0x159: {  	v0 =	vld [tilespmem:s19+$0xFFFFFF40];
	_ =	sdelay $0x4  }
0x15a: {  	v0 =	vmul.f32 $8.000000000e+00, v0;
	_ =	sdelay $0x1  }
0x15b: {  	[tilespmem:s20+$0x16430] =	vst v0  }
0x15c: {  	v0 =	vld [tilespmem:s19+$0xFFFFFF50];
	_ =	sdelay $0x1  }
0x15d: {  	s22 =	simm.s32 $0x1  }
0x15e: {  	s20 =	sand.u32 $0x3D, s22  }
0x15f: {  	s20 =	smul.u32 $0x220, s20  }
0x160: {  	v0 =	vmul.f32 $8.000000000e+00, v0  }
0x161: {  	s20 =	sshrl.u32 s20, $0x2  }
0x162: {  	[tilespmem:s20+$0x16400] =	vst v0  }
0x163: {  	v0 =	vld [tilespmem:s19+$0xFFFFFF60];
	_ =	sdelay $0x4  }
0x164: {  	v0 =	vmul.f32 $8.000000000e+00, v0;
	_ =	sdelay $0x1  }
0x165: {  	[tilespmem:s20+$0x16410] =	vst v0  }
0x166: {  	v0 =	vld [tilespmem:s19+$0xFFFFFF70];
	_ =	sdelay $0x4  }
0x167: {  	v0 =	vmul.f32 $8.000000000e+00, v0;
	_ =	sdelay $0x1  }
0x168: {  	[tilespmem:s20+$0x16420] =	vst v0  }
0x169: {  	v0 =	vld [tilespmem:s19+$0xFFFFFF80];
	_ =	sdelay $0x4  }
0x16a: {  	v0 =	vmul.f32 $8.000000000e+00, v0;
	_ =	sdelay $0x1  }
0x16b: {  	[tilespmem:s20+$0x16430] =	vst v0  }
0x16c: {  	v0 =	vld [tilespmem:s19+$0xFFFFFF90];
	_ =	sdelay $0x1  }
0x16d: {  	s24 =	simm.s32 $0x2  }
0x16e: {  	s20 =	sand.u32 $0x3E, s24  }
0x16f: {  	s20 =	smul.u32 $0x220, s20  }
0x170: {  	v0 =	vmul.f32 $8.000000000e+00, v0  }
0x171: {  	s20 =	sshrl.u32 s20, $0x2  }
0x172: {  	[tilespmem:s20+$0x16400] =	vst v0  }
0x173: {  	v0 =	vld [tilespmem:s19+$0xFFFFFFA0];
	_ =	sdelay $0x4  }
0x174: {  	v0 =	vmul.f32 $8.000000000e+00, v0;
	_ =	sdelay $0x1  }
0x175: {  	[tilespmem:s20+$0x16410] =	vst v0  }
0x176: {  	v0 =	vld [tilespmem:s19+$0xFFFFFFB0];
	_ =	sdelay $0x4  }
0x177: {  	v0 =	vmul.f32 $8.000000000e+00, v0;
	_ =	sdelay $0x1  }
0x178: {  	[tilespmem:s20+$0x16420] =	vst v0  }
0x179: {  	v0 =	vld [tilespmem:s19+$0xFFFFFFC0];
	_ =	sdelay $0x4  }
0x17a: {  	v0 =	vmul.f32 $8.000000000e+00, v0;
	_ =	sdelay $0x1  }
0x17b: {  	[tilespmem:s20+$0x16430] =	vst v0  }
0x17c: {  	v0 =	vld [tilespmem:s19+$0xFFFFFFD0];
	_ =	sdelay $0x1  }
0x17d: {  	s25 =	simm.s32 $0x3  }
0x17e: {  	s20 =	sand.u32 $0x3F, s25  }
0x17f: {  	s20 =	smul.u32 $0x220, s20  }
0x180: {  	v0 =	vmul.f32 $8.000000000e+00, v0  }
0x181: {  	s21 =	sshrl.u32 s20, $0x2  }
0x182: {  	[tilespmem:s21+$0x16400] =	vst v0  }
0x183: {  	v0 =	vld [tilespmem:s19+$0xFFFFFFE0];
	_ =	sdelay $0x4  }
0x184: {  	v0 =	vmul.f32 $8.000000000e+00, v0;
	_ =	sdelay $0x1  }
0x185: {  	[tilespmem:s21+$0x16410] =	vst v0  }
0x186: {  	v0 =	vld [tilespmem:s19+$0xFFFFFFF0];
	_ =	sdelay $0x4  }
0x187: {  	v0 =	vmul.f32 $8.000000000e+00, v0;
	_ =	sdelay $0x1  }
0x188: {  	[tilespmem:s21+$0x16420] =	vst v0  }
0x189: {  	v0 =	vld [tilespmem:s19+$0x0];
	_ =	sdelay $0x4  }
0x18a: {  	s20 =	simm.s32 $0x4;
	v0 =	vmul.f32 $8.000000000e+00, v0  }
.LBB2_5:
0x18b: {  	p1 =	sne.s32 s20, $0x7C  }
0x18c: {  	s19 =	sadd.s32 $0x100, s19;
	[tilespmem:s21+$0x16430] =	vst v0;
	s21 =	smov.u32 s20;
	s20 =	sadd.s32 $0x4, s20  }
0x18d: {  	v0 =	vld [tilespmem:s19+$0xFFFFFF10];
	_ =	sdelay $0x2  }
0x18e: {  	s22 =	sand.u32 $0x3C, s21  }
0x18f: {  	s22 =	smul.u32 $0x220, s22  }
0x190: {  	v0 =	vmul.f32 $8.000000000e+00, v0  }
0x191: {  	s22 =	sshrl.u32 s22, $0x2  }
0x192: {  	[tilespmem:s22+$0x16400] =	vst v0  }
0x193: {  	v0 =	vld [tilespmem:s19+$0xFFFFFF20];
	_ =	sdelay $0x4  }
0x194: {  	v0 =	vmul.f32 $8.000000000e+00, v0;
	_ =	sdelay $0x1  }
0x195: {  	[tilespmem:s22+$0x16410] =	vst v0  }
0x196: {  	v0 =	vld [tilespmem:s19+$0xFFFFFF30];
	_ =	sdelay $0x4  }
0x197: {  	v0 =	vmul.f32 $8.000000000e+00, v0;
	_ =	sdelay $0x1  }
0x198: {  	[tilespmem:s22+$0x16420] =	vst v0  }
0x199: {  	v0 =	vld [tilespmem:s19+$0xFFFFFF40];
	_ =	sdelay $0x4  }
0x19a: {  	v0 =	vmul.f32 $8.000000000e+00, v0;
	_ =	sdelay $0x1  }
0x19b: {  	[tilespmem:s22+$0x16430] =	vst v0  }
0x19c: {  	v0 =	vld [tilespmem:s19+$0xFFFFFF50];
	_ =	sdelay $0x1  }
0x19d: {  	s22 =	sadd.s32 $0x1, s21  }
0x19e: {  	s22 =	sand.u32 $0x3D, s22  }
0x19f: {  	s22 =	smul.u32 $0x220, s22  }
0x1a0: {  	v0 =	vmul.f32 $8.000000000e+00, v0  }
0x1a1: {  	s22 =	sshrl.u32 s22, $0x2  }
0x1a2: {  	[tilespmem:s22+$0x16400] =	vst v0  }
0x1a3: {  	v0 =	vld [tilespmem:s19+$0xFFFFFF60];
	_ =	sdelay $0x4  }
0x1a4: {  	v0 =	vmul.f32 $8.000000000e+00, v0;
	_ =	sdelay $0x1  }
0x1a5: {  	[tilespmem:s22+$0x16410] =	vst v0  }
0x1a6: {  	v0 =	vld [tilespmem:s19+$0xFFFFFF70];
	_ =	sdelay $0x4  }
0x1a7: {  	v0 =	vmul.f32 $8.000000000e+00, v0;
	_ =	sdelay $0x1  }
0x1a8: {  	[tilespmem:s22+$0x16420] =	vst v0  }
0x1a9: {  	v0 =	vld [tilespmem:s19+$0xFFFFFF80];
	_ =	sdelay $0x4  }
0x1aa: {  	v0 =	vmul.f32 $8.000000000e+00, v0;
	_ =	sdelay $0x1  }
0x1ab: {  	[tilespmem:s22+$0x16430] =	vst v0  }
0x1ac: {  	v0 =	vld [tilespmem:s19+$0xFFFFFF90];
	_ =	sdelay $0x1  }
0x1ad: {  	s22 =	sadd.s32 $0x2, s21  }
0x1ae: {  	s22 =	sand.u32 $0x3E, s22  }
0x1af: {  	s22 =	smul.u32 $0x220, s22  }
0x1b0: {  	v0 =	vmul.f32 $8.000000000e+00, v0  }
0x1b1: {  	s22 =	sshrl.u32 s22, $0x2  }
0x1b2: {  	[tilespmem:s22+$0x16400] =	vst v0  }
0x1b3: {  	v0 =	vld [tilespmem:s19+$0xFFFFFFA0];
	_ =	sdelay $0x4  }
0x1b4: {  	v0 =	vmul.f32 $8.000000000e+00, v0;
	_ =	sdelay $0x1  }
0x1b5: {  	[tilespmem:s22+$0x16410] =	vst v0  }
0x1b6: {  	v0 =	vld [tilespmem:s19+$0xFFFFFFB0];
	_ =	sdelay $0x4  }
0x1b7: {  	v0 =	vmul.f32 $8.000000000e+00, v0;
	_ =	sdelay $0x1  }
0x1b8: {  	[tilespmem:s22+$0x16420] =	vst v0  }
0x1b9: {  	v0 =	vld [tilespmem:s19+$0xFFFFFFC0];
	_ =	sdelay $0x4  }
0x1ba: {  	v0 =	vmul.f32 $8.000000000e+00, v0;
	_ =	sdelay $0x1  }
0x1bb: {  	[tilespmem:s22+$0x16430] =	vst v0  }
0x1bc: {  	v0 =	vld [tilespmem:s19+$0xFFFFFFD0];
	_ =	sdelay $0x1  }
0x1bd: {  	s21 =	sadd.s32 $0x3, s21  }
0x1be: {  	s21 =	sand.u32 $0x3F, s21  }
0x1bf: {  	s21 =	smul.u32 $0x220, s21  }
0x1c0: {  	v0 =	vmul.f32 $8.000000000e+00, v0  }
0x1c1: {  	s21 =	sshrl.u32 s21, $0x2  }
0x1c2: {  	[tilespmem:s21+$0x16400] =	vst v0  }
0x1c3: {  	v0 =	vld [tilespmem:s19+$0xFFFFFFE0];
	_ =	sdelay $0x4  }
0x1c4: {  	v0 =	vmul.f32 $8.000000000e+00, v0;
	_ =	sdelay $0x1  }
0x1c5: {  	[tilespmem:s21+$0x16410] =	vst v0  }
0x1c6: {  	v0 =	vld [tilespmem:s19+$0xFFFFFFF0];
	_ =	sdelay $0x4  }
0x1c7: {  	v0 =	vmul.f32 $8.000000000e+00, v0;
	_ =	sdelay $0x1  }
0x1c8: {  	[tilespmem:s21+$0x16420] =	vst v0  }
0x1c9: {  	v0 =	vld [tilespmem:s19+$0x0]  }
.Ltmp3:
0x1ca: {  	(pc) =	sbr.rel @p1 .LBB2_5-.Ltmp3, $2  }
0x1cb: {  	_ =	sdelay $0x2  }
0x1cc: {  	v0 =	vmul.f32 $8.000000000e+00, v0  }
0x1cd: {  	_ = 	snop  }
0x1ce: {  	s19 =	sadd.s32 @!p0 $0x480, s18;
	s20 =	simm.s32 @!p0 $0x80;
	[tilespmem:s21+$0x16430] =	vst v0;
	s21 =	simm.s32 @!p0 $0x8400  }
0x1cf: {  	[tilespmem:s21], [sflag:$0x3] =	stream.indirect.gather @!p0 [hbm4b:s3+s20], $0x40, s19, s20, $0xb8;
	[tilespmem:$0x18600] =	vst v63  }
0x1d0: {  	_ =	swait.ge [sflag:s8], $0x2000  }
0x1d1: {  	[sflag:s8] =	ssyncset.done $0x0  }
0x1d2: {  	s20 =	simm.s32 $0x0;
	[sflag:s8] =	ssyncadd.s32 $0xFFFFE000  }
0x1d3: {  	v0 =	vld [tilespmem:s20+$0xA400];
	_ =	sdelay $0x1  }
0x1d4: {  	s21 =	simm.s32 $0x0  }
0x1d5: {  	s19 =	sand.u32 $0x3C, s21  }
0x1d6: {  	s19 =	smul.u32 $0x220, s19  }
0x1d7: {  	v0 =	vmul.f32 $8.000000000e+00, v0  }
0x1d8: {  	s19 =	sshrl.u32 s19, $0x2  }
0x1d9: {  	[tilespmem:s19+$0x16400] =	vst v0  }
0x1da: {  	v0 =	vld [tilespmem:s20+$0xA410];
	_ =	sdelay $0x4  }
0x1db: {  	v0 =	vmul.f32 $8.000000000e+00, v0;
	_ =	sdelay $0x1  }
0x1dc: {  	[tilespmem:s19+$0x16410] =	vst v0  }
0x1dd: {  	v0 =	vld [tilespmem:s20+$0xA420];
	_ =	sdelay $0x4  }
0x1de: {  	v0 =	vmul.f32 $8.000000000e+00, v0;
	_ =	sdelay $0x1  }
0x1df: {  	[tilespmem:s19+$0x16420] =	vst v0  }
0x1e0: {  	v0 =	vld [tilespmem:s20+$0xA430];
	_ =	sdelay $0x4  }
0x1e1: {  	v0 =	vmul.f32 $8.000000000e+00, v0;
	_ =	sdelay $0x1  }
0x1e2: {  	[tilespmem:s19+$0x16430] =	vst v0  }
0x1e3: {  	v0 =	vld [tilespmem:s20+$0xA440];
	_ =	sdelay $0x1  }
0x1e4: {  	s22 =	simm.s32 $0x1  }
0x1e5: {  	s19 =	sand.u32 $0x3D, s22  }
0x1e6: {  	s19 =	smul.u32 $0x220, s19  }
0x1e7: {  	v0 =	vmul.f32 $8.000000000e+00, v0  }
0x1e8: {  	s19 =	sshrl.u32 s19, $0x2  }
0x1e9: {  	[tilespmem:s19+$0x16400] =	vst v0  }
0x1ea: {  	v0 =	vld [tilespmem:s20+$0xA450];
	_ =	sdelay $0x4  }
0x1eb: {  	v0 =	vmul.f32 $8.000000000e+00, v0;
	_ =	sdelay $0x1  }
0x1ec: {  	[tilespmem:s19+$0x16410] =	vst v0  }
0x1ed: {  	v0 =	vld [tilespmem:s20+$0xA460];
	_ =	sdelay $0x4  }
0x1ee: {  	v0 =	vmul.f32 $8.000000000e+00, v0;
	_ =	sdelay $0x1  }
0x1ef: {  	[tilespmem:s19+$0x16420] =	vst v0  }
0x1f0: {  	v0 =	vld [tilespmem:s20+$0xA470];
	_ =	sdelay $0x4  }
0x1f1: {  	v0 =	vmul.f32 $8.000000000e+00, v0;
	_ =	sdelay $0x1  }
0x1f2: {  	[tilespmem:s19+$0x16430] =	vst v0  }
0x1f3: {  	v0 =	vld [tilespmem:s20+$0xA480];
	_ =	sdelay $0x1  }
0x1f4: {  	s24 =	simm.s32 $0x2  }
0x1f5: {  	s19 =	sand.u32 $0x3E, s24  }
0x1f6: {  	s19 =	smul.u32 $0x220, s19  }
0x1f7: {  	v0 =	vmul.f32 $8.000000000e+00, v0  }
0x1f8: {  	s19 =	sshrl.u32 s19, $0x2  }
0x1f9: {  	[tilespmem:s19+$0x16400] =	vst v0  }
0x1fa: {  	v0 =	vld [tilespmem:s20+$0xA490];
	_ =	sdelay $0x4  }
0x1fb: {  	v0 =	vmul.f32 $8.000000000e+00, v0;
	_ =	sdelay $0x1  }
0x1fc: {  	[tilespmem:s19+$0x16410] =	vst v0  }
0x1fd: {  	v0 =	vld [tilespmem:s20+$0xA4A0];
	_ =	sdelay $0x4  }
0x1fe: {  	v0 =	vmul.f32 $8.000000000e+00, v0;
	_ =	sdelay $0x1  }
0x1ff: {  	[tilespmem:s19+$0x16420] =	vst v0  }
0x200: {  	v0 =	vld [tilespmem:s20+$0xA4B0];
	_ =	sdelay $0x4  }
0x201: {  	v0 =	vmul.f32 $8.000000000e+00, v0;
	_ =	sdelay $0x1  }
0x202: {  	[tilespmem:s19+$0x16430] =	vst v0  }
0x203: {  	v0 =	vld [tilespmem:s20+$0xA4C0];
	_ =	sdelay $0x1  }
0x204: {  	s19 =	simm.s32 $0x3  }
0x205: {  	s25 =	sand.u32 $0x3F, s19  }
0x206: {  	s21 =	smul.u32 $0x220, s25  }
0x207: {  	v0 =	vmul.f32 $8.000000000e+00, v0  }
0x208: {  	s24 =	sshrl.u32 s21, $0x2  }
0x209: {  	[tilespmem:s24+$0x16400] =	vst v0  }
0x20a: {  	v0 =	vld [tilespmem:s20+$0xA4D0];
	_ =	sdelay $0x4  }
0x20b: {  	v0 =	vmul.f32 $8.000000000e+00, v0;
	_ =	sdelay $0x1  }
0x20c: {  	[tilespmem:s24+$0x16410] =	vst v0  }
0x20d: {  	v0 =	vld [tilespmem:s20+$0xA4E0];
	_ =	sdelay $0x4  }
0x20e: {  	v0 =	vmul.f32 $8.000000000e+00, v0;
	_ =	sdelay $0x1  }
0x20f: {  	[tilespmem:s24+$0x16420] =	vst v0  }
0x210: {  	v0 =	vld [tilespmem:s20+$0xA4F0];
	_ =	sdelay $0x4  }
0x211: {  	s21 =	simm.s32 $0x800;
	s20 =	simm.s32 $0x400;
	v0 =	vmul.f32 $8.000000000e+00, v0  }
.LBB2_7:
0x212: {  	s22 =	sshra.s32 s20, $0x2  }
0x213: {  	s19 =	sadd.s32 $0x4, s19;
	s20 =	smov.u32 s21;
	s25 =	sadd.s32 $0x400, s21;
	[tilespmem:s24+$0x16430] =	vst v0  }
0x214: {  	p1 =	sne.s32 s21, $0x7C00;
	v0 =	vld [tilespmem:s22+$0xA400];
	_ =	sdelay $0x1  }
0x215: {  	s21 =	sadd.s32 $0xFFFFFFFD, s19  }
0x216: {  	s21 =	sand.u32 $0x3C, s21  }
0x217: {  	s21 =	smul.u32 $0x220, s21  }
0x218: {  	v0 =	vmul.f32 $8.000000000e+00, v0  }
0x219: {  	s21 =	sshrl.u32 s21, $0x2  }
0x21a: {  	[tilespmem:s21+$0x16400] =	vst v0  }
0x21b: {  	v0 =	vld [tilespmem:s22+$0xA410];
	_ =	sdelay $0x4  }
0x21c: {  	v0 =	vmul.f32 $8.000000000e+00, v0;
	_ =	sdelay $0x1  }
0x21d: {  	[tilespmem:s21+$0x16410] =	vst v0  }
0x21e: {  	v0 =	vld [tilespmem:s22+$0xA420];
	_ =	sdelay $0x4  }
0x21f: {  	v0 =	vmul.f32 $8.000000000e+00, v0;
	_ =	sdelay $0x1  }
0x220: {  	[tilespmem:s21+$0x16420] =	vst v0  }
0x221: {  	v0 =	vld [tilespmem:s22+$0xA430];
	_ =	sdelay $0x4  }
0x222: {  	v0 =	vmul.f32 $8.000000000e+00, v0;
	_ =	sdelay $0x1  }
0x223: {  	[tilespmem:s21+$0x16430] =	vst v0  }
0x224: {  	v0 =	vld [tilespmem:s22+$0xA440];
	_ =	sdelay $0x1  }
0x225: {  	s21 =	sadd.s32 $0xFFFFFFFE, s19  }
0x226: {  	s21 =	sand.u32 $0x3D, s21  }
0x227: {  	s21 =	smul.u32 $0x220, s21  }
0x228: {  	v0 =	vmul.f32 $8.000000000e+00, v0  }
0x229: {  	s21 =	sshrl.u32 s21, $0x2  }
0x22a: {  	[tilespmem:s21+$0x16400] =	vst v0  }
0x22b: {  	v0 =	vld [tilespmem:s22+$0xA450];
	_ =	sdelay $0x4  }
0x22c: {  	v0 =	vmul.f32 $8.000000000e+00, v0;
	_ =	sdelay $0x1  }
0x22d: {  	[tilespmem:s21+$0x16410] =	vst v0  }
0x22e: {  	v0 =	vld [tilespmem:s22+$0xA460];
	_ =	sdelay $0x4  }
0x22f: {  	v0 =	vmul.f32 $8.000000000e+00, v0;
	_ =	sdelay $0x1  }
0x230: {  	[tilespmem:s21+$0x16420] =	vst v0  }
0x231: {  	v0 =	vld [tilespmem:s22+$0xA470];
	_ =	sdelay $0x4  }
0x232: {  	v0 =	vmul.f32 $8.000000000e+00, v0;
	_ =	sdelay $0x1  }
0x233: {  	[tilespmem:s21+$0x16430] =	vst v0  }
0x234: {  	v0 =	vld [tilespmem:s22+$0xA480];
	_ =	sdelay $0x1  }
0x235: {  	s21 =	sadd.s32 $0xFFFFFFFF, s19  }
0x236: {  	s21 =	sand.u32 $0x3E, s21  }
0x237: {  	s21 =	smul.u32 $0x220, s21  }
0x238: {  	v0 =	vmul.f32 $8.000000000e+00, v0  }
0x239: {  	s21 =	sshrl.u32 s21, $0x2  }
0x23a: {  	[tilespmem:s21+$0x16400] =	vst v0  }
0x23b: {  	v0 =	vld [tilespmem:s22+$0xA490];
	_ =	sdelay $0x4  }
0x23c: {  	v0 =	vmul.f32 $8.000000000e+00, v0;
	_ =	sdelay $0x1  }
0x23d: {  	[tilespmem:s21+$0x16410] =	vst v0  }
0x23e: {  	v0 =	vld [tilespmem:s22+$0xA4A0];
	_ =	sdelay $0x4  }
0x23f: {  	v0 =	vmul.f32 $8.000000000e+00, v0;
	_ =	sdelay $0x1  }
0x240: {  	[tilespmem:s21+$0x16420] =	vst v0  }
0x241: {  	v0 =	vld [tilespmem:s22+$0xA4B0];
	_ =	sdelay $0x4  }
0x242: {  	v0 =	vmul.f32 $8.000000000e+00, v0;
	_ =	sdelay $0x1  }
0x243: {  	[tilespmem:s21+$0x16430] =	vst v0  }
0x244: {  	v0 =	vld [tilespmem:s22+$0xA4C0];
	_ =	sdelay $0x2  }
0x245: {  	s21 =	sand.u32 $0x3F, s19  }
0x246: {  	s21 =	smul.u32 $0x220, s21  }
0x247: {  	v0 =	vmul.f32 $8.000000000e+00, v0  }
0x248: {  	s24 =	sshrl.u32 s21, $0x2  }
0x249: {  	[tilespmem:s24+$0x16400] =	vst v0  }
0x24a: {  	v0 =	vld [tilespmem:s22+$0xA4D0];
	_ =	sdelay $0x4  }
0x24b: {  	v0 =	vmul.f32 $8.000000000e+00, v0;
	_ =	sdelay $0x1  }
0x24c: {  	[tilespmem:s24+$0x16410] =	vst v0  }
0x24d: {  	v0 =	vld [tilespmem:s22+$0xA4E0];
	_ =	sdelay $0x4  }
0x24e: {  	v0 =	vmul.f32 $8.000000000e+00, v0;
	_ =	sdelay $0x1  }
0x24f: {  	[tilespmem:s24+$0x16420] =	vst v0  }
0x250: {  	v0 =	vld [tilespmem:s22+$0xA4F0]  }
.Ltmp4:
0x251: {  	(pc) =	sbr.rel @p1 .LBB2_7-.Ltmp4, $2  }
0x252: {  	_ =	sdelay $0x2  }
0x253: {  	s21 =	smov.u32 s25;
	v0 =	vmul.f32 $8.000000000e+00, v0  }
0x254: {  	_ = 	snop  }
0x255: {  	s20 =	sshra.s32 s20, $0x2;
	[tilespmem:s24+$0x16430] =	vst v0  }
0x256: {  	v0 =	vld [tilespmem:s20+$0xA400]  }
0x257: {  	s19 =	sadd.s32 $0x4, s19  }
0x258: {  	s21 =	sadd.s32 $0xFFFFFFFD, s19  }
0x259: {  	s21 =	sand.u32 $0x3C, s21  }
0x25a: {  	s21 =	smul.u32 $0x220, s21  }
0x25b: {  	v0 =	vmul.f32 $8.000000000e+00, v0  }
0x25c: {  	s21 =	sshrl.u32 s21, $0x2  }
0x25d: {  	[tilespmem:s21+$0x16400] =	vst v0  }
0x25e: {  	v0 =	vld [tilespmem:s20+$0xA410];
	_ =	sdelay $0x4  }
0x25f: {  	v0 =	vmul.f32 $8.000000000e+00, v0;
	_ =	sdelay $0x1  }
0x260: {  	[tilespmem:s21+$0x16410] =	vst v0  }
0x261: {  	v0 =	vld [tilespmem:s20+$0xA420];
	_ =	sdelay $0x4  }
0x262: {  	v0 =	vmul.f32 $8.000000000e+00, v0;
	_ =	sdelay $0x1  }
0x263: {  	[tilespmem:s21+$0x16420] =	vst v0  }
0x264: {  	v0 =	vld [tilespmem:s20+$0xA430];
	_ =	sdelay $0x4  }
0x265: {  	v0 =	vmul.f32 $8.000000000e+00, v0;
	_ =	sdelay $0x1  }
0x266: {  	[tilespmem:s21+$0x16430] =	vst v0  }
0x267: {  	v0 =	vld [tilespmem:s20+$0xA440];
	_ =	sdelay $0x1  }
0x268: {  	s24 =	sadd.s32 $0xFFFFFFFE, s19  }
0x269: {  	s21 =	sand.u32 $0x3D, s24  }
0x26a: {  	s21 =	smul.u32 $0x220, s21  }
0x26b: {  	v0 =	vmul.f32 $8.000000000e+00, v0  }
0x26c: {  	s21 =	sshrl.u32 s21, $0x2  }
0x26d: {  	[tilespmem:s21+$0x16400] =	vst v0  }
0x26e: {  	v0 =	vld [tilespmem:s20+$0xA450];
	_ =	sdelay $0x4  }
0x26f: {  	v0 =	vmul.f32 $8.000000000e+00, v0;
	_ =	sdelay $0x1  }
0x270: {  	[tilespmem:s21+$0x16410] =	vst v0  }
0x271: {  	v0 =	vld [tilespmem:s20+$0xA460];
	_ =	sdelay $0x4  }
0x272: {  	v0 =	vmul.f32 $8.000000000e+00, v0;
	_ =	sdelay $0x1  }
0x273: {  	[tilespmem:s21+$0x16420] =	vst v0  }
0x274: {  	v0 =	vld [tilespmem:s20+$0xA470];
	_ =	sdelay $0x4  }
0x275: {  	v0 =	vmul.f32 $8.000000000e+00, v0;
	_ =	sdelay $0x1  }
0x276: {  	[tilespmem:s21+$0x16430] =	vst v0  }
0x277: {  	v0 =	vld [tilespmem:s20+$0xA480];
	_ =	sdelay $0x1  }
0x278: {  	s25 =	sadd.s32 $0xFFFFFFFF, s19  }
0x279: {  	s21 =	sand.u32 $0x3E, s25  }
0x27a: {  	s21 =	smul.u32 $0x220, s21  }
0x27b: {  	v0 =	vmul.f32 $8.000000000e+00, v0  }
0x27c: {  	s21 =	sshrl.u32 s21, $0x2  }
0x27d: {  	[tilespmem:s21+$0x16400] =	vst v0  }
0x27e: {  	v0 =	vld [tilespmem:s20+$0xA490];
	_ =	sdelay $0x4  }
0x27f: {  	v0 =	vmul.f32 $8.000000000e+00, v0;
	_ =	sdelay $0x1  }
0x280: {  	[tilespmem:s21+$0x16410] =	vst v0  }
0x281: {  	v0 =	vld [tilespmem:s20+$0xA4A0];
	_ =	sdelay $0x4  }
0x282: {  	v0 =	vmul.f32 $8.000000000e+00, v0;
	_ =	sdelay $0x1  }
0x283: {  	[tilespmem:s21+$0x16420] =	vst v0  }
0x284: {  	v0 =	vld [tilespmem:s20+$0xA4B0];
	_ =	sdelay $0x4  }
0x285: {  	v0 =	vmul.f32 $8.000000000e+00, v0;
	_ =	sdelay $0x1  }
0x286: {  	[tilespmem:s21+$0x16430] =	vst v0  }
0x287: {  	v0 =	vld [tilespmem:s20+$0xA4C0];
	_ =	sdelay $0x2  }
0x288: {  	s19 =	sand.u32 $0x3F, s19  }
0x289: {  	s19 =	smul.u32 $0x220, s19  }
0x28a: {  	v0 =	vmul.f32 $8.000000000e+00, v0  }
0x28b: {  	s19 =	sshrl.u32 s19, $0x2  }
0x28c: {  	[tilespmem:s19+$0x16400] =	vst v0  }
0x28d: {  	v0 =	vld [tilespmem:s20+$0xA4D0];
	_ =	sdelay $0x4  }
0x28e: {  	v0 =	vmul.f32 $8.000000000e+00, v0;
	_ =	sdelay $0x1  }
0x28f: {  	[tilespmem:s19+$0x16410] =	vst v0  }
0x290: {  	v0 =	vld [tilespmem:s20+$0xA4E0];
	_ =	sdelay $0x4  }
0x291: {  	v0 =	vmul.f32 $8.000000000e+00, v0;
	_ =	sdelay $0x1  }
0x292: {  	[tilespmem:s19+$0x16420] =	vst v0  }
0x293: {  	v0 =	vld [tilespmem:s20+$0xA4F0];
	_ =	sdelay $0x4  }
0x294: {  	v0 =	vmul.f32 $8.000000000e+00, v0;
	_ =	sdelay $0x1  }
0x295: {  	s21 =	simm.s32 @!p0 $0xA400;
	s20 =	simm.s32 @!p0 $0x80;
	[tilespmem:s19+$0x16430] =	vst v0;
	s19 =	sadd.s32 @!p0 $0x500, s18  }
0x296: {  	[tilespmem:s21], [sflag:$0x4] =	stream.indirect.gather @!p0 [hbm4b:s3+s20], $0x40, s19, s20, $0xb8;
	[tilespmem:$0x18600] =	vst v63  }
0x297: {  	_ =	swait.ge [sflag:s9], $0x2000  }
0x298: {  	[sflag:s9] =	ssyncset.done $0x0  }
0x299: {  	s20 =	simm.s32 $0x0;
	[sflag:s9] =	ssyncadd.s32 $0xFFFFE000  }
0x29a: {  	v0 =	vld [tilespmem:s20+$0xC400];
	_ =	sdelay $0x1  }
0x29b: {  	s21 =	simm.s32 $0x0  }
0x29c: {  	s19 =	sand.u32 $0x3C, s21  }
0x29d: {  	s19 =	smul.u32 $0x220, s19  }
0x29e: {  	v0 =	vmul.f32 $8.000000000e+00, v0  }
0x29f: {  	s19 =	sshrl.u32 s19, $0x2  }
0x2a0: {  	[tilespmem:s19+$0x16400] =	vst v0  }
0x2a1: {  	v0 =	vld [tilespmem:s20+$0xC410];
	_ =	sdelay $0x4  }
0x2a2: {  	v0 =	vmul.f32 $8.000000000e+00, v0;
	_ =	sdelay $0x1  }
0x2a3: {  	[tilespmem:s19+$0x16410] =	vst v0  }
0x2a4: {  	v0 =	vld [tilespmem:s20+$0xC420];
	_ =	sdelay $0x4  }
0x2a5: {  	v0 =	vmul.f32 $8.000000000e+00, v0;
	_ =	sdelay $0x1  }
0x2a6: {  	[tilespmem:s19+$0x16420] =	vst v0  }
0x2a7: {  	v0 =	vld [tilespmem:s20+$0xC430];
	_ =	sdelay $0x4  }
0x2a8: {  	v0 =	vmul.f32 $8.000000000e+00, v0;
	_ =	sdelay $0x1  }
0x2a9: {  	[tilespmem:s19+$0x16430] =	vst v0  }
0x2aa: {  	v0 =	vld [tilespmem:s20+$0xC440];
	_ =	sdelay $0x1  }
0x2ab: {  	s22 =	simm.s32 $0x1  }
0x2ac: {  	s19 =	sand.u32 $0x3D, s22  }
0x2ad: {  	s19 =	smul.u32 $0x220, s19  }
0x2ae: {  	v0 =	vmul.f32 $8.000000000e+00, v0  }
0x2af: {  	s19 =	sshrl.u32 s19, $0x2  }
0x2b0: {  	[tilespmem:s19+$0x16400] =	vst v0  }
0x2b1: {  	v0 =	vld [tilespmem:s20+$0xC450];
	_ =	sdelay $0x4  }
0x2b2: {  	v0 =	vmul.f32 $8.000000000e+00, v0;
	_ =	sdelay $0x1  }
0x2b3: {  	[tilespmem:s19+$0x16410] =	vst v0  }
0x2b4: {  	v0 =	vld [tilespmem:s20+$0xC460];
	_ =	sdelay $0x4  }
0x2b5: {  	v0 =	vmul.f32 $8.000000000e+00, v0;
	_ =	sdelay $0x1  }
0x2b6: {  	[tilespmem:s19+$0x16420] =	vst v0  }
0x2b7: {  	v0 =	vld [tilespmem:s20+$0xC470];
	_ =	sdelay $0x4  }
0x2b8: {  	v0 =	vmul.f32 $8.000000000e+00, v0;
	_ =	sdelay $0x1  }
0x2b9: {  	[tilespmem:s19+$0x16430] =	vst v0  }
0x2ba: {  	v0 =	vld [tilespmem:s20+$0xC480];
	_ =	sdelay $0x1  }
0x2bb: {  	s24 =	simm.s32 $0x2  }
0x2bc: {  	s19 =	sand.u32 $0x3E, s24  }
0x2bd: {  	s19 =	smul.u32 $0x220, s19  }
0x2be: {  	v0 =	vmul.f32 $8.000000000e+00, v0  }
0x2bf: {  	s19 =	sshrl.u32 s19, $0x2  }
0x2c0: {  	[tilespmem:s19+$0x16400] =	vst v0  }
0x2c1: {  	v0 =	vld [tilespmem:s20+$0xC490];
	_ =	sdelay $0x4  }
0x2c2: {  	v0 =	vmul.f32 $8.000000000e+00, v0;
	_ =	sdelay $0x1  }
0x2c3: {  	[tilespmem:s19+$0x16410] =	vst v0  }
0x2c4: {  	v0 =	vld [tilespmem:s20+$0xC4A0];
	_ =	sdelay $0x4  }
0x2c5: {  	v0 =	vmul.f32 $8.000000000e+00, v0;
	_ =	sdelay $0x1  }
0x2c6: {  	[tilespmem:s19+$0x16420] =	vst v0  }
0x2c7: {  	v0 =	vld [tilespmem:s20+$0xC4B0];
	_ =	sdelay $0x4  }
0x2c8: {  	v0 =	vmul.f32 $8.000000000e+00, v0;
	_ =	sdelay $0x1  }
0x2c9: {  	[tilespmem:s19+$0x16430] =	vst v0  }
0x2ca: {  	v0 =	vld [tilespmem:s20+$0xC4C0];
	_ =	sdelay $0x1  }
0x2cb: {  	s19 =	simm.s32 $0x3  }
0x2cc: {  	s25 =	sand.u32 $0x3F, s19  }
0x2cd: {  	s21 =	smul.u32 $0x220, s25  }
0x2ce: {  	v0 =	vmul.f32 $8.000000000e+00, v0  }
0x2cf: {  	s24 =	sshrl.u32 s21, $0x2  }
0x2d0: {  	[tilespmem:s24+$0x16400] =	vst v0  }
0x2d1: {  	v0 =	vld [tilespmem:s20+$0xC4D0];
	_ =	sdelay $0x4  }
0x2d2: {  	v0 =	vmul.f32 $8.000000000e+00, v0;
	_ =	sdelay $0x1  }
0x2d3: {  	[tilespmem:s24+$0x16410] =	vst v0  }
0x2d4: {  	v0 =	vld [tilespmem:s20+$0xC4E0];
	_ =	sdelay $0x4  }
0x2d5: {  	v0 =	vmul.f32 $8.000000000e+00, v0;
	_ =	sdelay $0x1  }
0x2d6: {  	[tilespmem:s24+$0x16420] =	vst v0  }
0x2d7: {  	v0 =	vld [tilespmem:s20+$0xC4F0];
	_ =	sdelay $0x4  }
0x2d8: {  	s25 =	simm.s32 $0x800;
	s20 =	simm.s32 $0x400;
	v0 =	vmul.f32 $8.000000000e+00, v0  }
.LBB2_9:
0x2d9: {  	s22 =	sshra.s32 s20, $0x2  }
0x2da: {  	s19 =	sadd.s32 $0x4, s19;
	s20 =	smov.u32 s25;
	s21 =	sadd.s32 $0x400, s25;
	[tilespmem:s24+$0x16430] =	vst v0  }
0x2db: {  	p1 =	sne.s32 s25, $0x7C00;
	v0 =	vld [tilespmem:s22+$0xC400];
	_ =	sdelay $0x1  }
0x2dc: {  	s24 =	sadd.s32 $0xFFFFFFFD, s19  }
0x2dd: {  	s24 =	sand.u32 $0x3C, s24  }
0x2de: {  	s24 =	smul.u32 $0x220, s24  }
0x2df: {  	v0 =	vmul.f32 $8.000000000e+00, v0  }
0x2e0: {  	s24 =	sshrl.u32 s24, $0x2  }
0x2e1: {  	[tilespmem:s24+$0x16400] =	vst v0  }
0x2e2: {  	v0 =	vld [tilespmem:s22+$0xC410];
	_ =	sdelay $0x4  }
0x2e3: {  	v0 =	vmul.f32 $8.000000000e+00, v0;
	_ =	sdelay $0x1  }
0x2e4: {  	[tilespmem:s24+$0x16410] =	vst v0  }
0x2e5: {  	v0 =	vld [tilespmem:s22+$0xC420];
	_ =	sdelay $0x4  }
0x2e6: {  	v0 =	vmul.f32 $8.000000000e+00, v0;
	_ =	sdelay $0x1  }
0x2e7: {  	[tilespmem:s24+$0x16420] =	vst v0  }
0x2e8: {  	v0 =	vld [tilespmem:s22+$0xC430];
	_ =	sdelay $0x4  }
0x2e9: {  	v0 =	vmul.f32 $8.000000000e+00, v0;
	_ =	sdelay $0x1  }
0x2ea: {  	[tilespmem:s24+$0x16430] =	vst v0  }
0x2eb: {  	v0 =	vld [tilespmem:s22+$0xC440];
	_ =	sdelay $0x1  }
0x2ec: {  	s24 =	sadd.s32 $0xFFFFFFFE, s19  }
0x2ed: {  	s24 =	sand.u32 $0x3D, s24  }
0x2ee: {  	s24 =	smul.u32 $0x220, s24  }
0x2ef: {  	v0 =	vmul.f32 $8.000000000e+00, v0  }
0x2f0: {  	s24 =	sshrl.u32 s24, $0x2  }
0x2f1: {  	[tilespmem:s24+$0x16400] =	vst v0  }
0x2f2: {  	v0 =	vld [tilespmem:s22+$0xC450];
	_ =	sdelay $0x4  }
0x2f3: {  	v0 =	vmul.f32 $8.000000000e+00, v0;
	_ =	sdelay $0x1  }
0x2f4: {  	[tilespmem:s24+$0x16410] =	vst v0  }
0x2f5: {  	v0 =	vld [tilespmem:s22+$0xC460];
	_ =	sdelay $0x4  }
0x2f6: {  	v0 =	vmul.f32 $8.000000000e+00, v0;
	_ =	sdelay $0x1  }
0x2f7: {  	[tilespmem:s24+$0x16420] =	vst v0  }
0x2f8: {  	v0 =	vld [tilespmem:s22+$0xC470];
	_ =	sdelay $0x4  }
0x2f9: {  	v0 =	vmul.f32 $8.000000000e+00, v0;
	_ =	sdelay $0x1  }
0x2fa: {  	[tilespmem:s24+$0x16430] =	vst v0  }
0x2fb: {  	v0 =	vld [tilespmem:s22+$0xC480];
	_ =	sdelay $0x1  }
0x2fc: {  	s24 =	sadd.s32 $0xFFFFFFFF, s19  }
0x2fd: {  	s24 =	sand.u32 $0x3E, s24  }
0x2fe: {  	s24 =	smul.u32 $0x220, s24  }
0x2ff: {  	v0 =	vmul.f32 $8.000000000e+00, v0  }
0x300: {  	s24 =	sshrl.u32 s24, $0x2  }
0x301: {  	[tilespmem:s24+$0x16400] =	vst v0  }
0x302: {  	v0 =	vld [tilespmem:s22+$0xC490];
	_ =	sdelay $0x4  }
0x303: {  	v0 =	vmul.f32 $8.000000000e+00, v0;
	_ =	sdelay $0x1  }
0x304: {  	[tilespmem:s24+$0x16410] =	vst v0  }
0x305: {  	v0 =	vld [tilespmem:s22+$0xC4A0];
	_ =	sdelay $0x4  }
0x306: {  	v0 =	vmul.f32 $8.000000000e+00, v0;
	_ =	sdelay $0x1  }
0x307: {  	[tilespmem:s24+$0x16420] =	vst v0  }
0x308: {  	v0 =	vld [tilespmem:s22+$0xC4B0];
	_ =	sdelay $0x4  }
0x309: {  	v0 =	vmul.f32 $8.000000000e+00, v0;
	_ =	sdelay $0x1  }
0x30a: {  	[tilespmem:s24+$0x16430] =	vst v0  }
0x30b: {  	v0 =	vld [tilespmem:s22+$0xC4C0];
	_ =	sdelay $0x2  }
0x30c: {  	s24 =	sand.u32 $0x3F, s19  }
0x30d: {  	s24 =	smul.u32 $0x220, s24  }
0x30e: {  	v0 =	vmul.f32 $8.000000000e+00, v0  }
0x30f: {  	s24 =	sshrl.u32 s24, $0x2  }
0x310: {  	[tilespmem:s24+$0x16400] =	vst v0  }
0x311: {  	v0 =	vld [tilespmem:s22+$0xC4D0];
	_ =	sdelay $0x4  }
0x312: {  	v0 =	vmul.f32 $8.000000000e+00, v0;
	_ =	sdelay $0x1  }
0x313: {  	[tilespmem:s24+$0x16410] =	vst v0  }
0x314: {  	v0 =	vld [tilespmem:s22+$0xC4E0];
	_ =	sdelay $0x4  }
0x315: {  	v0 =	vmul.f32 $8.000000000e+00, v0;
	_ =	sdelay $0x1  }
0x316: {  	[tilespmem:s24+$0x16420] =	vst v0  }
0x317: {  	v0 =	vld [tilespmem:s22+$0xC4F0]  }
.Ltmp5:
0x318: {  	(pc) =	sbr.rel @p1 .LBB2_9-.Ltmp5, $2  }
0x319: {  	_ =	sdelay $0x2  }
0x31a: {  	s25 =	smov.u32 s21;
	v0 =	vmul.f32 $8.000000000e+00, v0  }
0x31b: {  	_ = 	snop  }
0x31c: {  	s20 =	sshra.s32 s20, $0x2;
	[tilespmem:s24+$0x16430] =	vst v0  }
0x31d: {  	v0 =	vld [tilespmem:s20+$0xC400]  }
0x31e: {  	s19 =	sadd.s32 $0x4, s19  }
0x31f: {  	s21 =	sadd.s32 $0xFFFFFFFD, s19  }
0x320: {  	s21 =	sand.u32 $0x3C, s21  }
0x321: {  	s21 =	smul.u32 $0x220, s21  }
0x322: {  	v0 =	vmul.f32 $8.000000000e+00, v0  }
0x323: {  	s21 =	sshrl.u32 s21, $0x2  }
0x324: {  	[tilespmem:s21+$0x16400] =	vst v0  }
0x325: {  	v0 =	vld [tilespmem:s20+$0xC410];
	_ =	sdelay $0x4  }
0x326: {  	v0 =	vmul.f32 $8.000000000e+00, v0;
	_ =	sdelay $0x1  }
0x327: {  	[tilespmem:s21+$0x16410] =	vst v0  }
0x328: {  	v0 =	vld [tilespmem:s20+$0xC420];
	_ =	sdelay $0x4  }
0x329: {  	v0 =	vmul.f32 $8.000000000e+00, v0;
	_ =	sdelay $0x1  }
0x32a: {  	[tilespmem:s21+$0x16420] =	vst v0  }
0x32b: {  	v0 =	vld [tilespmem:s20+$0xC430];
	_ =	sdelay $0x4  }
0x32c: {  	v0 =	vmul.f32 $8.000000000e+00, v0;
	_ =	sdelay $0x1  }
0x32d: {  	[tilespmem:s21+$0x16430] =	vst v0  }
0x32e: {  	v0 =	vld [tilespmem:s20+$0xC440];
	_ =	sdelay $0x1  }
0x32f: {  	s24 =	sadd.s32 $0xFFFFFFFE, s19  }
0x330: {  	s21 =	sand.u32 $0x3D, s24  }
0x331: {  	s21 =	smul.u32 $0x220, s21  }
0x332: {  	v0 =	vmul.f32 $8.000000000e+00, v0  }
0x333: {  	s21 =	sshrl.u32 s21, $0x2  }
0x334: {  	[tilespmem:s21+$0x16400] =	vst v0  }
0x335: {  	v0 =	vld [tilespmem:s20+$0xC450];
	_ =	sdelay $0x4  }
0x336: {  	v0 =	vmul.f32 $8.000000000e+00, v0;
	_ =	sdelay $0x1  }
0x337: {  	[tilespmem:s21+$0x16410] =	vst v0  }
0x338: {  	v0 =	vld [tilespmem:s20+$0xC460];
	_ =	sdelay $0x4  }
0x339: {  	v0 =	vmul.f32 $8.000000000e+00, v0;
	_ =	sdelay $0x1  }
0x33a: {  	[tilespmem:s21+$0x16420] =	vst v0  }
0x33b: {  	v0 =	vld [tilespmem:s20+$0xC470];
	_ =	sdelay $0x4  }
0x33c: {  	v0 =	vmul.f32 $8.000000000e+00, v0;
	_ =	sdelay $0x1  }
0x33d: {  	[tilespmem:s21+$0x16430] =	vst v0  }
0x33e: {  	v0 =	vld [tilespmem:s20+$0xC480];
	_ =	sdelay $0x1  }
0x33f: {  	s25 =	sadd.s32 $0xFFFFFFFF, s19  }
0x340: {  	s21 =	sand.u32 $0x3E, s25  }
0x341: {  	s21 =	smul.u32 $0x220, s21  }
0x342: {  	v0 =	vmul.f32 $8.000000000e+00, v0  }
0x343: {  	s21 =	sshrl.u32 s21, $0x2  }
0x344: {  	[tilespmem:s21+$0x16400] =	vst v0  }
0x345: {  	v0 =	vld [tilespmem:s20+$0xC490];
	_ =	sdelay $0x4  }
0x346: {  	v0 =	vmul.f32 $8.000000000e+00, v0;
	_ =	sdelay $0x1  }
0x347: {  	[tilespmem:s21+$0x16410] =	vst v0  }
0x348: {  	v0 =	vld [tilespmem:s20+$0xC4A0];
	_ =	sdelay $0x4  }
0x349: {  	v0 =	vmul.f32 $8.000000000e+00, v0;
	_ =	sdelay $0x1  }
0x34a: {  	[tilespmem:s21+$0x16420] =	vst v0  }
0x34b: {  	v0 =	vld [tilespmem:s20+$0xC4B0];
	_ =	sdelay $0x4  }
0x34c: {  	v0 =	vmul.f32 $8.000000000e+00, v0;
	_ =	sdelay $0x1  }
0x34d: {  	[tilespmem:s21+$0x16430] =	vst v0  }
0x34e: {  	v0 =	vld [tilespmem:s20+$0xC4C0];
	_ =	sdelay $0x2  }
0x34f: {  	s19 =	sand.u32 $0x3F, s19  }
0x350: {  	s19 =	smul.u32 $0x220, s19  }
0x351: {  	v0 =	vmul.f32 $8.000000000e+00, v0  }
0x352: {  	s19 =	sshrl.u32 s19, $0x2  }
0x353: {  	[tilespmem:s19+$0x16400] =	vst v0  }
0x354: {  	v0 =	vld [tilespmem:s20+$0xC4D0];
	_ =	sdelay $0x4  }
0x355: {  	v0 =	vmul.f32 $8.000000000e+00, v0;
	_ =	sdelay $0x1  }
0x356: {  	[tilespmem:s19+$0x16410] =	vst v0  }
0x357: {  	v0 =	vld [tilespmem:s20+$0xC4E0];
	_ =	sdelay $0x4  }
0x358: {  	v0 =	vmul.f32 $8.000000000e+00, v0;
	_ =	sdelay $0x1  }
0x359: {  	[tilespmem:s19+$0x16420] =	vst v0  }
0x35a: {  	v0 =	vld [tilespmem:s20+$0xC4F0];
	_ =	sdelay $0x4  }
0x35b: {  	v0 =	vmul.f32 $8.000000000e+00, v0;
	_ =	sdelay $0x1  }
0x35c: {  	s21 =	simm.s32 @!p0 $0xC400;
	s20 =	simm.s32 @!p0 $0x80;
	[tilespmem:s19+$0x16430] =	vst v0;
	s19 =	sadd.s32 @!p0 $0x580, s18  }
0x35d: {  	[tilespmem:s21], [sflag:$0x5] =	stream.indirect.gather @!p0 [hbm4b:s3+s20], $0x40, s19, s20, $0xb8;
	[tilespmem:$0x18600] =	vst v63  }
0x35e: {  	_ =	swait.ge [sflag:s10], $0x2000  }
0x35f: {  	[sflag:s10] =	ssyncset.done $0x0  }
0x360: {  	s20 =	simm.s32 $0x0;
	[sflag:s10] =	ssyncadd.s32 $0xFFFFE000  }
0x361: {  	v0 =	vld [tilespmem:s20+$0xE400];
	_ =	sdelay $0x1  }
0x362: {  	s21 =	simm.s32 $0x0  }
0x363: {  	s19 =	sand.u32 $0x3C, s21  }
0x364: {  	s19 =	smul.u32 $0x220, s19  }
0x365: {  	v0 =	vmul.f32 $8.000000000e+00, v0  }
0x366: {  	s19 =	sshrl.u32 s19, $0x2  }
0x367: {  	[tilespmem:s19+$0x16400] =	vst v0  }
0x368: {  	v0 =	vld [tilespmem:s20+$0xE410];
	_ =	sdelay $0x4  }
0x369: {  	v0 =	vmul.f32 $8.000000000e+00, v0;
	_ =	sdelay $0x1  }
0x36a: {  	[tilespmem:s19+$0x16410] =	vst v0  }
0x36b: {  	v0 =	vld [tilespmem:s20+$0xE420];
	_ =	sdelay $0x4  }
0x36c: {  	v0 =	vmul.f32 $8.000000000e+00, v0;
	_ =	sdelay $0x1  }
0x36d: {  	[tilespmem:s19+$0x16420] =	vst v0  }
0x36e: {  	v0 =	vld [tilespmem:s20+$0xE430];
	_ =	sdelay $0x4  }
0x36f: {  	v0 =	vmul.f32 $8.000000000e+00, v0;
	_ =	sdelay $0x1  }
0x370: {  	[tilespmem:s19+$0x16430] =	vst v0  }
0x371: {  	v0 =	vld [tilespmem:s20+$0xE440];
	_ =	sdelay $0x1  }
0x372: {  	s22 =	simm.s32 $0x1  }
0x373: {  	s19 =	sand.u32 $0x3D, s22  }
0x374: {  	s19 =	smul.u32 $0x220, s19  }
0x375: {  	v0 =	vmul.f32 $8.000000000e+00, v0  }
0x376: {  	s19 =	sshrl.u32 s19, $0x2  }
0x377: {  	[tilespmem:s19+$0x16400] =	vst v0  }
0x378: {  	v0 =	vld [tilespmem:s20+$0xE450];
	_ =	sdelay $0x4  }
0x379: {  	v0 =	vmul.f32 $8.000000000e+00, v0;
	_ =	sdelay $0x1  }
0x37a: {  	[tilespmem:s19+$0x16410] =	vst v0  }
0x37b: {  	v0 =	vld [tilespmem:s20+$0xE460];
	_ =	sdelay $0x4  }
0x37c: {  	v0 =	vmul.f32 $8.000000000e+00, v0;
	_ =	sdelay $0x1  }
0x37d: {  	[tilespmem:s19+$0x16420] =	vst v0  }
0x37e: {  	v0 =	vld [tilespmem:s20+$0xE470];
	_ =	sdelay $0x4  }
0x37f: {  	v0 =	vmul.f32 $8.000000000e+00, v0;
	_ =	sdelay $0x1  }
0x380: {  	[tilespmem:s19+$0x16430] =	vst v0  }
0x381: {  	v0 =	vld [tilespmem:s20+$0xE480];
	_ =	sdelay $0x1  }
0x382: {  	s24 =	simm.s32 $0x2  }
0x383: {  	s19 =	sand.u32 $0x3E, s24  }
0x384: {  	s19 =	smul.u32 $0x220, s19  }
0x385: {  	v0 =	vmul.f32 $8.000000000e+00, v0  }
0x386: {  	s19 =	sshrl.u32 s19, $0x2  }
0x387: {  	[tilespmem:s19+$0x16400] =	vst v0  }
0x388: {  	v0 =	vld [tilespmem:s20+$0xE490];
	_ =	sdelay $0x4  }
0x389: {  	v0 =	vmul.f32 $8.000000000e+00, v0;
	_ =	sdelay $0x1  }
0x38a: {  	[tilespmem:s19+$0x16410] =	vst v0  }
0x38b: {  	v0 =	vld [tilespmem:s20+$0xE4A0];
	_ =	sdelay $0x4  }
0x38c: {  	v0 =	vmul.f32 $8.000000000e+00, v0;
	_ =	sdelay $0x1  }
0x38d: {  	[tilespmem:s19+$0x16420] =	vst v0  }
0x38e: {  	v0 =	vld [tilespmem:s20+$0xE4B0];
	_ =	sdelay $0x4  }
0x38f: {  	v0 =	vmul.f32 $8.000000000e+00, v0;
	_ =	sdelay $0x1  }
0x390: {  	[tilespmem:s19+$0x16430] =	vst v0  }
0x391: {  	v0 =	vld [tilespmem:s20+$0xE4C0];
	_ =	sdelay $0x1  }
0x392: {  	s19 =	simm.s32 $0x3  }
0x393: {  	s25 =	sand.u32 $0x3F, s19  }
0x394: {  	s21 =	smul.u32 $0x220, s25  }
0x395: {  	v0 =	vmul.f32 $8.000000000e+00, v0  }
0x396: {  	s24 =	sshrl.u32 s21, $0x2  }
0x397: {  	[tilespmem:s24+$0x16400] =	vst v0  }
0x398: {  	v0 =	vld [tilespmem:s20+$0xE4D0];
	_ =	sdelay $0x4  }
0x399: {  	v0 =	vmul.f32 $8.000000000e+00, v0;
	_ =	sdelay $0x1  }
0x39a: {  	[tilespmem:s24+$0x16410] =	vst v0  }
0x39b: {  	v0 =	vld [tilespmem:s20+$0xE4E0];
	_ =	sdelay $0x4  }
0x39c: {  	v0 =	vmul.f32 $8.000000000e+00, v0;
	_ =	sdelay $0x1  }
0x39d: {  	[tilespmem:s24+$0x16420] =	vst v0  }
0x39e: {  	v0 =	vld [tilespmem:s20+$0xE4F0];
	_ =	sdelay $0x4  }
0x39f: {  	s25 =	simm.s32 $0x800;
	s20 =	simm.s32 $0x400;
	v0 =	vmul.f32 $8.000000000e+00, v0  }
.LBB2_11:
0x3a0: {  	s22 =	sshra.s32 s20, $0x2  }
0x3a1: {  	s19 =	sadd.s32 $0x4, s19;
	s20 =	smov.u32 s25;
	s21 =	sadd.s32 $0x400, s25;
	[tilespmem:s24+$0x16430] =	vst v0  }
0x3a2: {  	p1 =	sne.s32 s25, $0x7C00;
	v0 =	vld [tilespmem:s22+$0xE400];
	_ =	sdelay $0x1  }
0x3a3: {  	s24 =	sadd.s32 $0xFFFFFFFD, s19  }
0x3a4: {  	s24 =	sand.u32 $0x3C, s24  }
0x3a5: {  	s24 =	smul.u32 $0x220, s24  }
0x3a6: {  	v0 =	vmul.f32 $8.000000000e+00, v0  }
0x3a7: {  	s24 =	sshrl.u32 s24, $0x2  }
0x3a8: {  	[tilespmem:s24+$0x16400] =	vst v0  }
0x3a9: {  	v0 =	vld [tilespmem:s22+$0xE410];
	_ =	sdelay $0x4  }
0x3aa: {  	v0 =	vmul.f32 $8.000000000e+00, v0;
	_ =	sdelay $0x1  }
0x3ab: {  	[tilespmem:s24+$0x16410] =	vst v0  }
0x3ac: {  	v0 =	vld [tilespmem:s22+$0xE420];
	_ =	sdelay $0x4  }
0x3ad: {  	v0 =	vmul.f32 $8.000000000e+00, v0;
	_ =	sdelay $0x1  }
0x3ae: {  	[tilespmem:s24+$0x16420] =	vst v0  }
0x3af: {  	v0 =	vld [tilespmem:s22+$0xE430];
	_ =	sdelay $0x4  }
0x3b0: {  	v0 =	vmul.f32 $8.000000000e+00, v0;
	_ =	sdelay $0x1  }
0x3b1: {  	[tilespmem:s24+$0x16430] =	vst v0  }
0x3b2: {  	v0 =	vld [tilespmem:s22+$0xE440];
	_ =	sdelay $0x1  }
0x3b3: {  	s24 =	sadd.s32 $0xFFFFFFFE, s19  }
0x3b4: {  	s24 =	sand.u32 $0x3D, s24  }
0x3b5: {  	s24 =	smul.u32 $0x220, s24  }
0x3b6: {  	v0 =	vmul.f32 $8.000000000e+00, v0  }
0x3b7: {  	s24 =	sshrl.u32 s24, $0x2  }
0x3b8: {  	[tilespmem:s24+$0x16400] =	vst v0  }
0x3b9: {  	v0 =	vld [tilespmem:s22+$0xE450];
	_ =	sdelay $0x4  }
0x3ba: {  	v0 =	vmul.f32 $8.000000000e+00, v0;
	_ =	sdelay $0x1  }
0x3bb: {  	[tilespmem:s24+$0x16410] =	vst v0  }
0x3bc: {  	v0 =	vld [tilespmem:s22+$0xE460];
	_ =	sdelay $0x4  }
0x3bd: {  	v0 =	vmul.f32 $8.000000000e+00, v0;
	_ =	sdelay $0x1  }
0x3be: {  	[tilespmem:s24+$0x16420] =	vst v0  }
0x3bf: {  	v0 =	vld [tilespmem:s22+$0xE470];
	_ =	sdelay $0x4  }
0x3c0: {  	v0 =	vmul.f32 $8.000000000e+00, v0;
	_ =	sdelay $0x1  }
0x3c1: {  	[tilespmem:s24+$0x16430] =	vst v0  }
0x3c2: {  	v0 =	vld [tilespmem:s22+$0xE480];
	_ =	sdelay $0x1  }
0x3c3: {  	s24 =	sadd.s32 $0xFFFFFFFF, s19  }
0x3c4: {  	s24 =	sand.u32 $0x3E, s24  }
0x3c5: {  	s24 =	smul.u32 $0x220, s24  }
0x3c6: {  	v0 =	vmul.f32 $8.000000000e+00, v0  }
0x3c7: {  	s24 =	sshrl.u32 s24, $0x2  }
0x3c8: {  	[tilespmem:s24+$0x16400] =	vst v0  }
0x3c9: {  	v0 =	vld [tilespmem:s22+$0xE490];
	_ =	sdelay $0x4  }
0x3ca: {  	v0 =	vmul.f32 $8.000000000e+00, v0;
	_ =	sdelay $0x1  }
0x3cb: {  	[tilespmem:s24+$0x16410] =	vst v0  }
0x3cc: {  	v0 =	vld [tilespmem:s22+$0xE4A0];
	_ =	sdelay $0x4  }
0x3cd: {  	v0 =	vmul.f32 $8.000000000e+00, v0;
	_ =	sdelay $0x1  }
0x3ce: {  	[tilespmem:s24+$0x16420] =	vst v0  }
0x3cf: {  	v0 =	vld [tilespmem:s22+$0xE4B0];
	_ =	sdelay $0x4  }
0x3d0: {  	v0 =	vmul.f32 $8.000000000e+00, v0;
	_ =	sdelay $0x1  }
0x3d1: {  	[tilespmem:s24+$0x16430] =	vst v0  }
0x3d2: {  	v0 =	vld [tilespmem:s22+$0xE4C0];
	_ =	sdelay $0x2  }
0x3d3: {  	s24 =	sand.u32 $0x3F, s19  }
0x3d4: {  	s24 =	smul.u32 $0x220, s24  }
0x3d5: {  	v0 =	vmul.f32 $8.000000000e+00, v0  }
0x3d6: {  	s24 =	sshrl.u32 s24, $0x2  }
0x3d7: {  	[tilespmem:s24+$0x16400] =	vst v0  }
0x3d8: {  	v0 =	vld [tilespmem:s22+$0xE4D0];
	_ =	sdelay $0x4  }
0x3d9: {  	v0 =	vmul.f32 $8.000000000e+00, v0;
	_ =	sdelay $0x1  }
0x3da: {  	[tilespmem:s24+$0x16410] =	vst v0  }
0x3db: {  	v0 =	vld [tilespmem:s22+$0xE4E0];
	_ =	sdelay $0x4  }
0x3dc: {  	v0 =	vmul.f32 $8.000000000e+00, v0;
	_ =	sdelay $0x1  }
0x3dd: {  	[tilespmem:s24+$0x16420] =	vst v0  }
0x3de: {  	v0 =	vld [tilespmem:s22+$0xE4F0]  }
.Ltmp6:
0x3df: {  	(pc) =	sbr.rel @p1 .LBB2_11-.Ltmp6, $2  }
0x3e0: {  	_ =	sdelay $0x2  }
0x3e1: {  	s25 =	smov.u32 s21;
	v0 =	vmul.f32 $8.000000000e+00, v0  }
0x3e2: {  	_ = 	snop  }
0x3e3: {  	s20 =	sshra.s32 s20, $0x2;
	[tilespmem:s24+$0x16430] =	vst v0  }
0x3e4: {  	v0 =	vld [tilespmem:s20+$0xE400]  }
0x3e5: {  	s19 =	sadd.s32 $0x4, s19  }
0x3e6: {  	s21 =	sadd.s32 $0xFFFFFFFD, s19  }
0x3e7: {  	s21 =	sand.u32 $0x3C, s21  }
0x3e8: {  	s21 =	smul.u32 $0x220, s21  }
0x3e9: {  	v0 =	vmul.f32 $8.000000000e+00, v0  }
0x3ea: {  	s21 =	sshrl.u32 s21, $0x2  }
0x3eb: {  	[tilespmem:s21+$0x16400] =	vst v0  }
0x3ec: {  	v0 =	vld [tilespmem:s20+$0xE410];
	_ =	sdelay $0x4  }
0x3ed: {  	v0 =	vmul.f32 $8.000000000e+00, v0;
	_ =	sdelay $0x1  }
0x3ee: {  	[tilespmem:s21+$0x16410] =	vst v0  }
0x3ef: {  	v0 =	vld [tilespmem:s20+$0xE420];
	_ =	sdelay $0x4  }
0x3f0: {  	v0 =	vmul.f32 $8.000000000e+00, v0;
	_ =	sdelay $0x1  }
0x3f1: {  	[tilespmem:s21+$0x16420] =	vst v0  }
0x3f2: {  	v0 =	vld [tilespmem:s20+$0xE430];
	_ =	sdelay $0x4  }
0x3f3: {  	v0 =	vmul.f32 $8.000000000e+00, v0;
	_ =	sdelay $0x1  }
0x3f4: {  	[tilespmem:s21+$0x16430] =	vst v0  }
0x3f5: {  	v0 =	vld [tilespmem:s20+$0xE440];
	_ =	sdelay $0x1  }
0x3f6: {  	s24 =	sadd.s32 $0xFFFFFFFE, s19  }
0x3f7: {  	s21 =	sand.u32 $0x3D, s24  }
0x3f8: {  	s21 =	smul.u32 $0x220, s21  }
0x3f9: {  	v0 =	vmul.f32 $8.000000000e+00, v0  }
0x3fa: {  	s21 =	sshrl.u32 s21, $0x2  }
0x3fb: {  	[tilespmem:s21+$0x16400] =	vst v0  }
0x3fc: {  	v0 =	vld [tilespmem:s20+$0xE450];
	_ =	sdelay $0x4  }
0x3fd: {  	v0 =	vmul.f32 $8.000000000e+00, v0;
	_ =	sdelay $0x1  }
0x3fe: {  	[tilespmem:s21+$0x16410] =	vst v0  }
0x3ff: {  	v0 =	vld [tilespmem:s20+$0xE460];
	_ =	sdelay $0x4  }
0x400: {  	v0 =	vmul.f32 $8.000000000e+00, v0;
	_ =	sdelay $0x1  }
0x401: {  	[tilespmem:s21+$0x16420] =	vst v0  }
0x402: {  	v0 =	vld [tilespmem:s20+$0xE470];
	_ =	sdelay $0x4  }
0x403: {  	v0 =	vmul.f32 $8.000000000e+00, v0;
	_ =	sdelay $0x1  }
0x404: {  	[tilespmem:s21+$0x16430] =	vst v0  }
0x405: {  	v0 =	vld [tilespmem:s20+$0xE480];
	_ =	sdelay $0x1  }
0x406: {  	s25 =	sadd.s32 $0xFFFFFFFF, s19  }
0x407: {  	s21 =	sand.u32 $0x3E, s25  }
0x408: {  	s21 =	smul.u32 $0x220, s21  }
0x409: {  	v0 =	vmul.f32 $8.000000000e+00, v0  }
0x40a: {  	s21 =	sshrl.u32 s21, $0x2  }
0x40b: {  	[tilespmem:s21+$0x16400] =	vst v0  }
0x40c: {  	v0 =	vld [tilespmem:s20+$0xE490];
	_ =	sdelay $0x4  }
0x40d: {  	v0 =	vmul.f32 $8.000000000e+00, v0;
	_ =	sdelay $0x1  }
0x40e: {  	[tilespmem:s21+$0x16410] =	vst v0  }
0x40f: {  	v0 =	vld [tilespmem:s20+$0xE4A0];
	_ =	sdelay $0x4  }
0x410: {  	v0 =	vmul.f32 $8.000000000e+00, v0;
	_ =	sdelay $0x1  }
0x411: {  	[tilespmem:s21+$0x16420] =	vst v0  }
0x412: {  	v0 =	vld [tilespmem:s20+$0xE4B0];
	_ =	sdelay $0x4  }
0x413: {  	v0 =	vmul.f32 $8.000000000e+00, v0;
	_ =	sdelay $0x1  }
0x414: {  	[tilespmem:s21+$0x16430] =	vst v0  }
0x415: {  	v0 =	vld [tilespmem:s20+$0xE4C0];
	_ =	sdelay $0x2  }
0x416: {  	s19 =	sand.u32 $0x3F, s19  }
0x417: {  	s19 =	smul.u32 $0x220, s19  }
0x418: {  	v0 =	vmul.f32 $8.000000000e+00, v0  }
0x419: {  	s19 =	sshrl.u32 s19, $0x2  }
0x41a: {  	[tilespmem:s19+$0x16400] =	vst v0  }
0x41b: {  	v0 =	vld [tilespmem:s20+$0xE4D0];
	_ =	sdelay $0x4  }
0x41c: {  	v0 =	vmul.f32 $8.000000000e+00, v0;
	_ =	sdelay $0x1  }
0x41d: {  	[tilespmem:s19+$0x16410] =	vst v0  }
0x41e: {  	v0 =	vld [tilespmem:s20+$0xE4E0];
	_ =	sdelay $0x4  }
0x41f: {  	v0 =	vmul.f32 $8.000000000e+00, v0;
	_ =	sdelay $0x1  }
0x420: {  	[tilespmem:s19+$0x16420] =	vst v0  }
0x421: {  	v0 =	vld [tilespmem:s20+$0xE4F0];
	_ =	sdelay $0x4  }
0x422: {  	v0 =	vmul.f32 $8.000000000e+00, v0;
	_ =	sdelay $0x1  }
0x423: {  	s21 =	simm.s32 @!p0 $0xE400;
	s20 =	simm.s32 @!p0 $0x80;
	[tilespmem:s19+$0x16430] =	vst v0;
	s19 =	sadd.s32 @!p0 $0x600, s18  }
0x424: {  	[tilespmem:s21], [sflag:$0x6] =	stream.indirect.gather @!p0 [hbm4b:s3+s20], $0x40, s19, s20, $0xb8;
	[tilespmem:$0x18600] =	vst v63  }
0x425: {  	_ =	swait.ge [sflag:s11], $0x2000  }
0x426: {  	[sflag:s11] =	ssyncset.done $0x0  }
0x427: {  	s20 =	simm.s32 $0x0;
	[sflag:s11] =	ssyncadd.s32 $0xFFFFE000  }
0x428: {  	v0 =	vld [tilespmem:s20+$0x10400];
	_ =	sdelay $0x1  }
0x429: {  	s21 =	simm.s32 $0x0  }
0x42a: {  	s19 =	sand.u32 $0x3C, s21  }
0x42b: {  	s19 =	smul.u32 $0x220, s19  }
0x42c: {  	v0 =	vmul.f32 $8.000000000e+00, v0  }
0x42d: {  	s19 =	sshrl.u32 s19, $0x2  }
0x42e: {  	[tilespmem:s19+$0x16400] =	vst v0  }
0x42f: {  	v0 =	vld [tilespmem:s20+$0x10410];
	_ =	sdelay $0x4  }
0x430: {  	v0 =	vmul.f32 $8.000000000e+00, v0;
	_ =	sdelay $0x1  }
0x431: {  	[tilespmem:s19+$0x16410] =	vst v0  }
0x432: {  	v0 =	vld [tilespmem:s20+$0x10420];
	_ =	sdelay $0x4  }
0x433: {  	v0 =	vmul.f32 $8.000000000e+00, v0;
	_ =	sdelay $0x1  }
0x434: {  	[tilespmem:s19+$0x16420] =	vst v0  }
0x435: {  	v0 =	vld [tilespmem:s20+$0x10430];
	_ =	sdelay $0x4  }
0x436: {  	v0 =	vmul.f32 $8.000000000e+00, v0;
	_ =	sdelay $0x1  }
0x437: {  	[tilespmem:s19+$0x16430] =	vst v0  }
0x438: {  	v0 =	vld [tilespmem:s20+$0x10440];
	_ =	sdelay $0x1  }
0x439: {  	s22 =	simm.s32 $0x1  }
0x43a: {  	s19 =	sand.u32 $0x3D, s22  }
0x43b: {  	s19 =	smul.u32 $0x220, s19  }
0x43c: {  	v0 =	vmul.f32 $8.000000000e+00, v0  }
0x43d: {  	s19 =	sshrl.u32 s19, $0x2  }
0x43e: {  	[tilespmem:s19+$0x16400] =	vst v0  }
0x43f: {  	v0 =	vld [tilespmem:s20+$0x10450];
	_ =	sdelay $0x4  }
0x440: {  	v0 =	vmul.f32 $8.000000000e+00, v0;
	_ =	sdelay $0x1  }
0x441: {  	[tilespmem:s19+$0x16410] =	vst v0  }
0x442: {  	v0 =	vld [tilespmem:s20+$0x10460];
	_ =	sdelay $0x4  }
0x443: {  	v0 =	vmul.f32 $8.000000000e+00, v0;
	_ =	sdelay $0x1  }
0x444: {  	[tilespmem:s19+$0x16420] =	vst v0  }
0x445: {  	v0 =	vld [tilespmem:s20+$0x10470];
	_ =	sdelay $0x4  }
0x446: {  	v0 =	vmul.f32 $8.000000000e+00, v0;
	_ =	sdelay $0x1  }
0x447: {  	[tilespmem:s19+$0x16430] =	vst v0  }
0x448: {  	v0 =	vld [tilespmem:s20+$0x10480];
	_ =	sdelay $0x1  }
0x449: {  	s24 =	simm.s32 $0x2  }
0x44a: {  	s19 =	sand.u32 $0x3E, s24  }
0x44b: {  	s19 =	smul.u32 $0x220, s19  }
0x44c: {  	v0 =	vmul.f32 $8.000000000e+00, v0  }
0x44d: {  	s19 =	sshrl.u32 s19, $0x2  }
0x44e: {  	[tilespmem:s19+$0x16400] =	vst v0  }
0x44f: {  	v0 =	vld [tilespmem:s20+$0x10490];
	_ =	sdelay $0x4  }
0x450: {  	v0 =	vmul.f32 $8.000000000e+00, v0;
	_ =	sdelay $0x1  }
0x451: {  	[tilespmem:s19+$0x16410] =	vst v0  }
0x452: {  	v0 =	vld [tilespmem:s20+$0x104A0];
	_ =	sdelay $0x4  }
0x453: {  	v0 =	vmul.f32 $8.000000000e+00, v0;
	_ =	sdelay $0x1  }
0x454: {  	[tilespmem:s19+$0x16420] =	vst v0  }
0x455: {  	v0 =	vld [tilespmem:s20+$0x104B0];
	_ =	sdelay $0x4  }
0x456: {  	v0 =	vmul.f32 $8.000000000e+00, v0;
	_ =	sdelay $0x1  }
0x457: {  	[tilespmem:s19+$0x16430] =	vst v0  }
0x458: {  	v0 =	vld [tilespmem:s20+$0x104C0];
	_ =	sdelay $0x1  }
0x459: {  	s19 =	simm.s32 $0x3  }
0x45a: {  	s25 =	sand.u32 $0x3F, s19  }
0x45b: {  	s21 =	smul.u32 $0x220, s25  }
0x45c: {  	v0 =	vmul.f32 $8.000000000e+00, v0  }
0x45d: {  	s24 =	sshrl.u32 s21, $0x2  }
0x45e: {  	[tilespmem:s24+$0x16400] =	vst v0  }
0x45f: {  	v0 =	vld [tilespmem:s20+$0x104D0];
	_ =	sdelay $0x4  }
0x460: {  	v0 =	vmul.f32 $8.000000000e+00, v0;
	_ =	sdelay $0x1  }
0x461: {  	[tilespmem:s24+$0x16410] =	vst v0  }
0x462: {  	v0 =	vld [tilespmem:s20+$0x104E0];
	_ =	sdelay $0x4  }
0x463: {  	v0 =	vmul.f32 $8.000000000e+00, v0;
	_ =	sdelay $0x1  }
0x464: {  	[tilespmem:s24+$0x16420] =	vst v0  }
0x465: {  	v0 =	vld [tilespmem:s20+$0x104F0];
	_ =	sdelay $0x4  }
0x466: {  	s25 =	simm.s32 $0x800;
	s20 =	simm.s32 $0x400;
	v0 =	vmul.f32 $8.000000000e+00, v0  }
.LBB2_13:
0x467: {  	s22 =	sshra.s32 s20, $0x2  }
0x468: {  	s19 =	sadd.s32 $0x4, s19;
	s20 =	smov.u32 s25;
	s21 =	sadd.s32 $0x400, s25;
	[tilespmem:s24+$0x16430] =	vst v0  }
0x469: {  	p1 =	sne.s32 s25, $0x7C00;
	v0 =	vld [tilespmem:s22+$0x10400];
	_ =	sdelay $0x1  }
0x46a: {  	s24 =	sadd.s32 $0xFFFFFFFD, s19  }
0x46b: {  	s24 =	sand.u32 $0x3C, s24  }
0x46c: {  	s24 =	smul.u32 $0x220, s24  }
0x46d: {  	v0 =	vmul.f32 $8.000000000e+00, v0  }
0x46e: {  	s24 =	sshrl.u32 s24, $0x2  }
0x46f: {  	[tilespmem:s24+$0x16400] =	vst v0  }
0x470: {  	v0 =	vld [tilespmem:s22+$0x10410];
	_ =	sdelay $0x4  }
0x471: {  	v0 =	vmul.f32 $8.000000000e+00, v0;
	_ =	sdelay $0x1  }
0x472: {  	[tilespmem:s24+$0x16410] =	vst v0  }
0x473: {  	v0 =	vld [tilespmem:s22+$0x10420];
	_ =	sdelay $0x4  }
0x474: {  	v0 =	vmul.f32 $8.000000000e+00, v0;
	_ =	sdelay $0x1  }
0x475: {  	[tilespmem:s24+$0x16420] =	vst v0  }
0x476: {  	v0 =	vld [tilespmem:s22+$0x10430];
	_ =	sdelay $0x4  }
0x477: {  	v0 =	vmul.f32 $8.000000000e+00, v0;
	_ =	sdelay $0x1  }
0x478: {  	[tilespmem:s24+$0x16430] =	vst v0  }
0x479: {  	v0 =	vld [tilespmem:s22+$0x10440];
	_ =	sdelay $0x1  }
0x47a: {  	s24 =	sadd.s32 $0xFFFFFFFE, s19  }
0x47b: {  	s24 =	sand.u32 $0x3D, s24  }
0x47c: {  	s24 =	smul.u32 $0x220, s24  }
0x47d: {  	v0 =	vmul.f32 $8.000000000e+00, v0  }
0x47e: {  	s24 =	sshrl.u32 s24, $0x2  }
0x47f: {  	[tilespmem:s24+$0x16400] =	vst v0  }
0x480: {  	v0 =	vld [tilespmem:s22+$0x10450];
	_ =	sdelay $0x4  }
0x481: {  	v0 =	vmul.f32 $8.000000000e+00, v0;
	_ =	sdelay $0x1  }
0x482: {  	[tilespmem:s24+$0x16410] =	vst v0  }
0x483: {  	v0 =	vld [tilespmem:s22+$0x10460];
	_ =	sdelay $0x4  }
0x484: {  	v0 =	vmul.f32 $8.000000000e+00, v0;
	_ =	sdelay $0x1  }
0x485: {  	[tilespmem:s24+$0x16420] =	vst v0  }
0x486: {  	v0 =	vld [tilespmem:s22+$0x10470];
	_ =	sdelay $0x4  }
0x487: {  	v0 =	vmul.f32 $8.000000000e+00, v0;
	_ =	sdelay $0x1  }
0x488: {  	[tilespmem:s24+$0x16430] =	vst v0  }
0x489: {  	v0 =	vld [tilespmem:s22+$0x10480];
	_ =	sdelay $0x1  }
0x48a: {  	s24 =	sadd.s32 $0xFFFFFFFF, s19  }
0x48b: {  	s24 =	sand.u32 $0x3E, s24  }
0x48c: {  	s24 =	smul.u32 $0x220, s24  }
0x48d: {  	v0 =	vmul.f32 $8.000000000e+00, v0  }
0x48e: {  	s24 =	sshrl.u32 s24, $0x2  }
0x48f: {  	[tilespmem:s24+$0x16400] =	vst v0  }
0x490: {  	v0 =	vld [tilespmem:s22+$0x10490];
	_ =	sdelay $0x4  }
0x491: {  	v0 =	vmul.f32 $8.000000000e+00, v0;
	_ =	sdelay $0x1  }
0x492: {  	[tilespmem:s24+$0x16410] =	vst v0  }
0x493: {  	v0 =	vld [tilespmem:s22+$0x104A0];
	_ =	sdelay $0x4  }
0x494: {  	v0 =	vmul.f32 $8.000000000e+00, v0;
	_ =	sdelay $0x1  }
0x495: {  	[tilespmem:s24+$0x16420] =	vst v0  }
0x496: {  	v0 =	vld [tilespmem:s22+$0x104B0];
	_ =	sdelay $0x4  }
0x497: {  	v0 =	vmul.f32 $8.000000000e+00, v0;
	_ =	sdelay $0x1  }
0x498: {  	[tilespmem:s24+$0x16430] =	vst v0  }
0x499: {  	v0 =	vld [tilespmem:s22+$0x104C0];
	_ =	sdelay $0x2  }
0x49a: {  	s24 =	sand.u32 $0x3F, s19  }
0x49b: {  	s24 =	smul.u32 $0x220, s24  }
0x49c: {  	v0 =	vmul.f32 $8.000000000e+00, v0  }
0x49d: {  	s24 =	sshrl.u32 s24, $0x2  }
0x49e: {  	[tilespmem:s24+$0x16400] =	vst v0  }
0x49f: {  	v0 =	vld [tilespmem:s22+$0x104D0];
	_ =	sdelay $0x4  }
0x4a0: {  	v0 =	vmul.f32 $8.000000000e+00, v0;
	_ =	sdelay $0x1  }
0x4a1: {  	[tilespmem:s24+$0x16410] =	vst v0  }
0x4a2: {  	v0 =	vld [tilespmem:s22+$0x104E0];
	_ =	sdelay $0x4  }
0x4a3: {  	v0 =	vmul.f32 $8.000000000e+00, v0;
	_ =	sdelay $0x1  }
0x4a4: {  	[tilespmem:s24+$0x16420] =	vst v0  }
0x4a5: {  	v0 =	vld [tilespmem:s22+$0x104F0]  }
.Ltmp7:
0x4a6: {  	(pc) =	sbr.rel @p1 .LBB2_13-.Ltmp7, $2  }
0x4a7: {  	_ =	sdelay $0x2  }
0x4a8: {  	s25 =	smov.u32 s21;
	v0 =	vmul.f32 $8.000000000e+00, v0  }
0x4a9: {  	_ = 	snop  }
0x4aa: {  	s20 =	sshra.s32 s20, $0x2;
	[tilespmem:s24+$0x16430] =	vst v0  }
0x4ab: {  	v0 =	vld [tilespmem:s20+$0x10400]  }
0x4ac: {  	s19 =	sadd.s32 $0x4, s19  }
0x4ad: {  	s21 =	sadd.s32 $0xFFFFFFFD, s19  }
0x4ae: {  	s21 =	sand.u32 $0x3C, s21  }
0x4af: {  	s21 =	smul.u32 $0x220, s21  }
0x4b0: {  	v0 =	vmul.f32 $8.000000000e+00, v0  }
0x4b1: {  	s21 =	sshrl.u32 s21, $0x2  }
0x4b2: {  	[tilespmem:s21+$0x16400] =	vst v0  }
0x4b3: {  	v0 =	vld [tilespmem:s20+$0x10410];
	_ =	sdelay $0x4  }
0x4b4: {  	v0 =	vmul.f32 $8.000000000e+00, v0;
	_ =	sdelay $0x1  }
0x4b5: {  	[tilespmem:s21+$0x16410] =	vst v0  }
0x4b6: {  	v0 =	vld [tilespmem:s20+$0x10420];
	_ =	sdelay $0x4  }
0x4b7: {  	v0 =	vmul.f32 $8.000000000e+00, v0;
	_ =	sdelay $0x1  }
0x4b8: {  	[tilespmem:s21+$0x16420] =	vst v0  }
0x4b9: {  	v0 =	vld [tilespmem:s20+$0x10430];
	_ =	sdelay $0x4  }
0x4ba: {  	v0 =	vmul.f32 $8.000000000e+00, v0;
	_ =	sdelay $0x1  }
0x4bb: {  	[tilespmem:s21+$0x16430] =	vst v0  }
0x4bc: {  	v0 =	vld [tilespmem:s20+$0x10440];
	_ =	sdelay $0x1  }
0x4bd: {  	s24 =	sadd.s32 $0xFFFFFFFE, s19  }
0x4be: {  	s21 =	sand.u32 $0x3D, s24  }
0x4bf: {  	s21 =	smul.u32 $0x220, s21  }
0x4c0: {  	v0 =	vmul.f32 $8.000000000e+00, v0  }
0x4c1: {  	s21 =	sshrl.u32 s21, $0x2  }
0x4c2: {  	[tilespmem:s21+$0x16400] =	vst v0  }
0x4c3: {  	v0 =	vld [tilespmem:s20+$0x10450];
	_ =	sdelay $0x4  }
0x4c4: {  	v0 =	vmul.f32 $8.000000000e+00, v0;
	_ =	sdelay $0x1  }
0x4c5: {  	[tilespmem:s21+$0x16410] =	vst v0  }
0x4c6: {  	v0 =	vld [tilespmem:s20+$0x10460];
	_ =	sdelay $0x4  }
0x4c7: {  	v0 =	vmul.f32 $8.000000000e+00, v0;
	_ =	sdelay $0x1  }
0x4c8: {  	[tilespmem:s21+$0x16420] =	vst v0  }
0x4c9: {  	v0 =	vld [tilespmem:s20+$0x10470];
	_ =	sdelay $0x4  }
0x4ca: {  	v0 =	vmul.f32 $8.000000000e+00, v0;
	_ =	sdelay $0x1  }
0x4cb: {  	[tilespmem:s21+$0x16430] =	vst v0  }
0x4cc: {  	v0 =	vld [tilespmem:s20+$0x10480];
	_ =	sdelay $0x1  }
0x4cd: {  	s25 =	sadd.s32 $0xFFFFFFFF, s19  }
0x4ce: {  	s21 =	sand.u32 $0x3E, s25  }
0x4cf: {  	s21 =	smul.u32 $0x220, s21  }
0x4d0: {  	v0 =	vmul.f32 $8.000000000e+00, v0  }
0x4d1: {  	s21 =	sshrl.u32 s21, $0x2  }
0x4d2: {  	[tilespmem:s21+$0x16400] =	vst v0  }
0x4d3: {  	v0 =	vld [tilespmem:s20+$0x10490];
	_ =	sdelay $0x4  }
0x4d4: {  	v0 =	vmul.f32 $8.000000000e+00, v0;
	_ =	sdelay $0x1  }
0x4d5: {  	[tilespmem:s21+$0x16410] =	vst v0  }
0x4d6: {  	v0 =	vld [tilespmem:s20+$0x104A0];
	_ =	sdelay $0x4  }
0x4d7: {  	v0 =	vmul.f32 $8.000000000e+00, v0;
	_ =	sdelay $0x1  }
0x4d8: {  	[tilespmem:s21+$0x16420] =	vst v0  }
0x4d9: {  	v0 =	vld [tilespmem:s20+$0x104B0];
	_ =	sdelay $0x4  }
0x4da: {  	v0 =	vmul.f32 $8.000000000e+00, v0;
	_ =	sdelay $0x1  }
0x4db: {  	[tilespmem:s21+$0x16430] =	vst v0  }
0x4dc: {  	v0 =	vld [tilespmem:s20+$0x104C0];
	_ =	sdelay $0x2  }
0x4dd: {  	s19 =	sand.u32 $0x3F, s19  }
0x4de: {  	s19 =	smul.u32 $0x220, s19  }
0x4df: {  	v0 =	vmul.f32 $8.000000000e+00, v0  }
0x4e0: {  	s19 =	sshrl.u32 s19, $0x2  }
0x4e1: {  	[tilespmem:s19+$0x16400] =	vst v0  }
0x4e2: {  	v0 =	vld [tilespmem:s20+$0x104D0];
	_ =	sdelay $0x4  }
0x4e3: {  	v0 =	vmul.f32 $8.000000000e+00, v0;
	_ =	sdelay $0x1  }
0x4e4: {  	[tilespmem:s19+$0x16410] =	vst v0  }
0x4e5: {  	v0 =	vld [tilespmem:s20+$0x104E0];
	_ =	sdelay $0x4  }
0x4e6: {  	v0 =	vmul.f32 $8.000000000e+00, v0;
	_ =	sdelay $0x1  }
0x4e7: {  	[tilespmem:s19+$0x16420] =	vst v0  }
0x4e8: {  	v0 =	vld [tilespmem:s20+$0x104F0];
	_ =	sdelay $0x4  }
0x4e9: {  	v0 =	vmul.f32 $8.000000000e+00, v0;
	_ =	sdelay $0x1  }
0x4ea: {  	s21 =	simm.s32 @!p0 $0x10400;
	s20 =	simm.s32 @!p0 $0x80;
	[tilespmem:s19+$0x16430] =	vst v0;
	s19 =	sadd.s32 @!p0 $0x680, s18  }
0x4eb: {  	[tilespmem:s21], [sflag:$0x7] =	stream.indirect.gather @!p0 [hbm4b:s3+s20], $0x40, s19, s20, $0xb8;
	[tilespmem:$0x18600] =	vst v63  }
0x4ec: {  	_ =	swait.ge [sflag:s12], $0x2000  }
0x4ed: {  	[sflag:s12] =	ssyncset.done $0x0  }
0x4ee: {  	s20 =	simm.s32 $0x0;
	[sflag:s12] =	ssyncadd.s32 $0xFFFFE000  }
0x4ef: {  	v0 =	vld [tilespmem:s20+$0x12400];
	_ =	sdelay $0x1  }
0x4f0: {  	s21 =	simm.s32 $0x0  }
0x4f1: {  	s19 =	sand.u32 $0x3C, s21  }
0x4f2: {  	s19 =	smul.u32 $0x220, s19  }
0x4f3: {  	v0 =	vmul.f32 $8.000000000e+00, v0  }
0x4f4: {  	s19 =	sshrl.u32 s19, $0x2  }
0x4f5: {  	[tilespmem:s19+$0x16400] =	vst v0  }
0x4f6: {  	v0 =	vld [tilespmem:s20+$0x12410];
	_ =	sdelay $0x4  }
0x4f7: {  	v0 =	vmul.f32 $8.000000000e+00, v0;
	_ =	sdelay $0x1  }
0x4f8: {  	[tilespmem:s19+$0x16410] =	vst v0  }
0x4f9: {  	v0 =	vld [tilespmem:s20+$0x12420];
	_ =	sdelay $0x4  }
0x4fa: {  	v0 =	vmul.f32 $8.000000000e+00, v0;
	_ =	sdelay $0x1  }
0x4fb: {  	[tilespmem:s19+$0x16420] =	vst v0  }
0x4fc: {  	v0 =	vld [tilespmem:s20+$0x12430];
	_ =	sdelay $0x4  }
0x4fd: {  	v0 =	vmul.f32 $8.000000000e+00, v0;
	_ =	sdelay $0x1  }
0x4fe: {  	[tilespmem:s19+$0x16430] =	vst v0  }
0x4ff: {  	v0 =	vld [tilespmem:s20+$0x12440];
	_ =	sdelay $0x1  }
0x500: {  	s22 =	simm.s32 $0x1  }
0x501: {  	s19 =	sand.u32 $0x3D, s22  }
0x502: {  	s19 =	smul.u32 $0x220, s19  }
0x503: {  	v0 =	vmul.f32 $8.000000000e+00, v0  }
0x504: {  	s19 =	sshrl.u32 s19, $0x2  }
0x505: {  	[tilespmem:s19+$0x16400] =	vst v0  }
0x506: {  	v0 =	vld [tilespmem:s20+$0x12450];
	_ =	sdelay $0x4  }
0x507: {  	v0 =	vmul.f32 $8.000000000e+00, v0;
	_ =	sdelay $0x1  }
0x508: {  	[tilespmem:s19+$0x16410] =	vst v0  }
0x509: {  	v0 =	vld [tilespmem:s20+$0x12460];
	_ =	sdelay $0x4  }
0x50a: {  	v0 =	vmul.f32 $8.000000000e+00, v0;
	_ =	sdelay $0x1  }
0x50b: {  	[tilespmem:s19+$0x16420] =	vst v0  }
0x50c: {  	v0 =	vld [tilespmem:s20+$0x12470];
	_ =	sdelay $0x4  }
0x50d: {  	v0 =	vmul.f32 $8.000000000e+00, v0;
	_ =	sdelay $0x1  }
0x50e: {  	[tilespmem:s19+$0x16430] =	vst v0  }
0x50f: {  	v0 =	vld [tilespmem:s20+$0x12480];
	_ =	sdelay $0x1  }
0x510: {  	s24 =	simm.s32 $0x2  }
0x511: {  	s19 =	sand.u32 $0x3E, s24  }
0x512: {  	s19 =	smul.u32 $0x220, s19  }
0x513: {  	v0 =	vmul.f32 $8.000000000e+00, v0  }
0x514: {  	s19 =	sshrl.u32 s19, $0x2  }
0x515: {  	[tilespmem:s19+$0x16400] =	vst v0  }
0x516: {  	v0 =	vld [tilespmem:s20+$0x12490];
	_ =	sdelay $0x4  }
0x517: {  	v0 =	vmul.f32 $8.000000000e+00, v0;
	_ =	sdelay $0x1  }
0x518: {  	[tilespmem:s19+$0x16410] =	vst v0  }
0x519: {  	v0 =	vld [tilespmem:s20+$0x124A0];
	_ =	sdelay $0x4  }
0x51a: {  	v0 =	vmul.f32 $8.000000000e+00, v0;
	_ =	sdelay $0x1  }
0x51b: {  	[tilespmem:s19+$0x16420] =	vst v0  }
0x51c: {  	v0 =	vld [tilespmem:s20+$0x124B0];
	_ =	sdelay $0x4  }
0x51d: {  	v0 =	vmul.f32 $8.000000000e+00, v0;
	_ =	sdelay $0x1  }
0x51e: {  	[tilespmem:s19+$0x16430] =	vst v0  }
0x51f: {  	v0 =	vld [tilespmem:s20+$0x124C0];
	_ =	sdelay $0x1  }
0x520: {  	s19 =	simm.s32 $0x3  }
0x521: {  	s25 =	sand.u32 $0x3F, s19  }
0x522: {  	s21 =	smul.u32 $0x220, s25  }
0x523: {  	v0 =	vmul.f32 $8.000000000e+00, v0  }
0x524: {  	s24 =	sshrl.u32 s21, $0x2  }
0x525: {  	[tilespmem:s24+$0x16400] =	vst v0  }
0x526: {  	v0 =	vld [tilespmem:s20+$0x124D0];
	_ =	sdelay $0x4  }
0x527: {  	v0 =	vmul.f32 $8.000000000e+00, v0;
	_ =	sdelay $0x1  }
0x528: {  	[tilespmem:s24+$0x16410] =	vst v0  }
0x529: {  	v0 =	vld [tilespmem:s20+$0x124E0];
	_ =	sdelay $0x4  }
0x52a: {  	v0 =	vmul.f32 $8.000000000e+00, v0;
	_ =	sdelay $0x1  }
0x52b: {  	[tilespmem:s24+$0x16420] =	vst v0  }
0x52c: {  	v0 =	vld [tilespmem:s20+$0x124F0];
	_ =	sdelay $0x4  }
0x52d: {  	s25 =	simm.s32 $0x800;
	s20 =	simm.s32 $0x400;
	v0 =	vmul.f32 $8.000000000e+00, v0  }
.LBB2_15:
0x52e: {  	s22 =	sshra.s32 s20, $0x2  }
0x52f: {  	s19 =	sadd.s32 $0x4, s19;
	s20 =	smov.u32 s25;
	s21 =	sadd.s32 $0x400, s25;
	[tilespmem:s24+$0x16430] =	vst v0  }
0x530: {  	p1 =	sne.s32 s25, $0x7C00;
	v0 =	vld [tilespmem:s22+$0x12400];
	_ =	sdelay $0x1  }
0x531: {  	s24 =	sadd.s32 $0xFFFFFFFD, s19  }
0x532: {  	s24 =	sand.u32 $0x3C, s24  }
0x533: {  	s24 =	smul.u32 $0x220, s24  }
0x534: {  	v0 =	vmul.f32 $8.000000000e+00, v0  }
0x535: {  	s24 =	sshrl.u32 s24, $0x2  }
0x536: {  	[tilespmem:s24+$0x16400] =	vst v0  }
0x537: {  	v0 =	vld [tilespmem:s22+$0x12410];
	_ =	sdelay $0x4  }
0x538: {  	v0 =	vmul.f32 $8.000000000e+00, v0;
	_ =	sdelay $0x1  }
0x539: {  	[tilespmem:s24+$0x16410] =	vst v0  }
0x53a: {  	v0 =	vld [tilespmem:s22+$0x12420];
	_ =	sdelay $0x4  }
0x53b: {  	v0 =	vmul.f32 $8.000000000e+00, v0;
	_ =	sdelay $0x1  }
0x53c: {  	[tilespmem:s24+$0x16420] =	vst v0  }
0x53d: {  	v0 =	vld [tilespmem:s22+$0x12430];
	_ =	sdelay $0x4  }
0x53e: {  	v0 =	vmul.f32 $8.000000000e+00, v0;
	_ =	sdelay $0x1  }
0x53f: {  	[tilespmem:s24+$0x16430] =	vst v0  }
0x540: {  	v0 =	vld [tilespmem:s22+$0x12440];
	_ =	sdelay $0x1  }
0x541: {  	s24 =	sadd.s32 $0xFFFFFFFE, s19  }
0x542: {  	s24 =	sand.u32 $0x3D, s24  }
0x543: {  	s24 =	smul.u32 $0x220, s24  }
0x544: {  	v0 =	vmul.f32 $8.000000000e+00, v0  }
0x545: {  	s24 =	sshrl.u32 s24, $0x2  }
0x546: {  	[tilespmem:s24+$0x16400] =	vst v0  }
0x547: {  	v0 =	vld [tilespmem:s22+$0x12450];
	_ =	sdelay $0x4  }
0x548: {  	v0 =	vmul.f32 $8.000000000e+00, v0;
	_ =	sdelay $0x1  }
0x549: {  	[tilespmem:s24+$0x16410] =	vst v0  }
0x54a: {  	v0 =	vld [tilespmem:s22+$0x12460];
	_ =	sdelay $0x4  }
0x54b: {  	v0 =	vmul.f32 $8.000000000e+00, v0;
	_ =	sdelay $0x1  }
0x54c: {  	[tilespmem:s24+$0x16420] =	vst v0  }
0x54d: {  	v0 =	vld [tilespmem:s22+$0x12470];
	_ =	sdelay $0x4  }
0x54e: {  	v0 =	vmul.f32 $8.000000000e+00, v0;
	_ =	sdelay $0x1  }
0x54f: {  	[tilespmem:s24+$0x16430] =	vst v0  }
0x550: {  	v0 =	vld [tilespmem:s22+$0x12480];
	_ =	sdelay $0x1  }
0x551: {  	s24 =	sadd.s32 $0xFFFFFFFF, s19  }
0x552: {  	s24 =	sand.u32 $0x3E, s24  }
0x553: {  	s24 =	smul.u32 $0x220, s24  }
0x554: {  	v0 =	vmul.f32 $8.000000000e+00, v0  }
0x555: {  	s24 =	sshrl.u32 s24, $0x2  }
0x556: {  	[tilespmem:s24+$0x16400] =	vst v0  }
0x557: {  	v0 =	vld [tilespmem:s22+$0x12490];
	_ =	sdelay $0x4  }
0x558: {  	v0 =	vmul.f32 $8.000000000e+00, v0;
	_ =	sdelay $0x1  }
0x559: {  	[tilespmem:s24+$0x16410] =	vst v0  }
0x55a: {  	v0 =	vld [tilespmem:s22+$0x124A0];
	_ =	sdelay $0x4  }
0x55b: {  	v0 =	vmul.f32 $8.000000000e+00, v0;
	_ =	sdelay $0x1  }
0x55c: {  	[tilespmem:s24+$0x16420] =	vst v0  }
0x55d: {  	v0 =	vld [tilespmem:s22+$0x124B0];
	_ =	sdelay $0x4  }
0x55e: {  	v0 =	vmul.f32 $8.000000000e+00, v0;
	_ =	sdelay $0x1  }
0x55f: {  	[tilespmem:s24+$0x16430] =	vst v0  }
0x560: {  	v0 =	vld [tilespmem:s22+$0x124C0];
	_ =	sdelay $0x2  }
0x561: {  	s24 =	sand.u32 $0x3F, s19  }
0x562: {  	s24 =	smul.u32 $0x220, s24  }
0x563: {  	v0 =	vmul.f32 $8.000000000e+00, v0  }
0x564: {  	s24 =	sshrl.u32 s24, $0x2  }
0x565: {  	[tilespmem:s24+$0x16400] =	vst v0  }
0x566: {  	v0 =	vld [tilespmem:s22+$0x124D0];
	_ =	sdelay $0x4  }
0x567: {  	v0 =	vmul.f32 $8.000000000e+00, v0;
	_ =	sdelay $0x1  }
0x568: {  	[tilespmem:s24+$0x16410] =	vst v0  }
0x569: {  	v0 =	vld [tilespmem:s22+$0x124E0];
	_ =	sdelay $0x4  }
0x56a: {  	v0 =	vmul.f32 $8.000000000e+00, v0;
	_ =	sdelay $0x1  }
0x56b: {  	[tilespmem:s24+$0x16420] =	vst v0  }
0x56c: {  	v0 =	vld [tilespmem:s22+$0x124F0]  }
.Ltmp8:
0x56d: {  	(pc) =	sbr.rel @p1 .LBB2_15-.Ltmp8, $2  }
0x56e: {  	_ =	sdelay $0x2  }
0x56f: {  	s25 =	smov.u32 s21;
	v0 =	vmul.f32 $8.000000000e+00, v0  }
0x570: {  	_ = 	snop  }
0x571: {  	s20 =	sshra.s32 s20, $0x2;
	[tilespmem:s24+$0x16430] =	vst v0  }
0x572: {  	v0 =	vld [tilespmem:s20+$0x12400]  }
0x573: {  	s19 =	sadd.s32 $0x4, s19  }
0x574: {  	s21 =	sadd.s32 $0xFFFFFFFD, s19  }
0x575: {  	s21 =	sand.u32 $0x3C, s21  }
0x576: {  	s21 =	smul.u32 $0x220, s21  }
0x577: {  	v0 =	vmul.f32 $8.000000000e+00, v0  }
0x578: {  	s21 =	sshrl.u32 s21, $0x2  }
0x579: {  	[tilespmem:s21+$0x16400] =	vst v0  }
0x57a: {  	v0 =	vld [tilespmem:s20+$0x12410];
	_ =	sdelay $0x4  }
0x57b: {  	v0 =	vmul.f32 $8.000000000e+00, v0;
	_ =	sdelay $0x1  }
0x57c: {  	[tilespmem:s21+$0x16410] =	vst v0  }
0x57d: {  	v0 =	vld [tilespmem:s20+$0x12420];
	_ =	sdelay $0x4  }
0x57e: {  	v0 =	vmul.f32 $8.000000000e+00, v0;
	_ =	sdelay $0x1  }
0x57f: {  	[tilespmem:s21+$0x16420] =	vst v0  }
0x580: {  	v0 =	vld [tilespmem:s20+$0x12430];
	_ =	sdelay $0x4  }
0x581: {  	v0 =	vmul.f32 $8.000000000e+00, v0;
	_ =	sdelay $0x1  }
0x582: {  	[tilespmem:s21+$0x16430] =	vst v0  }
0x583: {  	v0 =	vld [tilespmem:s20+$0x12440];
	_ =	sdelay $0x1  }
0x584: {  	s24 =	sadd.s32 $0xFFFFFFFE, s19  }
0x585: {  	s21 =	sand.u32 $0x3D, s24  }
0x586: {  	s21 =	smul.u32 $0x220, s21  }
0x587: {  	v0 =	vmul.f32 $8.000000000e+00, v0  }
0x588: {  	s21 =	sshrl.u32 s21, $0x2  }
0x589: {  	[tilespmem:s21+$0x16400] =	vst v0  }
0x58a: {  	v0 =	vld [tilespmem:s20+$0x12450];
	_ =	sdelay $0x4  }
0x58b: {  	v0 =	vmul.f32 $8.000000000e+00, v0;
	_ =	sdelay $0x1  }
0x58c: {  	[tilespmem:s21+$0x16410] =	vst v0  }
0x58d: {  	v0 =	vld [tilespmem:s20+$0x12460];
	_ =	sdelay $0x4  }
0x58e: {  	v0 =	vmul.f32 $8.000000000e+00, v0;
	_ =	sdelay $0x1  }
0x58f: {  	[tilespmem:s21+$0x16420] =	vst v0  }
0x590: {  	v0 =	vld [tilespmem:s20+$0x12470];
	_ =	sdelay $0x4  }
0x591: {  	v0 =	vmul.f32 $8.000000000e+00, v0;
	_ =	sdelay $0x1  }
0x592: {  	[tilespmem:s21+$0x16430] =	vst v0  }
0x593: {  	v0 =	vld [tilespmem:s20+$0x12480];
	_ =	sdelay $0x1  }
0x594: {  	s25 =	sadd.s32 $0xFFFFFFFF, s19  }
0x595: {  	s21 =	sand.u32 $0x3E, s25  }
0x596: {  	s21 =	smul.u32 $0x220, s21  }
0x597: {  	v0 =	vmul.f32 $8.000000000e+00, v0  }
0x598: {  	s21 =	sshrl.u32 s21, $0x2  }
0x599: {  	[tilespmem:s21+$0x16400] =	vst v0  }
0x59a: {  	v0 =	vld [tilespmem:s20+$0x12490];
	_ =	sdelay $0x4  }
0x59b: {  	v0 =	vmul.f32 $8.000000000e+00, v0;
	_ =	sdelay $0x1  }
0x59c: {  	[tilespmem:s21+$0x16410] =	vst v0  }
0x59d: {  	v0 =	vld [tilespmem:s20+$0x124A0];
	_ =	sdelay $0x4  }
0x59e: {  	v0 =	vmul.f32 $8.000000000e+00, v0;
	_ =	sdelay $0x1  }
0x59f: {  	[tilespmem:s21+$0x16420] =	vst v0  }
0x5a0: {  	v0 =	vld [tilespmem:s20+$0x124B0];
	_ =	sdelay $0x4  }
0x5a1: {  	v0 =	vmul.f32 $8.000000000e+00, v0;
	_ =	sdelay $0x1  }
0x5a2: {  	[tilespmem:s21+$0x16430] =	vst v0  }
0x5a3: {  	v0 =	vld [tilespmem:s20+$0x124C0];
	_ =	sdelay $0x2  }
0x5a4: {  	s19 =	sand.u32 $0x3F, s19  }
0x5a5: {  	s19 =	smul.u32 $0x220, s19  }
0x5a6: {  	v0 =	vmul.f32 $8.000000000e+00, v0  }
0x5a7: {  	s19 =	sshrl.u32 s19, $0x2  }
0x5a8: {  	[tilespmem:s19+$0x16400] =	vst v0  }
0x5a9: {  	v0 =	vld [tilespmem:s20+$0x124D0];
	_ =	sdelay $0x4  }
0x5aa: {  	v0 =	vmul.f32 $8.000000000e+00, v0;
	_ =	sdelay $0x1  }
0x5ab: {  	[tilespmem:s19+$0x16410] =	vst v0  }
0x5ac: {  	v0 =	vld [tilespmem:s20+$0x124E0];
	_ =	sdelay $0x4  }
0x5ad: {  	v0 =	vmul.f32 $8.000000000e+00, v0;
	_ =	sdelay $0x1  }
0x5ae: {  	[tilespmem:s19+$0x16420] =	vst v0  }
0x5af: {  	v0 =	vld [tilespmem:s20+$0x124F0];
	_ =	sdelay $0x4  }
0x5b0: {  	v0 =	vmul.f32 $8.000000000e+00, v0;
	_ =	sdelay $0x1  }
0x5b1: {  	s18 =	sadd.s32 @!p0 $0x700, s18;
	s20 =	simm.s32 @!p0 $0x12400;
	[tilespmem:s19+$0x16430] =	vst v0;
	s19 =	simm.s32 @!p0 $0x80  }
0x5b2: {  	[tilespmem:s20], [sflag:$0x8] =	stream.indirect.gather @!p0 [hbm4b:s3+s19], $0x40, s18, s19, $0xb8;
	[tilespmem:$0x18600] =	vst v63  }
0x5b3: {  	_ =	swait.ge [sflag:s13], $0x2000  }
0x5b4: {  	[sflag:s13] =	ssyncset.done $0x0  }
0x5b5: {  	s19 =	simm.s32 $0x0;
	[sflag:s13] =	ssyncadd.s32 $0xFFFFE000  }
0x5b6: {  	v0 =	vld [tilespmem:s19+$0x14400];
	_ =	sdelay $0x1  }
0x5b7: {  	s21 =	simm.s32 $0x0  }
0x5b8: {  	s18 =	sand.u32 $0x3C, s21  }
0x5b9: {  	s18 =	smul.u32 $0x220, s18  }
0x5ba: {  	v0 =	vmul.f32 $8.000000000e+00, v0  }
0x5bb: {  	s18 =	sshrl.u32 s18, $0x2  }
0x5bc: {  	[tilespmem:s18+$0x16400] =	vst v0  }
0x5bd: {  	v0 =	vld [tilespmem:s19+$0x14410];
	_ =	sdelay $0x4  }
0x5be: {  	v0 =	vmul.f32 $8.000000000e+00, v0;
	_ =	sdelay $0x1  }
0x5bf: {  	[tilespmem:s18+$0x16410] =	vst v0  }
0x5c0: {  	v0 =	vld [tilespmem:s19+$0x14420];
	_ =	sdelay $0x4  }
0x5c1: {  	v0 =	vmul.f32 $8.000000000e+00, v0;
	_ =	sdelay $0x1  }
0x5c2: {  	[tilespmem:s18+$0x16420] =	vst v0  }
0x5c3: {  	v0 =	vld [tilespmem:s19+$0x14430];
	_ =	sdelay $0x4  }
0x5c4: {  	v0 =	vmul.f32 $8.000000000e+00, v0;
	_ =	sdelay $0x1  }
0x5c5: {  	[tilespmem:s18+$0x16430] =	vst v0  }
0x5c6: {  	v0 =	vld [tilespmem:s19+$0x14440];
	_ =	sdelay $0x1  }
0x5c7: {  	s22 =	simm.s32 $0x1  }
0x5c8: {  	s18 =	sand.u32 $0x3D, s22  }
0x5c9: {  	s18 =	smul.u32 $0x220, s18  }
0x5ca: {  	v0 =	vmul.f32 $8.000000000e+00, v0  }
0x5cb: {  	s18 =	sshrl.u32 s18, $0x2  }
0x5cc: {  	[tilespmem:s18+$0x16400] =	vst v0  }
0x5cd: {  	v0 =	vld [tilespmem:s19+$0x14450];
	_ =	sdelay $0x4  }
0x5ce: {  	v0 =	vmul.f32 $8.000000000e+00, v0;
	_ =	sdelay $0x1  }
0x5cf: {  	[tilespmem:s18+$0x16410] =	vst v0  }
0x5d0: {  	v0 =	vld [tilespmem:s19+$0x14460];
	_ =	sdelay $0x4  }
0x5d1: {  	v0 =	vmul.f32 $8.000000000e+00, v0;
	_ =	sdelay $0x1  }
0x5d2: {  	[tilespmem:s18+$0x16420] =	vst v0  }
0x5d3: {  	v0 =	vld [tilespmem:s19+$0x14470];
	_ =	sdelay $0x4  }
0x5d4: {  	v0 =	vmul.f32 $8.000000000e+00, v0;
	_ =	sdelay $0x1  }
0x5d5: {  	[tilespmem:s18+$0x16430] =	vst v0  }
0x5d6: {  	v0 =	vld [tilespmem:s19+$0x14480];
	_ =	sdelay $0x1  }
0x5d7: {  	s24 =	simm.s32 $0x2  }
0x5d8: {  	s18 =	sand.u32 $0x3E, s24  }
0x5d9: {  	s18 =	smul.u32 $0x220, s18  }
0x5da: {  	v0 =	vmul.f32 $8.000000000e+00, v0  }
0x5db: {  	s18 =	sshrl.u32 s18, $0x2  }
0x5dc: {  	[tilespmem:s18+$0x16400] =	vst v0  }
0x5dd: {  	v0 =	vld [tilespmem:s19+$0x14490];
	_ =	sdelay $0x4  }
0x5de: {  	v0 =	vmul.f32 $8.000000000e+00, v0;
	_ =	sdelay $0x1  }
0x5df: {  	[tilespmem:s18+$0x16410] =	vst v0  }
0x5e0: {  	v0 =	vld [tilespmem:s19+$0x144A0];
	_ =	sdelay $0x4  }
0x5e1: {  	v0 =	vmul.f32 $8.000000000e+00, v0;
	_ =	sdelay $0x1  }
0x5e2: {  	[tilespmem:s18+$0x16420] =	vst v0  }
0x5e3: {  	v0 =	vld [tilespmem:s19+$0x144B0];
	_ =	sdelay $0x4  }
0x5e4: {  	v0 =	vmul.f32 $8.000000000e+00, v0;
	_ =	sdelay $0x1  }
0x5e5: {  	[tilespmem:s18+$0x16430] =	vst v0  }
0x5e6: {  	v0 =	vld [tilespmem:s19+$0x144C0];
	_ =	sdelay $0x1  }
0x5e7: {  	s18 =	simm.s32 $0x3  }
0x5e8: {  	s25 =	sand.u32 $0x3F, s18  }
0x5e9: {  	s20 =	smul.u32 $0x220, s25  }
0x5ea: {  	v0 =	vmul.f32 $8.000000000e+00, v0  }
0x5eb: {  	s22 =	sshrl.u32 s20, $0x2  }
0x5ec: {  	[tilespmem:s22+$0x16400] =	vst v0  }
0x5ed: {  	v0 =	vld [tilespmem:s19+$0x144D0];
	_ =	sdelay $0x4  }
0x5ee: {  	v0 =	vmul.f32 $8.000000000e+00, v0;
	_ =	sdelay $0x1  }
0x5ef: {  	[tilespmem:s22+$0x16410] =	vst v0  }
0x5f0: {  	v0 =	vld [tilespmem:s19+$0x144E0];
	_ =	sdelay $0x4  }
0x5f1: {  	v0 =	vmul.f32 $8.000000000e+00, v0;
	_ =	sdelay $0x1  }
0x5f2: {  	[tilespmem:s22+$0x16420] =	vst v0  }
0x5f3: {  	v0 =	vld [tilespmem:s19+$0x144F0];
	_ =	sdelay $0x4  }
0x5f4: {  	s24 =	simm.s32 $0x800;
	s19 =	simm.s32 $0x400;
	v0 =	vmul.f32 $8.000000000e+00, v0  }
.LBB2_17:
0x5f5: {  	s21 =	sshra.s32 s19, $0x2  }
0x5f6: {  	s18 =	sadd.s32 $0x4, s18;
	s19 =	smov.u32 s24;
	s20 =	sadd.s32 $0x400, s24;
	[tilespmem:s22+$0x16430] =	vst v0  }
0x5f7: {  	p1 =	sne.s32 s24, $0x7C00;
	v0 =	vld [tilespmem:s21+$0x14400];
	_ =	sdelay $0x1  }
0x5f8: {  	s22 =	sadd.s32 $0xFFFFFFFD, s18  }
0x5f9: {  	s22 =	sand.u32 $0x3C, s22  }
0x5fa: {  	s22 =	smul.u32 $0x220, s22  }
0x5fb: {  	v0 =	vmul.f32 $8.000000000e+00, v0  }
0x5fc: {  	s22 =	sshrl.u32 s22, $0x2  }
0x5fd: {  	[tilespmem:s22+$0x16400] =	vst v0  }
0x5fe: {  	v0 =	vld [tilespmem:s21+$0x14410];
	_ =	sdelay $0x4  }
0x5ff: {  	v0 =	vmul.f32 $8.000000000e+00, v0;
	_ =	sdelay $0x1  }
0x600: {  	[tilespmem:s22+$0x16410] =	vst v0  }
0x601: {  	v0 =	vld [tilespmem:s21+$0x14420];
	_ =	sdelay $0x4  }
0x602: {  	v0 =	vmul.f32 $8.000000000e+00, v0;
	_ =	sdelay $0x1  }
0x603: {  	[tilespmem:s22+$0x16420] =	vst v0  }
0x604: {  	v0 =	vld [tilespmem:s21+$0x14430];
	_ =	sdelay $0x4  }
0x605: {  	v0 =	vmul.f32 $8.000000000e+00, v0;
	_ =	sdelay $0x1  }
0x606: {  	[tilespmem:s22+$0x16430] =	vst v0  }
0x607: {  	v0 =	vld [tilespmem:s21+$0x14440];
	_ =	sdelay $0x1  }
0x608: {  	s22 =	sadd.s32 $0xFFFFFFFE, s18  }
0x609: {  	s22 =	sand.u32 $0x3D, s22  }
0x60a: {  	s22 =	smul.u32 $0x220, s22  }
0x60b: {  	v0 =	vmul.f32 $8.000000000e+00, v0  }
0x60c: {  	s22 =	sshrl.u32 s22, $0x2  }
0x60d: {  	[tilespmem:s22+$0x16400] =	vst v0  }
0x60e: {  	v0 =	vld [tilespmem:s21+$0x14450];
	_ =	sdelay $0x4  }
0x60f: {  	v0 =	vmul.f32 $8.000000000e+00, v0;
	_ =	sdelay $0x1  }
0x610: {  	[tilespmem:s22+$0x16410] =	vst v0  }
0x611: {  	v0 =	vld [tilespmem:s21+$0x14460];
	_ =	sdelay $0x4  }
0x612: {  	v0 =	vmul.f32 $8.000000000e+00, v0;
	_ =	sdelay $0x1  }
0x613: {  	[tilespmem:s22+$0x16420] =	vst v0  }
0x614: {  	v0 =	vld [tilespmem:s21+$0x14470];
	_ =	sdelay $0x4  }
0x615: {  	v0 =	vmul.f32 $8.000000000e+00, v0;
	_ =	sdelay $0x1  }
0x616: {  	[tilespmem:s22+$0x16430] =	vst v0  }
0x617: {  	v0 =	vld [tilespmem:s21+$0x14480];
	_ =	sdelay $0x1  }
0x618: {  	s22 =	sadd.s32 $0xFFFFFFFF, s18  }
0x619: {  	s22 =	sand.u32 $0x3E, s22  }
0x61a: {  	s22 =	smul.u32 $0x220, s22  }
0x61b: {  	v0 =	vmul.f32 $8.000000000e+00, v0  }
0x61c: {  	s22 =	sshrl.u32 s22, $0x2  }
0x61d: {  	[tilespmem:s22+$0x16400] =	vst v0  }
0x61e: {  	v0 =	vld [tilespmem:s21+$0x14490];
	_ =	sdelay $0x4  }
0x61f: {  	v0 =	vmul.f32 $8.000000000e+00, v0;
	_ =	sdelay $0x1  }
0x620: {  	[tilespmem:s22+$0x16410] =	vst v0  }
0x621: {  	v0 =	vld [tilespmem:s21+$0x144A0];
	_ =	sdelay $0x4  }
0x622: {  	v0 =	vmul.f32 $8.000000000e+00, v0;
	_ =	sdelay $0x1  }
0x623: {  	[tilespmem:s22+$0x16420] =	vst v0  }
0x624: {  	v0 =	vld [tilespmem:s21+$0x144B0];
	_ =	sdelay $0x4  }
0x625: {  	v0 =	vmul.f32 $8.000000000e+00, v0;
	_ =	sdelay $0x1  }
0x626: {  	[tilespmem:s22+$0x16430] =	vst v0  }
0x627: {  	v0 =	vld [tilespmem:s21+$0x144C0];
	_ =	sdelay $0x2  }
0x628: {  	s22 =	sand.u32 $0x3F, s18  }
0x629: {  	s22 =	smul.u32 $0x220, s22  }
0x62a: {  	v0 =	vmul.f32 $8.000000000e+00, v0  }
0x62b: {  	s22 =	sshrl.u32 s22, $0x2  }
0x62c: {  	[tilespmem:s22+$0x16400] =	vst v0  }
0x62d: {  	v0 =	vld [tilespmem:s21+$0x144D0];
	_ =	sdelay $0x4  }
0x62e: {  	v0 =	vmul.f32 $8.000000000e+00, v0;
	_ =	sdelay $0x1  }
0x62f: {  	[tilespmem:s22+$0x16410] =	vst v0  }
0x630: {  	v0 =	vld [tilespmem:s21+$0x144E0];
	_ =	sdelay $0x4  }
0x631: {  	v0 =	vmul.f32 $8.000000000e+00, v0;
	_ =	sdelay $0x1  }
0x632: {  	[tilespmem:s22+$0x16420] =	vst v0  }
0x633: {  	v0 =	vld [tilespmem:s21+$0x144F0]  }
.Ltmp9:
0x634: {  	(pc) =	sbr.rel @p1 .LBB2_17-.Ltmp9, $2  }
0x635: {  	_ =	sdelay $0x2  }
0x636: {  	s24 =	smov.u32 s20;
	v0 =	vmul.f32 $8.000000000e+00, v0  }
0x637: {  	_ = 	snop  }
0x638: {  	s19 =	sshra.s32 s19, $0x2;
	[tilespmem:s22+$0x16430] =	vst v0  }
0x639: {  	v0 =	vld [tilespmem:s19+$0x14400]  }
0x63a: {  	s18 =	sadd.s32 $0x4, s18  }
0x63b: {  	s20 =	sadd.s32 $0xFFFFFFFD, s18  }
0x63c: {  	s20 =	sand.u32 $0x3C, s20  }
0x63d: {  	s20 =	smul.u32 $0x220, s20  }
0x63e: {  	v0 =	vmul.f32 $8.000000000e+00, v0  }
0x63f: {  	s20 =	sshrl.u32 s20, $0x2  }
0x640: {  	[tilespmem:s20+$0x16400] =	vst v0  }
0x641: {  	v0 =	vld [tilespmem:s19+$0x14410];
	_ =	sdelay $0x4  }
0x642: {  	v0 =	vmul.f32 $8.000000000e+00, v0;
	_ =	sdelay $0x1  }
0x643: {  	[tilespmem:s20+$0x16410] =	vst v0  }
0x644: {  	v0 =	vld [tilespmem:s19+$0x14420];
	_ =	sdelay $0x4  }
0x645: {  	v0 =	vmul.f32 $8.000000000e+00, v0;
	_ =	sdelay $0x1  }
0x646: {  	[tilespmem:s20+$0x16420] =	vst v0  }
0x647: {  	v0 =	vld [tilespmem:s19+$0x14430];
	_ =	sdelay $0x4  }
0x648: {  	v0 =	vmul.f32 $8.000000000e+00, v0;
	_ =	sdelay $0x1  }
0x649: {  	[tilespmem:s20+$0x16430] =	vst v0  }
0x64a: {  	v0 =	vld [tilespmem:s19+$0x14440];
	_ =	sdelay $0x1  }
0x64b: {  	s24 =	sadd.s32 $0xFFFFFFFE, s18  }
0x64c: {  	s20 =	sand.u32 $0x3D, s24  }
0x64d: {  	s20 =	smul.u32 $0x220, s20  }
0x64e: {  	v0 =	vmul.f32 $8.000000000e+00, v0  }
0x64f: {  	s20 =	sshrl.u32 s20, $0x2  }
0x650: {  	[tilespmem:s20+$0x16400] =	vst v0  }
0x651: {  	v0 =	vld [tilespmem:s19+$0x14450];
	_ =	sdelay $0x4  }
0x652: {  	v0 =	vmul.f32 $8.000000000e+00, v0;
	_ =	sdelay $0x1  }
0x653: {  	[tilespmem:s20+$0x16410] =	vst v0  }
0x654: {  	v0 =	vld [tilespmem:s19+$0x14460];
	_ =	sdelay $0x4  }
0x655: {  	v0 =	vmul.f32 $8.000000000e+00, v0;
	_ =	sdelay $0x1  }
0x656: {  	[tilespmem:s20+$0x16420] =	vst v0  }
0x657: {  	v0 =	vld [tilespmem:s19+$0x14470];
	_ =	sdelay $0x4  }
0x658: {  	v0 =	vmul.f32 $8.000000000e+00, v0;
	_ =	sdelay $0x1  }
0x659: {  	[tilespmem:s20+$0x16430] =	vst v0  }
0x65a: {  	v0 =	vld [tilespmem:s19+$0x14480];
	_ =	sdelay $0x1  }
0x65b: {  	s25 =	sadd.s32 $0xFFFFFFFF, s18  }
0x65c: {  	s20 =	sand.u32 $0x3E, s25  }
0x65d: {  	s20 =	smul.u32 $0x220, s20  }
0x65e: {  	v0 =	vmul.f32 $8.000000000e+00, v0  }
0x65f: {  	s20 =	sshrl.u32 s20, $0x2  }
0x660: {  	[tilespmem:s20+$0x16400] =	vst v0  }
0x661: {  	v0 =	vld [tilespmem:s19+$0x14490];
	_ =	sdelay $0x4  }
0x662: {  	v0 =	vmul.f32 $8.000000000e+00, v0;
	_ =	sdelay $0x1  }
0x663: {  	[tilespmem:s20+$0x16410] =	vst v0  }
0x664: {  	v0 =	vld [tilespmem:s19+$0x144A0];
	_ =	sdelay $0x4  }
0x665: {  	v0 =	vmul.f32 $8.000000000e+00, v0;
	_ =	sdelay $0x1  }
0x666: {  	[tilespmem:s20+$0x16420] =	vst v0  }
0x667: {  	v0 =	vld [tilespmem:s19+$0x144B0];
	_ =	sdelay $0x4  }
0x668: {  	v0 =	vmul.f32 $8.000000000e+00, v0;
	_ =	sdelay $0x1  }
0x669: {  	[tilespmem:s20+$0x16430] =	vst v0  }
0x66a: {  	v0 =	vld [tilespmem:s19+$0x144C0];
	_ =	sdelay $0x2  }
0x66b: {  	s18 =	sand.u32 $0x3F, s18  }
0x66c: {  	s18 =	smul.u32 $0x220, s18  }
0x66d: {  	v0 =	vmul.f32 $8.000000000e+00, v0  }
0x66e: {  	s18 =	sshrl.u32 s18, $0x2  }
0x66f: {  	[tilespmem:s18+$0x16400] =	vst v0  }
0x670: {  	v0 =	vld [tilespmem:s19+$0x144D0];
	_ =	sdelay $0x4  }
0x671: {  	v0 =	vmul.f32 $8.000000000e+00, v0;
	_ =	sdelay $0x1  }
0x672: {  	[tilespmem:s18+$0x16410] =	vst v0  }
0x673: {  	v0 =	vld [tilespmem:s19+$0x144E0];
	_ =	sdelay $0x4  }
0x674: {  	v0 =	vmul.f32 $8.000000000e+00, v0;
	_ =	sdelay $0x1  }
0x675: {  	[tilespmem:s18+$0x16420] =	vst v0  }
0x676: {  	v0 =	vld [tilespmem:s19+$0x144F0];
	_ =	sdelay $0x2  }
.Ltmp10:
0x677: {  	_ = 	snop;
	(pc) =	sbr.rel @p0 .LBB2_20-.Ltmp10, $3  }
0x678: {  	_ = 	snop  }
0x679: {  	v0 =	vmul.f32 $8.000000000e+00, v0;
	_ =	sdelay $0x1  }
0x67a: {  	[tilespmem:s18+$0x16430] =	vst v0  }
.Ltmp11:
0x67b: {  	(pc) =	sbr.rel .LBB2_2-.Ltmp11, $4  }
0x67c: {  	_ = 	snop  }
0x67d: {  	s17 =	sshrl.u32 s17, $0x2  }
0x67e: {  	s16 =	sadd.s32 $0x1, s16;
	s17 =	sadd.s32 $0x780, s17  }
0x67f: {  	[tilespmem:s5], [sflag:$0x9] =	stream.indirect.gather [hbm4b:s3+s1], $0x40, s17, s1, $0xb8;
	[tilespmem:$0x18600] =	vst v63  }
.LBB2_21:
0x680: {  	_ =	sfence.sel $0x180000  }
0x681: {  	[bflag:$0x0] =	sbarrier.arrive $0xFFFF  }
0x682: {  	_ =	strace $0x90000047  }
0x683: {  	s0 =	stileid.u32;
	[bflag:$0x2] =	sbarrier.arrive $0xFFFF  }
0x684: {  	p0 =	sne.s32 s0, $0x0;
	s0 =	rddreg [dreg:$0x3]  }
0x685: {  	s0 =	sadd.s32 @!p0 $0x100000, s0  }
0x686: {  	[sflag:s0] =	ssyncadd.tile.s32 @!p0 $0x1;
	_ =	shalt  }
.Lfunc_end2:
_tile_overlayer_lowered:
.L_overlay_start_2:
0x687: {  	(tag) =	ssettag $0x2  }
0x688: {  	s0 =	rddreg [dreg:$0x0];
	s2 =	stileid.u32  }
0x689: {  	s1 =	rddreg [dreg:$0x1];
	p0 =	sne.s32 s2, $0x0  }
0x68a: {  	s3 =	rddreg [dreg:$0x2];
	[bflag:$0x3] =	sbarrier.arrive $0xFFFF;
	s2 =	simm.s32 @!p0 $0x1C0A  }
0x68b: {  	[timem:s3], [sflag:s2] =	dma.local @!p0 [hbm:s0], s1  }
0x68c: {  	s0 =	simm.s32 @!p0 $0xA  }
0x68d: {  	_ =	swait.ge @!p0 [sflag:s0], s1  }
0x68e: {  	s1 =	ssub.s32 @!p0 $0x0, s1;
	[sflag:s0] =	ssyncset.done @!p0 $0x0  }
0x68f: {  	[sflag:s0] =	ssyncadd.s32 @!p0 s1  }
0x690: {  	[bflag:$0x3] =	sbarrier.arrive $0xFFFF  }
0x691: {  	_ =	shalt  }

</sc_bundles>
